<compile_context>
chip_gen: v7x
topology: tpu7x:2x2x1
jax: 0.10.2.dev20260603
libtpu: 0.0.44.dev20260713+nightly
codegen_flags: <defaults>
</compile_context>

<pallas_src>
import functools
import jax
import jax.numpy as jnp
from jax import lax
from jax.experimental import pallas as pl
from jax.experimental.pallas import tpu as pltpu
from jax.experimental.pallas import tpu_sc as plsc

_NC = 2
_NS = 16
_NW = _NC * _NS



def _make_deg(n_pad, e, d, k):
    epw = e // _NW
    nchunks = epw // k
    rpt = n_pad // _NS
    mesh = plsc.VectorSubcoreMesh(core_axis_name="c", subcore_axis_name="s")

    @functools.partial(
        pl.kernel,
        out_type=jax.ShapeDtypeStruct((_NC, n_pad, d), jnp.float32),
        mesh=mesh,
        scratch_types=[
            pltpu.VMEM((k,), jnp.int32),
            pltpu.VMEM((k,), jnp.int32),
            pltpu.VMEM((k, d), jnp.float32),
            pltpu.VMEM_SHARED((n_pad, d), jnp.float32),
            pltpu.SemaphoreType.DMA,
            pltpu.SemaphoreType.DMA,
        ],
    )
    def deg_kernel(dst_hbm, out_hbm, db0, db1, ones, acc, semd0, semd1):
        c = lax.axis_index("c")
        s = lax.axis_index("s")
        wid = c * _NS + s

        def zrow(i, _):
            def zcol(j, _):
                ones[i, pl.ds(j * 16, 16)] = jnp.zeros((16,), jnp.float32)
                return 0
            return lax.fori_loop(0, d // 16, zcol, 0)
        lax.fori_loop(0, k, zrow, 0)

        nfull = rpt // k
        rem = rpt - nfull * k
        r0 = s * rpt

        def zcopy(i, _):
            pltpu.sync_copy(ones, acc.at[pl.ds(r0 + i * k, k)])
            return 0
        lax.fori_loop(0, nfull, zcopy, 0)
        if rem:
            pltpu.sync_copy(ones.at[pl.ds(0, rem)],
                            acc.at[pl.ds(r0 + nfull * k, rem)])

        one_row = jnp.where(lax.iota(jnp.int32, 16) == 0, 1.0, 0.0)

        def fill(i, _):
            ones[i, pl.ds(0, 16)] = one_row
            return 0
        lax.fori_loop(0, k, fill, 0)
        plsc.subcore_barrier()

        base = wid * epw

        def idx_load(cc, db):
            off = pl.multiple_of(base + cc * k, 8)
            pltpu.sync_copy(dst_hbm.at[pl.ds(off, k)], db)

        idx_load(0, db0)
        pltpu.async_copy(ones, acc.at[db0], semd0, add=True)

        def chunk_pair(g, _):
            c0 = 2 * g
            idx_load(c0 + 1, db1)
            pltpu.async_copy(ones, acc.at[db1], semd1, add=True)
            pltpu.make_async_copy(ones, acc.at[db0], semd0).wait()
            idx_load(c0 + 2, db0)
            pltpu.async_copy(ones, acc.at[db0], semd0, add=True)
            pltpu.make_async_copy(ones, acc.at[db1], semd1).wait()
            return 0
        lax.fori_loop(0, (nchunks - 1) // 2, chunk_pair, 0)
        pltpu.make_async_copy(ones, acc.at[db0], semd0).wait()
        plsc.subcore_barrier()

        def ocopy(i, _):
            pltpu.sync_copy(acc.at[pl.ds(r0 + i * k, k)], ones)
            pltpu.sync_copy(ones, out_hbm.at[c, pl.ds(r0 + i * k, k)])
            return 0
        lax.fori_loop(0, nfull, ocopy, 0)
        if rem:
            pltpu.sync_copy(acc.at[pl.ds(r0 + nfull * k, rem)],
                            ones.at[pl.ds(0, rem)])
            pltpu.sync_copy(ones.at[pl.ds(0, rem)],
                            out_hbm.at[c, pl.ds(r0 + nfull * k, rem)])

    return deg_kernel


def _make_agg(n_acc, e, d, k):
    n = n_acc
    epw = e // _NW
    nchunks = epw // k
    rpt = n // _NS
    mesh = plsc.VectorSubcoreMesh(core_axis_name="c", subcore_axis_name="s")

    cpt = nchunks
    assert cpt % 2 == 1

    @functools.partial(
        pl.kernel,
        out_type=jax.ShapeDtypeStruct((_NC, n, d), jnp.float32),
        mesh=mesh,
        scratch_types=[
            pltpu.VMEM((k,), jnp.int32),
            pltpu.VMEM((k,), jnp.int32),
            pltpu.VMEM((k,), jnp.int32),
            pltpu.VMEM((k,), jnp.int32),
            pltpu.VMEM((k, d), jnp.float32),
            pltpu.VMEM((k, d), jnp.float32),
            pltpu.VMEM_SHARED((n, d), jnp.float32),
            pltpu.SemaphoreType.DMA,
            pltpu.SemaphoreType.DMA,
        ],
    )
    def agg_kernel(y_hbm, src_hbm, dst_hbm, out_hbm, sb0, db0, sb1, db1,
                   buf0, buf1, acc, semg0, semg1):
        c = lax.axis_index("c")
        s = lax.axis_index("s")
        wid = c * _NS + s

        def zrow(i, _):
            def zcol(j, _):
                buf0[i, pl.ds(j * 16, 16)] = jnp.zeros((16,), jnp.float32)
                return 0
            return lax.fori_loop(0, d // 16, zcol, 0)
        lax.fori_loop(0, k, zrow, 0)

        nfull = rpt // k
        rem = rpt - nfull * k
        r0 = s * rpt

        def zcopy(i, _):
            pltpu.sync_copy(buf0, acc.at[pl.ds(r0 + i * k, k)])
            return 0
        lax.fori_loop(0, nfull, zcopy, 0)
        if rem:
            pltpu.sync_copy(buf0.at[pl.ds(0, rem)],
                            acc.at[pl.ds(r0 + nfull * k, rem)])
        plsc.subcore_barrier()

        base = wid * epw

        def idx_load(cc, sb, db):
            off = pl.multiple_of(base + cc * k, 8)
            pltpu.sync_copy(src_hbm.at[pl.ds(off, k)], sb)
            pltpu.sync_copy(dst_hbm.at[pl.ds(off, k)], db)

        idx_load(0, sb0, db0)
        pltpu.async_copy(y_hbm.at[sb0], buf0, semg0)

        def pair(g, _):
            c0 = 2 * g
            idx_load(c0 + 1, sb1, db1)
            pltpu.async_copy(y_hbm.at[sb1], buf1, semg1)
            pltpu.make_async_copy(y_hbm.at[sb0], buf0, semg0).wait()
            pltpu.sync_copy(buf0, acc.at[db0], add=True)
            idx_load(c0 + 2, sb0, db0)
            pltpu.async_copy(y_hbm.at[sb0], buf0, semg0)
            pltpu.make_async_copy(y_hbm.at[sb1], buf1, semg1).wait()
            pltpu.sync_copy(buf1, acc.at[db1], add=True)
            return 0
        lax.fori_loop(0, (cpt - 1) // 2, pair, 0)
        pltpu.make_async_copy(y_hbm.at[sb0], buf0, semg0).wait()
        pltpu.sync_copy(buf0, acc.at[db0], add=True)
        plsc.subcore_barrier()

        def ocopy(i, _):
            pltpu.sync_copy(acc.at[pl.ds(r0 + i * k, k)], buf0)
            pltpu.sync_copy(buf0, out_hbm.at[c, pl.ds(r0 + i * k, k)])
            return 0
        lax.fori_loop(0, nfull, ocopy, 0)
        if rem:
            pltpu.sync_copy(acc.at[pl.ds(r0 + nfull * k, rem)],
                            buf0.at[pl.ds(0, rem)])
            pltpu.sync_copy(buf0.at[pl.ds(0, rem)],
                            out_hbm.at[c, pl.ds(r0 + nfull * k, rem)])

    return agg_kernel



def _add_body(a_ref, b_ref, out_ref):
    out_ref[...] = a_ref[...] + b_ref[...]


def _l1_body(x_ref, sx0_ref, sx1_ref, sd0_ref, sd1_ref, d_ref, wt_ref,
             b_ref, out_ref):
    deg = d_ref[...]
    pos = deg > 0.0
    dd = jnp.maximum(deg, 1.0)
    sdc = (sd0_ref[...] + sd1_ref[...])[:, 0:1]
    hd = jnp.where(pos, sdc / dd, deg)
    hx = jnp.where(pos, (sx0_ref[...] + sx1_ref[...]) / dd, x_ref[...])
    hup = jnp.concatenate([hd, hx], axis=1)
    out_ref[...] = jnp.maximum(
        jnp.dot(hup, wt_ref[...], preferred_element_type=jnp.float32)
        + b_ref[...], 0.0)


def _mid_body(h_ref, a0_ref, a1_ref, d_ref, b_ref, wt_ref, out_ref):
    deg = d_ref[...]
    mean = (a0_ref[...] + a1_ref[...]) / jnp.maximum(deg, 1.0)
    hup = jnp.where(deg > 0.0, mean, h_ref[...])
    out_ref[...] = jnp.maximum(
        jnp.dot(hup, wt_ref[...], preferred_element_type=jnp.float32)
        + b_ref[...], 0.0)


def _final_body(n, ngrid, h_ref, a0_ref, a1_ref, d_ref, b_ref, wt_ref,
                wc1t_ref, bc1_ref, wc2t_ref, bc2_ref, out_ref, acc_ref):
    i = pl.program_id(0)
    deg = d_ref[...]
    mean = (a0_ref[...] + a1_ref[...]) / jnp.maximum(deg, 1.0)
    hup = jnp.where(deg > 0.0, mean, h_ref[...])
    h3 = jnp.maximum(
        jnp.dot(hup, wt_ref[...], preferred_element_type=jnp.float32)
        + b_ref[...], 0.0)
    part = jnp.sum(h3, axis=0, keepdims=True)

    @pl.when(i == 0)
    def _():
        acc_ref[...] = part

    @pl.when(i > 0)
    def _():
        acc_ref[...] += part

    @pl.when(i == ngrid - 1)
    def _():
        hg = acc_ref[...] / float(n)
        hg = jnp.dot(hg, wc1t_ref[...],
                     preferred_element_type=jnp.float32) + bc1_ref[...]
        hg = jnp.dot(hg, wc1t_ref[...],
                     preferred_element_type=jnp.float32) + bc1_ref[...]
        out_ref[...] = jnp.dot(hg, wc2t_ref[...],
                               preferred_element_type=jnp.float32) + bc2_ref[...]


def _row_spec(blk, d):
    return pl.BlockSpec((blk, d), lambda i: (i, 0))


def _full_spec(shape):
    return pl.BlockSpec(shape, lambda i: tuple(0 for _ in shape))



def kernel(x, edge_index, W1, b1, W2, b2, W3, b3, Wc1, bc1, Wc2, bc2):
    n, d = x.shape
    e = edge_index.shape[1]
    h = W1.shape[0]
    src = edge_index[0]
    dst = edge_index[1]

    n_pad = ((n + (8 * _NS) - 1) // (8 * _NS)) * (8 * _NS)
    k = 80

    deg_p = _make_deg(n_pad, e, h, k)(dst)

    blk = 1000
    ngrid = n // blk
    row = functools.partial(_row_spec, blk)
    dspec = pl.BlockSpec((blk, 1), lambda i: (i, 0))

    degmat = pl.pallas_call(
        _add_body,
        grid=(ngrid,),
        in_specs=[row(h), row(h)],
        out_specs=row(h),
        out_shape=jax.ShapeDtypeStruct((n, h), jnp.float32),
    )(deg_p[0], deg_p[1])
    dcol = degmat[:, 0:1]

    agg = _make_agg(n_pad, e, h, k)
    sx = agg(x, src, dst)
    sd = agg(degmat, src, dst)

    h1 = pl.pallas_call(
        _l1_body,
        grid=(ngrid,),
        in_specs=[row(d), row(h), row(h), row(h), row(h), dspec,
                  _full_spec((d + 1, h)), _full_spec((1, h))],
        out_specs=row(h),
        out_shape=jax.ShapeDtypeStruct((n, h), jnp.float32),
    )(x, sx[0], sx[1], sd[0], sd[1], dcol, W1.T, b1.reshape(1, h))

    mid = pl.pallas_call(
        _mid_body,
        grid=(ngrid,),
        in_specs=[row(h), row(h), row(h), dspec,
                  _full_spec((1, h)), _full_spec((h, h))],
        out_specs=row(h),
        out_shape=jax.ShapeDtypeStruct((n, h), jnp.float32),
    )

    a = agg(h1, src, dst)
    h2 = mid(h1, a[0], a[1], dcol, b2.reshape(1, h), W2.T)
    a = agg(h2, src, dst)

    out = pl.pallas_call(
        functools.partial(_final_body, n, ngrid),
        grid=(ngrid,),
        in_specs=[row(h), row(h), row(h), dspec, _full_spec((1, h)),
                  _full_spec((h, h)),
                  _full_spec((h, h)), _full_spec((1, h)),
                  _full_spec((h, 1)), _full_spec((1, 1))],
        out_specs=_full_spec((1, 1)),
        out_shape=jax.ShapeDtypeStruct((1, 1), jnp.float32),
        scratch_shapes=[pltpu.VMEM((1, h), jnp.float32)],
    )(h2, a[0], a[1], dcol, b3.reshape(1, h), W3.T,
      Wc1.T, bc1.reshape(1, h), Wc2.T, bc2.reshape(1, 1))

    return out

# --- scband reference (transcript-rebuilt; emitter-appended) ---
"""Pipeline reference for scband-net-29703993819346 (READ-ONLY COPY).

The authoritative reference and input builder live on the scoring server;
editing this copy changes nothing except your own understanding.
"""

import jax, jax.numpy as jnp
import numpy as np

N = 10000
E = 320000
D = 128
IN = 129
H = 128


def setup_inputs(seed: int = 0) -> dict:
    key = jax.random.key(seed)
    ks = jax.random.split(key, 12)
    x = jax.random.normal(ks[0], (N, D), dtype=jnp.float32)
    edge_index = jax.random.randint(ks[1], (2, E), 0, N, dtype=jnp.int32)
    W1 = jax.random.normal(ks[2], (H, IN), dtype=jnp.float32) * 0.05
    b1 = jnp.zeros((H,), jnp.float32)
    W2 = jax.random.normal(ks[3], (H, H), dtype=jnp.float32) * 0.05
    b2 = jnp.zeros((H,), jnp.float32)
    W3 = jax.random.normal(ks[4], (H, H), dtype=jnp.float32) * 0.05
    b3 = jnp.zeros((H,), jnp.float32)
    Wc1 = jax.random.normal(ks[5], (H, H), dtype=jnp.float32) * 0.05
    bc1 = jnp.zeros((H,), jnp.float32)
    Wc2 = jax.random.normal(ks[6], (1, H), dtype=jnp.float32) * 0.05
    bc2 = jnp.zeros((1,), jnp.float32)
    return {"x": x, "edge_index": edge_index, "W1": W1, "b1": b1, "W2": W2,
            "b2": b2, "W3": W3, "b3": b3, "Wc1": Wc1, "bc1": bc1,
            "Wc2": Wc2, "bc2": bc2}


def _gcn_layer(h, src, dst, deg, W, b, n_nodes):
    # copy_src message + mean reduce over mailbox; nodes with no in-edges
    # keep their previous feature (DGL update_all semantics), then
    # apply_nodes: relu(W h + b) on all nodes.
    msg = h[src]
    agg = jax.ops.segment_sum(msg, dst, num_segments=n_nodes)
    mean = agg / jnp.maximum(deg, 1.0)[:, None]
    h_upd = jnp.where(deg[:, None] > 0, mean, h)
    return jax.nn.relu(h_upd @ W.T + b)


def reference(x, edge_index, W1, b1, W2, b2, W3, b3, Wc1, bc1, Wc2, bc2):
    src = edge_index[0]
    dst = edge_index[1]
    n_nodes = x.shape[0]
    # in-degrees via scatter-add
    deg = jnp.zeros((n_nodes,), jnp.float32).at[dst].add(1.0)
    h = jnp.concatenate([deg[:, None], x], axis=-1)  # [N, 129]
    h = _gcn_layer(h, src, dst, deg, W1, b1, n_nodes)
    h = _gcn_layer(h, src, dst, deg, W2, b2, n_nodes)
    h = _gcn_layer(h, src, dst, deg, W3, b3, n_nodes)
    # dgl.mean_nodes over a single graph = mean over all nodes
    hg = jnp.mean(h, axis=0, keepdims=True)  # [1, H]
    # classify1 is applied twice in the original forward
    hg = hg @ Wc1.T + bc1
    hg = hg @ Wc1.T + bc1
    hg = hg @ Wc2.T + bc2
    return hg  # [1, 1]

if __name__ == "__main__":
    import jax
    _d = setup_inputs()
    print(jax.jit(kernel)(*tuple(_d.values())))

</pallas_src>

<mosaic_0001>
#map = affine_map<(d0, d1) -> (0)>
#map1 = affine_map<(d0, d1) -> (0, 0, 0)>
module attributes {stable_mosaic.version = 14 : i64} {
  func.func @deg_kernel(%arg0: i32, %arg1: i32, %arg2: memref<320000xi32, #tpu.memory_space<hbm>>, %arg3: memref<2x10112x128xf32, #tpu.memory_space<hbm>>, %arg4: memref<80xi32, #tpu.memory_space<vmem>>, %arg5: memref<80xi32, #tpu.memory_space<vmem>>, %arg6: memref<80x128xf32, #tpu.memory_space<vmem>>, %arg7: memref<10112x128xf32, #tpu.memory_space<vmem_shared>>, %arg8: memref<!tpu.dma_semaphore, #tpu.memory_space<semaphore_mem>>, %arg9: memref<!tpu.dma_semaphore, #tpu.memory_space<semaphore_mem>>) attributes {dimension_semantics = [#tpu.dimension_semantics<core_parallel>, #tpu.dimension_semantics<subcore_parallel>], iteration_bounds = array<i64: 2, 16>, scalar_prefetch = 0 : i64, scratch_operands = 6 : i64, tpu.core_type = #tpu.core_type<sc_vector_subcore>, window_params = [{transform_indices = #map}, {transform_indices = #map1}]} {
    %mul3A = arith.constant 16 : i32
    %mul3A_0 = arith.muli %arg0, %mul3A : i32
    %add3A = arith.addi %mul3A_0, %arg1 : i32
    %scan3A = arith.constant 0 : i32
    %scan3A_1 = arith.constant 0 : i32
    %scan3A_2 = arith.constant 80 : i32
    %scan3A_3 = arith.addi %scan3A_1, %scan3A_2 : i32
    %scan3A_4 = arith.constant 1 : i32
    %scan3A_5 = scf.for %scan3A_56 = %scan3A_1 to %scan3A_3 step %scan3A_4 iter_args(%scan3A_57 = %scan3A) -> (i32)  : i32 {
      %scan3A_58 = arith.constant 0 : i32
      %scan3A_59 = arith.constant 0 : i32
      %scan3A_60 = arith.constant 8 : i32
      %scan3A_61 = arith.addi %scan3A_59, %scan3A_60 : i32
      %scan3A_62 = arith.constant 1 : i32
      %scan3A_63 = scf.for %scan3A_65 = %scan3A_59 to %scan3A_61 step %scan3A_62 iter_args(%scan3A_66 = %scan3A_58) -> (i32)  : i32 {
        %broadcast_in_dim3A_67 = arith.constant 0.000000e+00 : f32
        %broadcast_in_dim3A_68 = vector.broadcast %broadcast_in_dim3A_67 : f32 to vector<16xf32>
        %mul3A_69 = arith.constant 16 : i32
        %mul3A_70 = arith.muli %scan3A_65, %mul3A_69 : i32
        %swap3A = arith.index_cast %scan3A_56 : i32 to index
        %swap3A_71 = arith.index_cast %mul3A_70 : i32 to index
        %swap3A_72 = tpu.vector_load %arg6[%swap3A, %swap3A_71] {strides = array<i32>} : memref<80x128xf32, #tpu.memory_space<vmem>>, vector<1x16xf32>,
        %swap3A_73 = vector.shape_cast %swap3A_72 : vector<1x16xf32> to vector<16xf32>
        %swap3A_74 = vector.shape_cast %broadcast_in_dim3A_68 : vector<16xf32> to vector<1x16xf32>
        tpu.vector_store %arg6[%swap3A, %swap3A_71], %swap3A_74 {strides = array<i32>} : memref<80x128xf32, #tpu.memory_space<vmem>>, vector<1x16xf32>,
        %scan3A_75 = arith.constant 0 : i32
        scf.yield %scan3A_75 : i32
      }
      %scan3A_64 = arith.constant 8 : i32
      scf.yield %scan3A_63 : i32
    }
    %scan3A_6 = arith.constant 80 : i32
    %mul3A_7 = arith.constant 632 : i32
    %mul3A_8 = arith.muli %arg1, %mul3A_7 : i32
    %scan3A_9 = arith.constant 0 : i32
    %scan3A_10 = arith.constant 0 : i32
    %scan3A_11 = arith.constant 7 : i32
    %scan3A_12 = arith.addi %scan3A_10, %scan3A_11 : i32
    %scan3A_13 = arith.constant 1 : i32
    %scan3A_14 = scf.for %scan3A_56 = %scan3A_10 to %scan3A_12 step %scan3A_13 iter_args(%scan3A_57 = %scan3A_9) -> (i32)  : i32 {
      %mul3A_58 = arith.constant 80 : i32
      %mul3A_59 = arith.muli %scan3A_56, %mul3A_58 : i32
      %add3A_60 = arith.addi %mul3A_8, %mul3A_59 : i32
      "tpu.region"() ({
        %run_scoped3A = tpu.sem_alloc : memref<!tpu.dma_semaphore, #tpu.memory_space<semaphore_mem>>
        %dma_start3A_62 = arith.constant 0 : i32
        %dma_start3A_63 = tpu.memref_slice %arg7[%add3A_60, %dma_start3A_62] : memref<10112x128xf32, #tpu.memory_space<vmem_shared>> -> memref<80x128xf32, #tpu.memory_space<vmem_shared>>
        %dma_start3A_64 = arith.constant 0 : i32
        %dma_start3A_65 = tpu.memref_slice %arg7[%add3A_60, %dma_start3A_64] : memref<10112x128xf32, #tpu.memory_space<vmem_shared>> -> memref<80x128xf32, #tpu.memory_space<vmem_shared>>
        tpu.enqueue_dma source(%arg6 : memref<80x128xf32, #tpu.memory_space<vmem>>) target(%dma_start3A_65 : memref<80x128xf32, #tpu.memory_space<vmem_shared>>) target_semaphore(%run_scoped3A : memref<!tpu.dma_semaphore, #tpu.memory_space<semaphore_mem>>)
        %dma_wait3A_66 = arith.constant 0 : i32
        %dma_wait3A_67 = tpu.memref_slice %arg7[%add3A_60, %dma_wait3A_66] : memref<10112x128xf32, #tpu.memory_space<vmem_shared>> -> memref<80x128xf32, #tpu.memory_space<vmem_shared>>
        %dma_wait3A_68 = arith.constant 0 : i32
        %dma_wait3A_69 = tpu.memref_slice %arg7[%add3A_60, %dma_wait3A_68] : memref<10112x128xf32, #tpu.memory_space<vmem_shared>> -> memref<80x128xf32, #tpu.memory_space<vmem_shared>>
        tpu.wait_dma2 semaphore(%run_scoped3A : memref<!tpu.dma_semaphore, #tpu.memory_space<semaphore_mem>>) src(%arg6 : memref<80x128xf32, #tpu.memory_space<vmem>>) dst(%dma_wait3A_69 : memref<80x128xf32, #tpu.memory_space<vmem_shared>>)
        tpu.yield
      }) : () -> ()
      %scan3A_61 = arith.constant 0 : i32
      scf.yield %scan3A_61 : i32
    }
    %scan3A_15 = arith.constant 7 : i32
    %add3A_16 = arith.constant 560 : i32
    %add3A_17 = arith.addi %mul3A_8, %add3A_16 : i32
    "tpu.region"() ({
      %run_scoped3A = tpu.sem_alloc : memref<!tpu.dma_semaphore, #tpu.memory_space<semaphore_mem>>
      %dma_start3A_56 = arith.constant 0 : i32
      %dma_start3A_57 = arith.constant 0 : i32
      %dma_start3A_58 = tpu.memref_slice %arg6[%dma_start3A_56, %dma_start3A_57] : memref<80x128xf32, #tpu.memory_space<vmem>> -> memref<72x128xf32, #tpu.memory_space<vmem>>
      %dma_start3A_59 = arith.constant 0 : i32
      %dma_start3A_60 = tpu.memref_slice %arg7[%add3A_17, %dma_start3A_59] : memref<10112x128xf32, #tpu.memory_space<vmem_shared>> -> memref<72x128xf32, #tpu.memory_space<vmem_shared>>
      %dma_start3A_61 = arith.constant 0 : i32
      %dma_start3A_62 = tpu.memref_slice %arg7[%add3A_17, %dma_start3A_61] : memref<10112x128xf32, #tpu.memory_space<vmem_shared>> -> memref<72x128xf32, #tpu.memory_space<vmem_shared>>
      %dma_start3A_63 = arith.constant 0 : i32
      %dma_start3A_64 = arith.constant 0 : i32
      %dma_start3A_65 = tpu.memref_slice %arg6[%dma_start3A_63, %dma_start3A_64] : memref<80x128xf32, #tpu.memory_space<vmem>> -> memref<72x128xf32, #tpu.memory_space<vmem>>
      tpu.enqueue_dma source(%dma_start3A_65 : memref<72x128xf32, #tpu.memory_space<vmem>>) target(%dma_start3A_62 : memref<72x128xf32, #tpu.memory_space<vmem_shared>>) target_semaphore(%run_scoped3A : memref<!tpu.dma_semaphore, #tpu.memory_space<semaphore_mem>>)
      %dma_wait3A_66 = arith.constant 0 : i32
      %dma_wait3A_67 = arith.constant 0 : i32
      %dma_wait3A_68 = tpu.memref_slice %arg6[%dma_wait3A_66, %dma_wait3A_67] : memref<80x128xf32, #tpu.memory_space<vmem>> -> memref<72x128xf32, #tpu.memory_space<vmem>>
      %dma_wait3A_69 = arith.constant 0 : i32
      %dma_wait3A_70 = tpu.memref_slice %arg7[%add3A_17, %dma_wait3A_69] : memref<10112x128xf32, #tpu.memory_space<vmem_shared>> -> memref<72x128xf32, #tpu.memory_space<vmem_shared>>
      %dma_wait3A_71 = arith.constant 0 : i32
      %dma_wait3A_72 = tpu.memref_slice %arg7[%add3A_17, %dma_wait3A_71] : memref<10112x128xf32, #tpu.memory_space<vmem_shared>> -> memref<72x128xf32, #tpu.memory_space<vmem_shared>>
      %dma_wait3A_73 = arith.constant 0 : i32
      %dma_wait3A_74 = arith.constant 0 : i32
      %dma_wait3A_75 = tpu.memref_slice %arg6[%dma_wait3A_73, %dma_wait3A_74] : memref<80x128xf32, #tpu.memory_space<vmem>> -> memref<72x128xf32, #tpu.memory_space<vmem>>
      tpu.wait_dma2 semaphore(%run_scoped3A : memref<!tpu.dma_semaphore, #tpu.memory_space<semaphore_mem>>) src(%dma_wait3A_75 : memref<72x128xf32, #tpu.memory_space<vmem>>) dst(%dma_wait3A_72 : memref<72x128xf32, #tpu.memory_space<vmem_shared>>)
      tpu.yield
    }) : () -> ()
    %iota3A = tpu.iota {dimensions = array<i32: 0>} : vector<16xi32>
    %eq3A = arith.constant 0 : i32
    %eq3A_18 = vector.broadcast %eq3A : i32 to vector<16xi32>
    %eq3A_19 = arith.cmpi eq, %iota3A, %eq3A_18 : vector<16xi32>
    %jit3A = arith.constant 1.000000e+00 : f32
    %jit3A_20 = arith.constant 0.000000e+00 : f32
    %broadcast_in_dim3A = vector.broadcast %jit3A : f32 to vector<16xf32>
    %broadcast_in_dim3A_21 = vector.broadcast %jit3A_20 : f32 to vector<16xf32>
    %select_n3A = arith.select %eq3A_19, %broadcast_in_dim3A, %broadcast_in_dim3A_21 : vector<16xi1>, vector<16xf32>
    %scan3A_22 = arith.constant 0 : i32
    %scan3A_23 = arith.constant 0 : i32
    %scan3A_24 = arith.constant 80 : i32
    %scan3A_25 = arith.addi %scan3A_23, %scan3A_24 : i32
    %scan3A_26 = arith.constant 1 : i32
    %scan3A_27 = scf.for %scan3A_56 = %scan3A_23 to %scan3A_25 step %scan3A_26 iter_args(%scan3A_57 = %scan3A_22) -> (i32)  : i32 {
      %swap3A = arith.index_cast %scan3A_56 : i32 to index
      %swap3A_58 = arith.constant 0 : index
      %swap3A_59 = tpu.vector_load %arg6[%swap3A, %swap3A_58] {strides = array<i32>} : memref<80x128xf32, #tpu.memory_space<vmem>>, vector<1x16xf32>,
      %swap3A_60 = vector.shape_cast %swap3A_59 : vector<1x16xf32> to vector<16xf32>
      %swap3A_61 = vector.shape_cast %select_n3A : vector<16xf32> to vector<1x16xf32>
      tpu.vector_store %arg6[%swap3A, %swap3A_58], %swap3A_61 {strides = array<i32>} : memref<80x128xf32, #tpu.memory_space<vmem>>, vector<1x16xf32>,
      %scan3A_62 = arith.constant 0 : i32
      scf.yield %scan3A_62 : i32
    }
    %scan3A_28 = arith.constant 80 : i32
    %barrier3A = arith.constant 0 : index
    tpu.barrier barrier_id(%barrier3A)
    %mul3A_29 = arith.constant 10000 : i32
    %mul3A_30 = arith.muli %add3A, %mul3A_29 : i32
    %add3A_31 = arith.constant 0 : i32
    %add3A_32 = arith.addi %mul3A_30, %add3A_31 : i32
    %multiple_of3A = tpu.assume_multiple %add3A_32, 8 : i32
    "tpu.region"() ({
      %run_scoped3A = tpu.sem_alloc : memref<!tpu.dma_semaphore, #tpu.memory_space<semaphore_mem>>
      %dma_start3A_56 = tpu.memref_slice %arg2[%multiple_of3A] : memref<320000xi32, #tpu.memory_space<hbm>> -> memref<80xi32, #tpu.memory_space<hbm>>
      %dma_start3A_57 = tpu.memref_slice %arg2[%multiple_of3A] : memref<320000xi32, #tpu.memory_space<hbm>> -> memref<80xi32, #tpu.memory_space<hbm>>
      tpu.enqueue_dma source(%dma_start3A_57 : memref<80xi32, #tpu.memory_space<hbm>>) target(%arg4 : memref<80xi32, #tpu.memory_space<vmem>>) target_semaphore(%run_scoped3A : memref<!tpu.dma_semaphore, #tpu.memory_space<semaphore_mem>>)
      %dma_wait3A_58 = tpu.memref_slice %arg2[%multiple_of3A] : memref<320000xi32, #tpu.memory_space<hbm>> -> memref<80xi32, #tpu.memory_space<hbm>>
      %dma_wait3A_59 = tpu.memref_slice %arg2[%multiple_of3A] : memref<320000xi32, #tpu.memory_space<hbm>> -> memref<80xi32, #tpu.memory_space<hbm>>
      tpu.wait_dma2 semaphore(%run_scoped3A : memref<!tpu.dma_semaphore, #tpu.memory_space<semaphore_mem>>) src(%dma_wait3A_59 : memref<80xi32, #tpu.memory_space<hbm>>) dst(%arg4 : memref<80xi32, #tpu.memory_space<vmem>>)
      tpu.yield
    }) : () -> ()
    %dma_start3A = arith.constant 0 : i32
    %dma_start3A_33 = arith.constant 0 : i32
    %dma_start3A_34 = tpu.memref_slice %arg7[%dma_start3A, %dma_start3A_33] : memref<10112x128xf32, #tpu.memory_space<vmem_shared>> -> memref<10112x128xf32, #tpu.memory_space<vmem_shared>>
    tpu.enqueue_indirect_dma source(%arg6 : memref<80x128xf32, #tpu.memory_space<vmem>>) target(%dma_start3A_34 : memref<10112x128xf32, #tpu.memory_space<vmem_shared>>) offsets(%arg4 : memref<80xi32, #tpu.memory_space<vmem>>) semaphore(%arg8 : memref<!tpu.dma_semaphore, #tpu.memory_space<semaphore_mem>>) {add = true}
    %scan3A_35 = arith.constant 0 : i32
    %scan3A_36 = arith.constant 0 : i32
    %scan3A_37 = arith.constant 62 : i32
    %scan3A_38 = arith.addi %scan3A_36, %scan3A_37 : i32
    %scan3A_39 = arith.constant 1 : i32
    %scan3A_40 = scf.for %scan3A_56 = %scan3A_36 to %scan3A_38 step %scan3A_39 iter_args(%scan3A_57 = %scan3A_35) -> (i32)  : i32 {
      %mul3A_58 = arith.constant 2 : i32
      %mul3A_59 = arith.muli %mul3A_58, %scan3A_56 : i32
      %add3A_60 = arith.constant 1 : i32
      %add3A_61 = arith.addi %mul3A_59, %add3A_60 : i32
      %mul3A_62 = arith.constant 80 : i32
      %mul3A_63 = arith.muli %add3A_61, %mul3A_62 : i32
      %add3A_64 = arith.addi %mul3A_30, %mul3A_63 : i32
      %multiple_of3A_65 = tpu.assume_multiple %add3A_64, 8 : i32
      "tpu.region"() ({
        %run_scoped3A = tpu.sem_alloc : memref<!tpu.dma_semaphore, #tpu.memory_space<semaphore_mem>>
        %dma_start3A_85 = tpu.memref_slice %arg2[%multiple_of3A_65] : memref<320000xi32, #tpu.memory_space<hbm>> -> memref<80xi32, #tpu.memory_space<hbm>>
        %dma_start3A_86 = tpu.memref_slice %arg2[%multiple_of3A_65] : memref<320000xi32, #tpu.memory_space<hbm>> -> memref<80xi32, #tpu.memory_space<hbm>>
        tpu.enqueue_dma source(%dma_start3A_86 : memref<80xi32, #tpu.memory_space<hbm>>) target(%arg5 : memref<80xi32, #tpu.memory_space<vmem>>) target_semaphore(%run_scoped3A : memref<!tpu.dma_semaphore, #tpu.memory_space<semaphore_mem>>)
        %dma_wait3A_87 = tpu.memref_slice %arg2[%multiple_of3A_65] : memref<320000xi32, #tpu.memory_space<hbm>> -> memref<80xi32, #tpu.memory_space<hbm>>
        %dma_wait3A_88 = tpu.memref_slice %arg2[%multiple_of3A_65] : memref<320000xi32, #tpu.memory_space<hbm>> -> memref<80xi32, #tpu.memory_space<hbm>>
        tpu.wait_dma2 semaphore(%run_scoped3A : memref<!tpu.dma_semaphore, #tpu.memory_space<semaphore_mem>>) src(%dma_wait3A_88 : memref<80xi32, #tpu.memory_space<hbm>>) dst(%arg5 : memref<80xi32, #tpu.memory_space<vmem>>)
        tpu.yield
      }) : () -> ()
      %dma_start3A_66 = arith.constant 0 : i32
      %dma_start3A_67 = arith.constant 0 : i32
      %dma_start3A_68 = tpu.memref_slice %arg7[%dma_start3A_66, %dma_start3A_67] : memref<10112x128xf32, #tpu.memory_space<vmem_shared>> -> memref<10112x128xf32, #tpu.memory_space<vmem_shared>>
      tpu.enqueue_indirect_dma source(%arg6 : memref<80x128xf32, #tpu.memory_space<vmem>>) target(%dma_start3A_68 : memref<10112x128xf32, #tpu.memory_space<vmem_shared>>) offsets(%arg5 : memref<80xi32, #tpu.memory_space<vmem>>) semaphore(%arg9 : memref<!tpu.dma_semaphore, #tpu.memory_space<semaphore_mem>>) {add = true}
      %dma_wait3A_69 = arith.constant 0 : i32
      %dma_wait3A_70 = arith.constant 0 : i32
      %dma_wait3A_71 = tpu.memref_slice %arg7[%dma_wait3A_69, %dma_wait3A_70] : memref<10112x128xf32, #tpu.memory_space<vmem_shared>> -> memref<10112x128xf32, #tpu.memory_space<vmem_shared>>
      tpu.wait_indirect_dma semaphore(%arg8 : memref<!tpu.dma_semaphore, #tpu.memory_space<semaphore_mem>>) src(%arg6 : memref<80x128xf32, #tpu.memory_space<vmem>>) dst(%dma_wait3A_71 : memref<10112x128xf32, #tpu.memory_space<vmem_shared>>)
      %add3A_72 = arith.constant 2 : i32
      %add3A_73 = arith.addi %mul3A_59, %add3A_72 : i32
      %mul3A_74 = arith.constant 80 : i32
      %mul3A_75 = arith.muli %add3A_73, %mul3A_74 : i32
      %add3A_76 = arith.addi %mul3A_30, %mul3A_75 : i32
      %multiple_of3A_77 = tpu.assume_multiple %add3A_76, 8 : i32
      "tpu.region"() ({
        %run_scoped3A = tpu.sem_alloc : memref<!tpu.dma_semaphore, #tpu.memory_space<semaphore_mem>>
        %dma_start3A_85 = tpu.memref_slice %arg2[%multiple_of3A_77] : memref<320000xi32, #tpu.memory_space<hbm>> -> memref<80xi32, #tpu.memory_space<hbm>>
        %dma_start3A_86 = tpu.memref_slice %arg2[%multiple_of3A_77] : memref<320000xi32, #tpu.memory_space<hbm>> -> memref<80xi32, #tpu.memory_space<hbm>>
        tpu.enqueue_dma source(%dma_start3A_86 : memref<80xi32, #tpu.memory_space<hbm>>) target(%arg4 : memref<80xi32, #tpu.memory_space<vmem>>) target_semaphore(%run_scoped3A : memref<!tpu.dma_semaphore, #tpu.memory_space<semaphore_mem>>)
        %dma_wait3A_87 = tpu.memref_slice %arg2[%multiple_of3A_77] : memref<320000xi32, #tpu.memory_space<hbm>> -> memref<80xi32, #tpu.memory_space<hbm>>
        %dma_wait3A_88 = tpu.memref_slice %arg2[%multiple_of3A_77] : memref<320000xi32, #tpu.memory_space<hbm>> -> memref<80xi32, #tpu.memory_space<hbm>>
        tpu.wait_dma2 semaphore(%run_scoped3A : memref<!tpu.dma_semaphore, #tpu.memory_space<semaphore_mem>>) src(%dma_wait3A_88 : memref<80xi32, #tpu.memory_space<hbm>>) dst(%arg4 : memref<80xi32, #tpu.memory_space<vmem>>)
        tpu.yield
      }) : () -> ()
      %dma_start3A_78 = arith.constant 0 : i32
      %dma_start3A_79 = arith.constant 0 : i32
      %dma_start3A_80 = tpu.memref_slice %arg7[%dma_start3A_78, %dma_start3A_79] : memref<10112x128xf32, #tpu.memory_space<vmem_shared>> -> memref<10112x128xf32, #tpu.memory_space<vmem_shared>>
      tpu.enqueue_indirect_dma source(%arg6 : memref<80x128xf32, #tpu.memory_space<vmem>>) target(%dma_start3A_80 : memref<10112x128xf32, #tpu.memory_space<vmem_shared>>) offsets(%arg4 : memref<80xi32, #tpu.memory_space<vmem>>) semaphore(%arg8 : memref<!tpu.dma_semaphore, #tpu.memory_space<semaphore_mem>>) {add = true}
      %dma_wait3A_81 = arith.constant 0 : i32
      %dma_wait3A_82 = arith.constant 0 : i32
      %dma_wait3A_83 = tpu.memref_slice %arg7[%dma_wait3A_81, %dma_wait3A_82] : memref<10112x128xf32, #tpu.memory_space<vmem_shared>> -> memref<10112x128xf32, #tpu.memory_space<vmem_shared>>
      tpu.wait_indirect_dma semaphore(%arg9 : memref<!tpu.dma_semaphore, #tpu.memory_space<semaphore_mem>>) src(%arg6 : memref<80x128xf32, #tpu.memory_space<vmem>>) dst(%dma_wait3A_83 : memref<10112x128xf32, #tpu.memory_space<vmem_shared>>)
      %scan3A_84 = arith.constant 0 : i32
      scf.yield %scan3A_84 : i32
    }
    %scan3A_41 = arith.constant 62 : i32
    %dma_wait3A = arith.constant 0 : i32
    %dma_wait3A_42 = arith.constant 0 : i32
    %dma_wait3A_43 = tpu.memref_slice %arg7[%dma_wait3A, %dma_wait3A_42] : memref<10112x128xf32, #tpu.memory_space<vmem_shared>> -> memref<10112x128xf32, #tpu.memory_space<vmem_shared>>
    tpu.wait_indirect_dma semaphore(%arg8 : memref<!tpu.dma_semaphore, #tpu.memory_space<semaphore_mem>>) src(%arg6 : memref<80x128xf32, #tpu.memory_space<vmem>>) dst(%dma_wait3A_43 : memref<10112x128xf32, #tpu.memory_space<vmem_shared>>)
    %barrier3A_44 = arith.constant 0 : index
    tpu.barrier barrier_id(%barrier3A_44)
    %scan3A_45 = arith.constant 0 : i32
    %scan3A_46 = arith.constant 0 : i32
    %scan3A_47 = arith.constant 7 : i32
    %scan3A_48 = arith.addi %scan3A_46, %scan3A_47 : i32
    %scan3A_49 = arith.constant 1 : i32
    %scan3A_50 = scf.for %scan3A_56 = %scan3A_46 to %scan3A_48 step %scan3A_49 iter_args(%scan3A_57 = %scan3A_45) -> (i32)  : i32 {
      %mul3A_58 = arith.constant 80 : i32
      %mul3A_59 = arith.muli %scan3A_56, %mul3A_58 : i32
      %add3A_60 = arith.addi %mul3A_8, %mul3A_59 : i32
      "tpu.region"() ({
        %run_scoped3A = tpu.sem_alloc : memref<!tpu.dma_semaphore, #tpu.memory_space<semaphore_mem>>
        %dma_start3A_65 = arith.constant 0 : i32
        %dma_start3A_66 = tpu.memref_slice %arg7[%add3A_60, %dma_start3A_65] : memref<10112x128xf32, #tpu.memory_space<vmem_shared>> -> memref<80x128xf32, #tpu.memory_space<vmem_shared>>
        %dma_start3A_67 = arith.constant 0 : i32
        %dma_start3A_68 = tpu.memref_slice %arg7[%add3A_60, %dma_start3A_67] : memref<10112x128xf32, #tpu.memory_space<vmem_shared>> -> memref<80x128xf32, #tpu.memory_space<vmem_shared>>
        tpu.enqueue_dma source(%dma_start3A_68 : memref<80x128xf32, #tpu.memory_space<vmem_shared>>) target(%arg6 : memref<80x128xf32, #tpu.memory_space<vmem>>) target_semaphore(%run_scoped3A : memref<!tpu.dma_semaphore, #tpu.memory_space<semaphore_mem>>)
        %dma_wait3A_69 = arith.constant 0 : i32
        %dma_wait3A_70 = tpu.memref_slice %arg7[%add3A_60, %dma_wait3A_69] : memref<10112x128xf32, #tpu.memory_space<vmem_shared>> -> memref<80x128xf32, #tpu.memory_space<vmem_shared>>
        %dma_wait3A_71 = arith.constant 0 : i32
        %dma_wait3A_72 = tpu.memref_slice %arg7[%add3A_60, %dma_wait3A_71] : memref<10112x128xf32, #tpu.memory_space<vmem_shared>> -> memref<80x128xf32, #tpu.memory_space<vmem_shared>>
        tpu.wait_dma2 semaphore(%run_scoped3A : memref<!tpu.dma_semaphore, #tpu.memory_space<semaphore_mem>>) src(%dma_wait3A_72 : memref<80x128xf32, #tpu.memory_space<vmem_shared>>) dst(%arg6 : memref<80x128xf32, #tpu.memory_space<vmem>>)
        tpu.yield
      }) : () -> ()
      %mul3A_61 = arith.constant 80 : i32
      %mul3A_62 = arith.muli %scan3A_56, %mul3A_61 : i32
      %add3A_63 = arith.addi %mul3A_8, %mul3A_62 : i32
      "tpu.region"() ({
        %run_scoped3A = tpu.sem_alloc : memref<!tpu.dma_semaphore, #tpu.memory_space<semaphore_mem>>
        %dma_start3A_65 = arith.constant 0 : i32
        %dma_start3A_66 = tpu.memref_slice %arg3[%arg0, %add3A_63, %dma_start3A_65] : memref<2x10112x128xf32, #tpu.memory_space<hbm>> -> memref<1x80x128xf32, #tpu.memory_space<hbm>>
        %dma_start3A_67 = tpu.memref_squeeze %dma_start3A_66 : memref<1x80x128xf32, #tpu.memory_space<hbm>> -> memref<80x128xf32, #tpu.memory_space<hbm>>
        %dma_start3A_68 = arith.constant 0 : i32
        %dma_start3A_69 = tpu.memref_slice %arg3[%arg0, %add3A_63, %dma_start3A_68] : memref<2x10112x128xf32, #tpu.memory_space<hbm>> -> memref<1x80x128xf32, #tpu.memory_space<hbm>>
        %dma_start3A_70 = tpu.memref_squeeze %dma_start3A_69 : memref<1x80x128xf32, #tpu.memory_space<hbm>> -> memref<80x128xf32, #tpu.memory_space<hbm>>
        tpu.enqueue_dma source(%arg6 : memref<80x128xf32, #tpu.memory_space<vmem>>) target(%dma_start3A_70 : memref<80x128xf32, #tpu.memory_space<hbm>>) target_semaphore(%run_scoped3A : memref<!tpu.dma_semaphore, #tpu.memory_space<semaphore_mem>>)
        %dma_wait3A_71 = arith.constant 0 : i32
        %dma_wait3A_72 = tpu.memref_slice %arg3[%arg0, %add3A_63, %dma_wait3A_71] : memref<2x10112x128xf32, #tpu.memory_space<hbm>> -> memref<1x80x128xf32, #tpu.memory_space<hbm>>
        %dma_wait3A_73 = tpu.memref_squeeze %dma_wait3A_72 : memref<1x80x128xf32, #tpu.memory_space<hbm>> -> memref<80x128xf32, #tpu.memory_space<hbm>>
        %dma_wait3A_74 = arith.constant 0 : i32
        %dma_wait3A_75 = tpu.memref_slice %arg3[%arg0, %add3A_63, %dma_wait3A_74] : memref<2x10112x128xf32, #tpu.memory_space<hbm>> -> memref<1x80x128xf32, #tpu.memory_space<hbm>>
        %dma_wait3A_76 = tpu.memref_squeeze %dma_wait3A_75 : memref<1x80x128xf32, #tpu.memory_space<hbm>> -> memref<80x128xf32, #tpu.memory_space<hbm>>
        tpu.wait_dma2 semaphore(%run_scoped3A : memref<!tpu.dma_semaphore, #tpu.memory_space<semaphore_mem>>) src(%arg6 : memref<80x128xf32, #tpu.memory_space<vmem>>) dst(%dma_wait3A_76 : memref<80x128xf32, #tpu.memory_space<hbm>>)
        tpu.yield
      }) : () -> ()
      %scan3A_64 = arith.constant 0 : i32
      scf.yield %scan3A_64 : i32
    }
    %scan3A_51 = arith.constant 7 : i32
    %add3A_52 = arith.constant 560 : i32
    %add3A_53 = arith.addi %mul3A_8, %add3A_52 : i32
    "tpu.region"() ({
      %run_scoped3A = tpu.sem_alloc : memref<!tpu.dma_semaphore, #tpu.memory_space<semaphore_mem>>
      %dma_start3A_56 = arith.constant 0 : i32
      %dma_start3A_57 = arith.constant 0 : i32
      %dma_start3A_58 = tpu.memref_slice %arg6[%dma_start3A_56, %dma_start3A_57] : memref<80x128xf32, #tpu.memory_space<vmem>> -> memref<72x128xf32, #tpu.memory_space<vmem>>
      %dma_start3A_59 = arith.constant 0 : i32
      %dma_start3A_60 = tpu.memref_slice %arg7[%add3A_53, %dma_start3A_59] : memref<10112x128xf32, #tpu.memory_space<vmem_shared>> -> memref<72x128xf32, #tpu.memory_space<vmem_shared>>
      %dma_start3A_61 = arith.constant 0 : i32
      %dma_start3A_62 = arith.constant 0 : i32
      %dma_start3A_63 = tpu.memref_slice %arg6[%dma_start3A_61, %dma_start3A_62] : memref<80x128xf32, #tpu.memory_space<vmem>> -> memref<72x128xf32, #tpu.memory_space<vmem>>
      %dma_start3A_64 = arith.constant 0 : i32
      %dma_start3A_65 = tpu.memref_slice %arg7[%add3A_53, %dma_start3A_64] : memref<10112x128xf32, #tpu.memory_space<vmem_shared>> -> memref<72x128xf32, #tpu.memory_space<vmem_shared>>
      tpu.enqueue_dma source(%dma_start3A_65 : memref<72x128xf32, #tpu.memory_space<vmem_shared>>) target(%dma_start3A_63 : memref<72x128xf32, #tpu.memory_space<vmem>>) target_semaphore(%run_scoped3A : memref<!tpu.dma_semaphore, #tpu.memory_space<semaphore_mem>>)
      %dma_wait3A_66 = arith.constant 0 : i32
      %dma_wait3A_67 = arith.constant 0 : i32
      %dma_wait3A_68 = tpu.memref_slice %arg6[%dma_wait3A_66, %dma_wait3A_67] : memref<80x128xf32, #tpu.memory_space<vmem>> -> memref<72x128xf32, #tpu.memory_space<vmem>>
      %dma_wait3A_69 = arith.constant 0 : i32
      %dma_wait3A_70 = tpu.memref_slice %arg7[%add3A_53, %dma_wait3A_69] : memref<10112x128xf32, #tpu.memory_space<vmem_shared>> -> memref<72x128xf32, #tpu.memory_space<vmem_shared>>
      %dma_wait3A_71 = arith.constant 0 : i32
      %dma_wait3A_72 = arith.constant 0 : i32
      %dma_wait3A_73 = tpu.memref_slice %arg6[%dma_wait3A_71, %dma_wait3A_72] : memref<80x128xf32, #tpu.memory_space<vmem>> -> memref<72x128xf32, #tpu.memory_space<vmem>>
      %dma_wait3A_74 = arith.constant 0 : i32
      %dma_wait3A_75 = tpu.memref_slice %arg7[%add3A_53, %dma_wait3A_74] : memref<10112x128xf32, #tpu.memory_space<vmem_shared>> -> memref<72x128xf32, #tpu.memory_space<vmem_shared>>
      tpu.wait_dma2 semaphore(%run_scoped3A : memref<!tpu.dma_semaphore, #tpu.memory_space<semaphore_mem>>) src(%dma_wait3A_75 : memref<72x128xf32, #tpu.memory_space<vmem_shared>>) dst(%dma_wait3A_73 : memref<72x128xf32, #tpu.memory_space<vmem>>)
      tpu.yield
    }) : () -> ()
    %add3A_54 = arith.constant 560 : i32
    %add3A_55 = arith.addi %mul3A_8, %add3A_54 : i32
    "tpu.region"() ({
      %run_scoped3A = tpu.sem_alloc : memref<!tpu.dma_semaphore, #tpu.memory_space<semaphore_mem>>
      %dma_start3A_56 = arith.constant 0 : i32
      %dma_start3A_57 = arith.constant 0 : i32
      %dma_start3A_58 = tpu.memref_slice %arg6[%dma_start3A_56, %dma_start3A_57] : memref<80x128xf32, #tpu.memory_space<vmem>> -> memref<72x128xf32, #tpu.memory_space<vmem>>
      %dma_start3A_59 = arith.constant 0 : i32
      %dma_start3A_60 = tpu.memref_slice %arg3[%arg0, %add3A_55, %dma_start3A_59] : memref<2x10112x128xf32, #tpu.memory_space<hbm>> -> memref<1x72x128xf32, #tpu.memory_space<hbm>>
      %dma_start3A_61 = tpu.memref_squeeze %dma_start3A_60 : memref<1x72x128xf32, #tpu.memory_space<hbm>> -> memref<72x128xf32, #tpu.memory_space<hbm>>
      %dma_start3A_62 = arith.constant 0 : i32
      %dma_start3A_63 = tpu.memref_slice %arg3[%arg0, %add3A_55, %dma_start3A_62] : memref<2x10112x128xf32, #tpu.memory_space<hbm>> -> memref<1x72x128xf32, #tpu.memory_space<hbm>>
      %dma_start3A_64 = tpu.memref_squeeze %dma_start3A_63 : memref<1x72x128xf32, #tpu.memory_space<hbm>> -> memref<72x128xf32, #tpu.memory_space<hbm>>
      %dma_start3A_65 = arith.constant 0 : i32
      %dma_start3A_66 = arith.constant 0 : i32
      %dma_start3A_67 = tpu.memref_slice %arg6[%dma_start3A_65, %dma_start3A_66] : memref<80x128xf32, #tpu.memory_space<vmem>> -> memref<72x128xf32, #tpu.memory_space<vmem>>
      tpu.enqueue_dma source(%dma_start3A_67 : memref<72x128xf32, #tpu.memory_space<vmem>>) target(%dma_start3A_64 : memref<72x128xf32, #tpu.memory_space<hbm>>) target_semaphore(%run_scoped3A : memref<!tpu.dma_semaphore, #tpu.memory_space<semaphore_mem>>)
      %dma_wait3A_68 = arith.constant 0 : i32
      %dma_wait3A_69 = arith.constant 0 : i32
      %dma_wait3A_70 = tpu.memref_slice %arg6[%dma_wait3A_68, %dma_wait3A_69] : memref<80x128xf32, #tpu.memory_space<vmem>> -> memref<72x128xf32, #tpu.memory_space<vmem>>
      %dma_wait3A_71 = arith.constant 0 : i32
      %dma_wait3A_72 = tpu.memref_slice %arg3[%arg0, %add3A_55, %dma_wait3A_71] : memref<2x10112x128xf32, #tpu.memory_space<hbm>> -> memref<1x72x128xf32, #tpu.memory_space<hbm>>
      %dma_wait3A_73 = tpu.memref_squeeze %dma_wait3A_72 : memref<1x72x128xf32, #tpu.memory_space<hbm>> -> memref<72x128xf32, #tpu.memory_space<hbm>>
      %dma_wait3A_74 = arith.constant 0 : i32
      %dma_wait3A_75 = tpu.memref_slice %arg3[%arg0, %add3A_55, %dma_wait3A_74] : memref<2x10112x128xf32, #tpu.memory_space<hbm>> -> memref<1x72x128xf32, #tpu.memory_space<hbm>>
      %dma_wait3A_76 = tpu.memref_squeeze %dma_wait3A_75 : memref<1x72x128xf32, #tpu.memory_space<hbm>> -> memref<72x128xf32, #tpu.memory_space<hbm>>
      %dma_wait3A_77 = arith.constant 0 : i32
      %dma_wait3A_78 = arith.constant 0 : i32
      %dma_wait3A_79 = tpu.memref_slice %arg6[%dma_wait3A_77, %dma_wait3A_78] : memref<80x128xf32, #tpu.memory_space<vmem>> -> memref<72x128xf32, #tpu.memory_space<vmem>>
      tpu.wait_dma2 semaphore(%run_scoped3A : memref<!tpu.dma_semaphore, #tpu.memory_space<semaphore_mem>>) src(%dma_wait3A_79 : memref<72x128xf32, #tpu.memory_space<vmem>>) dst(%dma_wait3A_76 : memref<72x128xf32, #tpu.memory_space<hbm>>)
      tpu.yield
    }) : () -> ()
    return
  }
}

#map = affine_map<(d0, d1) -> (0, 0)>
#map1 = affine_map<(d0, d1) -> (0)>
#map2 = affine_map<(d0, d1) -> (0, 0, 0)>
module attributes {stable_mosaic.version = 14 : i64} {
  func.func @agg_kernel(%arg0: i32, %arg1: i32, %arg2: memref<10000x128xf32, #tpu.memory_space<hbm>>, %arg3: memref<320000xi32, #tpu.memory_space<hbm>>, %arg4: memref<320000xi32, #tpu.memory_space<hbm>>, %arg5: memref<2x10112x128xf32, #tpu.memory_space<hbm>>, %arg6: memref<80xi32, #tpu.memory_space<vmem>>, %arg7: memref<80xi32, #tpu.memory_space<vmem>>, %arg8: memref<80xi32, #tpu.memory_space<vmem>>, %arg9: memref<80xi32, #tpu.memory_space<vmem>>, %arg10: memref<80x128xf32, #tpu.memory_space<vmem>>, %arg11: memref<80x128xf32, #tpu.memory_space<vmem>>, %arg12: memref<10112x128xf32, #tpu.memory_space<vmem_shared>>, %arg13: memref<!tpu.dma_semaphore, #tpu.memory_space<semaphore_mem>>, %arg14: memref<!tpu.dma_semaphore, #tpu.memory_space<semaphore_mem>>) attributes {dimension_semantics = [#tpu.dimension_semantics<core_parallel>, #tpu.dimension_semantics<subcore_parallel>], iteration_bounds = array<i64: 2, 16>, scalar_prefetch = 0 : i64, scratch_operands = 9 : i64, tpu.core_type = #tpu.core_type<sc_vector_subcore>, window_params = [{transform_indices = #map}, {transform_indices = #map1}, {transform_indices = #map1}, {transform_indices = #map2}]} {
    %mul3A = arith.constant 16 : i32
    %mul3A_0 = arith.muli %arg0, %mul3A : i32
    %add3A = arith.addi %mul3A_0, %arg1 : i32
    %scan3A = arith.constant 0 : i32
    %scan3A_1 = arith.constant 0 : i32
    %scan3A_2 = arith.constant 80 : i32
    %scan3A_3 = arith.addi %scan3A_1, %scan3A_2 : i32
    %scan3A_4 = arith.constant 1 : i32
    %scan3A_5 = scf.for %scan3A_45 = %scan3A_1 to %scan3A_3 step %scan3A_4 iter_args(%scan3A_46 = %scan3A) -> (i32)  : i32 {
      %scan3A_47 = arith.constant 0 : i32
      %scan3A_48 = arith.constant 0 : i32
      %scan3A_49 = arith.constant 8 : i32
      %scan3A_50 = arith.addi %scan3A_48, %scan3A_49 : i32
      %scan3A_51 = arith.constant 1 : i32
      %scan3A_52 = scf.for %scan3A_54 = %scan3A_48 to %scan3A_50 step %scan3A_51 iter_args(%scan3A_55 = %scan3A_47) -> (i32)  : i32 {
        %broadcast_in_dim3A = arith.constant 0.000000e+00 : f32
        %broadcast_in_dim3A_56 = vector.broadcast %broadcast_in_dim3A : f32 to vector<16xf32>
        %mul3A_57 = arith.constant 16 : i32
        %mul3A_58 = arith.muli %scan3A_54, %mul3A_57 : i32
        %swap3A = arith.index_cast %scan3A_45 : i32 to index
        %swap3A_59 = arith.index_cast %mul3A_58 : i32 to index
        %swap3A_60 = tpu.vector_load %arg10[%swap3A, %swap3A_59] {strides = array<i32>} : memref<80x128xf32, #tpu.memory_space<vmem>>, vector<1x16xf32>,
        %swap3A_61 = vector.shape_cast %swap3A_60 : vector<1x16xf32> to vector<16xf32>
        %swap3A_62 = vector.shape_cast %broadcast_in_dim3A_56 : vector<16xf32> to vector<1x16xf32>
        tpu.vector_store %arg10[%swap3A, %swap3A_59], %swap3A_62 {strides = array<i32>} : memref<80x128xf32, #tpu.memory_space<vmem>>, vector<1x16xf32>,
        %scan3A_63 = arith.constant 0 : i32
        scf.yield %scan3A_63 : i32
      }
      %scan3A_53 = arith.constant 8 : i32
      scf.yield %scan3A_52 : i32
    }
    %scan3A_6 = arith.constant 80 : i32
    %mul3A_7 = arith.constant 632 : i32
    %mul3A_8 = arith.muli %arg1, %mul3A_7 : i32
    %scan3A_9 = arith.constant 0 : i32
    %scan3A_10 = arith.constant 0 : i32
    %scan3A_11 = arith.constant 7 : i32
    %scan3A_12 = arith.addi %scan3A_10, %scan3A_11 : i32
    %scan3A_13 = arith.constant 1 : i32
    %scan3A_14 = scf.for %scan3A_45 = %scan3A_10 to %scan3A_12 step %scan3A_13 iter_args(%scan3A_46 = %scan3A_9) -> (i32)  : i32 {
      %mul3A_47 = arith.constant 80 : i32
      %mul3A_48 = arith.muli %scan3A_45, %mul3A_47 : i32
      %add3A_49 = arith.addi %mul3A_8, %mul3A_48 : i32
      "tpu.region"() ({
        %run_scoped3A = tpu.sem_alloc : memref<!tpu.dma_semaphore, #tpu.memory_space<semaphore_mem>>
        %dma_start3A_51 = arith.constant 0 : i32
        %dma_start3A_52 = tpu.memref_slice %arg12[%add3A_49, %dma_start3A_51] : memref<10112x128xf32, #tpu.memory_space<vmem_shared>> -> memref<80x128xf32, #tpu.memory_space<vmem_shared>>
        %dma_start3A_53 = arith.constant 0 : i32
        %dma_start3A_54 = tpu.memref_slice %arg12[%add3A_49, %dma_start3A_53] : memref<10112x128xf32, #tpu.memory_space<vmem_shared>> -> memref<80x128xf32, #tpu.memory_space<vmem_shared>>
        tpu.enqueue_dma source(%arg10 : memref<80x128xf32, #tpu.memory_space<vmem>>) target(%dma_start3A_54 : memref<80x128xf32, #tpu.memory_space<vmem_shared>>) target_semaphore(%run_scoped3A : memref<!tpu.dma_semaphore, #tpu.memory_space<semaphore_mem>>)
        %dma_wait3A_55 = arith.constant 0 : i32
        %dma_wait3A_56 = tpu.memref_slice %arg12[%add3A_49, %dma_wait3A_55] : memref<10112x128xf32, #tpu.memory_space<vmem_shared>> -> memref<80x128xf32, #tpu.memory_space<vmem_shared>>
        %dma_wait3A_57 = arith.constant 0 : i32
        %dma_wait3A_58 = tpu.memref_slice %arg12[%add3A_49, %dma_wait3A_57] : memref<10112x128xf32, #tpu.memory_space<vmem_shared>> -> memref<80x128xf32, #tpu.memory_space<vmem_shared>>
        tpu.wait_dma2 semaphore(%run_scoped3A : memref<!tpu.dma_semaphore, #tpu.memory_space<semaphore_mem>>) src(%arg10 : memref<80x128xf32, #tpu.memory_space<vmem>>) dst(%dma_wait3A_58 : memref<80x128xf32, #tpu.memory_space<vmem_shared>>)
        tpu.yield
      }) : () -> ()
      %scan3A_50 = arith.constant 0 : i32
      scf.yield %scan3A_50 : i32
    }
    %scan3A_15 = arith.constant 7 : i32
    %add3A_16 = arith.constant 560 : i32
    %add3A_17 = arith.addi %mul3A_8, %add3A_16 : i32
    "tpu.region"() ({
      %run_scoped3A = tpu.sem_alloc : memref<!tpu.dma_semaphore, #tpu.memory_space<semaphore_mem>>
      %dma_start3A_45 = arith.constant 0 : i32
      %dma_start3A_46 = arith.constant 0 : i32
      %dma_start3A_47 = tpu.memref_slice %arg10[%dma_start3A_45, %dma_start3A_46] : memref<80x128xf32, #tpu.memory_space<vmem>> -> memref<72x128xf32, #tpu.memory_space<vmem>>
      %dma_start3A_48 = arith.constant 0 : i32
      %dma_start3A_49 = tpu.memref_slice %arg12[%add3A_17, %dma_start3A_48] : memref<10112x128xf32, #tpu.memory_space<vmem_shared>> -> memref<72x128xf32, #tpu.memory_space<vmem_shared>>
      %dma_start3A_50 = arith.constant 0 : i32
      %dma_start3A_51 = tpu.memref_slice %arg12[%add3A_17, %dma_start3A_50] : memref<10112x128xf32, #tpu.memory_space<vmem_shared>> -> memref<72x128xf32, #tpu.memory_space<vmem_shared>>
      %dma_start3A_52 = arith.constant 0 : i32
      %dma_start3A_53 = arith.constant 0 : i32
      %dma_start3A_54 = tpu.memref_slice %arg10[%dma_start3A_52, %dma_start3A_53] : memref<80x128xf32, #tpu.memory_space<vmem>> -> memref<72x128xf32, #tpu.memory_space<vmem>>
      tpu.enqueue_dma source(%dma_start3A_54 : memref<72x128xf32, #tpu.memory_space<vmem>>) target(%dma_start3A_51 : memref<72x128xf32, #tpu.memory_space<vmem_shared>>) target_semaphore(%run_scoped3A : memref<!tpu.dma_semaphore, #tpu.memory_space<semaphore_mem>>)
      %dma_wait3A_55 = arith.constant 0 : i32
      %dma_wait3A_56 = arith.constant 0 : i32
      %dma_wait3A_57 = tpu.memref_slice %arg10[%dma_wait3A_55, %dma_wait3A_56] : memref<80x128xf32, #tpu.memory_space<vmem>> -> memref<72x128xf32, #tpu.memory_space<vmem>>
      %dma_wait3A_58 = arith.constant 0 : i32
      %dma_wait3A_59 = tpu.memref_slice %arg12[%add3A_17, %dma_wait3A_58] : memref<10112x128xf32, #tpu.memory_space<vmem_shared>> -> memref<72x128xf32, #tpu.memory_space<vmem_shared>>
      %dma_wait3A_60 = arith.constant 0 : i32
      %dma_wait3A_61 = tpu.memref_slice %arg12[%add3A_17, %dma_wait3A_60] : memref<10112x128xf32, #tpu.memory_space<vmem_shared>> -> memref<72x128xf32, #tpu.memory_space<vmem_shared>>
      %dma_wait3A_62 = arith.constant 0 : i32
      %dma_wait3A_63 = arith.constant 0 : i32
      %dma_wait3A_64 = tpu.memref_slice %arg10[%dma_wait3A_62, %dma_wait3A_63] : memref<80x128xf32, #tpu.memory_space<vmem>> -> memref<72x128xf32, #tpu.memory_space<vmem>>
      tpu.wait_dma2 semaphore(%run_scoped3A : memref<!tpu.dma_semaphore, #tpu.memory_space<semaphore_mem>>) src(%dma_wait3A_64 : memref<72x128xf32, #tpu.memory_space<vmem>>) dst(%dma_wait3A_61 : memref<72x128xf32, #tpu.memory_space<vmem_shared>>)
      tpu.yield
    }) : () -> ()
    %barrier3A = arith.constant 0 : index
    tpu.barrier barrier_id(%barrier3A)
    %mul3A_18 = arith.constant 10000 : i32
    %mul3A_19 = arith.muli %add3A, %mul3A_18 : i32
    %add3A_20 = arith.constant 0 : i32
    %add3A_21 = arith.addi %mul3A_19, %add3A_20 : i32
    %multiple_of3A = tpu.assume_multiple %add3A_21, 8 : i32
    "tpu.region"() ({
      %run_scoped3A = tpu.sem_alloc : memref<!tpu.dma_semaphore, #tpu.memory_space<semaphore_mem>>
      %dma_start3A_45 = tpu.memref_slice %arg3[%multiple_of3A] : memref<320000xi32, #tpu.memory_space<hbm>> -> memref<80xi32, #tpu.memory_space<hbm>>
      %dma_start3A_46 = tpu.memref_slice %arg3[%multiple_of3A] : memref<320000xi32, #tpu.memory_space<hbm>> -> memref<80xi32, #tpu.memory_space<hbm>>
      tpu.enqueue_dma source(%dma_start3A_46 : memref<80xi32, #tpu.memory_space<hbm>>) target(%arg6 : memref<80xi32, #tpu.memory_space<vmem>>) target_semaphore(%run_scoped3A : memref<!tpu.dma_semaphore, #tpu.memory_space<semaphore_mem>>)
      %dma_wait3A_47 = tpu.memref_slice %arg3[%multiple_of3A] : memref<320000xi32, #tpu.memory_space<hbm>> -> memref<80xi32, #tpu.memory_space<hbm>>
      %dma_wait3A_48 = tpu.memref_slice %arg3[%multiple_of3A] : memref<320000xi32, #tpu.memory_space<hbm>> -> memref<80xi32, #tpu.memory_space<hbm>>
      tpu.wait_dma2 semaphore(%run_scoped3A : memref<!tpu.dma_semaphore, #tpu.memory_space<semaphore_mem>>) src(%dma_wait3A_48 : memref<80xi32, #tpu.memory_space<hbm>>) dst(%arg6 : memref<80xi32, #tpu.memory_space<vmem>>)
      tpu.yield
    }) : () -> ()
    "tpu.region"() ({
      %run_scoped3A = tpu.sem_alloc : memref<!tpu.dma_semaphore, #tpu.memory_space<semaphore_mem>>
      %dma_start3A_45 = tpu.memref_slice %arg4[%multiple_of3A] : memref<320000xi32, #tpu.memory_space<hbm>> -> memref<80xi32, #tpu.memory_space<hbm>>
      %dma_start3A_46 = tpu.memref_slice %arg4[%multiple_of3A] : memref<320000xi32, #tpu.memory_space<hbm>> -> memref<80xi32, #tpu.memory_space<hbm>>
      tpu.enqueue_dma source(%dma_start3A_46 : memref<80xi32, #tpu.memory_space<hbm>>) target(%arg7 : memref<80xi32, #tpu.memory_space<vmem>>) target_semaphore(%run_scoped3A : memref<!tpu.dma_semaphore, #tpu.memory_space<semaphore_mem>>)
      %dma_wait3A_47 = tpu.memref_slice %arg4[%multiple_of3A] : memref<320000xi32, #tpu.memory_space<hbm>> -> memref<80xi32, #tpu.memory_space<hbm>>
      %dma_wait3A_48 = tpu.memref_slice %arg4[%multiple_of3A] : memref<320000xi32, #tpu.memory_space<hbm>> -> memref<80xi32, #tpu.memory_space<hbm>>
      tpu.wait_dma2 semaphore(%run_scoped3A : memref<!tpu.dma_semaphore, #tpu.memory_space<semaphore_mem>>) src(%dma_wait3A_48 : memref<80xi32, #tpu.memory_space<hbm>>) dst(%arg7 : memref<80xi32, #tpu.memory_space<vmem>>)
      tpu.yield
    }) : () -> ()
    %dma_start3A = arith.constant 0 : i32
    %dma_start3A_22 = arith.constant 0 : i32
    %dma_start3A_23 = tpu.memref_slice %arg2[%dma_start3A, %dma_start3A_22] : memref<10000x128xf32, #tpu.memory_space<hbm>> -> memref<10000x128xf32, #tpu.memory_space<hbm>>
    tpu.enqueue_indirect_dma source(%dma_start3A_23 : memref<10000x128xf32, #tpu.memory_space<hbm>>) target(%arg10 : memref<80x128xf32, #tpu.memory_space<vmem>>) offsets(%arg6 : memref<80xi32, #tpu.memory_space<vmem>>) semaphore(%arg13 : memref<!tpu.dma_semaphore, #tpu.memory_space<semaphore_mem>>)
    %scan3A_24 = arith.constant 0 : i32
    %scan3A_25 = arith.constant 0 : i32
    %scan3A_26 = arith.constant 62 : i32
    %scan3A_27 = arith.addi %scan3A_25, %scan3A_26 : i32
    %scan3A_28 = arith.constant 1 : i32
    %scan3A_29 = scf.for %scan3A_45 = %scan3A_25 to %scan3A_27 step %scan3A_28 iter_args(%scan3A_46 = %scan3A_24) -> (i32)  : i32 {
      %mul3A_47 = arith.constant 2 : i32
      %mul3A_48 = arith.muli %mul3A_47, %scan3A_45 : i32
      %add3A_49 = arith.constant 1 : i32
      %add3A_50 = arith.addi %mul3A_48, %add3A_49 : i32
      %mul3A_51 = arith.constant 80 : i32
      %mul3A_52 = arith.muli %add3A_50, %mul3A_51 : i32
      %add3A_53 = arith.addi %mul3A_19, %mul3A_52 : i32
      %multiple_of3A_54 = tpu.assume_multiple %add3A_53, 8 : i32
      "tpu.region"() ({
        %run_scoped3A = tpu.sem_alloc : memref<!tpu.dma_semaphore, #tpu.memory_space<semaphore_mem>>
        %dma_start3A_74 = tpu.memref_slice %arg3[%multiple_of3A_54] : memref<320000xi32, #tpu.memory_space<hbm>> -> memref<80xi32, #tpu.memory_space<hbm>>
        %dma_start3A_75 = tpu.memref_slice %arg3[%multiple_of3A_54] : memref<320000xi32, #tpu.memory_space<hbm>> -> memref<80xi32, #tpu.memory_space<hbm>>
        tpu.enqueue_dma source(%dma_start3A_75 : memref<80xi32, #tpu.memory_space<hbm>>) target(%arg8 : memref<80xi32, #tpu.memory_space<vmem>>) target_semaphore(%run_scoped3A : memref<!tpu.dma_semaphore, #tpu.memory_space<semaphore_mem>>)
        %dma_wait3A_76 = tpu.memref_slice %arg3[%multiple_of3A_54] : memref<320000xi32, #tpu.memory_space<hbm>> -> memref<80xi32, #tpu.memory_space<hbm>>
        %dma_wait3A_77 = tpu.memref_slice %arg3[%multiple_of3A_54] : memref<320000xi32, #tpu.memory_space<hbm>> -> memref<80xi32, #tpu.memory_space<hbm>>
        tpu.wait_dma2 semaphore(%run_scoped3A : memref<!tpu.dma_semaphore, #tpu.memory_space<semaphore_mem>>) src(%dma_wait3A_77 : memref<80xi32, #tpu.memory_space<hbm>>) dst(%arg8 : memref<80xi32, #tpu.memory_space<vmem>>)
        tpu.yield
      }) : () -> ()
      "tpu.region"() ({
        %run_scoped3A = tpu.sem_alloc : memref<!tpu.dma_semaphore, #tpu.memory_space<semaphore_mem>>
        %dma_start3A_74 = tpu.memref_slice %arg4[%multiple_of3A_54] : memref<320000xi32, #tpu.memory_space<hbm>> -> memref<80xi32, #tpu.memory_space<hbm>>
        %dma_start3A_75 = tpu.memref_slice %arg4[%multiple_of3A_54] : memref<320000xi32, #tpu.memory_space<hbm>> -> memref<80xi32, #tpu.memory_space<hbm>>
        tpu.enqueue_dma source(%dma_start3A_75 : memref<80xi32, #tpu.memory_space<hbm>>) target(%arg9 : memref<80xi32, #tpu.memory_space<vmem>>) target_semaphore(%run_scoped3A : memref<!tpu.dma_semaphore, #tpu.memory_space<semaphore_mem>>)
        %dma_wait3A_76 = tpu.memref_slice %arg4[%multiple_of3A_54] : memref<320000xi32, #tpu.memory_space<hbm>> -> memref<80xi32, #tpu.memory_space<hbm>>
        %dma_wait3A_77 = tpu.memref_slice %arg4[%multiple_of3A_54] : memref<320000xi32, #tpu.memory_space<hbm>> -> memref<80xi32, #tpu.memory_space<hbm>>
        tpu.wait_dma2 semaphore(%run_scoped3A : memref<!tpu.dma_semaphore, #tpu.memory_space<semaphore_mem>>) src(%dma_wait3A_77 : memref<80xi32, #tpu.memory_space<hbm>>) dst(%arg9 : memref<80xi32, #tpu.memory_space<vmem>>)
        tpu.yield
      }) : () -> ()
      %dma_start3A_55 = arith.constant 0 : i32
      %dma_start3A_56 = arith.constant 0 : i32
      %dma_start3A_57 = tpu.memref_slice %arg2[%dma_start3A_55, %dma_start3A_56] : memref<10000x128xf32, #tpu.memory_space<hbm>> -> memref<10000x128xf32, #tpu.memory_space<hbm>>
      tpu.enqueue_indirect_dma source(%dma_start3A_57 : memref<10000x128xf32, #tpu.memory_space<hbm>>) target(%arg11 : memref<80x128xf32, #tpu.memory_space<vmem>>) offsets(%arg8 : memref<80xi32, #tpu.memory_space<vmem>>) semaphore(%arg14 : memref<!tpu.dma_semaphore, #tpu.memory_space<semaphore_mem>>)
      %dma_wait3A_58 = arith.constant 0 : i32
      %dma_wait3A_59 = arith.constant 0 : i32
      %dma_wait3A_60 = tpu.memref_slice %arg2[%dma_wait3A_58, %dma_wait3A_59] : memref<10000x128xf32, #tpu.memory_space<hbm>> -> memref<10000x128xf32, #tpu.memory_space<hbm>>
      tpu.wait_indirect_dma semaphore(%arg13 : memref<!tpu.dma_semaphore, #tpu.memory_space<semaphore_mem>>) src(%dma_wait3A_60 : memref<10000x128xf32, #tpu.memory_space<hbm>>) dst(%arg10 : memref<80x128xf32, #tpu.memory_space<vmem>>)
      "tpu.region"() ({
        %run_scoped3A = tpu.sem_alloc : memref<!tpu.dma_semaphore, #tpu.memory_space<semaphore_mem>>
        %dma_start3A_74 = arith.constant 0 : i32
        %dma_start3A_75 = arith.constant 0 : i32
        %dma_start3A_76 = tpu.memref_slice %arg12[%dma_start3A_74, %dma_start3A_75] : memref<10112x128xf32, #tpu.memory_space<vmem_shared>> -> memref<10112x128xf32, #tpu.memory_space<vmem_shared>>
        tpu.enqueue_indirect_dma source(%arg10 : memref<80x128xf32, #tpu.memory_space<vmem>>) target(%dma_start3A_76 : memref<10112x128xf32, #tpu.memory_space<vmem_shared>>) offsets(%arg7 : memref<80xi32, #tpu.memory_space<vmem>>) semaphore(%run_scoped3A : memref<!tpu.dma_semaphore, #tpu.memory_space<semaphore_mem>>) {add = true}
        %dma_wait3A_77 = arith.constant 0 : i32
        %dma_wait3A_78 = arith.constant 0 : i32
        %dma_wait3A_79 = tpu.memref_slice %arg12[%dma_wait3A_77, %dma_wait3A_78] : memref<10112x128xf32, #tpu.memory_space<vmem_shared>> -> memref<10112x128xf32, #tpu.memory_space<vmem_shared>>
        tpu.wait_indirect_dma semaphore(%run_scoped3A : memref<!tpu.dma_semaphore, #tpu.memory_space<semaphore_mem>>) src(%arg10 : memref<80x128xf32, #tpu.memory_space<vmem>>) dst(%dma_wait3A_79 : memref<10112x128xf32, #tpu.memory_space<vmem_shared>>)
        tpu.yield
      }) : () -> ()
      %add3A_61 = arith.constant 2 : i32
      %add3A_62 = arith.addi %mul3A_48, %add3A_61 : i32
      %mul3A_63 = arith.constant 80 : i32
      %mul3A_64 = arith.muli %add3A_62, %mul3A_63 : i32
      %add3A_65 = arith.addi %mul3A_19, %mul3A_64 : i32
      %multiple_of3A_66 = tpu.assume_multiple %add3A_65, 8 : i32
      "tpu.region"() ({
        %run_scoped3A = tpu.sem_alloc : memref<!tpu.dma_semaphore, #tpu.memory_space<semaphore_mem>>
        %dma_start3A_74 = tpu.memref_slice %arg3[%multiple_of3A_66] : memref<320000xi32, #tpu.memory_space<hbm>> -> memref<80xi32, #tpu.memory_space<hbm>>
        %dma_start3A_75 = tpu.memref_slice %arg3[%multiple_of3A_66] : memref<320000xi32, #tpu.memory_space<hbm>> -> memref<80xi32, #tpu.memory_space<hbm>>
        tpu.enqueue_dma source(%dma_start3A_75 : memref<80xi32, #tpu.memory_space<hbm>>) target(%arg6 : memref<80xi32, #tpu.memory_space<vmem>>) target_semaphore(%run_scoped3A : memref<!tpu.dma_semaphore, #tpu.memory_space<semaphore_mem>>)
        %dma_wait3A_76 = tpu.memref_slice %arg3[%multiple_of3A_66] : memref<320000xi32, #tpu.memory_space<hbm>> -> memref<80xi32, #tpu.memory_space<hbm>>
        %dma_wait3A_77 = tpu.memref_slice %arg3[%multiple_of3A_66] : memref<320000xi32, #tpu.memory_space<hbm>> -> memref<80xi32, #tpu.memory_space<hbm>>
        tpu.wait_dma2 semaphore(%run_scoped3A : memref<!tpu.dma_semaphore, #tpu.memory_space<semaphore_mem>>) src(%dma_wait3A_77 : memref<80xi32, #tpu.memory_space<hbm>>) dst(%arg6 : memref<80xi32, #tpu.memory_space<vmem>>)
        tpu.yield
      }) : () -> ()
      "tpu.region"() ({
        %run_scoped3A = tpu.sem_alloc : memref<!tpu.dma_semaphore, #tpu.memory_space<semaphore_mem>>
        %dma_start3A_74 = tpu.memref_slice %arg4[%multiple_of3A_66] : memref<320000xi32, #tpu.memory_space<hbm>> -> memref<80xi32, #tpu.memory_space<hbm>>
        %dma_start3A_75 = tpu.memref_slice %arg4[%multiple_of3A_66] : memref<320000xi32, #tpu.memory_space<hbm>> -> memref<80xi32, #tpu.memory_space<hbm>>
        tpu.enqueue_dma source(%dma_start3A_75 : memref<80xi32, #tpu.memory_space<hbm>>) target(%arg7 : memref<80xi32, #tpu.memory_space<vmem>>) target_semaphore(%run_scoped3A : memref<!tpu.dma_semaphore, #tpu.memory_space<semaphore_mem>>)
        %dma_wait3A_76 = tpu.memref_slice %arg4[%multiple_of3A_66] : memref<320000xi32, #tpu.memory_space<hbm>> -> memref<80xi32, #tpu.memory_space<hbm>>
        %dma_wait3A_77 = tpu.memref_slice %arg4[%multiple_of3A_66] : memref<320000xi32, #tpu.memory_space<hbm>> -> memref<80xi32, #tpu.memory_space<hbm>>
        tpu.wait_dma2 semaphore(%run_scoped3A : memref<!tpu.dma_semaphore, #tpu.memory_space<semaphore_mem>>) src(%dma_wait3A_77 : memref<80xi32, #tpu.memory_space<hbm>>) dst(%arg7 : memref<80xi32, #tpu.memory_space<vmem>>)
        tpu.yield
      }) : () -> ()
      %dma_start3A_67 = arith.constant 0 : i32
      %dma_start3A_68 = arith.constant 0 : i32
      %dma_start3A_69 = tpu.memref_slice %arg2[%dma_start3A_67, %dma_start3A_68] : memref<10000x128xf32, #tpu.memory_space<hbm>> -> memref<10000x128xf32, #tpu.memory_space<hbm>>
      tpu.enqueue_indirect_dma source(%dma_start3A_69 : memref<10000x128xf32, #tpu.memory_space<hbm>>) target(%arg10 : memref<80x128xf32, #tpu.memory_space<vmem>>) offsets(%arg6 : memref<80xi32, #tpu.memory_space<vmem>>) semaphore(%arg13 : memref<!tpu.dma_semaphore, #tpu.memory_space<semaphore_mem>>)
      %dma_wait3A_70 = arith.constant 0 : i32
      %dma_wait3A_71 = arith.constant 0 : i32
      %dma_wait3A_72 = tpu.memref_slice %arg2[%dma_wait3A_70, %dma_wait3A_71] : memref<10000x128xf32, #tpu.memory_space<hbm>> -> memref<10000x128xf32, #tpu.memory_space<hbm>>
      tpu.wait_indirect_dma semaphore(%arg14 : memref<!tpu.dma_semaphore, #tpu.memory_space<semaphore_mem>>) src(%dma_wait3A_72 : memref<10000x128xf32, #tpu.memory_space<hbm>>) dst(%arg11 : memref<80x128xf32, #tpu.memory_space<vmem>>)
      "tpu.region"() ({
        %run_scoped3A = tpu.sem_alloc : memref<!tpu.dma_semaphore, #tpu.memory_space<semaphore_mem>>
        %dma_start3A_74 = arith.constant 0 : i32
        %dma_start3A_75 = arith.constant 0 : i32
        %dma_start3A_76 = tpu.memref_slice %arg12[%dma_start3A_74, %dma_start3A_75] : memref<10112x128xf32, #tpu.memory_space<vmem_shared>> -> memref<10112x128xf32, #tpu.memory_space<vmem_shared>>
        tpu.enqueue_indirect_dma source(%arg11 : memref<80x128xf32, #tpu.memory_space<vmem>>) target(%dma_start3A_76 : memref<10112x128xf32, #tpu.memory_space<vmem_shared>>) offsets(%arg9 : memref<80xi32, #tpu.memory_space<vmem>>) semaphore(%run_scoped3A : memref<!tpu.dma_semaphore, #tpu.memory_space<semaphore_mem>>) {add = true}
        %dma_wait3A_77 = arith.constant 0 : i32
        %dma_wait3A_78 = arith.constant 0 : i32
        %dma_wait3A_79 = tpu.memref_slice %arg12[%dma_wait3A_77, %dma_wait3A_78] : memref<10112x128xf32, #tpu.memory_space<vmem_shared>> -> memref<10112x128xf32, #tpu.memory_space<vmem_shared>>
        tpu.wait_indirect_dma semaphore(%run_scoped3A : memref<!tpu.dma_semaphore, #tpu.memory_space<semaphore_mem>>) src(%arg11 : memref<80x128xf32, #tpu.memory_space<vmem>>) dst(%dma_wait3A_79 : memref<10112x128xf32, #tpu.memory_space<vmem_shared>>)
        tpu.yield
      }) : () -> ()
      %scan3A_73 = arith.constant 0 : i32
      scf.yield %scan3A_73 : i32
    }
    %scan3A_30 = arith.constant 62 : i32
    %dma_wait3A = arith.constant 0 : i32
    %dma_wait3A_31 = arith.constant 0 : i32
    %dma_wait3A_32 = tpu.memref_slice %arg2[%dma_wait3A, %dma_wait3A_31] : memref<10000x128xf32, #tpu.memory_space<hbm>> -> memref<10000x128xf32, #tpu.memory_space<hbm>>
    tpu.wait_indirect_dma semaphore(%arg13 : memref<!tpu.dma_semaphore, #tpu.memory_space<semaphore_mem>>) src(%dma_wait3A_32 : memref<10000x128xf32, #tpu.memory_space<hbm>>) dst(%arg10 : memref<80x128xf32, #tpu.memory_space<vmem>>)
    "tpu.region"() ({
      %run_scoped3A = tpu.sem_alloc : memref<!tpu.dma_semaphore, #tpu.memory_space<semaphore_mem>>
      %dma_start3A_45 = arith.constant 0 : i32
      %dma_start3A_46 = arith.constant 0 : i32
      %dma_start3A_47 = tpu.memref_slice %arg12[%dma_start3A_45, %dma_start3A_46] : memref<10112x128xf32, #tpu.memory_space<vmem_shared>> -> memref<10112x128xf32, #tpu.memory_space<vmem_shared>>
      tpu.enqueue_indirect_dma source(%arg10 : memref<80x128xf32, #tpu.memory_space<vmem>>) target(%dma_start3A_47 : memref<10112x128xf32, #tpu.memory_space<vmem_shared>>) offsets(%arg7 : memref<80xi32, #tpu.memory_space<vmem>>) semaphore(%run_scoped3A : memref<!tpu.dma_semaphore, #tpu.memory_space<semaphore_mem>>) {add = true}
      %dma_wait3A_48 = arith.constant 0 : i32
      %dma_wait3A_49 = arith.constant 0 : i32
      %dma_wait3A_50 = tpu.memref_slice %arg12[%dma_wait3A_48, %dma_wait3A_49] : memref<10112x128xf32, #tpu.memory_space<vmem_shared>> -> memref<10112x128xf32, #tpu.memory_space<vmem_shared>>
      tpu.wait_indirect_dma semaphore(%run_scoped3A : memref<!tpu.dma_semaphore, #tpu.memory_space<semaphore_mem>>) src(%arg10 : memref<80x128xf32, #tpu.memory_space<vmem>>) dst(%dma_wait3A_50 : memref<10112x128xf32, #tpu.memory_space<vmem_shared>>)
      tpu.yield
    }) : () -> ()
    %barrier3A_33 = arith.constant 0 : index
    tpu.barrier barrier_id(%barrier3A_33)
    %scan3A_34 = arith.constant 0 : i32
    %scan3A_35 = arith.constant 0 : i32
    %scan3A_36 = arith.constant 7 : i32
    %scan3A_37 = arith.addi %scan3A_35, %scan3A_36 : i32
    %scan3A_38 = arith.constant 1 : i32
    %scan3A_39 = scf.for %scan3A_45 = %scan3A_35 to %scan3A_37 step %scan3A_38 iter_args(%scan3A_46 = %scan3A_34) -> (i32)  : i32 {
      %mul3A_47 = arith.constant 80 : i32
      %mul3A_48 = arith.muli %scan3A_45, %mul3A_47 : i32
      %add3A_49 = arith.addi %mul3A_8, %mul3A_48 : i32
      "tpu.region"() ({
        %run_scoped3A = tpu.sem_alloc : memref<!tpu.dma_semaphore, #tpu.memory_space<semaphore_mem>>
        %dma_start3A_54 = arith.constant 0 : i32
        %dma_start3A_55 = tpu.memref_slice %arg12[%add3A_49, %dma_start3A_54] : memref<10112x128xf32, #tpu.memory_space<vmem_shared>> -> memref<80x128xf32, #tpu.memory_space<vmem_shared>>
        %dma_start3A_56 = arith.constant 0 : i32
        %dma_start3A_57 = tpu.memref_slice %arg12[%add3A_49, %dma_start3A_56] : memref<10112x128xf32, #tpu.memory_space<vmem_shared>> -> memref<80x128xf32, #tpu.memory_space<vmem_shared>>
        tpu.enqueue_dma source(%dma_start3A_57 : memref<80x128xf32, #tpu.memory_space<vmem_shared>>) target(%arg10 : memref<80x128xf32, #tpu.memory_space<vmem>>) target_semaphore(%run_scoped3A : memref<!tpu.dma_semaphore, #tpu.memory_space<semaphore_mem>>)
        %dma_wait3A_58 = arith.constant 0 : i32
        %dma_wait3A_59 = tpu.memref_slice %arg12[%add3A_49, %dma_wait3A_58] : memref<10112x128xf32, #tpu.memory_space<vmem_shared>> -> memref<80x128xf32, #tpu.memory_space<vmem_shared>>
        %dma_wait3A_60 = arith.constant 0 : i32
        %dma_wait3A_61 = tpu.memref_slice %arg12[%add3A_49, %dma_wait3A_60] : memref<10112x128xf32, #tpu.memory_space<vmem_shared>> -> memref<80x128xf32, #tpu.memory_space<vmem_shared>>
        tpu.wait_dma2 semaphore(%run_scoped3A : memref<!tpu.dma_semaphore, #tpu.memory_space<semaphore_mem>>) src(%dma_wait3A_61 : memref<80x128xf32, #tpu.memory_space<vmem_shared>>) dst(%arg10 : memref<80x128xf32, #tpu.memory_space<vmem>>)
        tpu.yield
      }) : () -> ()
      %mul3A_50 = arith.constant 80 : i32
      %mul3A_51 = arith.muli %scan3A_45, %mul3A_50 : i32
      %add3A_52 = arith.addi %mul3A_8, %mul3A_51 : i32
      "tpu.region"() ({
        %run_scoped3A = tpu.sem_alloc : memref<!tpu.dma_semaphore, #tpu.memory_space<semaphore_mem>>
        %dma_start3A_54 = arith.constant 0 : i32
        %dma_start3A_55 = tpu.memref_slice %arg5[%arg0, %add3A_52, %dma_start3A_54] : memref<2x10112x128xf32, #tpu.memory_space<hbm>> -> memref<1x80x128xf32, #tpu.memory_space<hbm>>
        %dma_start3A_56 = tpu.memref_squeeze %dma_start3A_55 : memref<1x80x128xf32, #tpu.memory_space<hbm>> -> memref<80x128xf32, #tpu.memory_space<hbm>>
        %dma_start3A_57 = arith.constant 0 : i32
        %dma_start3A_58 = tpu.memref_slice %arg5[%arg0, %add3A_52, %dma_start3A_57] : memref<2x10112x128xf32, #tpu.memory_space<hbm>> -> memref<1x80x128xf32, #tpu.memory_space<hbm>>
        %dma_start3A_59 = tpu.memref_squeeze %dma_start3A_58 : memref<1x80x128xf32, #tpu.memory_space<hbm>> -> memref<80x128xf32, #tpu.memory_space<hbm>>
        tpu.enqueue_dma source(%arg10 : memref<80x128xf32, #tpu.memory_space<vmem>>) target(%dma_start3A_59 : memref<80x128xf32, #tpu.memory_space<hbm>>) target_semaphore(%run_scoped3A : memref<!tpu.dma_semaphore, #tpu.memory_space<semaphore_mem>>)
        %dma_wait3A_60 = arith.constant 0 : i32
        %dma_wait3A_61 = tpu.memref_slice %arg5[%arg0, %add3A_52, %dma_wait3A_60] : memref<2x10112x128xf32, #tpu.memory_space<hbm>> -> memref<1x80x128xf32, #tpu.memory_space<hbm>>
        %dma_wait3A_62 = tpu.memref_squeeze %dma_wait3A_61 : memref<1x80x128xf32, #tpu.memory_space<hbm>> -> memref<80x128xf32, #tpu.memory_space<hbm>>
        %dma_wait3A_63 = arith.constant 0 : i32
        %dma_wait3A_64 = tpu.memref_slice %arg5[%arg0, %add3A_52, %dma_wait3A_63] : memref<2x10112x128xf32, #tpu.memory_space<hbm>> -> memref<1x80x128xf32, #tpu.memory_space<hbm>>
        %dma_wait3A_65 = tpu.memref_squeeze %dma_wait3A_64 : memref<1x80x128xf32, #tpu.memory_space<hbm>> -> memref<80x128xf32, #tpu.memory_space<hbm>>
        tpu.wait_dma2 semaphore(%run_scoped3A : memref<!tpu.dma_semaphore, #tpu.memory_space<semaphore_mem>>) src(%arg10 : memref<80x128xf32, #tpu.memory_space<vmem>>) dst(%dma_wait3A_65 : memref<80x128xf32, #tpu.memory_space<hbm>>)
        tpu.yield
      }) : () -> ()
      %scan3A_53 = arith.constant 0 : i32
      scf.yield %scan3A_53 : i32
    }
    %scan3A_40 = arith.constant 7 : i32
    %add3A_41 = arith.constant 560 : i32
    %add3A_42 = arith.addi %mul3A_8, %add3A_41 : i32
    "tpu.region"() ({
      %run_scoped3A = tpu.sem_alloc : memref<!tpu.dma_semaphore, #tpu.memory_space<semaphore_mem>>
      %dma_start3A_45 = arith.constant 0 : i32
      %dma_start3A_46 = arith.constant 0 : i32
      %dma_start3A_47 = tpu.memref_slice %arg10[%dma_start3A_45, %dma_start3A_46] : memref<80x128xf32, #tpu.memory_space<vmem>> -> memref<72x128xf32, #tpu.memory_space<vmem>>
      %dma_start3A_48 = arith.constant 0 : i32
      %dma_start3A_49 = tpu.memref_slice %arg12[%add3A_42, %dma_start3A_48] : memref<10112x128xf32, #tpu.memory_space<vmem_shared>> -> memref<72x128xf32, #tpu.memory_space<vmem_shared>>
      %dma_start3A_50 = arith.constant 0 : i32
      %dma_start3A_51 = arith.constant 0 : i32
      %dma_start3A_52 = tpu.memref_slice %arg10[%dma_start3A_50, %dma_start3A_51] : memref<80x128xf32, #tpu.memory_space<vmem>> -> memref<72x128xf32, #tpu.memory_space<vmem>>
      %dma_start3A_53 = arith.constant 0 : i32
      %dma_start3A_54 = tpu.memref_slice %arg12[%add3A_42, %dma_start3A_53] : memref<10112x128xf32, #tpu.memory_space<vmem_shared>> -> memref<72x128xf32, #tpu.memory_space<vmem_shared>>
      tpu.enqueue_dma source(%dma_start3A_54 : memref<72x128xf32, #tpu.memory_space<vmem_shared>>) target(%dma_start3A_52 : memref<72x128xf32, #tpu.memory_space<vmem>>) target_semaphore(%run_scoped3A : memref<!tpu.dma_semaphore, #tpu.memory_space<semaphore_mem>>)
      %dma_wait3A_55 = arith.constant 0 : i32
      %dma_wait3A_56 = arith.constant 0 : i32
      %dma_wait3A_57 = tpu.memref_slice %arg10[%dma_wait3A_55, %dma_wait3A_56] : memref<80x128xf32, #tpu.memory_space<vmem>> -> memref<72x128xf32, #tpu.memory_space<vmem>>
      %dma_wait3A_58 = arith.constant 0 : i32
      %dma_wait3A_59 = tpu.memref_slice %arg12[%add3A_42, %dma_wait3A_58] : memref<10112x128xf32, #tpu.memory_space<vmem_shared>> -> memref<72x128xf32, #tpu.memory_space<vmem_shared>>
      %dma_wait3A_60 = arith.constant 0 : i32
      %dma_wait3A_61 = arith.constant 0 : i32
      %dma_wait3A_62 = tpu.memref_slice %arg10[%dma_wait3A_60, %dma_wait3A_61] : memref<80x128xf32, #tpu.memory_space<vmem>> -> memref<72x128xf32, #tpu.memory_space<vmem>>
      %dma_wait3A_63 = arith.constant 0 : i32
      %dma_wait3A_64 = tpu.memref_slice %arg12[%add3A_42, %dma_wait3A_63] : memref<10112x128xf32, #tpu.memory_space<vmem_shared>> -> memref<72x128xf32, #tpu.memory_space<vmem_shared>>
      tpu.wait_dma2 semaphore(%run_scoped3A : memref<!tpu.dma_semaphore, #tpu.memory_space<semaphore_mem>>) src(%dma_wait3A_64 : memref<72x128xf32, #tpu.memory_space<vmem_shared>>) dst(%dma_wait3A_62 : memref<72x128xf32, #tpu.memory_space<vmem>>)
      tpu.yield
    }) : () -> ()
    %add3A_43 = arith.constant 560 : i32
    %add3A_44 = arith.addi %mul3A_8, %add3A_43 : i32
    "tpu.region"() ({
      %run_scoped3A = tpu.sem_alloc : memref<!tpu.dma_semaphore, #tpu.memory_space<semaphore_mem>>
      %dma_start3A_45 = arith.constant 0 : i32
      %dma_start3A_46 = arith.constant 0 : i32
      %dma_start3A_47 = tpu.memref_slice %arg10[%dma_start3A_45, %dma_start3A_46] : memref<80x128xf32, #tpu.memory_space<vmem>> -> memref<72x128xf32, #tpu.memory_space<vmem>>
      %dma_start3A_48 = arith.constant 0 : i32
      %dma_start3A_49 = tpu.memref_slice %arg5[%arg0, %add3A_44, %dma_start3A_48] : memref<2x10112x128xf32, #tpu.memory_space<hbm>> -> memref<1x72x128xf32, #tpu.memory_space<hbm>>
      %dma_start3A_50 = tpu.memref_squeeze %dma_start3A_49 : memref<1x72x128xf32, #tpu.memory_space<hbm>> -> memref<72x128xf32, #tpu.memory_space<hbm>>
      %dma_start3A_51 = arith.constant 0 : i32
      %dma_start3A_52 = tpu.memref_slice %arg5[%arg0, %add3A_44, %dma_start3A_51] : memref<2x10112x128xf32, #tpu.memory_space<hbm>> -> memref<1x72x128xf32, #tpu.memory_space<hbm>>
      %dma_start3A_53 = tpu.memref_squeeze %dma_start3A_52 : memref<1x72x128xf32, #tpu.memory_space<hbm>> -> memref<72x128xf32, #tpu.memory_space<hbm>>
      %dma_start3A_54 = arith.constant 0 : i32
      %dma_start3A_55 = arith.constant 0 : i32
      %dma_start3A_56 = tpu.memref_slice %arg10[%dma_start3A_54, %dma_start3A_55] : memref<80x128xf32, #tpu.memory_space<vmem>> -> memref<72x128xf32, #tpu.memory_space<vmem>>
      tpu.enqueue_dma source(%dma_start3A_56 : memref<72x128xf32, #tpu.memory_space<vmem>>) target(%dma_start3A_53 : memref<72x128xf32, #tpu.memory_space<hbm>>) target_semaphore(%run_scoped3A : memref<!tpu.dma_semaphore, #tpu.memory_space<semaphore_mem>>)
      %dma_wait3A_57 = arith.constant 0 : i32
      %dma_wait3A_58 = arith.constant 0 : i32
      %dma_wait3A_59 = tpu.memref_slice %arg10[%dma_wait3A_57, %dma_wait3A_58] : memref<80x128xf32, #tpu.memory_space<vmem>> -> memref<72x128xf32, #tpu.memory_space<vmem>>
      %dma_wait3A_60 = arith.constant 0 : i32
      %dma_wait3A_61 = tpu.memref_slice %arg5[%arg0, %add3A_44, %dma_wait3A_60] : memref<2x10112x128xf32, #tpu.memory_space<hbm>> -> memref<1x72x128xf32, #tpu.memory_space<hbm>>
      %dma_wait3A_62 = tpu.memref_squeeze %dma_wait3A_61 : memref<1x72x128xf32, #tpu.memory_space<hbm>> -> memref<72x128xf32, #tpu.memory_space<hbm>>
      %dma_wait3A_63 = arith.constant 0 : i32
      %dma_wait3A_64 = tpu.memref_slice %arg5[%arg0, %add3A_44, %dma_wait3A_63] : memref<2x10112x128xf32, #tpu.memory_space<hbm>> -> memref<1x72x128xf32, #tpu.memory_space<hbm>>
      %dma_wait3A_65 = tpu.memref_squeeze %dma_wait3A_64 : memref<1x72x128xf32, #tpu.memory_space<hbm>> -> memref<72x128xf32, #tpu.memory_space<hbm>>
      %dma_wait3A_66 = arith.constant 0 : i32
      %dma_wait3A_67 = arith.constant 0 : i32
      %dma_wait3A_68 = tpu.memref_slice %arg10[%dma_wait3A_66, %dma_wait3A_67] : memref<80x128xf32, #tpu.memory_space<vmem>> -> memref<72x128xf32, #tpu.memory_space<vmem>>
      tpu.wait_dma2 semaphore(%run_scoped3A : memref<!tpu.dma_semaphore, #tpu.memory_space<semaphore_mem>>) src(%dma_wait3A_68 : memref<72x128xf32, #tpu.memory_space<vmem>>) dst(%dma_wait3A_65 : memref<72x128xf32, #tpu.memory_space<hbm>>)
      tpu.yield
    }) : () -> ()
    return
  }
}

#map = affine_map<(d0, d1) -> (0, 0)>
#map1 = affine_map<(d0, d1) -> (0)>
#map2 = affine_map<(d0, d1) -> (0, 0, 0)>
module attributes {stable_mosaic.version = 14 : i64} {
  func.func @agg_kernel(%arg0: i32, %arg1: i32, %arg2: memref<10000x128xf32, #tpu.memory_space<hbm>>, %arg3: memref<320000xi32, #tpu.memory_space<hbm>>, %arg4: memref<320000xi32, #tpu.memory_space<hbm>>, %arg5: memref<2x10112x128xf32, #tpu.memory_space<hbm>>, %arg6: memref<80xi32, #tpu.memory_space<vmem>>, %arg7: memref<80xi32, #tpu.memory_space<vmem>>, %arg8: memref<80xi32, #tpu.memory_space<vmem>>, %arg9: memref<80xi32, #tpu.memory_space<vmem>>, %arg10: memref<80x128xf32, #tpu.memory_space<vmem>>, %arg11: memref<80x128xf32, #tpu.memory_space<vmem>>, %arg12: memref<10112x128xf32, #tpu.memory_space<vmem_shared>>, %arg13: memref<!tpu.dma_semaphore, #tpu.memory_space<semaphore_mem>>, %arg14: memref<!tpu.dma_semaphore, #tpu.memory_space<semaphore_mem>>) attributes {dimension_semantics = [#tpu.dimension_semantics<core_parallel>, #tpu.dimension_semantics<subcore_parallel>], iteration_bounds = array<i64: 2, 16>, scalar_prefetch = 0 : i64, scratch_operands = 9 : i64, tpu.core_type = #tpu.core_type<sc_vector_subcore>, window_params = [{transform_indices = #map}, {transform_indices = #map1}, {transform_indices = #map1}, {transform_indices = #map2}]} {
    %mul3A = arith.constant 16 : i32
    %mul3A_0 = arith.muli %arg0, %mul3A : i32
    %add3A = arith.addi %mul3A_0, %arg1 : i32
    %scan3A = arith.constant 0 : i32
    %scan3A_1 = arith.constant 0 : i32
    %scan3A_2 = arith.constant 80 : i32
    %scan3A_3 = arith.addi %scan3A_1, %scan3A_2 : i32
    %scan3A_4 = arith.constant 1 : i32
    %scan3A_5 = scf.for %scan3A_45 = %scan3A_1 to %scan3A_3 step %scan3A_4 iter_args(%scan3A_46 = %scan3A) -> (i32)  : i32 {
      %scan3A_47 = arith.constant 0 : i32
      %scan3A_48 = arith.constant 0 : i32
      %scan3A_49 = arith.constant 8 : i32
      %scan3A_50 = arith.addi %scan3A_48, %scan3A_49 : i32
      %scan3A_51 = arith.constant 1 : i32
      %scan3A_52 = scf.for %scan3A_54 = %scan3A_48 to %scan3A_50 step %scan3A_51 iter_args(%scan3A_55 = %scan3A_47) -> (i32)  : i32 {
        %broadcast_in_dim3A = arith.constant 0.000000e+00 : f32
        %broadcast_in_dim3A_56 = vector.broadcast %broadcast_in_dim3A : f32 to vector<16xf32>
        %mul3A_57 = arith.constant 16 : i32
        %mul3A_58 = arith.muli %scan3A_54, %mul3A_57 : i32
        %swap3A = arith.index_cast %scan3A_45 : i32 to index
        %swap3A_59 = arith.index_cast %mul3A_58 : i32 to index
        %swap3A_60 = tpu.vector_load %arg10[%swap3A, %swap3A_59] {strides = array<i32>} : memref<80x128xf32, #tpu.memory_space<vmem>>, vector<1x16xf32>,
        %swap3A_61 = vector.shape_cast %swap3A_60 : vector<1x16xf32> to vector<16xf32>
        %swap3A_62 = vector.shape_cast %broadcast_in_dim3A_56 : vector<16xf32> to vector<1x16xf32>
        tpu.vector_store %arg10[%swap3A, %swap3A_59], %swap3A_62 {strides = array<i32>} : memref<80x128xf32, #tpu.memory_space<vmem>>, vector<1x16xf32>,
        %scan3A_63 = arith.constant 0 : i32
        scf.yield %scan3A_63 : i32
      }
      %scan3A_53 = arith.constant 8 : i32
      scf.yield %scan3A_52 : i32
    }
    %scan3A_6 = arith.constant 80 : i32
    %mul3A_7 = arith.constant 632 : i32
    %mul3A_8 = arith.muli %arg1, %mul3A_7 : i32
    %scan3A_9 = arith.constant 0 : i32
    %scan3A_10 = arith.constant 0 : i32
    %scan3A_11 = arith.constant 7 : i32
    %scan3A_12 = arith.addi %scan3A_10, %scan3A_11 : i32
    %scan3A_13 = arith.constant 1 : i32
    %scan3A_14 = scf.for %scan3A_45 = %scan3A_10 to %scan3A_12 step %scan3A_13 iter_args(%scan3A_46 = %scan3A_9) -> (i32)  : i32 {
      %mul3A_47 = arith.constant 80 : i32
      %mul3A_48 = arith.muli %scan3A_45, %mul3A_47 : i32
      %add3A_49 = arith.addi %mul3A_8, %mul3A_48 : i32
      "tpu.region"() ({
        %run_scoped3A = tpu.sem_alloc : memref<!tpu.dma_semaphore, #tpu.memory_space<semaphore_mem>>
        %dma_start3A_51 = arith.constant 0 : i32
        %dma_start3A_52 = tpu.memref_slice %arg12[%add3A_49, %dma_start3A_51] : memref<10112x128xf32, #tpu.memory_space<vmem_shared>> -> memref<80x128xf32, #tpu.memory_space<vmem_shared>>
        %dma_start3A_53 = arith.constant 0 : i32
        %dma_start3A_54 = tpu.memref_slice %arg12[%add3A_49, %dma_start3A_53] : memref<10112x128xf32, #tpu.memory_space<vmem_shared>> -> memref<80x128xf32, #tpu.memory_space<vmem_shared>>
        tpu.enqueue_dma source(%arg10 : memref<80x128xf32, #tpu.memory_space<vmem>>) target(%dma_start3A_54 : memref<80x128xf32, #tpu.memory_space<vmem_shared>>) target_semaphore(%run_scoped3A : memref<!tpu.dma_semaphore, #tpu.memory_space<semaphore_mem>>)
        %dma_wait3A_55 = arith.constant 0 : i32
        %dma_wait3A_56 = tpu.memref_slice %arg12[%add3A_49, %dma_wait3A_55] : memref<10112x128xf32, #tpu.memory_space<vmem_shared>> -> memref<80x128xf32, #tpu.memory_space<vmem_shared>>
        %dma_wait3A_57 = arith.constant 0 : i32
        %dma_wait3A_58 = tpu.memref_slice %arg12[%add3A_49, %dma_wait3A_57] : memref<10112x128xf32, #tpu.memory_space<vmem_shared>> -> memref<80x128xf32, #tpu.memory_space<vmem_shared>>
        tpu.wait_dma2 semaphore(%run_scoped3A : memref<!tpu.dma_semaphore, #tpu.memory_space<semaphore_mem>>) src(%arg10 : memref<80x128xf32, #tpu.memory_space<vmem>>) dst(%dma_wait3A_58 : memref<80x128xf32, #tpu.memory_space<vmem_shared>>)
        tpu.yield
      }) : () -> ()
      %scan3A_50 = arith.constant 0 : i32
      scf.yield %scan3A_50 : i32
    }
    %scan3A_15 = arith.constant 7 : i32
    %add3A_16 = arith.constant 560 : i32
    %add3A_17 = arith.addi %mul3A_8, %add3A_16 : i32
    "tpu.region"() ({
      %run_scoped3A = tpu.sem_alloc : memref<!tpu.dma_semaphore, #tpu.memory_space<semaphore_mem>>
      %dma_start3A_45 = arith.constant 0 : i32
      %dma_start3A_46 = arith.constant 0 : i32
      %dma_start3A_47 = tpu.memref_slice %arg10[%dma_start3A_45, %dma_start3A_46] : memref<80x128xf32, #tpu.memory_space<vmem>> -> memref<72x128xf32, #tpu.memory_space<vmem>>
      %dma_start3A_48 = arith.constant 0 : i32
      %dma_start3A_49 = tpu.memref_slice %arg12[%add3A_17, %dma_start3A_48] : memref<10112x128xf32, #tpu.memory_space<vmem_shared>> -> memref<72x128xf32, #tpu.memory_space<vmem_shared>>
      %dma_start3A_50 = arith.constant 0 : i32
      %dma_start3A_51 = tpu.memref_slice %arg12[%add3A_17, %dma_start3A_50] : memref<10112x128xf32, #tpu.memory_space<vmem_shared>> -> memref<72x128xf32, #tpu.memory_space<vmem_shared>>
      %dma_start3A_52 = arith.constant 0 : i32
      %dma_start3A_53 = arith.constant 0 : i32
      %dma_start3A_54 = tpu.memref_slice %arg10[%dma_start3A_52, %dma_start3A_53] : memref<80x128xf32, #tpu.memory_space<vmem>> -> memref<72x128xf32, #tpu.memory_space<vmem>>
      tpu.enqueue_dma source(%dma_start3A_54 : memref<72x128xf32, #tpu.memory_space<vmem>>) target(%dma_start3A_51 : memref<72x128xf32, #tpu.memory_space<vmem_shared>>) target_semaphore(%run_scoped3A : memref<!tpu.dma_semaphore, #tpu.memory_space<semaphore_mem>>)
      %dma_wait3A_55 = arith.constant 0 : i32
      %dma_wait3A_56 = arith.constant 0 : i32
      %dma_wait3A_57 = tpu.memref_slice %arg10[%dma_wait3A_55, %dma_wait3A_56] : memref<80x128xf32, #tpu.memory_space<vmem>> -> memref<72x128xf32, #tpu.memory_space<vmem>>
      %dma_wait3A_58 = arith.constant 0 : i32
      %dma_wait3A_59 = tpu.memref_slice %arg12[%add3A_17, %dma_wait3A_58] : memref<10112x128xf32, #tpu.memory_space<vmem_shared>> -> memref<72x128xf32, #tpu.memory_space<vmem_shared>>
      %dma_wait3A_60 = arith.constant 0 : i32
      %dma_wait3A_61 = tpu.memref_slice %arg12[%add3A_17, %dma_wait3A_60] : memref<10112x128xf32, #tpu.memory_space<vmem_shared>> -> memref<72x128xf32, #tpu.memory_space<vmem_shared>>
      %dma_wait3A_62 = arith.constant 0 : i32
      %dma_wait3A_63 = arith.constant 0 : i32
      %dma_wait3A_64 = tpu.memref_slice %arg10[%dma_wait3A_62, %dma_wait3A_63] : memref<80x128xf32, #tpu.memory_space<vmem>> -> memref<72x128xf32, #tpu.memory_space<vmem>>
      tpu.wait_dma2 semaphore(%run_scoped3A : memref<!tpu.dma_semaphore, #tpu.memory_space<semaphore_mem>>) src(%dma_wait3A_64 : memref<72x128xf32, #tpu.memory_space<vmem>>) dst(%dma_wait3A_61 : memref<72x128xf32, #tpu.memory_space<vmem_shared>>)
      tpu.yield
    }) : () -> ()
    %barrier3A = arith.constant 0 : index
    tpu.barrier barrier_id(%barrier3A)
    %mul3A_18 = arith.constant 10000 : i32
    %mul3A_19 = arith.muli %add3A, %mul3A_18 : i32
    %add3A_20 = arith.constant 0 : i32
    %add3A_21 = arith.addi %mul3A_19, %add3A_20 : i32
    %multiple_of3A = tpu.assume_multiple %add3A_21, 8 : i32
    "tpu.region"() ({
      %run_scoped3A = tpu.sem_alloc : memref<!tpu.dma_semaphore, #tpu.memory_space<semaphore_mem>>
      %dma_start3A_45 = tpu.memref_slice %arg3[%multiple_of3A] : memref<320000xi32, #tpu.memory_space<hbm>> -> memref<80xi32, #tpu.memory_space<hbm>>
      %dma_start3A_46 = tpu.memref_slice %arg3[%multiple_of3A] : memref<320000xi32, #tpu.memory_space<hbm>> -> memref<80xi32, #tpu.memory_space<hbm>>
      tpu.enqueue_dma source(%dma_start3A_46 : memref<80xi32, #tpu.memory_space<hbm>>) target(%arg6 : memref<80xi32, #tpu.memory_space<vmem>>) target_semaphore(%run_scoped3A : memref<!tpu.dma_semaphore, #tpu.memory_space<semaphore_mem>>)
      %dma_wait3A_47 = tpu.memref_slice %arg3[%multiple_of3A] : memref<320000xi32, #tpu.memory_space<hbm>> -> memref<80xi32, #tpu.memory_space<hbm>>
      %dma_wait3A_48 = tpu.memref_slice %arg3[%multiple_of3A] : memref<320000xi32, #tpu.memory_space<hbm>> -> memref<80xi32, #tpu.memory_space<hbm>>
      tpu.wait_dma2 semaphore(%run_scoped3A : memref<!tpu.dma_semaphore, #tpu.memory_space<semaphore_mem>>) src(%dma_wait3A_48 : memref<80xi32, #tpu.memory_space<hbm>>) dst(%arg6 : memref<80xi32, #tpu.memory_space<vmem>>)
      tpu.yield
    }) : () -> ()
    "tpu.region"() ({
      %run_scoped3A = tpu.sem_alloc : memref<!tpu.dma_semaphore, #tpu.memory_space<semaphore_mem>>
      %dma_start3A_45 = tpu.memref_slice %arg4[%multiple_of3A] : memref<320000xi32, #tpu.memory_space<hbm>> -> memref<80xi32, #tpu.memory_space<hbm>>
      %dma_start3A_46 = tpu.memref_slice %arg4[%multiple_of3A] : memref<320000xi32, #tpu.memory_space<hbm>> -> memref<80xi32, #tpu.memory_space<hbm>>
      tpu.enqueue_dma source(%dma_start3A_46 : memref<80xi32, #tpu.memory_space<hbm>>) target(%arg7 : memref<80xi32, #tpu.memory_space<vmem>>) target_semaphore(%run_scoped3A : memref<!tpu.dma_semaphore, #tpu.memory_space<semaphore_mem>>)
      %dma_wait3A_47 = tpu.memref_slice %arg4[%multiple_of3A] : memref<320000xi32, #tpu.memory_space<hbm>> -> memref<80xi32, #tpu.memory_space<hbm>>
      %dma_wait3A_48 = tpu.memref_slice %arg4[%multiple_of3A] : memref<320000xi32, #tpu.memory_space<hbm>> -> memref<80xi32, #tpu.memory_space<hbm>>
      tpu.wait_dma2 semaphore(%run_scoped3A : memref<!tpu.dma_semaphore, #tpu.memory_space<semaphore_mem>>) src(%dma_wait3A_48 : memref<80xi32, #tpu.memory_space<hbm>>) dst(%arg7 : memref<80xi32, #tpu.memory_space<vmem>>)
      tpu.yield
    }) : () -> ()
    %dma_start3A = arith.constant 0 : i32
    %dma_start3A_22 = arith.constant 0 : i32
    %dma_start3A_23 = tpu.memref_slice %arg2[%dma_start3A, %dma_start3A_22] : memref<10000x128xf32, #tpu.memory_space<hbm>> -> memref<10000x128xf32, #tpu.memory_space<hbm>>
    tpu.enqueue_indirect_dma source(%dma_start3A_23 : memref<10000x128xf32, #tpu.memory_space<hbm>>) target(%arg10 : memref<80x128xf32, #tpu.memory_space<vmem>>) offsets(%arg6 : memref<80xi32, #tpu.memory_space<vmem>>) semaphore(%arg13 : memref<!tpu.dma_semaphore, #tpu.memory_space<semaphore_mem>>)
    %scan3A_24 = arith.constant 0 : i32
    %scan3A_25 = arith.constant 0 : i32
    %scan3A_26 = arith.constant 62 : i32
    %scan3A_27 = arith.addi %scan3A_25, %scan3A_26 : i32
    %scan3A_28 = arith.constant 1 : i32
    %scan3A_29 = scf.for %scan3A_45 = %scan3A_25 to %scan3A_27 step %scan3A_28 iter_args(%scan3A_46 = %scan3A_24) -> (i32)  : i32 {
      %mul3A_47 = arith.constant 2 : i32
      %mul3A_48 = arith.muli %mul3A_47, %scan3A_45 : i32
      %add3A_49 = arith.constant 1 : i32
      %add3A_50 = arith.addi %mul3A_48, %add3A_49 : i32
      %mul3A_51 = arith.constant 80 : i32
      %mul3A_52 = arith.muli %add3A_50, %mul3A_51 : i32
      %add3A_53 = arith.addi %mul3A_19, %mul3A_52 : i32
      %multiple_of3A_54 = tpu.assume_multiple %add3A_53, 8 : i32
      "tpu.region"() ({
        %run_scoped3A = tpu.sem_alloc : memref<!tpu.dma_semaphore, #tpu.memory_space<semaphore_mem>>
        %dma_start3A_74 = tpu.memref_slice %arg3[%multiple_of3A_54] : memref<320000xi32, #tpu.memory_space<hbm>> -> memref<80xi32, #tpu.memory_space<hbm>>
        %dma_start3A_75 = tpu.memref_slice %arg3[%multiple_of3A_54] : memref<320000xi32, #tpu.memory_space<hbm>> -> memref<80xi32, #tpu.memory_space<hbm>>
        tpu.enqueue_dma source(%dma_start3A_75 : memref<80xi32, #tpu.memory_space<hbm>>) target(%arg8 : memref<80xi32, #tpu.memory_space<vmem>>) target_semaphore(%run_scoped3A : memref<!tpu.dma_semaphore, #tpu.memory_space<semaphore_mem>>)
        %dma_wait3A_76 = tpu.memref_slice %arg3[%multiple_of3A_54] : memref<320000xi32, #tpu.memory_space<hbm>> -> memref<80xi32, #tpu.memory_space<hbm>>
        %dma_wait3A_77 = tpu.memref_slice %arg3[%multiple_of3A_54] : memref<320000xi32, #tpu.memory_space<hbm>> -> memref<80xi32, #tpu.memory_space<hbm>>
        tpu.wait_dma2 semaphore(%run_scoped3A : memref<!tpu.dma_semaphore, #tpu.memory_space<semaphore_mem>>) src(%dma_wait3A_77 : memref<80xi32, #tpu.memory_space<hbm>>) dst(%arg8 : memref<80xi32, #tpu.memory_space<vmem>>)
        tpu.yield
      }) : () -> ()
      "tpu.region"() ({
        %run_scoped3A = tpu.sem_alloc : memref<!tpu.dma_semaphore, #tpu.memory_space<semaphore_mem>>
        %dma_start3A_74 = tpu.memref_slice %arg4[%multiple_of3A_54] : memref<320000xi32, #tpu.memory_space<hbm>> -> memref<80xi32, #tpu.memory_space<hbm>>
        %dma_start3A_75 = tpu.memref_slice %arg4[%multiple_of3A_54] : memref<320000xi32, #tpu.memory_space<hbm>> -> memref<80xi32, #tpu.memory_space<hbm>>
        tpu.enqueue_dma source(%dma_start3A_75 : memref<80xi32, #tpu.memory_space<hbm>>) target(%arg9 : memref<80xi32, #tpu.memory_space<vmem>>) target_semaphore(%run_scoped3A : memref<!tpu.dma_semaphore, #tpu.memory_space<semaphore_mem>>)
        %dma_wait3A_76 = tpu.memref_slice %arg4[%multiple_of3A_54] : memref<320000xi32, #tpu.memory_space<hbm>> -> memref<80xi32, #tpu.memory_space<hbm>>
        %dma_wait3A_77 = tpu.memref_slice %arg4[%multiple_of3A_54] : memref<320000xi32, #tpu.memory_space<hbm>> -> memref<80xi32, #tpu.memory_space<hbm>>
        tpu.wait_dma2 semaphore(%run_scoped3A : memref<!tpu.dma_semaphore, #tpu.memory_space<semaphore_mem>>) src(%dma_wait3A_77 : memref<80xi32, #tpu.memory_space<hbm>>) dst(%arg9 : memref<80xi32, #tpu.memory_space<vmem>>)
        tpu.yield
      }) : () -> ()
      %dma_start3A_55 = arith.constant 0 : i32
      %dma_start3A_56 = arith.constant 0 : i32
      %dma_start3A_57 = tpu.memref_slice %arg2[%dma_start3A_55, %dma_start3A_56] : memref<10000x128xf32, #tpu.memory_space<hbm>> -> memref<10000x128xf32, #tpu.memory_space<hbm>>
      tpu.enqueue_indirect_dma source(%dma_start3A_57 : memref<10000x128xf32, #tpu.memory_space<hbm>>) target(%arg11 : memref<80x128xf32, #tpu.memory_space<vmem>>) offsets(%arg8 : memref<80xi32, #tpu.memory_space<vmem>>) semaphore(%arg14 : memref<!tpu.dma_semaphore, #tpu.memory_space<semaphore_mem>>)
      %dma_wait3A_58 = arith.constant 0 : i32
      %dma_wait3A_59 = arith.constant 0 : i32
      %dma_wait3A_60 = tpu.memref_slice %arg2[%dma_wait3A_58, %dma_wait3A_59] : memref<10000x128xf32, #tpu.memory_space<hbm>> -> memref<10000x128xf32, #tpu.memory_space<hbm>>
      tpu.wait_indirect_dma semaphore(%arg13 : memref<!tpu.dma_semaphore, #tpu.memory_space<semaphore_mem>>) src(%dma_wait3A_60 : memref<10000x128xf32, #tpu.memory_space<hbm>>) dst(%arg10 : memref<80x128xf32, #tpu.memory_space<vmem>>)
      "tpu.region"() ({
        %run_scoped3A = tpu.sem_alloc : memref<!tpu.dma_semaphore, #tpu.memory_space<semaphore_mem>>
        %dma_start3A_74 = arith.constant 0 : i32
        %dma_start3A_75 = arith.constant 0 : i32
        %dma_start3A_76 = tpu.memref_slice %arg12[%dma_start3A_74, %dma_start3A_75] : memref<10112x128xf32, #tpu.memory_space<vmem_shared>> -> memref<10112x128xf32, #tpu.memory_space<vmem_shared>>
        tpu.enqueue_indirect_dma source(%arg10 : memref<80x128xf32, #tpu.memory_space<vmem>>) target(%dma_start3A_76 : memref<10112x128xf32, #tpu.memory_space<vmem_shared>>) offsets(%arg7 : memref<80xi32, #tpu.memory_space<vmem>>) semaphore(%run_scoped3A : memref<!tpu.dma_semaphore, #tpu.memory_space<semaphore_mem>>) {add = true}
        %dma_wait3A_77 = arith.constant 0 : i32
        %dma_wait3A_78 = arith.constant 0 : i32
        %dma_wait3A_79 = tpu.memref_slice %arg12[%dma_wait3A_77, %dma_wait3A_78] : memref<10112x128xf32, #tpu.memory_space<vmem_shared>> -> memref<10112x128xf32, #tpu.memory_space<vmem_shared>>
        tpu.wait_indirect_dma semaphore(%run_scoped3A : memref<!tpu.dma_semaphore, #tpu.memory_space<semaphore_mem>>) src(%arg10 : memref<80x128xf32, #tpu.memory_space<vmem>>) dst(%dma_wait3A_79 : memref<10112x128xf32, #tpu.memory_space<vmem_shared>>)
        tpu.yield
      }) : () -> ()
      %add3A_61 = arith.constant 2 : i32
      %add3A_62 = arith.addi %mul3A_48, %add3A_61 : i32
      %mul3A_63 = arith.constant 80 : i32
      %mul3A_64 = arith.muli %add3A_62, %mul3A_63 : i32
      %add3A_65 = arith.addi %mul3A_19, %mul3A_64 : i32
      %multiple_of3A_66 = tpu.assume_multiple %add3A_65, 8 : i32
      "tpu.region"() ({
        %run_scoped3A = tpu.sem_alloc : memref<!tpu.dma_semaphore, #tpu.memory_space<semaphore_mem>>
        %dma_start3A_74 = tpu.memref_slice %arg3[%multiple_of3A_66] : memref<320000xi32, #tpu.memory_space<hbm>> -> memref<80xi32, #tpu.memory_space<hbm>>
        %dma_start3A_75 = tpu.memref_slice %arg3[%multiple_of3A_66] : memref<320000xi32, #tpu.memory_space<hbm>> -> memref<80xi32, #tpu.memory_space<hbm>>
        tpu.enqueue_dma source(%dma_start3A_75 : memref<80xi32, #tpu.memory_space<hbm>>) target(%arg6 : memref<80xi32, #tpu.memory_space<vmem>>) target_semaphore(%run_scoped3A : memref<!tpu.dma_semaphore, #tpu.memory_space<semaphore_mem>>)
        %dma_wait3A_76 = tpu.memref_slice %arg3[%multiple_of3A_66] : memref<320000xi32, #tpu.memory_space<hbm>> -> memref<80xi32, #tpu.memory_space<hbm>>
        %dma_wait3A_77 = tpu.memref_slice %arg3[%multiple_of3A_66] : memref<320000xi32, #tpu.memory_space<hbm>> -> memref<80xi32, #tpu.memory_space<hbm>>
        tpu.wait_dma2 semaphore(%run_scoped3A : memref<!tpu.dma_semaphore, #tpu.memory_space<semaphore_mem>>) src(%dma_wait3A_77 : memref<80xi32, #tpu.memory_space<hbm>>) dst(%arg6 : memref<80xi32, #tpu.memory_space<vmem>>)
        tpu.yield
      }) : () -> ()
      "tpu.region"() ({
        %run_scoped3A = tpu.sem_alloc : memref<!tpu.dma_semaphore, #tpu.memory_space<semaphore_mem>>
        %dma_start3A_74 = tpu.memref_slice %arg4[%multiple_of3A_66] : memref<320000xi32, #tpu.memory_space<hbm>> -> memref<80xi32, #tpu.memory_space<hbm>>
        %dma_start3A_75 = tpu.memref_slice %arg4[%multiple_of3A_66] : memref<320000xi32, #tpu.memory_space<hbm>> -> memref<80xi32, #tpu.memory_space<hbm>>
        tpu.enqueue_dma source(%dma_start3A_75 : memref<80xi32, #tpu.memory_space<hbm>>) target(%arg7 : memref<80xi32, #tpu.memory_space<vmem>>) target_semaphore(%run_scoped3A : memref<!tpu.dma_semaphore, #tpu.memory_space<semaphore_mem>>)
        %dma_wait3A_76 = tpu.memref_slice %arg4[%multiple_of3A_66] : memref<320000xi32, #tpu.memory_space<hbm>> -> memref<80xi32, #tpu.memory_space<hbm>>
        %dma_wait3A_77 = tpu.memref_slice %arg4[%multiple_of3A_66] : memref<320000xi32, #tpu.memory_space<hbm>> -> memref<80xi32, #tpu.memory_space<hbm>>
        tpu.wait_dma2 semaphore(%run_scoped3A : memref<!tpu.dma_semaphore, #tpu.memory_space<semaphore_mem>>) src(%dma_wait3A_77 : memref<80xi32, #tpu.memory_space<hbm>>) dst(%arg7 : memref<80xi32, #tpu.memory_space<vmem>>)
        tpu.yield
      }) : () -> ()
      %dma_start3A_67 = arith.constant 0 : i32
      %dma_start3A_68 = arith.constant 0 : i32
      %dma_start3A_69 = tpu.memref_slice %arg2[%dma_start3A_67, %dma_start3A_68] : memref<10000x128xf32, #tpu.memory_space<hbm>> -> memref<10000x128xf32, #tpu.memory_space<hbm>>
      tpu.enqueue_indirect_dma source(%dma_start3A_69 : memref<10000x128xf32, #tpu.memory_space<hbm>>) target(%arg10 : memref<80x128xf32, #tpu.memory_space<vmem>>) offsets(%arg6 : memref<80xi32, #tpu.memory_space<vmem>>) semaphore(%arg13 : memref<!tpu.dma_semaphore, #tpu.memory_space<semaphore_mem>>)
      %dma_wait3A_70 = arith.constant 0 : i32
      %dma_wait3A_71 = arith.constant 0 : i32
      %dma_wait3A_72 = tpu.memref_slice %arg2[%dma_wait3A_70, %dma_wait3A_71] : memref<10000x128xf32, #tpu.memory_space<hbm>> -> memref<10000x128xf32, #tpu.memory_space<hbm>>
      tpu.wait_indirect_dma semaphore(%arg14 : memref<!tpu.dma_semaphore, #tpu.memory_space<semaphore_mem>>) src(%dma_wait3A_72 : memref<10000x128xf32, #tpu.memory_space<hbm>>) dst(%arg11 : memref<80x128xf32, #tpu.memory_space<vmem>>)
      "tpu.region"() ({
        %run_scoped3A = tpu.sem_alloc : memref<!tpu.dma_semaphore, #tpu.memory_space<semaphore_mem>>
        %dma_start3A_74 = arith.constant 0 : i32
        %dma_start3A_75 = arith.constant 0 : i32
        %dma_start3A_76 = tpu.memref_slice %arg12[%dma_start3A_74, %dma_start3A_75] : memref<10112x128xf32, #tpu.memory_space<vmem_shared>> -> memref<10112x128xf32, #tpu.memory_space<vmem_shared>>
        tpu.enqueue_indirect_dma source(%arg11 : memref<80x128xf32, #tpu.memory_space<vmem>>) target(%dma_start3A_76 : memref<10112x128xf32, #tpu.memory_space<vmem_shared>>) offsets(%arg9 : memref<80xi32, #tpu.memory_space<vmem>>) semaphore(%run_scoped3A : memref<!tpu.dma_semaphore, #tpu.memory_space<semaphore_mem>>) {add = true}
        %dma_wait3A_77 = arith.constant 0 : i32
        %dma_wait3A_78 = arith.constant 0 : i32
        %dma_wait3A_79 = tpu.memref_slice %arg12[%dma_wait3A_77, %dma_wait3A_78] : memref<10112x128xf32, #tpu.memory_space<vmem_shared>> -> memref<10112x128xf32, #tpu.memory_space<vmem_shared>>
        tpu.wait_indirect_dma semaphore(%run_scoped3A : memref<!tpu.dma_semaphore, #tpu.memory_space<semaphore_mem>>) src(%arg11 : memref<80x128xf32, #tpu.memory_space<vmem>>) dst(%dma_wait3A_79 : memref<10112x128xf32, #tpu.memory_space<vmem_shared>>)
        tpu.yield
      }) : () -> ()
      %scan3A_73 = arith.constant 0 : i32
      scf.yield %scan3A_73 : i32
    }
    %scan3A_30 = arith.constant 62 : i32
    %dma_wait3A = arith.constant 0 : i32
    %dma_wait3A_31 = arith.constant 0 : i32
    %dma_wait3A_32 = tpu.memref_slice %arg2[%dma_wait3A, %dma_wait3A_31] : memref<10000x128xf32, #tpu.memory_space<hbm>> -> memref<10000x128xf32, #tpu.memory_space<hbm>>
    tpu.wait_indirect_dma semaphore(%arg13 : memref<!tpu.dma_semaphore, #tpu.memory_space<semaphore_mem>>) src(%dma_wait3A_32 : memref<10000x128xf32, #tpu.memory_space<hbm>>) dst(%arg10 : memref<80x128xf32, #tpu.memory_space<vmem>>)
    "tpu.region"() ({
      %run_scoped3A = tpu.sem_alloc : memref<!tpu.dma_semaphore, #tpu.memory_space<semaphore_mem>>
      %dma_start3A_45 = arith.constant 0 : i32
      %dma_start3A_46 = arith.constant 0 : i32
      %dma_start3A_47 = tpu.memref_slice %arg12[%dma_start3A_45, %dma_start3A_46] : memref<10112x128xf32, #tpu.memory_space<vmem_shared>> -> memref<10112x128xf32, #tpu.memory_space<vmem_shared>>
      tpu.enqueue_indirect_dma source(%arg10 : memref<80x128xf32, #tpu.memory_space<vmem>>) target(%dma_start3A_47 : memref<10112x128xf32, #tpu.memory_space<vmem_shared>>) offsets(%arg7 : memref<80xi32, #tpu.memory_space<vmem>>) semaphore(%run_scoped3A : memref<!tpu.dma_semaphore, #tpu.memory_space<semaphore_mem>>) {add = true}
      %dma_wait3A_48 = arith.constant 0 : i32
      %dma_wait3A_49 = arith.constant 0 : i32
      %dma_wait3A_50 = tpu.memref_slice %arg12[%dma_wait3A_48, %dma_wait3A_49] : memref<10112x128xf32, #tpu.memory_space<vmem_shared>> -> memref<10112x128xf32, #tpu.memory_space<vmem_shared>>
      tpu.wait_indirect_dma semaphore(%run_scoped3A : memref<!tpu.dma_semaphore, #tpu.memory_space<semaphore_mem>>) src(%arg10 : memref<80x128xf32, #tpu.memory_space<vmem>>) dst(%dma_wait3A_50 : memref<10112x128xf32, #tpu.memory_space<vmem_shared>>)
      tpu.yield
    }) : () -> ()
    %barrier3A_33 = arith.constant 0 : index
    tpu.barrier barrier_id(%barrier3A_33)
    %scan3A_34 = arith.constant 0 : i32
    %scan3A_35 = arith.constant 0 : i32
    %scan3A_36 = arith.constant 7 : i32
    %scan3A_37 = arith.addi %scan3A_35, %scan3A_36 : i32
    %scan3A_38 = arith.constant 1 : i32
    %scan3A_39 = scf.for %scan3A_45 = %scan3A_35 to %scan3A_37 step %scan3A_38 iter_args(%scan3A_46 = %scan3A_34) -> (i32)  : i32 {
      %mul3A_47 = arith.constant 80 : i32
      %mul3A_48 = arith.muli %scan3A_45, %mul3A_47 : i32
      %add3A_49 = arith.addi %mul3A_8, %mul3A_48 : i32
      "tpu.region"() ({
        %run_scoped3A = tpu.sem_alloc : memref<!tpu.dma_semaphore, #tpu.memory_space<semaphore_mem>>
        %dma_start3A_54 = arith.constant 0 : i32
        %dma_start3A_55 = tpu.memref_slice %arg12[%add3A_49, %dma_start3A_54] : memref<10112x128xf32, #tpu.memory_space<vmem_shared>> -> memref<80x128xf32, #tpu.memory_space<vmem_shared>>
        %dma_start3A_56 = arith.constant 0 : i32
        %dma_start3A_57 = tpu.memref_slice %arg12[%add3A_49, %dma_start3A_56] : memref<10112x128xf32, #tpu.memory_space<vmem_shared>> -> memref<80x128xf32, #tpu.memory_space<vmem_shared>>
        tpu.enqueue_dma source(%dma_start3A_57 : memref<80x128xf32, #tpu.memory_space<vmem_shared>>) target(%arg10 : memref<80x128xf32, #tpu.memory_space<vmem>>) target_semaphore(%run_scoped3A : memref<!tpu.dma_semaphore, #tpu.memory_space<semaphore_mem>>)
        %dma_wait3A_58 = arith.constant 0 : i32
        %dma_wait3A_59 = tpu.memref_slice %arg12[%add3A_49, %dma_wait3A_58] : memref<10112x128xf32, #tpu.memory_space<vmem_shared>> -> memref<80x128xf32, #tpu.memory_space<vmem_shared>>
        %dma_wait3A_60 = arith.constant 0 : i32
        %dma_wait3A_61 = tpu.memref_slice %arg12[%add3A_49, %dma_wait3A_60] : memref<10112x128xf32, #tpu.memory_space<vmem_shared>> -> memref<80x128xf32, #tpu.memory_space<vmem_shared>>
        tpu.wait_dma2 semaphore(%run_scoped3A : memref<!tpu.dma_semaphore, #tpu.memory_space<semaphore_mem>>) src(%dma_wait3A_61 : memref<80x128xf32, #tpu.memory_space<vmem_shared>>) dst(%arg10 : memref<80x128xf32, #tpu.memory_space<vmem>>)
        tpu.yield
      }) : () -> ()
      %mul3A_50 = arith.constant 80 : i32
      %mul3A_51 = arith.muli %scan3A_45, %mul3A_50 : i32
      %add3A_52 = arith.addi %mul3A_8, %mul3A_51 : i32
      "tpu.region"() ({
        %run_scoped3A = tpu.sem_alloc : memref<!tpu.dma_semaphore, #tpu.memory_space<semaphore_mem>>
        %dma_start3A_54 = arith.constant 0 : i32
        %dma_start3A_55 = tpu.memref_slice %arg5[%arg0, %add3A_52, %dma_start3A_54] : memref<2x10112x128xf32, #tpu.memory_space<hbm>> -> memref<1x80x128xf32, #tpu.memory_space<hbm>>
        %dma_start3A_56 = tpu.memref_squeeze %dma_start3A_55 : memref<1x80x128xf32, #tpu.memory_space<hbm>> -> memref<80x128xf32, #tpu.memory_space<hbm>>
        %dma_start3A_57 = arith.constant 0 : i32
        %dma_start3A_58 = tpu.memref_slice %arg5[%arg0, %add3A_52, %dma_start3A_57] : memref<2x10112x128xf32, #tpu.memory_space<hbm>> -> memref<1x80x128xf32, #tpu.memory_space<hbm>>
        %dma_start3A_59 = tpu.memref_squeeze %dma_start3A_58 : memref<1x80x128xf32, #tpu.memory_space<hbm>> -> memref<80x128xf32, #tpu.memory_space<hbm>>
        tpu.enqueue_dma source(%arg10 : memref<80x128xf32, #tpu.memory_space<vmem>>) target(%dma_start3A_59 : memref<80x128xf32, #tpu.memory_space<hbm>>) target_semaphore(%run_scoped3A : memref<!tpu.dma_semaphore, #tpu.memory_space<semaphore_mem>>)
        %dma_wait3A_60 = arith.constant 0 : i32
        %dma_wait3A_61 = tpu.memref_slice %arg5[%arg0, %add3A_52, %dma_wait3A_60] : memref<2x10112x128xf32, #tpu.memory_space<hbm>> -> memref<1x80x128xf32, #tpu.memory_space<hbm>>
        %dma_wait3A_62 = tpu.memref_squeeze %dma_wait3A_61 : memref<1x80x128xf32, #tpu.memory_space<hbm>> -> memref<80x128xf32, #tpu.memory_space<hbm>>
        %dma_wait3A_63 = arith.constant 0 : i32
        %dma_wait3A_64 = tpu.memref_slice %arg5[%arg0, %add3A_52, %dma_wait3A_63] : memref<2x10112x128xf32, #tpu.memory_space<hbm>> -> memref<1x80x128xf32, #tpu.memory_space<hbm>>
        %dma_wait3A_65 = tpu.memref_squeeze %dma_wait3A_64 : memref<1x80x128xf32, #tpu.memory_space<hbm>> -> memref<80x128xf32, #tpu.memory_space<hbm>>
        tpu.wait_dma2 semaphore(%run_scoped3A : memref<!tpu.dma_semaphore, #tpu.memory_space<semaphore_mem>>) src(%arg10 : memref<80x128xf32, #tpu.memory_space<vmem>>) dst(%dma_wait3A_65 : memref<80x128xf32, #tpu.memory_space<hbm>>)
        tpu.yield
      }) : () -> ()
      %scan3A_53 = arith.constant 0 : i32
      scf.yield %scan3A_53 : i32
    }
    %scan3A_40 = arith.constant 7 : i32
    %add3A_41 = arith.constant 560 : i32
    %add3A_42 = arith.addi %mul3A_8, %add3A_41 : i32
    "tpu.region"() ({
      %run_scoped3A = tpu.sem_alloc : memref<!tpu.dma_semaphore, #tpu.memory_space<semaphore_mem>>
      %dma_start3A_45 = arith.constant 0 : i32
      %dma_start3A_46 = arith.constant 0 : i32
      %dma_start3A_47 = tpu.memref_slice %arg10[%dma_start3A_45, %dma_start3A_46] : memref<80x128xf32, #tpu.memory_space<vmem>> -> memref<72x128xf32, #tpu.memory_space<vmem>>
      %dma_start3A_48 = arith.constant 0 : i32
      %dma_start3A_49 = tpu.memref_slice %arg12[%add3A_42, %dma_start3A_48] : memref<10112x128xf32, #tpu.memory_space<vmem_shared>> -> memref<72x128xf32, #tpu.memory_space<vmem_shared>>
      %dma_start3A_50 = arith.constant 0 : i32
      %dma_start3A_51 = arith.constant 0 : i32
      %dma_start3A_52 = tpu.memref_slice %arg10[%dma_start3A_50, %dma_start3A_51] : memref<80x128xf32, #tpu.memory_space<vmem>> -> memref<72x128xf32, #tpu.memory_space<vmem>>
      %dma_start3A_53 = arith.constant 0 : i32
      %dma_start3A_54 = tpu.memref_slice %arg12[%add3A_42, %dma_start3A_53] : memref<10112x128xf32, #tpu.memory_space<vmem_shared>> -> memref<72x128xf32, #tpu.memory_space<vmem_shared>>
      tpu.enqueue_dma source(%dma_start3A_54 : memref<72x128xf32, #tpu.memory_space<vmem_shared>>) target(%dma_start3A_52 : memref<72x128xf32, #tpu.memory_space<vmem>>) target_semaphore(%run_scoped3A : memref<!tpu.dma_semaphore, #tpu.memory_space<semaphore_mem>>)
      %dma_wait3A_55 = arith.constant 0 : i32
      %dma_wait3A_56 = arith.constant 0 : i32
      %dma_wait3A_57 = tpu.memref_slice %arg10[%dma_wait3A_55, %dma_wait3A_56] : memref<80x128xf32, #tpu.memory_space<vmem>> -> memref<72x128xf32, #tpu.memory_space<vmem>>
      %dma_wait3A_58 = arith.constant 0 : i32
      %dma_wait3A_59 = tpu.memref_slice %arg12[%add3A_42, %dma_wait3A_58] : memref<10112x128xf32, #tpu.memory_space<vmem_shared>> -> memref<72x128xf32, #tpu.memory_space<vmem_shared>>
      %dma_wait3A_60 = arith.constant 0 : i32
      %dma_wait3A_61 = arith.constant 0 : i32
      %dma_wait3A_62 = tpu.memref_slice %arg10[%dma_wait3A_60, %dma_wait3A_61] : memref<80x128xf32, #tpu.memory_space<vmem>> -> memref<72x128xf32, #tpu.memory_space<vmem>>
      %dma_wait3A_63 = arith.constant 0 : i32
      %dma_wait3A_64 = tpu.memref_slice %arg12[%add3A_42, %dma_wait3A_63] : memref<10112x128xf32, #tpu.memory_space<vmem_shared>> -> memref<72x128xf32, #tpu.memory_space<vmem_shared>>
      tpu.wait_dma2 semaphore(%run_scoped3A : memref<!tpu.dma_semaphore, #tpu.memory_space<semaphore_mem>>) src(%dma_wait3A_64 : memref<72x128xf32, #tpu.memory_space<vmem_shared>>) dst(%dma_wait3A_62 : memref<72x128xf32, #tpu.memory_space<vmem>>)
      tpu.yield
    }) : () -> ()
    %add3A_43 = arith.constant 560 : i32
    %add3A_44 = arith.addi %mul3A_8, %add3A_43 : i32
    "tpu.region"() ({
      %run_scoped3A = tpu.sem_alloc : memref<!tpu.dma_semaphore, #tpu.memory_space<semaphore_mem>>
      %dma_start3A_45 = arith.constant 0 : i32
      %dma_start3A_46 = arith.constant 0 : i32
      %dma_start3A_47 = tpu.memref_slice %arg10[%dma_start3A_45, %dma_start3A_46] : memref<80x128xf32, #tpu.memory_space<vmem>> -> memref<72x128xf32, #tpu.memory_space<vmem>>
      %dma_start3A_48 = arith.constant 0 : i32
      %dma_start3A_49 = tpu.memref_slice %arg5[%arg0, %add3A_44, %dma_start3A_48] : memref<2x10112x128xf32, #tpu.memory_space<hbm>> -> memref<1x72x128xf32, #tpu.memory_space<hbm>>
      %dma_start3A_50 = tpu.memref_squeeze %dma_start3A_49 : memref<1x72x128xf32, #tpu.memory_space<hbm>> -> memref<72x128xf32, #tpu.memory_space<hbm>>
      %dma_start3A_51 = arith.constant 0 : i32
      %dma_start3A_52 = tpu.memref_slice %arg5[%arg0, %add3A_44, %dma_start3A_51] : memref<2x10112x128xf32, #tpu.memory_space<hbm>> -> memref<1x72x128xf32, #tpu.memory_space<hbm>>
      %dma_start3A_53 = tpu.memref_squeeze %dma_start3A_52 : memref<1x72x128xf32, #tpu.memory_space<hbm>> -> memref<72x128xf32, #tpu.memory_space<hbm>>
      %dma_start3A_54 = arith.constant 0 : i32
      %dma_start3A_55 = arith.constant 0 : i32
      %dma_start3A_56 = tpu.memref_slice %arg10[%dma_start3A_54, %dma_start3A_55] : memref<80x128xf32, #tpu.memory_space<vmem>> -> memref<72x128xf32, #tpu.memory_space<vmem>>
      tpu.enqueue_dma source(%dma_start3A_56 : memref<72x128xf32, #tpu.memory_space<vmem>>) target(%dma_start3A_53 : memref<72x128xf32, #tpu.memory_space<hbm>>) target_semaphore(%run_scoped3A : memref<!tpu.dma_semaphore, #tpu.memory_space<semaphore_mem>>)
      %dma_wait3A_57 = arith.constant 0 : i32
      %dma_wait3A_58 = arith.constant 0 : i32
      %dma_wait3A_59 = tpu.memref_slice %arg10[%dma_wait3A_57, %dma_wait3A_58] : memref<80x128xf32, #tpu.memory_space<vmem>> -> memref<72x128xf32, #tpu.memory_space<vmem>>
      %dma_wait3A_60 = arith.constant 0 : i32
      %dma_wait3A_61 = tpu.memref_slice %arg5[%arg0, %add3A_44, %dma_wait3A_60] : memref<2x10112x128xf32, #tpu.memory_space<hbm>> -> memref<1x72x128xf32, #tpu.memory_space<hbm>>
      %dma_wait3A_62 = tpu.memref_squeeze %dma_wait3A_61 : memref<1x72x128xf32, #tpu.memory_space<hbm>> -> memref<72x128xf32, #tpu.memory_space<hbm>>
      %dma_wait3A_63 = arith.constant 0 : i32
      %dma_wait3A_64 = tpu.memref_slice %arg5[%arg0, %add3A_44, %dma_wait3A_63] : memref<2x10112x128xf32, #tpu.memory_space<hbm>> -> memref<1x72x128xf32, #tpu.memory_space<hbm>>
      %dma_wait3A_65 = tpu.memref_squeeze %dma_wait3A_64 : memref<1x72x128xf32, #tpu.memory_space<hbm>> -> memref<72x128xf32, #tpu.memory_space<hbm>>
      %dma_wait3A_66 = arith.constant 0 : i32
      %dma_wait3A_67 = arith.constant 0 : i32
      %dma_wait3A_68 = tpu.memref_slice %arg10[%dma_wait3A_66, %dma_wait3A_67] : memref<80x128xf32, #tpu.memory_space<vmem>> -> memref<72x128xf32, #tpu.memory_space<vmem>>
      tpu.wait_dma2 semaphore(%run_scoped3A : memref<!tpu.dma_semaphore, #tpu.memory_space<semaphore_mem>>) src(%dma_wait3A_68 : memref<72x128xf32, #tpu.memory_space<vmem>>) dst(%dma_wait3A_65 : memref<72x128xf32, #tpu.memory_space<hbm>>)
      tpu.yield
    }) : () -> ()
    return
  }
}

#map = affine_map<(d0, d1) -> (0, 0)>
#map1 = affine_map<(d0, d1) -> (0)>
#map2 = affine_map<(d0, d1) -> (0, 0, 0)>
module attributes {stable_mosaic.version = 14 : i64} {
  func.func @agg_kernel(%arg0: i32, %arg1: i32, %arg2: memref<10000x128xf32, #tpu.memory_space<hbm>>, %arg3: memref<320000xi32, #tpu.memory_space<hbm>>, %arg4: memref<320000xi32, #tpu.memory_space<hbm>>, %arg5: memref<2x10112x128xf32, #tpu.memory_space<hbm>>, %arg6: memref<80xi32, #tpu.memory_space<vmem>>, %arg7: memref<80xi32, #tpu.memory_space<vmem>>, %arg8: memref<80xi32, #tpu.memory_space<vmem>>, %arg9: memref<80xi32, #tpu.memory_space<vmem>>, %arg10: memref<80x128xf32, #tpu.memory_space<vmem>>, %arg11: memref<80x128xf32, #tpu.memory_space<vmem>>, %arg12: memref<10112x128xf32, #tpu.memory_space<vmem_shared>>, %arg13: memref<!tpu.dma_semaphore, #tpu.memory_space<semaphore_mem>>, %arg14: memref<!tpu.dma_semaphore, #tpu.memory_space<semaphore_mem>>) attributes {dimension_semantics = [#tpu.dimension_semantics<core_parallel>, #tpu.dimension_semantics<subcore_parallel>], iteration_bounds = array<i64: 2, 16>, scalar_prefetch = 0 : i64, scratch_operands = 9 : i64, tpu.core_type = #tpu.core_type<sc_vector_subcore>, window_params = [{transform_indices = #map}, {transform_indices = #map1}, {transform_indices = #map1}, {transform_indices = #map2}]} {
    %mul3A = arith.constant 16 : i32
    %mul3A_0 = arith.muli %arg0, %mul3A : i32
    %add3A = arith.addi %mul3A_0, %arg1 : i32
    %scan3A = arith.constant 0 : i32
    %scan3A_1 = arith.constant 0 : i32
    %scan3A_2 = arith.constant 80 : i32
    %scan3A_3 = arith.addi %scan3A_1, %scan3A_2 : i32
    %scan3A_4 = arith.constant 1 : i32
    %scan3A_5 = scf.for %scan3A_45 = %scan3A_1 to %scan3A_3 step %scan3A_4 iter_args(%scan3A_46 = %scan3A) -> (i32)  : i32 {
      %scan3A_47 = arith.constant 0 : i32
      %scan3A_48 = arith.constant 0 : i32
      %scan3A_49 = arith.constant 8 : i32
      %scan3A_50 = arith.addi %scan3A_48, %scan3A_49 : i32
      %scan3A_51 = arith.constant 1 : i32
      %scan3A_52 = scf.for %scan3A_54 = %scan3A_48 to %scan3A_50 step %scan3A_51 iter_args(%scan3A_55 = %scan3A_47) -> (i32)  : i32 {
        %broadcast_in_dim3A = arith.constant 0.000000e+00 : f32
        %broadcast_in_dim3A_56 = vector.broadcast %broadcast_in_dim3A : f32 to vector<16xf32>
        %mul3A_57 = arith.constant 16 : i32
        %mul3A_58 = arith.muli %scan3A_54, %mul3A_57 : i32
        %swap3A = arith.index_cast %scan3A_45 : i32 to index
        %swap3A_59 = arith.index_cast %mul3A_58 : i32 to index
        %swap3A_60 = tpu.vector_load %arg10[%swap3A, %swap3A_59] {strides = array<i32>} : memref<80x128xf32, #tpu.memory_space<vmem>>, vector<1x16xf32>,
        %swap3A_61 = vector.shape_cast %swap3A_60 : vector<1x16xf32> to vector<16xf32>
        %swap3A_62 = vector.shape_cast %broadcast_in_dim3A_56 : vector<16xf32> to vector<1x16xf32>
        tpu.vector_store %arg10[%swap3A, %swap3A_59], %swap3A_62 {strides = array<i32>} : memref<80x128xf32, #tpu.memory_space<vmem>>, vector<1x16xf32>,
        %scan3A_63 = arith.constant 0 : i32
        scf.yield %scan3A_63 : i32
      }
      %scan3A_53 = arith.constant 8 : i32
      scf.yield %scan3A_52 : i32
    }
    %scan3A_6 = arith.constant 80 : i32
    %mul3A_7 = arith.constant 632 : i32
    %mul3A_8 = arith.muli %arg1, %mul3A_7 : i32
    %scan3A_9 = arith.constant 0 : i32
    %scan3A_10 = arith.constant 0 : i32
    %scan3A_11 = arith.constant 7 : i32
    %scan3A_12 = arith.addi %scan3A_10, %scan3A_11 : i32
    %scan3A_13 = arith.constant 1 : i32
    %scan3A_14 = scf.for %scan3A_45 = %scan3A_10 to %scan3A_12 step %scan3A_13 iter_args(%scan3A_46 = %scan3A_9) -> (i32)  : i32 {
      %mul3A_47 = arith.constant 80 : i32
      %mul3A_48 = arith.muli %scan3A_45, %mul3A_47 : i32
      %add3A_49 = arith.addi %mul3A_8, %mul3A_48 : i32
      "tpu.region"() ({
        %run_scoped3A = tpu.sem_alloc : memref<!tpu.dma_semaphore, #tpu.memory_space<semaphore_mem>>
        %dma_start3A_51 = arith.constant 0 : i32
        %dma_start3A_52 = tpu.memref_slice %arg12[%add3A_49, %dma_start3A_51] : memref<10112x128xf32, #tpu.memory_space<vmem_shared>> -> memref<80x128xf32, #tpu.memory_space<vmem_shared>>
        %dma_start3A_53 = arith.constant 0 : i32
        %dma_start3A_54 = tpu.memref_slice %arg12[%add3A_49, %dma_start3A_53] : memref<10112x128xf32, #tpu.memory_space<vmem_shared>> -> memref<80x128xf32, #tpu.memory_space<vmem_shared>>
        tpu.enqueue_dma source(%arg10 : memref<80x128xf32, #tpu.memory_space<vmem>>) target(%dma_start3A_54 : memref<80x128xf32, #tpu.memory_space<vmem_shared>>) target_semaphore(%run_scoped3A : memref<!tpu.dma_semaphore, #tpu.memory_space<semaphore_mem>>)
        %dma_wait3A_55 = arith.constant 0 : i32
        %dma_wait3A_56 = tpu.memref_slice %arg12[%add3A_49, %dma_wait3A_55] : memref<10112x128xf32, #tpu.memory_space<vmem_shared>> -> memref<80x128xf32, #tpu.memory_space<vmem_shared>>
        %dma_wait3A_57 = arith.constant 0 : i32
        %dma_wait3A_58 = tpu.memref_slice %arg12[%add3A_49, %dma_wait3A_57] : memref<10112x128xf32, #tpu.memory_space<vmem_shared>> -> memref<80x128xf32, #tpu.memory_space<vmem_shared>>
        tpu.wait_dma2 semaphore(%run_scoped3A : memref<!tpu.dma_semaphore, #tpu.memory_space<semaphore_mem>>) src(%arg10 : memref<80x128xf32, #tpu.memory_space<vmem>>) dst(%dma_wait3A_58 : memref<80x128xf32, #tpu.memory_space<vmem_shared>>)
        tpu.yield
      }) : () -> ()
      %scan3A_50 = arith.constant 0 : i32
      scf.yield %scan3A_50 : i32
    }
    %scan3A_15 = arith.constant 7 : i32
    %add3A_16 = arith.constant 560 : i32
    %add3A_17 = arith.addi %mul3A_8, %add3A_16 : i32
    "tpu.region"() ({
      %run_scoped3A = tpu.sem_alloc : memref<!tpu.dma_semaphore, #tpu.memory_space<semaphore_mem>>
      %dma_start3A_45 = arith.constant 0 : i32
      %dma_start3A_46 = arith.constant 0 : i32
      %dma_start3A_47 = tpu.memref_slice %arg10[%dma_start3A_45, %dma_start3A_46] : memref<80x128xf32, #tpu.memory_space<vmem>> -> memref<72x128xf32, #tpu.memory_space<vmem>>
      %dma_start3A_48 = arith.constant 0 : i32
      %dma_start3A_49 = tpu.memref_slice %arg12[%add3A_17, %dma_start3A_48] : memref<10112x128xf32, #tpu.memory_space<vmem_shared>> -> memref<72x128xf32, #tpu.memory_space<vmem_shared>>
      %dma_start3A_50 = arith.constant 0 : i32
      %dma_start3A_51 = tpu.memref_slice %arg12[%add3A_17, %dma_start3A_50] : memref<10112x128xf32, #tpu.memory_space<vmem_shared>> -> memref<72x128xf32, #tpu.memory_space<vmem_shared>>
      %dma_start3A_52 = arith.constant 0 : i32
      %dma_start3A_53 = arith.constant 0 : i32
      %dma_start3A_54 = tpu.memref_slice %arg10[%dma_start3A_52, %dma_start3A_53] : memref<80x128xf32, #tpu.memory_space<vmem>> -> memref<72x128xf32, #tpu.memory_space<vmem>>
      tpu.enqueue_dma source(%dma_start3A_54 : memref<72x128xf32, #tpu.memory_space<vmem>>) target(%dma_start3A_51 : memref<72x128xf32, #tpu.memory_space<vmem_shared>>) target_semaphore(%run_scoped3A : memref<!tpu.dma_semaphore, #tpu.memory_space<semaphore_mem>>)
      %dma_wait3A_55 = arith.constant 0 : i32
      %dma_wait3A_56 = arith.constant 0 : i32
      %dma_wait3A_57 = tpu.memref_slice %arg10[%dma_wait3A_55, %dma_wait3A_56] : memref<80x128xf32, #tpu.memory_space<vmem>> -> memref<72x128xf32, #tpu.memory_space<vmem>>
      %dma_wait3A_58 = arith.constant 0 : i32
      %dma_wait3A_59 = tpu.memref_slice %arg12[%add3A_17, %dma_wait3A_58] : memref<10112x128xf32, #tpu.memory_space<vmem_shared>> -> memref<72x128xf32, #tpu.memory_space<vmem_shared>>
      %dma_wait3A_60 = arith.constant 0 : i32
      %dma_wait3A_61 = tpu.memref_slice %arg12[%add3A_17, %dma_wait3A_60] : memref<10112x128xf32, #tpu.memory_space<vmem_shared>> -> memref<72x128xf32, #tpu.memory_space<vmem_shared>>
      %dma_wait3A_62 = arith.constant 0 : i32
      %dma_wait3A_63 = arith.constant 0 : i32
      %dma_wait3A_64 = tpu.memref_slice %arg10[%dma_wait3A_62, %dma_wait3A_63] : memref<80x128xf32, #tpu.memory_space<vmem>> -> memref<72x128xf32, #tpu.memory_space<vmem>>
      tpu.wait_dma2 semaphore(%run_scoped3A : memref<!tpu.dma_semaphore, #tpu.memory_space<semaphore_mem>>) src(%dma_wait3A_64 : memref<72x128xf32, #tpu.memory_space<vmem>>) dst(%dma_wait3A_61 : memref<72x128xf32, #tpu.memory_space<vmem_shared>>)
      tpu.yield
    }) : () -> ()
    %barrier3A = arith.constant 0 : index
    tpu.barrier barrier_id(%barrier3A)
    %mul3A_18 = arith.constant 10000 : i32
    %mul3A_19 = arith.muli %add3A, %mul3A_18 : i32
    %add3A_20 = arith.constant 0 : i32
    %add3A_21 = arith.addi %mul3A_19, %add3A_20 : i32
    %multiple_of3A = tpu.assume_multiple %add3A_21, 8 : i32
    "tpu.region"() ({
      %run_scoped3A = tpu.sem_alloc : memref<!tpu.dma_semaphore, #tpu.memory_space<semaphore_mem>>
      %dma_start3A_45 = tpu.memref_slice %arg3[%multiple_of3A] : memref<320000xi32, #tpu.memory_space<hbm>> -> memref<80xi32, #tpu.memory_space<hbm>>
      %dma_start3A_46 = tpu.memref_slice %arg3[%multiple_of3A] : memref<320000xi32, #tpu.memory_space<hbm>> -> memref<80xi32, #tpu.memory_space<hbm>>
      tpu.enqueue_dma source(%dma_start3A_46 : memref<80xi32, #tpu.memory_space<hbm>>) target(%arg6 : memref<80xi32, #tpu.memory_space<vmem>>) target_semaphore(%run_scoped3A : memref<!tpu.dma_semaphore, #tpu.memory_space<semaphore_mem>>)
      %dma_wait3A_47 = tpu.memref_slice %arg3[%multiple_of3A] : memref<320000xi32, #tpu.memory_space<hbm>> -> memref<80xi32, #tpu.memory_space<hbm>>
      %dma_wait3A_48 = tpu.memref_slice %arg3[%multiple_of3A] : memref<320000xi32, #tpu.memory_space<hbm>> -> memref<80xi32, #tpu.memory_space<hbm>>
      tpu.wait_dma2 semaphore(%run_scoped3A : memref<!tpu.dma_semaphore, #tpu.memory_space<semaphore_mem>>) src(%dma_wait3A_48 : memref<80xi32, #tpu.memory_space<hbm>>) dst(%arg6 : memref<80xi32, #tpu.memory_space<vmem>>)
      tpu.yield
    }) : () -> ()
    "tpu.region"() ({
      %run_scoped3A = tpu.sem_alloc : memref<!tpu.dma_semaphore, #tpu.memory_space<semaphore_mem>>
      %dma_start3A_45 = tpu.memref_slice %arg4[%multiple_of3A] : memref<320000xi32, #tpu.memory_space<hbm>> -> memref<80xi32, #tpu.memory_space<hbm>>
      %dma_start3A_46 = tpu.memref_slice %arg4[%multiple_of3A] : memref<320000xi32, #tpu.memory_space<hbm>> -> memref<80xi32, #tpu.memory_space<hbm>>
      tpu.enqueue_dma source(%dma_start3A_46 : memref<80xi32, #tpu.memory_space<hbm>>) target(%arg7 : memref<80xi32, #tpu.memory_space<vmem>>) target_semaphore(%run_scoped3A : memref<!tpu.dma_semaphore, #tpu.memory_space<semaphore_mem>>)
      %dma_wait3A_47 = tpu.memref_slice %arg4[%multiple_of3A] : memref<320000xi32, #tpu.memory_space<hbm>> -> memref<80xi32, #tpu.memory_space<hbm>>
      %dma_wait3A_48 = tpu.memref_slice %arg4[%multiple_of3A] : memref<320000xi32, #tpu.memory_space<hbm>> -> memref<80xi32, #tpu.memory_space<hbm>>
      tpu.wait_dma2 semaphore(%run_scoped3A : memref<!tpu.dma_semaphore, #tpu.memory_space<semaphore_mem>>) src(%dma_wait3A_48 : memref<80xi32, #tpu.memory_space<hbm>>) dst(%arg7 : memref<80xi32, #tpu.memory_space<vmem>>)
      tpu.yield
    }) : () -> ()
    %dma_start3A = arith.constant 0 : i32
    %dma_start3A_22 = arith.constant 0 : i32
    %dma_start3A_23 = tpu.memref_slice %arg2[%dma_start3A, %dma_start3A_22] : memref<10000x128xf32, #tpu.memory_space<hbm>> -> memref<10000x128xf32, #tpu.memory_space<hbm>>
    tpu.enqueue_indirect_dma source(%dma_start3A_23 : memref<10000x128xf32, #tpu.memory_space<hbm>>) target(%arg10 : memref<80x128xf32, #tpu.memory_space<vmem>>) offsets(%arg6 : memref<80xi32, #tpu.memory_space<vmem>>) semaphore(%arg13 : memref<!tpu.dma_semaphore, #tpu.memory_space<semaphore_mem>>)
    %scan3A_24 = arith.constant 0 : i32
    %scan3A_25 = arith.constant 0 : i32
    %scan3A_26 = arith.constant 62 : i32
    %scan3A_27 = arith.addi %scan3A_25, %scan3A_26 : i32
    %scan3A_28 = arith.constant 1 : i32
    %scan3A_29 = scf.for %scan3A_45 = %scan3A_25 to %scan3A_27 step %scan3A_28 iter_args(%scan3A_46 = %scan3A_24) -> (i32)  : i32 {
      %mul3A_47 = arith.constant 2 : i32
      %mul3A_48 = arith.muli %mul3A_47, %scan3A_45 : i32
      %add3A_49 = arith.constant 1 : i32
      %add3A_50 = arith.addi %mul3A_48, %add3A_49 : i32
      %mul3A_51 = arith.constant 80 : i32
      %mul3A_52 = arith.muli %add3A_50, %mul3A_51 : i32
      %add3A_53 = arith.addi %mul3A_19, %mul3A_52 : i32
      %multiple_of3A_54 = tpu.assume_multiple %add3A_53, 8 : i32
      "tpu.region"() ({
        %run_scoped3A = tpu.sem_alloc : memref<!tpu.dma_semaphore, #tpu.memory_space<semaphore_mem>>
        %dma_start3A_74 = tpu.memref_slice %arg3[%multiple_of3A_54] : memref<320000xi32, #tpu.memory_space<hbm>> -> memref<80xi32, #tpu.memory_space<hbm>>
        %dma_start3A_75 = tpu.memref_slice %arg3[%multiple_of3A_54] : memref<320000xi32, #tpu.memory_space<hbm>> -> memref<80xi32, #tpu.memory_space<hbm>>
        tpu.enqueue_dma source(%dma_start3A_75 : memref<80xi32, #tpu.memory_space<hbm>>) target(%arg8 : memref<80xi32, #tpu.memory_space<vmem>>) target_semaphore(%run_scoped3A : memref<!tpu.dma_semaphore, #tpu.memory_space<semaphore_mem>>)
        %dma_wait3A_76 = tpu.memref_slice %arg3[%multiple_of3A_54] : memref<320000xi32, #tpu.memory_space<hbm>> -> memref<80xi32, #tpu.memory_space<hbm>>
        %dma_wait3A_77 = tpu.memref_slice %arg3[%multiple_of3A_54] : memref<320000xi32, #tpu.memory_space<hbm>> -> memref<80xi32, #tpu.memory_space<hbm>>
        tpu.wait_dma2 semaphore(%run_scoped3A : memref<!tpu.dma_semaphore, #tpu.memory_space<semaphore_mem>>) src(%dma_wait3A_77 : memref<80xi32, #tpu.memory_space<hbm>>) dst(%arg8 : memref<80xi32, #tpu.memory_space<vmem>>)
        tpu.yield
      }) : () -> ()
      "tpu.region"() ({
        %run_scoped3A = tpu.sem_alloc : memref<!tpu.dma_semaphore, #tpu.memory_space<semaphore_mem>>
        %dma_start3A_74 = tpu.memref_slice %arg4[%multiple_of3A_54] : memref<320000xi32, #tpu.memory_space<hbm>> -> memref<80xi32, #tpu.memory_space<hbm>>
        %dma_start3A_75 = tpu.memref_slice %arg4[%multiple_of3A_54] : memref<320000xi32, #tpu.memory_space<hbm>> -> memref<80xi32, #tpu.memory_space<hbm>>
        tpu.enqueue_dma source(%dma_start3A_75 : memref<80xi32, #tpu.memory_space<hbm>>) target(%arg9 : memref<80xi32, #tpu.memory_space<vmem>>) target_semaphore(%run_scoped3A : memref<!tpu.dma_semaphore, #tpu.memory_space<semaphore_mem>>)
        %dma_wait3A_76 = tpu.memref_slice %arg4[%multiple_of3A_54] : memref<320000xi32, #tpu.memory_space<hbm>> -> memref<80xi32, #tpu.memory_space<hbm>>
        %dma_wait3A_77 = tpu.memref_slice %arg4[%multiple_of3A_54] : memref<320000xi32, #tpu.memory_space<hbm>> -> memref<80xi32, #tpu.memory_space<hbm>>
        tpu.wait_dma2 semaphore(%run_scoped3A : memref<!tpu.dma_semaphore, #tpu.memory_space<semaphore_mem>>) src(%dma_wait3A_77 : memref<80xi32, #tpu.memory_space<hbm>>) dst(%arg9 : memref<80xi32, #tpu.memory_space<vmem>>)
        tpu.yield
      }) : () -> ()
      %dma_start3A_55 = arith.constant 0 : i32
      %dma_start3A_56 = arith.constant 0 : i32
      %dma_start3A_57 = tpu.memref_slice %arg2[%dma_start3A_55, %dma_start3A_56] : memref<10000x128xf32, #tpu.memory_space<hbm>> -> memref<10000x128xf32, #tpu.memory_space<hbm>>
      tpu.enqueue_indirect_dma source(%dma_start3A_57 : memref<10000x128xf32, #tpu.memory_space<hbm>>) target(%arg11 : memref<80x128xf32, #tpu.memory_space<vmem>>) offsets(%arg8 : memref<80xi32, #tpu.memory_space<vmem>>) semaphore(%arg14 : memref<!tpu.dma_semaphore, #tpu.memory_space<semaphore_mem>>)
      %dma_wait3A_58 = arith.constant 0 : i32
      %dma_wait3A_59 = arith.constant 0 : i32
      %dma_wait3A_60 = tpu.memref_slice %arg2[%dma_wait3A_58, %dma_wait3A_59] : memref<10000x128xf32, #tpu.memory_space<hbm>> -> memref<10000x128xf32, #tpu.memory_space<hbm>>
      tpu.wait_indirect_dma semaphore(%arg13 : memref<!tpu.dma_semaphore, #tpu.memory_space<semaphore_mem>>) src(%dma_wait3A_60 : memref<10000x128xf32, #tpu.memory_space<hbm>>) dst(%arg10 : memref<80x128xf32, #tpu.memory_space<vmem>>)
      "tpu.region"() ({
        %run_scoped3A = tpu.sem_alloc : memref<!tpu.dma_semaphore, #tpu.memory_space<semaphore_mem>>
        %dma_start3A_74 = arith.constant 0 : i32
        %dma_start3A_75 = arith.constant 0 : i32
        %dma_start3A_76 = tpu.memref_slice %arg12[%dma_start3A_74, %dma_start3A_75] : memref<10112x128xf32, #tpu.memory_space<vmem_shared>> -> memref<10112x128xf32, #tpu.memory_space<vmem_shared>>
        tpu.enqueue_indirect_dma source(%arg10 : memref<80x128xf32, #tpu.memory_space<vmem>>) target(%dma_start3A_76 : memref<10112x128xf32, #tpu.memory_space<vmem_shared>>) offsets(%arg7 : memref<80xi32, #tpu.memory_space<vmem>>) semaphore(%run_scoped3A : memref<!tpu.dma_semaphore, #tpu.memory_space<semaphore_mem>>) {add = true}
        %dma_wait3A_77 = arith.constant 0 : i32
        %dma_wait3A_78 = arith.constant 0 : i32
        %dma_wait3A_79 = tpu.memref_slice %arg12[%dma_wait3A_77, %dma_wait3A_78] : memref<10112x128xf32, #tpu.memory_space<vmem_shared>> -> memref<10112x128xf32, #tpu.memory_space<vmem_shared>>
        tpu.wait_indirect_dma semaphore(%run_scoped3A : memref<!tpu.dma_semaphore, #tpu.memory_space<semaphore_mem>>) src(%arg10 : memref<80x128xf32, #tpu.memory_space<vmem>>) dst(%dma_wait3A_79 : memref<10112x128xf32, #tpu.memory_space<vmem_shared>>)
        tpu.yield
      }) : () -> ()
      %add3A_61 = arith.constant 2 : i32
      %add3A_62 = arith.addi %mul3A_48, %add3A_61 : i32
      %mul3A_63 = arith.constant 80 : i32
      %mul3A_64 = arith.muli %add3A_62, %mul3A_63 : i32
      %add3A_65 = arith.addi %mul3A_19, %mul3A_64 : i32
      %multiple_of3A_66 = tpu.assume_multiple %add3A_65, 8 : i32
      "tpu.region"() ({
        %run_scoped3A = tpu.sem_alloc : memref<!tpu.dma_semaphore, #tpu.memory_space<semaphore_mem>>
        %dma_start3A_74 = tpu.memref_slice %arg3[%multiple_of3A_66] : memref<320000xi32, #tpu.memory_space<hbm>> -> memref<80xi32, #tpu.memory_space<hbm>>
        %dma_start3A_75 = tpu.memref_slice %arg3[%multiple_of3A_66] : memref<320000xi32, #tpu.memory_space<hbm>> -> memref<80xi32, #tpu.memory_space<hbm>>
        tpu.enqueue_dma source(%dma_start3A_75 : memref<80xi32, #tpu.memory_space<hbm>>) target(%arg6 : memref<80xi32, #tpu.memory_space<vmem>>) target_semaphore(%run_scoped3A : memref<!tpu.dma_semaphore, #tpu.memory_space<semaphore_mem>>)
        %dma_wait3A_76 = tpu.memref_slice %arg3[%multiple_of3A_66] : memref<320000xi32, #tpu.memory_space<hbm>> -> memref<80xi32, #tpu.memory_space<hbm>>
        %dma_wait3A_77 = tpu.memref_slice %arg3[%multiple_of3A_66] : memref<320000xi32, #tpu.memory_space<hbm>> -> memref<80xi32, #tpu.memory_space<hbm>>
        tpu.wait_dma2 semaphore(%run_scoped3A : memref<!tpu.dma_semaphore, #tpu.memory_space<semaphore_mem>>) src(%dma_wait3A_77 : memref<80xi32, #tpu.memory_space<hbm>>) dst(%arg6 : memref<80xi32, #tpu.memory_space<vmem>>)
        tpu.yield
      }) : () -> ()
      "tpu.region"() ({
        %run_scoped3A = tpu.sem_alloc : memref<!tpu.dma_semaphore, #tpu.memory_space<semaphore_mem>>
        %dma_start3A_74 = tpu.memref_slice %arg4[%multiple_of3A_66] : memref<320000xi32, #tpu.memory_space<hbm>> -> memref<80xi32, #tpu.memory_space<hbm>>
        %dma_start3A_75 = tpu.memref_slice %arg4[%multiple_of3A_66] : memref<320000xi32, #tpu.memory_space<hbm>> -> memref<80xi32, #tpu.memory_space<hbm>>
        tpu.enqueue_dma source(%dma_start3A_75 : memref<80xi32, #tpu.memory_space<hbm>>) target(%arg7 : memref<80xi32, #tpu.memory_space<vmem>>) target_semaphore(%run_scoped3A : memref<!tpu.dma_semaphore, #tpu.memory_space<semaphore_mem>>)
        %dma_wait3A_76 = tpu.memref_slice %arg4[%multiple_of3A_66] : memref<320000xi32, #tpu.memory_space<hbm>> -> memref<80xi32, #tpu.memory_space<hbm>>
        %dma_wait3A_77 = tpu.memref_slice %arg4[%multiple_of3A_66] : memref<320000xi32, #tpu.memory_space<hbm>> -> memref<80xi32, #tpu.memory_space<hbm>>
        tpu.wait_dma2 semaphore(%run_scoped3A : memref<!tpu.dma_semaphore, #tpu.memory_space<semaphore_mem>>) src(%dma_wait3A_77 : memref<80xi32, #tpu.memory_space<hbm>>) dst(%arg7 : memref<80xi32, #tpu.memory_space<vmem>>)
        tpu.yield
      }) : () -> ()
      %dma_start3A_67 = arith.constant 0 : i32
      %dma_start3A_68 = arith.constant 0 : i32
      %dma_start3A_69 = tpu.memref_slice %arg2[%dma_start3A_67, %dma_start3A_68] : memref<10000x128xf32, #tpu.memory_space<hbm>> -> memref<10000x128xf32, #tpu.memory_space<hbm>>
      tpu.enqueue_indirect_dma source(%dma_start3A_69 : memref<10000x128xf32, #tpu.memory_space<hbm>>) target(%arg10 : memref<80x128xf32, #tpu.memory_space<vmem>>) offsets(%arg6 : memref<80xi32, #tpu.memory_space<vmem>>) semaphore(%arg13 : memref<!tpu.dma_semaphore, #tpu.memory_space<semaphore_mem>>)
      %dma_wait3A_70 = arith.constant 0 : i32
      %dma_wait3A_71 = arith.constant 0 : i32
      %dma_wait3A_72 = tpu.memref_slice %arg2[%dma_wait3A_70, %dma_wait3A_71] : memref<10000x128xf32, #tpu.memory_space<hbm>> -> memref<10000x128xf32, #tpu.memory_space<hbm>>
      tpu.wait_indirect_dma semaphore(%arg14 : memref<!tpu.dma_semaphore, #tpu.memory_space<semaphore_mem>>) src(%dma_wait3A_72 : memref<10000x128xf32, #tpu.memory_space<hbm>>) dst(%arg11 : memref<80x128xf32, #tpu.memory_space<vmem>>)
      "tpu.region"() ({
        %run_scoped3A = tpu.sem_alloc : memref<!tpu.dma_semaphore, #tpu.memory_space<semaphore_mem>>
        %dma_start3A_74 = arith.constant 0 : i32
        %dma_start3A_75 = arith.constant 0 : i32
        %dma_start3A_76 = tpu.memref_slice %arg12[%dma_start3A_74, %dma_start3A_75] : memref<10112x128xf32, #tpu.memory_space<vmem_shared>> -> memref<10112x128xf32, #tpu.memory_space<vmem_shared>>
        tpu.enqueue_indirect_dma source(%arg11 : memref<80x128xf32, #tpu.memory_space<vmem>>) target(%dma_start3A_76 : memref<10112x128xf32, #tpu.memory_space<vmem_shared>>) offsets(%arg9 : memref<80xi32, #tpu.memory_space<vmem>>) semaphore(%run_scoped3A : memref<!tpu.dma_semaphore, #tpu.memory_space<semaphore_mem>>) {add = true}
        %dma_wait3A_77 = arith.constant 0 : i32
        %dma_wait3A_78 = arith.constant 0 : i32
        %dma_wait3A_79 = tpu.memref_slice %arg12[%dma_wait3A_77, %dma_wait3A_78] : memref<10112x128xf32, #tpu.memory_space<vmem_shared>> -> memref<10112x128xf32, #tpu.memory_space<vmem_shared>>
        tpu.wait_indirect_dma semaphore(%run_scoped3A : memref<!tpu.dma_semaphore, #tpu.memory_space<semaphore_mem>>) src(%arg11 : memref<80x128xf32, #tpu.memory_space<vmem>>) dst(%dma_wait3A_79 : memref<10112x128xf32, #tpu.memory_space<vmem_shared>>)
        tpu.yield
      }) : () -> ()
      %scan3A_73 = arith.constant 0 : i32
      scf.yield %scan3A_73 : i32
    }
    %scan3A_30 = arith.constant 62 : i32
    %dma_wait3A = arith.constant 0 : i32
    %dma_wait3A_31 = arith.constant 0 : i32
    %dma_wait3A_32 = tpu.memref_slice %arg2[%dma_wait3A, %dma_wait3A_31] : memref<10000x128xf32, #tpu.memory_space<hbm>> -> memref<10000x128xf32, #tpu.memory_space<hbm>>
    tpu.wait_indirect_dma semaphore(%arg13 : memref<!tpu.dma_semaphore, #tpu.memory_space<semaphore_mem>>) src(%dma_wait3A_32 : memref<10000x128xf32, #tpu.memory_space<hbm>>) dst(%arg10 : memref<80x128xf32, #tpu.memory_space<vmem>>)
    "tpu.region"() ({
      %run_scoped3A = tpu.sem_alloc : memref<!tpu.dma_semaphore, #tpu.memory_space<semaphore_mem>>
      %dma_start3A_45 = arith.constant 0 : i32
      %dma_start3A_46 = arith.constant 0 : i32
      %dma_start3A_47 = tpu.memref_slice %arg12[%dma_start3A_45, %dma_start3A_46] : memref<10112x128xf32, #tpu.memory_space<vmem_shared>> -> memref<10112x128xf32, #tpu.memory_space<vmem_shared>>
      tpu.enqueue_indirect_dma source(%arg10 : memref<80x128xf32, #tpu.memory_space<vmem>>) target(%dma_start3A_47 : memref<10112x128xf32, #tpu.memory_space<vmem_shared>>) offsets(%arg7 : memref<80xi32, #tpu.memory_space<vmem>>) semaphore(%run_scoped3A : memref<!tpu.dma_semaphore, #tpu.memory_space<semaphore_mem>>) {add = true}
      %dma_wait3A_48 = arith.constant 0 : i32
      %dma_wait3A_49 = arith.constant 0 : i32
      %dma_wait3A_50 = tpu.memref_slice %arg12[%dma_wait3A_48, %dma_wait3A_49] : memref<10112x128xf32, #tpu.memory_space<vmem_shared>> -> memref<10112x128xf32, #tpu.memory_space<vmem_shared>>
      tpu.wait_indirect_dma semaphore(%run_scoped3A : memref<!tpu.dma_semaphore, #tpu.memory_space<semaphore_mem>>) src(%arg10 : memref<80x128xf32, #tpu.memory_space<vmem>>) dst(%dma_wait3A_50 : memref<10112x128xf32, #tpu.memory_space<vmem_shared>>)
      tpu.yield
    }) : () -> ()
    %barrier3A_33 = arith.constant 0 : index
    tpu.barrier barrier_id(%barrier3A_33)
    %scan3A_34 = arith.constant 0 : i32
    %scan3A_35 = arith.constant 0 : i32
    %scan3A_36 = arith.constant 7 : i32
    %scan3A_37 = arith.addi %scan3A_35, %scan3A_36 : i32
    %scan3A_38 = arith.constant 1 : i32
    %scan3A_39 = scf.for %scan3A_45 = %scan3A_35 to %scan3A_37 step %scan3A_38 iter_args(%scan3A_46 = %scan3A_34) -> (i32)  : i32 {
      %mul3A_47 = arith.constant 80 : i32
      %mul3A_48 = arith.muli %scan3A_45, %mul3A_47 : i32
      %add3A_49 = arith.addi %mul3A_8, %mul3A_48 : i32
      "tpu.region"() ({
        %run_scoped3A = tpu.sem_alloc : memref<!tpu.dma_semaphore, #tpu.memory_space<semaphore_mem>>
        %dma_start3A_54 = arith.constant 0 : i32
        %dma_start3A_55 = tpu.memref_slice %arg12[%add3A_49, %dma_start3A_54] : memref<10112x128xf32, #tpu.memory_space<vmem_shared>> -> memref<80x128xf32, #tpu.memory_space<vmem_shared>>
        %dma_start3A_56 = arith.constant 0 : i32
        %dma_start3A_57 = tpu.memref_slice %arg12[%add3A_49, %dma_start3A_56] : memref<10112x128xf32, #tpu.memory_space<vmem_shared>> -> memref<80x128xf32, #tpu.memory_space<vmem_shared>>
        tpu.enqueue_dma source(%dma_start3A_57 : memref<80x128xf32, #tpu.memory_space<vmem_shared>>) target(%arg10 : memref<80x128xf32, #tpu.memory_space<vmem>>) target_semaphore(%run_scoped3A : memref<!tpu.dma_semaphore, #tpu.memory_space<semaphore_mem>>)
        %dma_wait3A_58 = arith.constant 0 : i32
        %dma_wait3A_59 = tpu.memref_slice %arg12[%add3A_49, %dma_wait3A_58] : memref<10112x128xf32, #tpu.memory_space<vmem_shared>> -> memref<80x128xf32, #tpu.memory_space<vmem_shared>>
        %dma_wait3A_60 = arith.constant 0 : i32
        %dma_wait3A_61 = tpu.memref_slice %arg12[%add3A_49, %dma_wait3A_60] : memref<10112x128xf32, #tpu.memory_space<vmem_shared>> -> memref<80x128xf32, #tpu.memory_space<vmem_shared>>
        tpu.wait_dma2 semaphore(%run_scoped3A : memref<!tpu.dma_semaphore, #tpu.memory_space<semaphore_mem>>) src(%dma_wait3A_61 : memref<80x128xf32, #tpu.memory_space<vmem_shared>>) dst(%arg10 : memref<80x128xf32, #tpu.memory_space<vmem>>)
        tpu.yield
      }) : () -> ()
      %mul3A_50 = arith.constant 80 : i32
      %mul3A_51 = arith.muli %scan3A_45, %mul3A_50 : i32
      %add3A_52 = arith.addi %mul3A_8, %mul3A_51 : i32
      "tpu.region"() ({
        %run_scoped3A = tpu.sem_alloc : memref<!tpu.dma_semaphore, #tpu.memory_space<semaphore_mem>>
        %dma_start3A_54 = arith.constant 0 : i32
        %dma_start3A_55 = tpu.memref_slice %arg5[%arg0, %add3A_52, %dma_start3A_54] : memref<2x10112x128xf32, #tpu.memory_space<hbm>> -> memref<1x80x128xf32, #tpu.memory_space<hbm>>
        %dma_start3A_56 = tpu.memref_squeeze %dma_start3A_55 : memref<1x80x128xf32, #tpu.memory_space<hbm>> -> memref<80x128xf32, #tpu.memory_space<hbm>>
        %dma_start3A_57 = arith.constant 0 : i32
        %dma_start3A_58 = tpu.memref_slice %arg5[%arg0, %add3A_52, %dma_start3A_57] : memref<2x10112x128xf32, #tpu.memory_space<hbm>> -> memref<1x80x128xf32, #tpu.memory_space<hbm>>
        %dma_start3A_59 = tpu.memref_squeeze %dma_start3A_58 : memref<1x80x128xf32, #tpu.memory_space<hbm>> -> memref<80x128xf32, #tpu.memory_space<hbm>>
        tpu.enqueue_dma source(%arg10 : memref<80x128xf32, #tpu.memory_space<vmem>>) target(%dma_start3A_59 : memref<80x128xf32, #tpu.memory_space<hbm>>) target_semaphore(%run_scoped3A : memref<!tpu.dma_semaphore, #tpu.memory_space<semaphore_mem>>)
        %dma_wait3A_60 = arith.constant 0 : i32
        %dma_wait3A_61 = tpu.memref_slice %arg5[%arg0, %add3A_52, %dma_wait3A_60] : memref<2x10112x128xf32, #tpu.memory_space<hbm>> -> memref<1x80x128xf32, #tpu.memory_space<hbm>>
        %dma_wait3A_62 = tpu.memref_squeeze %dma_wait3A_61 : memref<1x80x128xf32, #tpu.memory_space<hbm>> -> memref<80x128xf32, #tpu.memory_space<hbm>>
        %dma_wait3A_63 = arith.constant 0 : i32
        %dma_wait3A_64 = tpu.memref_slice %arg5[%arg0, %add3A_52, %dma_wait3A_63] : memref<2x10112x128xf32, #tpu.memory_space<hbm>> -> memref<1x80x128xf32, #tpu.memory_space<hbm>>
        %dma_wait3A_65 = tpu.memref_squeeze %dma_wait3A_64 : memref<1x80x128xf32, #tpu.memory_space<hbm>> -> memref<80x128xf32, #tpu.memory_space<hbm>>
        tpu.wait_dma2 semaphore(%run_scoped3A : memref<!tpu.dma_semaphore, #tpu.memory_space<semaphore_mem>>) src(%arg10 : memref<80x128xf32, #tpu.memory_space<vmem>>) dst(%dma_wait3A_65 : memref<80x128xf32, #tpu.memory_space<hbm>>)
        tpu.yield
      }) : () -> ()
      %scan3A_53 = arith.constant 0 : i32
      scf.yield %scan3A_53 : i32
    }
    %scan3A_40 = arith.constant 7 : i32
    %add3A_41 = arith.constant 560 : i32
    %add3A_42 = arith.addi %mul3A_8, %add3A_41 : i32
    "tpu.region"() ({
      %run_scoped3A = tpu.sem_alloc : memref<!tpu.dma_semaphore, #tpu.memory_space<semaphore_mem>>
      %dma_start3A_45 = arith.constant 0 : i32
      %dma_start3A_46 = arith.constant 0 : i32
      %dma_start3A_47 = tpu.memref_slice %arg10[%dma_start3A_45, %dma_start3A_46] : memref<80x128xf32, #tpu.memory_space<vmem>> -> memref<72x128xf32, #tpu.memory_space<vmem>>
      %dma_start3A_48 = arith.constant 0 : i32
      %dma_start3A_49 = tpu.memref_slice %arg12[%add3A_42, %dma_start3A_48] : memref<10112x128xf32, #tpu.memory_space<vmem_shared>> -> memref<72x128xf32, #tpu.memory_space<vmem_shared>>
      %dma_start3A_50 = arith.constant 0 : i32
      %dma_start3A_51 = arith.constant 0 : i32
      %dma_start3A_52 = tpu.memref_slice %arg10[%dma_start3A_50, %dma_start3A_51] : memref<80x128xf32, #tpu.memory_space<vmem>> -> memref<72x128xf32, #tpu.memory_space<vmem>>
      %dma_start3A_53 = arith.constant 0 : i32
      %dma_start3A_54 = tpu.memref_slice %arg12[%add3A_42, %dma_start3A_53] : memref<10112x128xf32, #tpu.memory_space<vmem_shared>> -> memref<72x128xf32, #tpu.memory_space<vmem_shared>>
      tpu.enqueue_dma source(%dma_start3A_54 : memref<72x128xf32, #tpu.memory_space<vmem_shared>>) target(%dma_start3A_52 : memref<72x128xf32, #tpu.memory_space<vmem>>) target_semaphore(%run_scoped3A : memref<!tpu.dma_semaphore, #tpu.memory_space<semaphore_mem>>)
      %dma_wait3A_55 = arith.constant 0 : i32
      %dma_wait3A_56 = arith.constant 0 : i32
      %dma_wait3A_57 = tpu.memref_slice %arg10[%dma_wait3A_55, %dma_wait3A_56] : memref<80x128xf32, #tpu.memory_space<vmem>> -> memref<72x128xf32, #tpu.memory_space<vmem>>
      %dma_wait3A_58 = arith.constant 0 : i32
      %dma_wait3A_59 = tpu.memref_slice %arg12[%add3A_42, %dma_wait3A_58] : memref<10112x128xf32, #tpu.memory_space<vmem_shared>> -> memref<72x128xf32, #tpu.memory_space<vmem_shared>>
      %dma_wait3A_60 = arith.constant 0 : i32
      %dma_wait3A_61 = arith.constant 0 : i32
      %dma_wait3A_62 = tpu.memref_slice %arg10[%dma_wait3A_60, %dma_wait3A_61] : memref<80x128xf32, #tpu.memory_space<vmem>> -> memref<72x128xf32, #tpu.memory_space<vmem>>
      %dma_wait3A_63 = arith.constant 0 : i32
      %dma_wait3A_64 = tpu.memref_slice %arg12[%add3A_42, %dma_wait3A_63] : memref<10112x128xf32, #tpu.memory_space<vmem_shared>> -> memref<72x128xf32, #tpu.memory_space<vmem_shared>>
      tpu.wait_dma2 semaphore(%run_scoped3A : memref<!tpu.dma_semaphore, #tpu.memory_space<semaphore_mem>>) src(%dma_wait3A_64 : memref<72x128xf32, #tpu.memory_space<vmem_shared>>) dst(%dma_wait3A_62 : memref<72x128xf32, #tpu.memory_space<vmem>>)
      tpu.yield
    }) : () -> ()
    %add3A_43 = arith.constant 560 : i32
    %add3A_44 = arith.addi %mul3A_8, %add3A_43 : i32
    "tpu.region"() ({
      %run_scoped3A = tpu.sem_alloc : memref<!tpu.dma_semaphore, #tpu.memory_space<semaphore_mem>>
      %dma_start3A_45 = arith.constant 0 : i32
      %dma_start3A_46 = arith.constant 0 : i32
      %dma_start3A_47 = tpu.memref_slice %arg10[%dma_start3A_45, %dma_start3A_46] : memref<80x128xf32, #tpu.memory_space<vmem>> -> memref<72x128xf32, #tpu.memory_space<vmem>>
      %dma_start3A_48 = arith.constant 0 : i32
      %dma_start3A_49 = tpu.memref_slice %arg5[%arg0, %add3A_44, %dma_start3A_48] : memref<2x10112x128xf32, #tpu.memory_space<hbm>> -> memref<1x72x128xf32, #tpu.memory_space<hbm>>
      %dma_start3A_50 = tpu.memref_squeeze %dma_start3A_49 : memref<1x72x128xf32, #tpu.memory_space<hbm>> -> memref<72x128xf32, #tpu.memory_space<hbm>>
      %dma_start3A_51 = arith.constant 0 : i32
      %dma_start3A_52 = tpu.memref_slice %arg5[%arg0, %add3A_44, %dma_start3A_51] : memref<2x10112x128xf32, #tpu.memory_space<hbm>> -> memref<1x72x128xf32, #tpu.memory_space<hbm>>
      %dma_start3A_53 = tpu.memref_squeeze %dma_start3A_52 : memref<1x72x128xf32, #tpu.memory_space<hbm>> -> memref<72x128xf32, #tpu.memory_space<hbm>>
      %dma_start3A_54 = arith.constant 0 : i32
      %dma_start3A_55 = arith.constant 0 : i32
      %dma_start3A_56 = tpu.memref_slice %arg10[%dma_start3A_54, %dma_start3A_55] : memref<80x128xf32, #tpu.memory_space<vmem>> -> memref<72x128xf32, #tpu.memory_space<vmem>>
      tpu.enqueue_dma source(%dma_start3A_56 : memref<72x128xf32, #tpu.memory_space<vmem>>) target(%dma_start3A_53 : memref<72x128xf32, #tpu.memory_space<hbm>>) target_semaphore(%run_scoped3A : memref<!tpu.dma_semaphore, #tpu.memory_space<semaphore_mem>>)
      %dma_wait3A_57 = arith.constant 0 : i32
      %dma_wait3A_58 = arith.constant 0 : i32
      %dma_wait3A_59 = tpu.memref_slice %arg10[%dma_wait3A_57, %dma_wait3A_58] : memref<80x128xf32, #tpu.memory_space<vmem>> -> memref<72x128xf32, #tpu.memory_space<vmem>>
      %dma_wait3A_60 = arith.constant 0 : i32
      %dma_wait3A_61 = tpu.memref_slice %arg5[%arg0, %add3A_44, %dma_wait3A_60] : memref<2x10112x128xf32, #tpu.memory_space<hbm>> -> memref<1x72x128xf32, #tpu.memory_space<hbm>>
      %dma_wait3A_62 = tpu.memref_squeeze %dma_wait3A_61 : memref<1x72x128xf32, #tpu.memory_space<hbm>> -> memref<72x128xf32, #tpu.memory_space<hbm>>
      %dma_wait3A_63 = arith.constant 0 : i32
      %dma_wait3A_64 = tpu.memref_slice %arg5[%arg0, %add3A_44, %dma_wait3A_63] : memref<2x10112x128xf32, #tpu.memory_space<hbm>> -> memref<1x72x128xf32, #tpu.memory_space<hbm>>
      %dma_wait3A_65 = tpu.memref_squeeze %dma_wait3A_64 : memref<1x72x128xf32, #tpu.memory_space<hbm>> -> memref<72x128xf32, #tpu.memory_space<hbm>>
      %dma_wait3A_66 = arith.constant 0 : i32
      %dma_wait3A_67 = arith.constant 0 : i32
      %dma_wait3A_68 = tpu.memref_slice %arg10[%dma_wait3A_66, %dma_wait3A_67] : memref<80x128xf32, #tpu.memory_space<vmem>> -> memref<72x128xf32, #tpu.memory_space<vmem>>
      tpu.wait_dma2 semaphore(%run_scoped3A : memref<!tpu.dma_semaphore, #tpu.memory_space<semaphore_mem>>) src(%dma_wait3A_68 : memref<72x128xf32, #tpu.memory_space<vmem>>) dst(%dma_wait3A_65 : memref<72x128xf32, #tpu.memory_space<hbm>>)
      tpu.yield
    }) : () -> ()
    return
  }
}

#map = affine_map<(d0, d1) -> (0, 0)>
#map1 = affine_map<(d0, d1) -> (0)>
#map2 = affine_map<(d0, d1) -> (0, 0, 0)>
module attributes {stable_mosaic.version = 14 : i64} {
  func.func @agg_kernel(%arg0: i32, %arg1: i32, %arg2: memref<10000x128xf32, #tpu.memory_space<hbm>>, %arg3: memref<320000xi32, #tpu.memory_space<hbm>>, %arg4: memref<320000xi32, #tpu.memory_space<hbm>>, %arg5: memref<2x10112x128xf32, #tpu.memory_space<hbm>>, %arg6: memref<80xi32, #tpu.memory_space<vmem>>, %arg7: memref<80xi32, #tpu.memory_space<vmem>>, %arg8: memref<80xi32, #tpu.memory_space<vmem>>, %arg9: memref<80xi32, #tpu.memory_space<vmem>>, %arg10: memref<80x128xf32, #tpu.memory_space<vmem>>, %arg11: memref<80x128xf32, #tpu.memory_space<vmem>>, %arg12: memref<10112x128xf32, #tpu.memory_space<vmem_shared>>, %arg13: memref<!tpu.dma_semaphore, #tpu.memory_space<semaphore_mem>>, %arg14: memref<!tpu.dma_semaphore, #tpu.memory_space<semaphore_mem>>) attributes {dimension_semantics = [#tpu.dimension_semantics<core_parallel>, #tpu.dimension_semantics<subcore_parallel>], iteration_bounds = array<i64: 2, 16>, scalar_prefetch = 0 : i64, scratch_operands = 9 : i64, tpu.core_type = #tpu.core_type<sc_vector_subcore>, window_params = [{transform_indices = #map}, {transform_indices = #map1}, {transform_indices = #map1}, {transform_indices = #map2}]} {
    %mul3A = arith.constant 16 : i32
    %mul3A_0 = arith.muli %arg0, %mul3A : i32
    %add3A = arith.addi %mul3A_0, %arg1 : i32
    %scan3A = arith.constant 0 : i32
    %scan3A_1 = arith.constant 0 : i32
    %scan3A_2 = arith.constant 80 : i32
    %scan3A_3 = arith.addi %scan3A_1, %scan3A_2 : i32
    %scan3A_4 = arith.constant 1 : i32
    %scan3A_5 = scf.for %scan3A_45 = %scan3A_1 to %scan3A_3 step %scan3A_4 iter_args(%scan3A_46 = %scan3A) -> (i32)  : i32 {
      %scan3A_47 = arith.constant 0 : i32
      %scan3A_48 = arith.constant 0 : i32
      %scan3A_49 = arith.constant 8 : i32
      %scan3A_50 = arith.addi %scan3A_48, %scan3A_49 : i32
      %scan3A_51 = arith.constant 1 : i32
      %scan3A_52 = scf.for %scan3A_54 = %scan3A_48 to %scan3A_50 step %scan3A_51 iter_args(%scan3A_55 = %scan3A_47) -> (i32)  : i32 {
        %broadcast_in_dim3A = arith.constant 0.000000e+00 : f32
        %broadcast_in_dim3A_56 = vector.broadcast %broadcast_in_dim3A : f32 to vector<16xf32>
        %mul3A_57 = arith.constant 16 : i32
        %mul3A_58 = arith.muli %scan3A_54, %mul3A_57 : i32
        %swap3A = arith.index_cast %scan3A_45 : i32 to index
        %swap3A_59 = arith.index_cast %mul3A_58 : i32 to index
        %swap3A_60 = tpu.vector_load %arg10[%swap3A, %swap3A_59] {strides = array<i32>} : memref<80x128xf32, #tpu.memory_space<vmem>>, vector<1x16xf32>,
        %swap3A_61 = vector.shape_cast %swap3A_60 : vector<1x16xf32> to vector<16xf32>
        %swap3A_62 = vector.shape_cast %broadcast_in_dim3A_56 : vector<16xf32> to vector<1x16xf32>
        tpu.vector_store %arg10[%swap3A, %swap3A_59], %swap3A_62 {strides = array<i32>} : memref<80x128xf32, #tpu.memory_space<vmem>>, vector<1x16xf32>,
        %scan3A_63 = arith.constant 0 : i32
        scf.yield %scan3A_63 : i32
      }
      %scan3A_53 = arith.constant 8 : i32
      scf.yield %scan3A_52 : i32
    }
    %scan3A_6 = arith.constant 80 : i32
    %mul3A_7 = arith.constant 632 : i32
    %mul3A_8 = arith.muli %arg1, %mul3A_7 : i32
    %scan3A_9 = arith.constant 0 : i32
    %scan3A_10 = arith.constant 0 : i32
    %scan3A_11 = arith.constant 7 : i32
    %scan3A_12 = arith.addi %scan3A_10, %scan3A_11 : i32
    %scan3A_13 = arith.constant 1 : i32
    %scan3A_14 = scf.for %scan3A_45 = %scan3A_10 to %scan3A_12 step %scan3A_13 iter_args(%scan3A_46 = %scan3A_9) -> (i32)  : i32 {
      %mul3A_47 = arith.constant 80 : i32
      %mul3A_48 = arith.muli %scan3A_45, %mul3A_47 : i32
      %add3A_49 = arith.addi %mul3A_8, %mul3A_48 : i32
      "tpu.region"() ({
        %run_scoped3A = tpu.sem_alloc : memref<!tpu.dma_semaphore, #tpu.memory_space<semaphore_mem>>
        %dma_start3A_51 = arith.constant 0 : i32
        %dma_start3A_52 = tpu.memref_slice %arg12[%add3A_49, %dma_start3A_51] : memref<10112x128xf32, #tpu.memory_space<vmem_shared>> -> memref<80x128xf32, #tpu.memory_space<vmem_shared>>
        %dma_start3A_53 = arith.constant 0 : i32
        %dma_start3A_54 = tpu.memref_slice %arg12[%add3A_49, %dma_start3A_53] : memref<10112x128xf32, #tpu.memory_space<vmem_shared>> -> memref<80x128xf32, #tpu.memory_space<vmem_shared>>
        tpu.enqueue_dma source(%arg10 : memref<80x128xf32, #tpu.memory_space<vmem>>) target(%dma_start3A_54 : memref<80x128xf32, #tpu.memory_space<vmem_shared>>) target_semaphore(%run_scoped3A : memref<!tpu.dma_semaphore, #tpu.memory_space<semaphore_mem>>)
        %dma_wait3A_55 = arith.constant 0 : i32
        %dma_wait3A_56 = tpu.memref_slice %arg12[%add3A_49, %dma_wait3A_55] : memref<10112x128xf32, #tpu.memory_space<vmem_shared>> -> memref<80x128xf32, #tpu.memory_space<vmem_shared>>
        %dma_wait3A_57 = arith.constant 0 : i32
        %dma_wait3A_58 = tpu.memref_slice %arg12[%add3A_49, %dma_wait3A_57] : memref<10112x128xf32, #tpu.memory_space<vmem_shared>> -> memref<80x128xf32, #tpu.memory_space<vmem_shared>>
        tpu.wait_dma2 semaphore(%run_scoped3A : memref<!tpu.dma_semaphore, #tpu.memory_space<semaphore_mem>>) src(%arg10 : memref<80x128xf32, #tpu.memory_space<vmem>>) dst(%dma_wait3A_58 : memref<80x128xf32, #tpu.memory_space<vmem_shared>>)
        tpu.yield
      }) : () -> ()
      %scan3A_50 = arith.constant 0 : i32
      scf.yield %scan3A_50 : i32
    }
    %scan3A_15 = arith.constant 7 : i32
    %add3A_16 = arith.constant 560 : i32
    %add3A_17 = arith.addi %mul3A_8, %add3A_16 : i32
    "tpu.region"() ({
      %run_scoped3A = tpu.sem_alloc : memref<!tpu.dma_semaphore, #tpu.memory_space<semaphore_mem>>
      %dma_start3A_45 = arith.constant 0 : i32
      %dma_start3A_46 = arith.constant 0 : i32
      %dma_start3A_47 = tpu.memref_slice %arg10[%dma_start3A_45, %dma_start3A_46] : memref<80x128xf32, #tpu.memory_space<vmem>> -> memref<72x128xf32, #tpu.memory_space<vmem>>
      %dma_start3A_48 = arith.constant 0 : i32
      %dma_start3A_49 = tpu.memref_slice %arg12[%add3A_17, %dma_start3A_48] : memref<10112x128xf32, #tpu.memory_space<vmem_shared>> -> memref<72x128xf32, #tpu.memory_space<vmem_shared>>
      %dma_start3A_50 = arith.constant 0 : i32
      %dma_start3A_51 = tpu.memref_slice %arg12[%add3A_17, %dma_start3A_50] : memref<10112x128xf32, #tpu.memory_space<vmem_shared>> -> memref<72x128xf32, #tpu.memory_space<vmem_shared>>
      %dma_start3A_52 = arith.constant 0 : i32
      %dma_start3A_53 = arith.constant 0 : i32
      %dma_start3A_54 = tpu.memref_slice %arg10[%dma_start3A_52, %dma_start3A_53] : memref<80x128xf32, #tpu.memory_space<vmem>> -> memref<72x128xf32, #tpu.memory_space<vmem>>
      tpu.enqueue_dma source(%dma_start3A_54 : memref<72x128xf32, #tpu.memory_space<vmem>>) target(%dma_start3A_51 : memref<72x128xf32, #tpu.memory_space<vmem_shared>>) target_semaphore(%run_scoped3A : memref<!tpu.dma_semaphore, #tpu.memory_space<semaphore_mem>>)
      %dma_wait3A_55 = arith.constant 0 : i32
      %dma_wait3A_56 = arith.constant 0 : i32
      %dma_wait3A_57 = tpu.memref_slice %arg10[%dma_wait3A_55, %dma_wait3A_56] : memref<80x128xf32, #tpu.memory_space<vmem>> -> memref<72x128xf32, #tpu.memory_space<vmem>>
      %dma_wait3A_58 = arith.constant 0 : i32
      %dma_wait3A_59 = tpu.memref_slice %arg12[%add3A_17, %dma_wait3A_58] : memref<10112x128xf32, #tpu.memory_space<vmem_shared>> -> memref<72x128xf32, #tpu.memory_space<vmem_shared>>
      %dma_wait3A_60 = arith.constant 0 : i32
      %dma_wait3A_61 = tpu.memref_slice %arg12[%add3A_17, %dma_wait3A_60] : memref<10112x128xf32, #tpu.memory_space<vmem_shared>> -> memref<72x128xf32, #tpu.memory_space<vmem_shared>>
      %dma_wait3A_62 = arith.constant 0 : i32
      %dma_wait3A_63 = arith.constant 0 : i32
      %dma_wait3A_64 = tpu.memref_slice %arg10[%dma_wait3A_62, %dma_wait3A_63] : memref<80x128xf32, #tpu.memory_space<vmem>> -> memref<72x128xf32, #tpu.memory_space<vmem>>
      tpu.wait_dma2 semaphore(%run_scoped3A : memref<!tpu.dma_semaphore, #tpu.memory_space<semaphore_mem>>) src(%dma_wait3A_64 : memref<72x128xf32, #tpu.memory_space<vmem>>) dst(%dma_wait3A_61 : memref<72x128xf32, #tpu.memory_space<vmem_shared>>)
      tpu.yield
    }) : () -> ()
    %barrier3A = arith.constant 0 : index
    tpu.barrier barrier_id(%barrier3A)
    %mul3A_18 = arith.constant 10000 : i32
    %mul3A_19 = arith.muli %add3A, %mul3A_18 : i32
    %add3A_20 = arith.constant 0 : i32
    %add3A_21 = arith.addi %mul3A_19, %add3A_20 : i32
    %multiple_of3A = tpu.assume_multiple %add3A_21, 8 : i32
    "tpu.region"() ({
      %run_scoped3A = tpu.sem_alloc : memref<!tpu.dma_semaphore, #tpu.memory_space<semaphore_mem>>
      %dma_start3A_45 = tpu.memref_slice %arg3[%multiple_of3A] : memref<320000xi32, #tpu.memory_space<hbm>> -> memref<80xi32, #tpu.memory_space<hbm>>
      %dma_start3A_46 = tpu.memref_slice %arg3[%multiple_of3A] : memref<320000xi32, #tpu.memory_space<hbm>> -> memref<80xi32, #tpu.memory_space<hbm>>
      tpu.enqueue_dma source(%dma_start3A_46 : memref<80xi32, #tpu.memory_space<hbm>>) target(%arg6 : memref<80xi32, #tpu.memory_space<vmem>>) target_semaphore(%run_scoped3A : memref<!tpu.dma_semaphore, #tpu.memory_space<semaphore_mem>>)
      %dma_wait3A_47 = tpu.memref_slice %arg3[%multiple_of3A] : memref<320000xi32, #tpu.memory_space<hbm>> -> memref<80xi32, #tpu.memory_space<hbm>>
      %dma_wait3A_48 = tpu.memref_slice %arg3[%multiple_of3A] : memref<320000xi32, #tpu.memory_space<hbm>> -> memref<80xi32, #tpu.memory_space<hbm>>
      tpu.wait_dma2 semaphore(%run_scoped3A : memref<!tpu.dma_semaphore, #tpu.memory_space<semaphore_mem>>) src(%dma_wait3A_48 : memref<80xi32, #tpu.memory_space<hbm>>) dst(%arg6 : memref<80xi32, #tpu.memory_space<vmem>>)
      tpu.yield
    }) : () -> ()
    "tpu.region"() ({
      %run_scoped3A = tpu.sem_alloc : memref<!tpu.dma_semaphore, #tpu.memory_space<semaphore_mem>>
      %dma_start3A_45 = tpu.memref_slice %arg4[%multiple_of3A] : memref<320000xi32, #tpu.memory_space<hbm>> -> memref<80xi32, #tpu.memory_space<hbm>>
      %dma_start3A_46 = tpu.memref_slice %arg4[%multiple_of3A] : memref<320000xi32, #tpu.memory_space<hbm>> -> memref<80xi32, #tpu.memory_space<hbm>>
      tpu.enqueue_dma source(%dma_start3A_46 : memref<80xi32, #tpu.memory_space<hbm>>) target(%arg7 : memref<80xi32, #tpu.memory_space<vmem>>) target_semaphore(%run_scoped3A : memref<!tpu.dma_semaphore, #tpu.memory_space<semaphore_mem>>)
      %dma_wait3A_47 = tpu.memref_slice %arg4[%multiple_of3A] : memref<320000xi32, #tpu.memory_space<hbm>> -> memref<80xi32, #tpu.memory_space<hbm>>
      %dma_wait3A_48 = tpu.memref_slice %arg4[%multiple_of3A] : memref<320000xi32, #tpu.memory_space<hbm>> -> memref<80xi32, #tpu.memory_space<hbm>>
      tpu.wait_dma2 semaphore(%run_scoped3A : memref<!tpu.dma_semaphore, #tpu.memory_space<semaphore_mem>>) src(%dma_wait3A_48 : memref<80xi32, #tpu.memory_space<hbm>>) dst(%arg7 : memref<80xi32, #tpu.memory_space<vmem>>)
      tpu.yield
    }) : () -> ()
    %dma_start3A = arith.constant 0 : i32
    %dma_start3A_22 = arith.constant 0 : i32
    %dma_start3A_23 = tpu.memref_slice %arg2[%dma_start3A, %dma_start3A_22] : memref<10000x128xf32, #tpu.memory_space<hbm>> -> memref<10000x128xf32, #tpu.memory_space<hbm>>
    tpu.enqueue_indirect_dma source(%dma_start3A_23 : memref<10000x128xf32, #tpu.memory_space<hbm>>) target(%arg10 : memref<80x128xf32, #tpu.memory_space<vmem>>) offsets(%arg6 : memref<80xi32, #tpu.memory_space<vmem>>) semaphore(%arg13 : memref<!tpu.dma_semaphore, #tpu.memory_space<semaphore_mem>>)
    %scan3A_24 = arith.constant 0 : i32
    %scan3A_25 = arith.constant 0 : i32
    %scan3A_26 = arith.constant 62 : i32
    %scan3A_27 = arith.addi %scan3A_25, %scan3A_26 : i32
    %scan3A_28 = arith.constant 1 : i32
    %scan3A_29 = scf.for %scan3A_45 = %scan3A_25 to %scan3A_27 step %scan3A_28 iter_args(%scan3A_46 = %scan3A_24) -> (i32)  : i32 {
      %mul3A_47 = arith.constant 2 : i32
      %mul3A_48 = arith.muli %mul3A_47, %scan3A_45 : i32
      %add3A_49 = arith.constant 1 : i32
      %add3A_50 = arith.addi %mul3A_48, %add3A_49 : i32
      %mul3A_51 = arith.constant 80 : i32
      %mul3A_52 = arith.muli %add3A_50, %mul3A_51 : i32
      %add3A_53 = arith.addi %mul3A_19, %mul3A_52 : i32
      %multiple_of3A_54 = tpu.assume_multiple %add3A_53, 8 : i32
      "tpu.region"() ({
        %run_scoped3A = tpu.sem_alloc : memref<!tpu.dma_semaphore, #tpu.memory_space<semaphore_mem>>
        %dma_start3A_74 = tpu.memref_slice %arg3[%multiple_of3A_54] : memref<320000xi32, #tpu.memory_space<hbm>> -> memref<80xi32, #tpu.memory_space<hbm>>
        %dma_start3A_75 = tpu.memref_slice %arg3[%multiple_of3A_54] : memref<320000xi32, #tpu.memory_space<hbm>> -> memref<80xi32, #tpu.memory_space<hbm>>
        tpu.enqueue_dma source(%dma_start3A_75 : memref<80xi32, #tpu.memory_space<hbm>>) target(%arg8 : memref<80xi32, #tpu.memory_space<vmem>>) target_semaphore(%run_scoped3A : memref<!tpu.dma_semaphore, #tpu.memory_space<semaphore_mem>>)
        %dma_wait3A_76 = tpu.memref_slice %arg3[%multiple_of3A_54] : memref<320000xi32, #tpu.memory_space<hbm>> -> memref<80xi32, #tpu.memory_space<hbm>>
        %dma_wait3A_77 = tpu.memref_slice %arg3[%multiple_of3A_54] : memref<320000xi32, #tpu.memory_space<hbm>> -> memref<80xi32, #tpu.memory_space<hbm>>
        tpu.wait_dma2 semaphore(%run_scoped3A : memref<!tpu.dma_semaphore, #tpu.memory_space<semaphore_mem>>) src(%dma_wait3A_77 : memref<80xi32, #tpu.memory_space<hbm>>) dst(%arg8 : memref<80xi32, #tpu.memory_space<vmem>>)
        tpu.yield
      }) : () -> ()
      "tpu.region"() ({
        %run_scoped3A = tpu.sem_alloc : memref<!tpu.dma_semaphore, #tpu.memory_space<semaphore_mem>>
        %dma_start3A_74 = tpu.memref_slice %arg4[%multiple_of3A_54] : memref<320000xi32, #tpu.memory_space<hbm>> -> memref<80xi32, #tpu.memory_space<hbm>>
        %dma_start3A_75 = tpu.memref_slice %arg4[%multiple_of3A_54] : memref<320000xi32, #tpu.memory_space<hbm>> -> memref<80xi32, #tpu.memory_space<hbm>>
        tpu.enqueue_dma source(%dma_start3A_75 : memref<80xi32, #tpu.memory_space<hbm>>) target(%arg9 : memref<80xi32, #tpu.memory_space<vmem>>) target_semaphore(%run_scoped3A : memref<!tpu.dma_semaphore, #tpu.memory_space<semaphore_mem>>)
        %dma_wait3A_76 = tpu.memref_slice %arg4[%multiple_of3A_54] : memref<320000xi32, #tpu.memory_space<hbm>> -> memref<80xi32, #tpu.memory_space<hbm>>
        %dma_wait3A_77 = tpu.memref_slice %arg4[%multiple_of3A_54] : memref<320000xi32, #tpu.memory_space<hbm>> -> memref<80xi32, #tpu.memory_space<hbm>>
        tpu.wait_dma2 semaphore(%run_scoped3A : memref<!tpu.dma_semaphore, #tpu.memory_space<semaphore_mem>>) src(%dma_wait3A_77 : memref<80xi32, #tpu.memory_space<hbm>>) dst(%arg9 : memref<80xi32, #tpu.memory_space<vmem>>)
        tpu.yield
      }) : () -> ()
      %dma_start3A_55 = arith.constant 0 : i32
      %dma_start3A_56 = arith.constant 0 : i32
      %dma_start3A_57 = tpu.memref_slice %arg2[%dma_start3A_55, %dma_start3A_56] : memref<10000x128xf32, #tpu.memory_space<hbm>> -> memref<10000x128xf32, #tpu.memory_space<hbm>>
      tpu.enqueue_indirect_dma source(%dma_start3A_57 : memref<10000x128xf32, #tpu.memory_space<hbm>>) target(%arg11 : memref<80x128xf32, #tpu.memory_space<vmem>>) offsets(%arg8 : memref<80xi32, #tpu.memory_space<vmem>>) semaphore(%arg14 : memref<!tpu.dma_semaphore, #tpu.memory_space<semaphore_mem>>)
      %dma_wait3A_58 = arith.constant 0 : i32
      %dma_wait3A_59 = arith.constant 0 : i32
      %dma_wait3A_60 = tpu.memref_slice %arg2[%dma_wait3A_58, %dma_wait3A_59] : memref<10000x128xf32, #tpu.memory_space<hbm>> -> memref<10000x128xf32, #tpu.memory_space<hbm>>
      tpu.wait_indirect_dma semaphore(%arg13 : memref<!tpu.dma_semaphore, #tpu.memory_space<semaphore_mem>>) src(%dma_wait3A_60 : memref<10000x128xf32, #tpu.memory_space<hbm>>) dst(%arg10 : memref<80x128xf32, #tpu.memory_space<vmem>>)
      "tpu.region"() ({
        %run_scoped3A = tpu.sem_alloc : memref<!tpu.dma_semaphore, #tpu.memory_space<semaphore_mem>>
        %dma_start3A_74 = arith.constant 0 : i32
        %dma_start3A_75 = arith.constant 0 : i32
        %dma_start3A_76 = tpu.memref_slice %arg12[%dma_start3A_74, %dma_start3A_75] : memref<10112x128xf32, #tpu.memory_space<vmem_shared>> -> memref<10112x128xf32, #tpu.memory_space<vmem_shared>>
        tpu.enqueue_indirect_dma source(%arg10 : memref<80x128xf32, #tpu.memory_space<vmem>>) target(%dma_start3A_76 : memref<10112x128xf32, #tpu.memory_space<vmem_shared>>) offsets(%arg7 : memref<80xi32, #tpu.memory_space<vmem>>) semaphore(%run_scoped3A : memref<!tpu.dma_semaphore, #tpu.memory_space<semaphore_mem>>) {add = true}
        %dma_wait3A_77 = arith.constant 0 : i32
        %dma_wait3A_78 = arith.constant 0 : i32
        %dma_wait3A_79 = tpu.memref_slice %arg12[%dma_wait3A_77, %dma_wait3A_78] : memref<10112x128xf32, #tpu.memory_space<vmem_shared>> -> memref<10112x128xf32, #tpu.memory_space<vmem_shared>>
        tpu.wait_indirect_dma semaphore(%run_scoped3A : memref<!tpu.dma_semaphore, #tpu.memory_space<semaphore_mem>>) src(%arg10 : memref<80x128xf32, #tpu.memory_space<vmem>>) dst(%dma_wait3A_79 : memref<10112x128xf32, #tpu.memory_space<vmem_shared>>)
        tpu.yield
      }) : () -> ()
      %add3A_61 = arith.constant 2 : i32
      %add3A_62 = arith.addi %mul3A_48, %add3A_61 : i32
      %mul3A_63 = arith.constant 80 : i32
      %mul3A_64 = arith.muli %add3A_62, %mul3A_63 : i32
      %add3A_65 = arith.addi %mul3A_19, %mul3A_64 : i32
      %multiple_of3A_66 = tpu.assume_multiple %add3A_65, 8 : i32
      "tpu.region"() ({
        %run_scoped3A = tpu.sem_alloc : memref<!tpu.dma_semaphore, #tpu.memory_space<semaphore_mem>>
        %dma_start3A_74 = tpu.memref_slice %arg3[%multiple_of3A_66] : memref<320000xi32, #tpu.memory_space<hbm>> -> memref<80xi32, #tpu.memory_space<hbm>>
        %dma_start3A_75 = tpu.memref_slice %arg3[%multiple_of3A_66] : memref<320000xi32, #tpu.memory_space<hbm>> -> memref<80xi32, #tpu.memory_space<hbm>>
        tpu.enqueue_dma source(%dma_start3A_75 : memref<80xi32, #tpu.memory_space<hbm>>) target(%arg6 : memref<80xi32, #tpu.memory_space<vmem>>) target_semaphore(%run_scoped3A : memref<!tpu.dma_semaphore, #tpu.memory_space<semaphore_mem>>)
        %dma_wait3A_76 = tpu.memref_slice %arg3[%multiple_of3A_66] : memref<320000xi32, #tpu.memory_space<hbm>> -> memref<80xi32, #tpu.memory_space<hbm>>
        %dma_wait3A_77 = tpu.memref_slice %arg3[%multiple_of3A_66] : memref<320000xi32, #tpu.memory_space<hbm>> -> memref<80xi32, #tpu.memory_space<hbm>>
        tpu.wait_dma2 semaphore(%run_scoped3A : memref<!tpu.dma_semaphore, #tpu.memory_space<semaphore_mem>>) src(%dma_wait3A_77 : memref<80xi32, #tpu.memory_space<hbm>>) dst(%arg6 : memref<80xi32, #tpu.memory_space<vmem>>)
        tpu.yield
      }) : () -> ()
      "tpu.region"() ({
        %run_scoped3A = tpu.sem_alloc : memref<!tpu.dma_semaphore, #tpu.memory_space<semaphore_mem>>
        %dma_start3A_74 = tpu.memref_slice %arg4[%multiple_of3A_66] : memref<320000xi32, #tpu.memory_space<hbm>> -> memref<80xi32, #tpu.memory_space<hbm>>
        %dma_start3A_75 = tpu.memref_slice %arg4[%multiple_of3A_66] : memref<320000xi32, #tpu.memory_space<hbm>> -> memref<80xi32, #tpu.memory_space<hbm>>
        tpu.enqueue_dma source(%dma_start3A_75 : memref<80xi32, #tpu.memory_space<hbm>>) target(%arg7 : memref<80xi32, #tpu.memory_space<vmem>>) target_semaphore(%run_scoped3A : memref<!tpu.dma_semaphore, #tpu.memory_space<semaphore_mem>>)
        %dma_wait3A_76 = tpu.memref_slice %arg4[%multiple_of3A_66] : memref<320000xi32, #tpu.memory_space<hbm>> -> memref<80xi32, #tpu.memory_space<hbm>>
        %dma_wait3A_77 = tpu.memref_slice %arg4[%multiple_of3A_66] : memref<320000xi32, #tpu.memory_space<hbm>> -> memref<80xi32, #tpu.memory_space<hbm>>
        tpu.wait_dma2 semaphore(%run_scoped3A : memref<!tpu.dma_semaphore, #tpu.memory_space<semaphore_mem>>) src(%dma_wait3A_77 : memref<80xi32, #tpu.memory_space<hbm>>) dst(%arg7 : memref<80xi32, #tpu.memory_space<vmem>>)
        tpu.yield
      }) : () -> ()
      %dma_start3A_67 = arith.constant 0 : i32
      %dma_start3A_68 = arith.constant 0 : i32
      %dma_start3A_69 = tpu.memref_slice %arg2[%dma_start3A_67, %dma_start3A_68] : memref<10000x128xf32, #tpu.memory_space<hbm>> -> memref<10000x128xf32, #tpu.memory_space<hbm>>
      tpu.enqueue_indirect_dma source(%dma_start3A_69 : memref<10000x128xf32, #tpu.memory_space<hbm>>) target(%arg10 : memref<80x128xf32, #tpu.memory_space<vmem>>) offsets(%arg6 : memref<80xi32, #tpu.memory_space<vmem>>) semaphore(%arg13 : memref<!tpu.dma_semaphore, #tpu.memory_space<semaphore_mem>>)
      %dma_wait3A_70 = arith.constant 0 : i32
      %dma_wait3A_71 = arith.constant 0 : i32
      %dma_wait3A_72 = tpu.memref_slice %arg2[%dma_wait3A_70, %dma_wait3A_71] : memref<10000x128xf32, #tpu.memory_space<hbm>> -> memref<10000x128xf32, #tpu.memory_space<hbm>>
      tpu.wait_indirect_dma semaphore(%arg14 : memref<!tpu.dma_semaphore, #tpu.memory_space<semaphore_mem>>) src(%dma_wait3A_72 : memref<10000x128xf32, #tpu.memory_space<hbm>>) dst(%arg11 : memref<80x128xf32, #tpu.memory_space<vmem>>)
      "tpu.region"() ({
        %run_scoped3A = tpu.sem_alloc : memref<!tpu.dma_semaphore, #tpu.memory_space<semaphore_mem>>
        %dma_start3A_74 = arith.constant 0 : i32
        %dma_start3A_75 = arith.constant 0 : i32
        %dma_start3A_76 = tpu.memref_slice %arg12[%dma_start3A_74, %dma_start3A_75] : memref<10112x128xf32, #tpu.memory_space<vmem_shared>> -> memref<10112x128xf32, #tpu.memory_space<vmem_shared>>
        tpu.enqueue_indirect_dma source(%arg11 : memref<80x128xf32, #tpu.memory_space<vmem>>) target(%dma_start3A_76 : memref<10112x128xf32, #tpu.memory_space<vmem_shared>>) offsets(%arg9 : memref<80xi32, #tpu.memory_space<vmem>>) semaphore(%run_scoped3A : memref<!tpu.dma_semaphore, #tpu.memory_space<semaphore_mem>>) {add = true}
        %dma_wait3A_77 = arith.constant 0 : i32
        %dma_wait3A_78 = arith.constant 0 : i32
        %dma_wait3A_79 = tpu.memref_slice %arg12[%dma_wait3A_77, %dma_wait3A_78] : memref<10112x128xf32, #tpu.memory_space<vmem_shared>> -> memref<10112x128xf32, #tpu.memory_space<vmem_shared>>
        tpu.wait_indirect_dma semaphore(%run_scoped3A : memref<!tpu.dma_semaphore, #tpu.memory_space<semaphore_mem>>) src(%arg11 : memref<80x128xf32, #tpu.memory_space<vmem>>) dst(%dma_wait3A_79 : memref<10112x128xf32, #tpu.memory_space<vmem_shared>>)
        tpu.yield
      }) : () -> ()
      %scan3A_73 = arith.constant 0 : i32
      scf.yield %scan3A_73 : i32
    }
    %scan3A_30 = arith.constant 62 : i32
    %dma_wait3A = arith.constant 0 : i32
    %dma_wait3A_31 = arith.constant 0 : i32
    %dma_wait3A_32 = tpu.memref_slice %arg2[%dma_wait3A, %dma_wait3A_31] : memref<10000x128xf32, #tpu.memory_space<hbm>> -> memref<10000x128xf32, #tpu.memory_space<hbm>>
    tpu.wait_indirect_dma semaphore(%arg13 : memref<!tpu.dma_semaphore, #tpu.memory_space<semaphore_mem>>) src(%dma_wait3A_32 : memref<10000x128xf32, #tpu.memory_space<hbm>>) dst(%arg10 : memref<80x128xf32, #tpu.memory_space<vmem>>)
    "tpu.region"() ({
      %run_scoped3A = tpu.sem_alloc : memref<!tpu.dma_semaphore, #tpu.memory_space<semaphore_mem>>
      %dma_start3A_45 = arith.constant 0 : i32
      %dma_start3A_46 = arith.constant 0 : i32
      %dma_start3A_47 = tpu.memref_slice %arg12[%dma_start3A_45, %dma_start3A_46] : memref<10112x128xf32, #tpu.memory_space<vmem_shared>> -> memref<10112x128xf32, #tpu.memory_space<vmem_shared>>
      tpu.enqueue_indirect_dma source(%arg10 : memref<80x128xf32, #tpu.memory_space<vmem>>) target(%dma_start3A_47 : memref<10112x128xf32, #tpu.memory_space<vmem_shared>>) offsets(%arg7 : memref<80xi32, #tpu.memory_space<vmem>>) semaphore(%run_scoped3A : memref<!tpu.dma_semaphore, #tpu.memory_space<semaphore_mem>>) {add = true}
      %dma_wait3A_48 = arith.constant 0 : i32
      %dma_wait3A_49 = arith.constant 0 : i32
      %dma_wait3A_50 = tpu.memref_slice %arg12[%dma_wait3A_48, %dma_wait3A_49] : memref<10112x128xf32, #tpu.memory_space<vmem_shared>> -> memref<10112x128xf32, #tpu.memory_space<vmem_shared>>
      tpu.wait_indirect_dma semaphore(%run_scoped3A : memref<!tpu.dma_semaphore, #tpu.memory_space<semaphore_mem>>) src(%arg10 : memref<80x128xf32, #tpu.memory_space<vmem>>) dst(%dma_wait3A_50 : memref<10112x128xf32, #tpu.memory_space<vmem_shared>>)
      tpu.yield
    }) : () -> ()
    %barrier3A_33 = arith.constant 0 : index
    tpu.barrier barrier_id(%barrier3A_33)
    %scan3A_34 = arith.constant 0 : i32
    %scan3A_35 = arith.constant 0 : i32
    %scan3A_36 = arith.constant 7 : i32
    %scan3A_37 = arith.addi %scan3A_35, %scan3A_36 : i32
    %scan3A_38 = arith.constant 1 : i32
    %scan3A_39 = scf.for %scan3A_45 = %scan3A_35 to %scan3A_37 step %scan3A_38 iter_args(%scan3A_46 = %scan3A_34) -> (i32)  : i32 {
      %mul3A_47 = arith.constant 80 : i32
      %mul3A_48 = arith.muli %scan3A_45, %mul3A_47 : i32
      %add3A_49 = arith.addi %mul3A_8, %mul3A_48 : i32
      "tpu.region"() ({
        %run_scoped3A = tpu.sem_alloc : memref<!tpu.dma_semaphore, #tpu.memory_space<semaphore_mem>>
        %dma_start3A_54 = arith.constant 0 : i32
        %dma_start3A_55 = tpu.memref_slice %arg12[%add3A_49, %dma_start3A_54] : memref<10112x128xf32, #tpu.memory_space<vmem_shared>> -> memref<80x128xf32, #tpu.memory_space<vmem_shared>>
        %dma_start3A_56 = arith.constant 0 : i32
        %dma_start3A_57 = tpu.memref_slice %arg12[%add3A_49, %dma_start3A_56] : memref<10112x128xf32, #tpu.memory_space<vmem_shared>> -> memref<80x128xf32, #tpu.memory_space<vmem_shared>>
        tpu.enqueue_dma source(%dma_start3A_57 : memref<80x128xf32, #tpu.memory_space<vmem_shared>>) target(%arg10 : memref<80x128xf32, #tpu.memory_space<vmem>>) target_semaphore(%run_scoped3A : memref<!tpu.dma_semaphore, #tpu.memory_space<semaphore_mem>>)
        %dma_wait3A_58 = arith.constant 0 : i32
        %dma_wait3A_59 = tpu.memref_slice %arg12[%add3A_49, %dma_wait3A_58] : memref<10112x128xf32, #tpu.memory_space<vmem_shared>> -> memref<80x128xf32, #tpu.memory_space<vmem_shared>>
        %dma_wait3A_60 = arith.constant 0 : i32
        %dma_wait3A_61 = tpu.memref_slice %arg12[%add3A_49, %dma_wait3A_60] : memref<10112x128xf32, #tpu.memory_space<vmem_shared>> -> memref<80x128xf32, #tpu.memory_space<vmem_shared>>
        tpu.wait_dma2 semaphore(%run_scoped3A : memref<!tpu.dma_semaphore, #tpu.memory_space<semaphore_mem>>) src(%dma_wait3A_61 : memref<80x128xf32, #tpu.memory_space<vmem_shared>>) dst(%arg10 : memref<80x128xf32, #tpu.memory_space<vmem>>)
        tpu.yield
      }) : () -> ()
      %mul3A_50 = arith.constant 80 : i32
      %mul3A_51 = arith.muli %scan3A_45, %mul3A_50 : i32
      %add3A_52 = arith.addi %mul3A_8, %mul3A_51 : i32
      "tpu.region"() ({
        %run_scoped3A = tpu.sem_alloc : memref<!tpu.dma_semaphore, #tpu.memory_space<semaphore_mem>>
        %dma_start3A_54 = arith.constant 0 : i32
        %dma_start3A_55 = tpu.memref_slice %arg5[%arg0, %add3A_52, %dma_start3A_54] : memref<2x10112x128xf32, #tpu.memory_space<hbm>> -> memref<1x80x128xf32, #tpu.memory_space<hbm>>
        %dma_start3A_56 = tpu.memref_squeeze %dma_start3A_55 : memref<1x80x128xf32, #tpu.memory_space<hbm>> -> memref<80x128xf32, #tpu.memory_space<hbm>>
        %dma_start3A_57 = arith.constant 0 : i32
        %dma_start3A_58 = tpu.memref_slice %arg5[%arg0, %add3A_52, %dma_start3A_57] : memref<2x10112x128xf32, #tpu.memory_space<hbm>> -> memref<1x80x128xf32, #tpu.memory_space<hbm>>
        %dma_start3A_59 = tpu.memref_squeeze %dma_start3A_58 : memref<1x80x128xf32, #tpu.memory_space<hbm>> -> memref<80x128xf32, #tpu.memory_space<hbm>>
        tpu.enqueue_dma source(%arg10 : memref<80x128xf32, #tpu.memory_space<vmem>>) target(%dma_start3A_59 : memref<80x128xf32, #tpu.memory_space<hbm>>) target_semaphore(%run_scoped3A : memref<!tpu.dma_semaphore, #tpu.memory_space<semaphore_mem>>)
        %dma_wait3A_60 = arith.constant 0 : i32
        %dma_wait3A_61 = tpu.memref_slice %arg5[%arg0, %add3A_52, %dma_wait3A_60] : memref<2x10112x128xf32, #tpu.memory_space<hbm>> -> memref<1x80x128xf32, #tpu.memory_space<hbm>>
        %dma_wait3A_62 = tpu.memref_squeeze %dma_wait3A_61 : memref<1x80x128xf32, #tpu.memory_space<hbm>> -> memref<80x128xf32, #tpu.memory_space<hbm>>
        %dma_wait3A_63 = arith.constant 0 : i32
        %dma_wait3A_64 = tpu.memref_slice %arg5[%arg0, %add3A_52, %dma_wait3A_63] : memref<2x10112x128xf32, #tpu.memory_space<hbm>> -> memref<1x80x128xf32, #tpu.memory_space<hbm>>
        %dma_wait3A_65 = tpu.memref_squeeze %dma_wait3A_64 : memref<1x80x128xf32, #tpu.memory_space<hbm>> -> memref<80x128xf32, #tpu.memory_space<hbm>>
        tpu.wait_dma2 semaphore(%run_scoped3A : memref<!tpu.dma_semaphore, #tpu.memory_space<semaphore_mem>>) src(%arg10 : memref<80x128xf32, #tpu.memory_space<vmem>>) dst(%dma_wait3A_65 : memref<80x128xf32, #tpu.memory_space<hbm>>)
        tpu.yield
      }) : () -> ()
      %scan3A_53 = arith.constant 0 : i32
      scf.yield %scan3A_53 : i32
    }
    %scan3A_40 = arith.constant 7 : i32
    %add3A_41 = arith.constant 560 : i32
    %add3A_42 = arith.addi %mul3A_8, %add3A_41 : i32
    "tpu.region"() ({
      %run_scoped3A = tpu.sem_alloc : memref<!tpu.dma_semaphore, #tpu.memory_space<semaphore_mem>>
      %dma_start3A_45 = arith.constant 0 : i32
      %dma_start3A_46 = arith.constant 0 : i32
      %dma_start3A_47 = tpu.memref_slice %arg10[%dma_start3A_45, %dma_start3A_46] : memref<80x128xf32, #tpu.memory_space<vmem>> -> memref<72x128xf32, #tpu.memory_space<vmem>>
      %dma_start3A_48 = arith.constant 0 : i32
      %dma_start3A_49 = tpu.memref_slice %arg12[%add3A_42, %dma_start3A_48] : memref<10112x128xf32, #tpu.memory_space<vmem_shared>> -> memref<72x128xf32, #tpu.memory_space<vmem_shared>>
      %dma_start3A_50 = arith.constant 0 : i32
      %dma_start3A_51 = arith.constant 0 : i32
      %dma_start3A_52 = tpu.memref_slice %arg10[%dma_start3A_50, %dma_start3A_51] : memref<80x128xf32, #tpu.memory_space<vmem>> -> memref<72x128xf32, #tpu.memory_space<vmem>>
      %dma_start3A_53 = arith.constant 0 : i32
      %dma_start3A_54 = tpu.memref_slice %arg12[%add3A_42, %dma_start3A_53] : memref<10112x128xf32, #tpu.memory_space<vmem_shared>> -> memref<72x128xf32, #tpu.memory_space<vmem_shared>>
      tpu.enqueue_dma source(%dma_start3A_54 : memref<72x128xf32, #tpu.memory_space<vmem_shared>>) target(%dma_start3A_52 : memref<72x128xf32, #tpu.memory_space<vmem>>) target_semaphore(%run_scoped3A : memref<!tpu.dma_semaphore, #tpu.memory_space<semaphore_mem>>)
      %dma_wait3A_55 = arith.constant 0 : i32
      %dma_wait3A_56 = arith.constant 0 : i32
      %dma_wait3A_57 = tpu.memref_slice %arg10[%dma_wait3A_55, %dma_wait3A_56] : memref<80x128xf32, #tpu.memory_space<vmem>> -> memref<72x128xf32, #tpu.memory_space<vmem>>
      %dma_wait3A_58 = arith.constant 0 : i32
      %dma_wait3A_59 = tpu.memref_slice %arg12[%add3A_42, %dma_wait3A_58] : memref<10112x128xf32, #tpu.memory_space<vmem_shared>> -> memref<72x128xf32, #tpu.memory_space<vmem_shared>>
      %dma_wait3A_60 = arith.constant 0 : i32
      %dma_wait3A_61 = arith.constant 0 : i32
      %dma_wait3A_62 = tpu.memref_slice %arg10[%dma_wait3A_60, %dma_wait3A_61] : memref<80x128xf32, #tpu.memory_space<vmem>> -> memref<72x128xf32, #tpu.memory_space<vmem>>
      %dma_wait3A_63 = arith.constant 0 : i32
      %dma_wait3A_64 = tpu.memref_slice %arg12[%add3A_42, %dma_wait3A_63] : memref<10112x128xf32, #tpu.memory_space<vmem_shared>> -> memref<72x128xf32, #tpu.memory_space<vmem_shared>>
      tpu.wait_dma2 semaphore(%run_scoped3A : memref<!tpu.dma_semaphore, #tpu.memory_space<semaphore_mem>>) src(%dma_wait3A_64 : memref<72x128xf32, #tpu.memory_space<vmem_shared>>) dst(%dma_wait3A_62 : memref<72x128xf32, #tpu.memory_space<vmem>>)
      tpu.yield
    }) : () -> ()
    %add3A_43 = arith.constant 560 : i32
    %add3A_44 = arith.addi %mul3A_8, %add3A_43 : i32
    "tpu.region"() ({
      %run_scoped3A = tpu.sem_alloc : memref<!tpu.dma_semaphore, #tpu.memory_space<semaphore_mem>>
      %dma_start3A_45 = arith.constant 0 : i32
      %dma_start3A_46 = arith.constant 0 : i32
      %dma_start3A_47 = tpu.memref_slice %arg10[%dma_start3A_45, %dma_start3A_46] : memref<80x128xf32, #tpu.memory_space<vmem>> -> memref<72x128xf32, #tpu.memory_space<vmem>>
      %dma_start3A_48 = arith.constant 0 : i32
      %dma_start3A_49 = tpu.memref_slice %arg5[%arg0, %add3A_44, %dma_start3A_48] : memref<2x10112x128xf32, #tpu.memory_space<hbm>> -> memref<1x72x128xf32, #tpu.memory_space<hbm>>
      %dma_start3A_50 = tpu.memref_squeeze %dma_start3A_49 : memref<1x72x128xf32, #tpu.memory_space<hbm>> -> memref<72x128xf32, #tpu.memory_space<hbm>>
      %dma_start3A_51 = arith.constant 0 : i32
      %dma_start3A_52 = tpu.memref_slice %arg5[%arg0, %add3A_44, %dma_start3A_51] : memref<2x10112x128xf32, #tpu.memory_space<hbm>> -> memref<1x72x128xf32, #tpu.memory_space<hbm>>
      %dma_start3A_53 = tpu.memref_squeeze %dma_start3A_52 : memref<1x72x128xf32, #tpu.memory_space<hbm>> -> memref<72x128xf32, #tpu.memory_space<hbm>>
      %dma_start3A_54 = arith.constant 0 : i32
      %dma_start3A_55 = arith.constant 0 : i32
      %dma_start3A_56 = tpu.memref_slice %arg10[%dma_start3A_54, %dma_start3A_55] : memref<80x128xf32, #tpu.memory_space<vmem>> -> memref<72x128xf32, #tpu.memory_space<vmem>>
      tpu.enqueue_dma source(%dma_start3A_56 : memref<72x128xf32, #tpu.memory_space<vmem>>) target(%dma_start3A_53 : memref<72x128xf32, #tpu.memory_space<hbm>>) target_semaphore(%run_scoped3A : memref<!tpu.dma_semaphore, #tpu.memory_space<semaphore_mem>>)
      %dma_wait3A_57 = arith.constant 0 : i32
      %dma_wait3A_58 = arith.constant 0 : i32
      %dma_wait3A_59 = tpu.memref_slice %arg10[%dma_wait3A_57, %dma_wait3A_58] : memref<80x128xf32, #tpu.memory_space<vmem>> -> memref<72x128xf32, #tpu.memory_space<vmem>>
      %dma_wait3A_60 = arith.constant 0 : i32
      %dma_wait3A_61 = tpu.memref_slice %arg5[%arg0, %add3A_44, %dma_wait3A_60] : memref<2x10112x128xf32, #tpu.memory_space<hbm>> -> memref<1x72x128xf32, #tpu.memory_space<hbm>>
      %dma_wait3A_62 = tpu.memref_squeeze %dma_wait3A_61 : memref<1x72x128xf32, #tpu.memory_space<hbm>> -> memref<72x128xf32, #tpu.memory_space<hbm>>
      %dma_wait3A_63 = arith.constant 0 : i32
      %dma_wait3A_64 = tpu.memref_slice %arg5[%arg0, %add3A_44, %dma_wait3A_63] : memref<2x10112x128xf32, #tpu.memory_space<hbm>> -> memref<1x72x128xf32, #tpu.memory_space<hbm>>
      %dma_wait3A_65 = tpu.memref_squeeze %dma_wait3A_64 : memref<1x72x128xf32, #tpu.memory_space<hbm>> -> memref<72x128xf32, #tpu.memory_space<hbm>>
      %dma_wait3A_66 = arith.constant 0 : i32
      %dma_wait3A_67 = arith.constant 0 : i32
      %dma_wait3A_68 = tpu.memref_slice %arg10[%dma_wait3A_66, %dma_wait3A_67] : memref<80x128xf32, #tpu.memory_space<vmem>> -> memref<72x128xf32, #tpu.memory_space<vmem>>
      tpu.wait_dma2 semaphore(%run_scoped3A : memref<!tpu.dma_semaphore, #tpu.memory_space<semaphore_mem>>) src(%dma_wait3A_68 : memref<72x128xf32, #tpu.memory_space<vmem>>) dst(%dma_wait3A_65 : memref<72x128xf32, #tpu.memory_space<hbm>>)
      tpu.yield
    }) : () -> ()
    return
  }
}

module attributes {stable_mosaic.version = 14 : i64} {
  func.func @_add_body(%arg0: i32, %arg1: memref<1000x128xf32, #tpu.memory_space<vmem>>, %arg2: memref<1000x128xf32, #tpu.memory_space<vmem>>, %arg3: memref<1000x128xf32, #tpu.memory_space<vmem>>) attributes {dimension_semantics = [#tpu.dimension_semantics<arbitrary>], iteration_bounds = array<i64: 10>, scalar_prefetch = 0 : i64, scratch_operands = 0 : i64, tpu.core_type = #tpu.core_type<tc>, window_params = [{transform_indices = @transform_0, window_bounds = array<i64: 1000, 128>}, {transform_indices = @transform_1, window_bounds = array<i64: 1000, 128>}, {transform_indices = @transform_2, window_bounds = array<i64: 1000, 128>}]} {
    %get3A = arith.constant 0 : index
    %get3A_0 = arith.constant 0 : index
    %get3A_1 = vector.load %arg1[%get3A, %get3A_0] : memref<1000x128xf32, #tpu.memory_space<vmem>>, vector<1000x128xf32>
    %get3A_2 = arith.constant 0 : index
    %get3A_3 = arith.constant 0 : index
    %get3A_4 = vector.load %arg2[%get3A_2, %get3A_3] : memref<1000x128xf32, #tpu.memory_space<vmem>>, vector<1000x128xf32>
    %add3A = arith.addf %get3A_1, %get3A_4 : vector<1000x128xf32>
    %swap3A = arith.constant 0 : index
    %swap3A_5 = arith.constant 0 : index
    %swap3A_6 = vector.load %arg3[%swap3A, %swap3A_5] : memref<1000x128xf32, #tpu.memory_space<vmem>>, vector<1000x128xf32>
    tpu.vector_store %arg3[%swap3A, %swap3A_5], %add3A {strides = array<i32>} : memref<1000x128xf32, #tpu.memory_space<vmem>>, vector<1000x128xf32>,
    return
  }
  func.func @transform_0(%arg0: i32) -> (i32, i32) {
    %c0_i32 = arith.constant 0 : i32
    %c0_i32_0 = arith.constant 0 : i32
    return %arg0, %c0_i32 : i32, i32
  }
  func.func @transform_1(%arg0: i32) -> (i32, i32) {
    %c0_i32 = arith.constant 0 : i32
    %c0_i32_0 = arith.constant 0 : i32
    return %arg0, %c0_i32 : i32, i32
  }
  func.func @transform_2(%arg0: i32) -> (i32, i32) {
    %c0_i32 = arith.constant 0 : i32
    %c0_i32_0 = arith.constant 0 : i32
    return %arg0, %c0_i32 : i32, i32
  }
}

module attributes {stable_mosaic.version = 14 : i64} {
  func.func @_l1_body(%arg0: i32, %arg1: memref<1000x128xf32, #tpu.memory_space<vmem>>, %arg2: memref<1000x128xf32, #tpu.memory_space<vmem>>, %arg3: memref<1000x128xf32, #tpu.memory_space<vmem>>, %arg4: memref<1000x128xf32, #tpu.memory_space<vmem>>, %arg5: memref<1000x128xf32, #tpu.memory_space<vmem>>, %arg6: memref<1000x1xf32, #tpu.memory_space<vmem>>, %arg7: memref<129x128xf32, #tpu.memory_space<vmem>>, %arg8: memref<1x128xf32, #tpu.memory_space<vmem>>, %arg9: memref<1000x128xf32, #tpu.memory_space<vmem>>) attributes {dimension_semantics = [#tpu.dimension_semantics<arbitrary>], iteration_bounds = array<i64: 10>, scalar_prefetch = 0 : i64, scratch_operands = 0 : i64, tpu.core_type = #tpu.core_type<tc>, window_params = [{transform_indices = @transform_0, window_bounds = array<i64: 1000, 128>}, {transform_indices = @transform_1, window_bounds = array<i64: 1000, 128>}, {transform_indices = @transform_2, window_bounds = array<i64: 1000, 128>}, {transform_indices = @transform_3, window_bounds = array<i64: 1000, 128>}, {transform_indices = @transform_4, window_bounds = array<i64: 1000, 128>}, {transform_indices = @transform_5, window_bounds = array<i64: 1000, 1>}, {pipeline_mode = #tpu.pipeline_mode<synchronous>, transform_indices = @transform_6, window_bounds = array<i64: 129, 128>}, {pipeline_mode = #tpu.pipeline_mode<synchronous>, transform_indices = @transform_7, window_bounds = array<i64: 1, 128>}, {transform_indices = @transform_8, window_bounds = array<i64: 1000, 128>}]} {
    %get3A = arith.constant 0 : index
    %get3A_0 = arith.constant 0 : index
    %get3A_1 = vector.load %arg6[%get3A, %get3A_0] : memref<1000x1xf32, #tpu.memory_space<vmem>>, vector<1000x1xf32>
    %gt3A = arith.constant 0.000000e+00 : f32
    %gt3A_2 = vector.broadcast %gt3A : f32 to vector<1000x1xf32>
    %gt3A_3 = arith.cmpf ogt, %get3A_1, %gt3A_2 : vector<1000x1xf32>
    %max3A = arith.constant 1.000000e+00 : f32
    %max3A_4 = vector.broadcast %max3A : f32 to vector<1000x1xf32>
    %max3A_5 = arith.maximumf %get3A_1, %max3A_4 : vector<1000x1xf32>
    %get3A_6 = arith.constant 0 : index
    %get3A_7 = arith.constant 0 : index
    %get3A_8 = vector.load %arg4[%get3A_6, %get3A_7] : memref<1000x128xf32, #tpu.memory_space<vmem>>, vector<1000x128xf32>
    %get3A_9 = arith.constant 0 : index
    %get3A_10 = arith.constant 0 : index
    %get3A_11 = vector.load %arg5[%get3A_9, %get3A_10] : memref<1000x128xf32, #tpu.memory_space<vmem>>, vector<1000x128xf32>
    %add3A = arith.addf %get3A_8, %get3A_11 : vector<1000x128xf32>
    %slice3A = vector.extract_strided_slice %add3A {offsets = [0, 0], sizes = [1000, 1], strides = [1, 1]} : vector<1000x128xf32> to vector<1000x1xf32>
    %div3A = arith.divf %slice3A, %max3A_5 : vector<1000x1xf32>
    %select_n3A = arith.select %gt3A_3, %div3A, %get3A_1 : vector<1000x1xi1>, vector<1000x1xf32>
    %get3A_12 = arith.constant 0 : index
    %get3A_13 = arith.constant 0 : index
    %get3A_14 = vector.load %arg2[%get3A_12, %get3A_13] : memref<1000x128xf32, #tpu.memory_space<vmem>>, vector<1000x128xf32>
    %get3A_15 = arith.constant 0 : index
    %get3A_16 = arith.constant 0 : index
    %get3A_17 = vector.load %arg3[%get3A_15, %get3A_16] : memref<1000x128xf32, #tpu.memory_space<vmem>>, vector<1000x128xf32>
    %add3A_18 = arith.addf %get3A_14, %get3A_17 : vector<1000x128xf32>
    %div3A_19 = vector.broadcast %max3A_5 : vector<1000x1xf32> to vector<1000x128xf32>
    %div3A_20 = arith.divf %add3A_18, %div3A_19 : vector<1000x128xf32>
    %get3A_21 = arith.constant 0 : index
    %get3A_22 = arith.constant 0 : index
    %get3A_23 = vector.load %arg1[%get3A_21, %get3A_22] : memref<1000x128xf32, #tpu.memory_space<vmem>>, vector<1000x128xf32>
    %broadcast_in_dim3A = vector.shape_cast %gt3A_3 : vector<1000x1xi1> to vector<1000x1xi1>
    %broadcast_in_dim3A_24 = vector.broadcast %broadcast_in_dim3A : vector<1000x1xi1> to vector<1000x128xi1>
    %select_n3A_25 = arith.select %broadcast_in_dim3A_24, %div3A_20, %get3A_23 : vector<1000x128xi1>, vector<1000x128xf32>
    %concatenate3A = tpu.concatenate %select_n3A, %select_n3A_25 in 1 : vector<1000x1xf32>, vector<1000x128xf32> -> vector<1000x129xf32>
    %get3A_26 = arith.constant 0 : index
    %get3A_27 = arith.constant 0 : index
    %get3A_28 = vector.load %arg7[%get3A_26, %get3A_27] : memref<129x128xf32, #tpu.memory_space<vmem>>, vector<129x128xf32>
    %dot_general3A = arith.constant dense<0.000000e+00> : vector<1000x128xf32>
    %dot_general3A_29 = tpu.matmul %concatenate3A, %get3A_28, %dot_general3A {dimension_numbers = #tpu.dot_dimension_numbers<[1], [0], [0], [1], [0, 0, 1, 1], [], []>, transpose_lhs_hint = false} : vector<1000x129xf32>, vector<129x128xf32>, vector<1000x128xf32> -> vector<1000x128xf32>
    %get3A_30 = arith.constant 0 : index
    %get3A_31 = arith.constant 0 : index
    %get3A_32 = vector.load %arg8[%get3A_30, %get3A_31] : memref<1x128xf32, #tpu.memory_space<vmem>>, vector<1x128xf32>
    %add3A_33 = vector.broadcast %get3A_32 : vector<1x128xf32> to vector<1000x128xf32>
    %add3A_34 = arith.addf %dot_general3A_29, %add3A_33 : vector<1000x128xf32>
    %max3A_35 = arith.constant 0.000000e+00 : f32
    %max3A_36 = vector.broadcast %max3A_35 : f32 to vector<1000x128xf32>
    %max3A_37 = arith.maximumf %add3A_34, %max3A_36 : vector<1000x128xf32>
    %swap3A = arith.constant 0 : index
    %swap3A_38 = arith.constant 0 : index
    %swap3A_39 = vector.load %arg9[%swap3A, %swap3A_38] : memref<1000x128xf32, #tpu.memory_space<vmem>>, vector<1000x128xf32>
    tpu.vector_store %arg9[%swap3A, %swap3A_38], %max3A_37 {strides = array<i32>} : memref<1000x128xf32, #tpu.memory_space<vmem>>, vector<1000x128xf32>,
    return
  }
  func.func @transform_0(%arg0: i32) -> (i32, i32) {
    %c0_i32 = arith.constant 0 : i32
    %c0_i32_0 = arith.constant 0 : i32
    return %arg0, %c0_i32 : i32, i32
  }
  func.func @transform_1(%arg0: i32) -> (i32, i32) {
    %c0_i32 = arith.constant 0 : i32
    %c0_i32_0 = arith.constant 0 : i32
    return %arg0, %c0_i32 : i32, i32
  }
  func.func @transform_2(%arg0: i32) -> (i32, i32) {
    %c0_i32 = arith.constant 0 : i32
    %c0_i32_0 = arith.constant 0 : i32
    return %arg0, %c0_i32 : i32, i32
  }
  func.func @transform_3(%arg0: i32) -> (i32, i32) {
    %c0_i32 = arith.constant 0 : i32
    %c0_i32_0 = arith.constant 0 : i32
    return %arg0, %c0_i32 : i32, i32
  }
  func.func @transform_4(%arg0: i32) -> (i32, i32) {
    %c0_i32 = arith.constant 0 : i32
    %c0_i32_0 = arith.constant 0 : i32
    return %arg0, %c0_i32 : i32, i32
  }
  func.func @transform_5(%arg0: i32) -> (i32, i32) {
    %c0_i32 = arith.constant 0 : i32
    %c0_i32_0 = arith.constant 0 : i32
    return %arg0, %c0_i32 : i32, i32
  }
  func.func @transform_6(%arg0: i32) -> (i32, i32) {
    %c0_i32 = arith.constant 0 : i32
    %c0_i32_0 = arith.constant 0 : i32
    %c0_i32_1 = arith.constant 0 : i32
    return %c0_i32, %c0_i32_0 : i32, i32
  }
  func.func @transform_7(%arg0: i32) -> (i32, i32) {
    %c0_i32 = arith.constant 0 : i32
    %c0_i32_0 = arith.constant 0 : i32
    %c0_i32_1 = arith.constant 0 : i32
    return %c0_i32, %c0_i32_0 : i32, i32
  }
  func.func @transform_8(%arg0: i32) -> (i32, i32) {
    %c0_i32 = arith.constant 0 : i32
    %c0_i32_0 = arith.constant 0 : i32
    return %arg0, %c0_i32 : i32, i32
  }
}

module attributes {stable_mosaic.version = 14 : i64} {
  func.func @_mid_body(%arg0: i32, %arg1: memref<1000x128xf32, #tpu.memory_space<vmem>>, %arg2: memref<1000x128xf32, #tpu.memory_space<vmem>>, %arg3: memref<1000x128xf32, #tpu.memory_space<vmem>>, %arg4: memref<1000x1xf32, #tpu.memory_space<vmem>>, %arg5: memref<1x128xf32, #tpu.memory_space<vmem>>, %arg6: memref<128x128xf32, #tpu.memory_space<vmem>>, %arg7: memref<1000x128xf32, #tpu.memory_space<vmem>>) attributes {dimension_semantics = [#tpu.dimension_semantics<arbitrary>], iteration_bounds = array<i64: 10>, scalar_prefetch = 0 : i64, scratch_operands = 0 : i64, tpu.core_type = #tpu.core_type<tc>, window_params = [{transform_indices = @transform_0, window_bounds = array<i64: 1000, 128>}, {transform_indices = @transform_1, window_bounds = array<i64: 1000, 128>}, {transform_indices = @transform_2, window_bounds = array<i64: 1000, 128>}, {transform_indices = @transform_3, window_bounds = array<i64: 1000, 1>}, {pipeline_mode = #tpu.pipeline_mode<synchronous>, transform_indices = @transform_4, window_bounds = array<i64: 1, 128>}, {pipeline_mode = #tpu.pipeline_mode<synchronous>, transform_indices = @transform_5, window_bounds = array<i64: 128, 128>}, {transform_indices = @transform_6, window_bounds = array<i64: 1000, 128>}]} {
    %get3A = arith.constant 0 : index
    %get3A_0 = arith.constant 0 : index
    %get3A_1 = vector.load %arg4[%get3A, %get3A_0] : memref<1000x1xf32, #tpu.memory_space<vmem>>, vector<1000x1xf32>
    %get3A_2 = arith.constant 0 : index
    %get3A_3 = arith.constant 0 : index
    %get3A_4 = vector.load %arg2[%get3A_2, %get3A_3] : memref<1000x128xf32, #tpu.memory_space<vmem>>, vector<1000x128xf32>
    %get3A_5 = arith.constant 0 : index
    %get3A_6 = arith.constant 0 : index
    %get3A_7 = vector.load %arg3[%get3A_5, %get3A_6] : memref<1000x128xf32, #tpu.memory_space<vmem>>, vector<1000x128xf32>
    %add3A = arith.addf %get3A_4, %get3A_7 : vector<1000x128xf32>
    %max3A = arith.constant 1.000000e+00 : f32
    %max3A_8 = vector.broadcast %max3A : f32 to vector<1000x1xf32>
    %max3A_9 = arith.maximumf %get3A_1, %max3A_8 : vector<1000x1xf32>
    %div3A = vector.broadcast %max3A_9 : vector<1000x1xf32> to vector<1000x128xf32>
    %div3A_10 = arith.divf %add3A, %div3A : vector<1000x128xf32>
    %gt3A = arith.constant 0.000000e+00 : f32
    %gt3A_11 = vector.broadcast %gt3A : f32 to vector<1000x1xf32>
    %gt3A_12 = arith.cmpf ogt, %get3A_1, %gt3A_11 : vector<1000x1xf32>
    %get3A_13 = arith.constant 0 : index
    %get3A_14 = arith.constant 0 : index
    %get3A_15 = vector.load %arg1[%get3A_13, %get3A_14] : memref<1000x128xf32, #tpu.memory_space<vmem>>, vector<1000x128xf32>
    %broadcast_in_dim3A = vector.shape_cast %gt3A_12 : vector<1000x1xi1> to vector<1000x1xi1>
    %broadcast_in_dim3A_16 = vector.broadcast %broadcast_in_dim3A : vector<1000x1xi1> to vector<1000x128xi1>
    %select_n3A = arith.select %broadcast_in_dim3A_16, %div3A_10, %get3A_15 : vector<1000x128xi1>, vector<1000x128xf32>
    %get3A_17 = arith.constant 0 : index
    %get3A_18 = arith.constant 0 : index
    %get3A_19 = vector.load %arg6[%get3A_17, %get3A_18] : memref<128x128xf32, #tpu.memory_space<vmem>>, vector<128x128xf32>
    %dot_general3A = arith.constant dense<0.000000e+00> : vector<1000x128xf32>
    %dot_general3A_20 = tpu.matmul %select_n3A, %get3A_19, %dot_general3A {dimension_numbers = #tpu.dot_dimension_numbers<[1], [0], [0], [1], [0, 0, 1, 1], [], []>, transpose_lhs_hint = false} : vector<1000x128xf32>, vector<128x128xf32>, vector<1000x128xf32> -> vector<1000x128xf32>
    %get3A_21 = arith.constant 0 : index
    %get3A_22 = arith.constant 0 : index
    %get3A_23 = vector.load %arg5[%get3A_21, %get3A_22] : memref<1x128xf32, #tpu.memory_space<vmem>>, vector<1x128xf32>
    %add3A_24 = vector.broadcast %get3A_23 : vector<1x128xf32> to vector<1000x128xf32>
    %add3A_25 = arith.addf %dot_general3A_20, %add3A_24 : vector<1000x128xf32>
    %max3A_26 = arith.constant 0.000000e+00 : f32
    %max3A_27 = vector.broadcast %max3A_26 : f32 to vector<1000x128xf32>
    %max3A_28 = arith.maximumf %add3A_25, %max3A_27 : vector<1000x128xf32>
    %swap3A = arith.constant 0 : index
    %swap3A_29 = arith.constant 0 : index
    %swap3A_30 = vector.load %arg7[%swap3A, %swap3A_29] : memref<1000x128xf32, #tpu.memory_space<vmem>>, vector<1000x128xf32>
    tpu.vector_store %arg7[%swap3A, %swap3A_29], %max3A_28 {strides = array<i32>} : memref<1000x128xf32, #tpu.memory_space<vmem>>, vector<1000x128xf32>,
    return
  }
  func.func @transform_0(%arg0: i32) -> (i32, i32) {
    %c0_i32 = arith.constant 0 : i32
    %c0_i32_0 = arith.constant 0 : i32
    return %arg0, %c0_i32 : i32, i32
  }
  func.func @transform_1(%arg0: i32) -> (i32, i32) {
    %c0_i32 = arith.constant 0 : i32
    %c0_i32_0 = arith.constant 0 : i32
    return %arg0, %c0_i32 : i32, i32
  }
  func.func @transform_2(%arg0: i32) -> (i32, i32) {
    %c0_i32 = arith.constant 0 : i32
    %c0_i32_0 = arith.constant 0 : i32
    return %arg0, %c0_i32 : i32, i32
  }
  func.func @transform_3(%arg0: i32) -> (i32, i32) {
    %c0_i32 = arith.constant 0 : i32
    %c0_i32_0 = arith.constant 0 : i32
    return %arg0, %c0_i32 : i32, i32
  }
  func.func @transform_4(%arg0: i32) -> (i32, i32) {
    %c0_i32 = arith.constant 0 : i32
    %c0_i32_0 = arith.constant 0 : i32
    %c0_i32_1 = arith.constant 0 : i32
    return %c0_i32, %c0_i32_0 : i32, i32
  }
  func.func @transform_5(%arg0: i32) -> (i32, i32) {
    %c0_i32 = arith.constant 0 : i32
    %c0_i32_0 = arith.constant 0 : i32
    %c0_i32_1 = arith.constant 0 : i32
    return %c0_i32, %c0_i32_0 : i32, i32
  }
  func.func @transform_6(%arg0: i32) -> (i32, i32) {
    %c0_i32 = arith.constant 0 : i32
    %c0_i32_0 = arith.constant 0 : i32
    return %arg0, %c0_i32 : i32, i32
  }
}

module attributes {stable_mosaic.version = 14 : i64} {
  func.func @_final_body(%arg0: i32, %arg1: memref<1000x128xf32, #tpu.memory_space<vmem>>, %arg2: memref<1000x128xf32, #tpu.memory_space<vmem>>, %arg3: memref<1000x128xf32, #tpu.memory_space<vmem>>, %arg4: memref<1000x1xf32, #tpu.memory_space<vmem>>, %arg5: memref<1x128xf32, #tpu.memory_space<vmem>>, %arg6: memref<128x128xf32, #tpu.memory_space<vmem>>, %arg7: memref<128x128xf32, #tpu.memory_space<vmem>>, %arg8: memref<1x128xf32, #tpu.memory_space<vmem>>, %arg9: memref<128x1xf32, #tpu.memory_space<vmem>>, %arg10: memref<1x1xf32, #tpu.memory_space<vmem>>, %arg11: memref<1x1xf32, #tpu.memory_space<vmem>>, %arg12: memref<1x128xf32, #tpu.memory_space<vmem>>) attributes {dimension_semantics = [#tpu.dimension_semantics<arbitrary>], iteration_bounds = array<i64: 10>, scalar_prefetch = 0 : i64, scratch_operands = 1 : i64, tpu.core_type = #tpu.core_type<tc>, window_params = [{transform_indices = @transform_0, window_bounds = array<i64: 1000, 128>}, {transform_indices = @transform_1, window_bounds = array<i64: 1000, 128>}, {transform_indices = @transform_2, window_bounds = array<i64: 1000, 128>}, {transform_indices = @transform_3, window_bounds = array<i64: 1000, 1>}, {pipeline_mode = #tpu.pipeline_mode<synchronous>, transform_indices = @transform_4, window_bounds = array<i64: 1, 128>}, {pipeline_mode = #tpu.pipeline_mode<synchronous>, transform_indices = @transform_5, window_bounds = array<i64: 128, 128>}, {pipeline_mode = #tpu.pipeline_mode<synchronous>, transform_indices = @transform_6, window_bounds = array<i64: 128, 128>}, {pipeline_mode = #tpu.pipeline_mode<synchronous>, transform_indices = @transform_7, window_bounds = array<i64: 1, 128>}, {pipeline_mode = #tpu.pipeline_mode<synchronous>, transform_indices = @transform_8, window_bounds = array<i64: 128, 1>}, {pipeline_mode = #tpu.pipeline_mode<synchronous>, transform_indices = @transform_9, window_bounds = array<i64: 1, 1>}, {pipeline_mode = #tpu.pipeline_mode<synchronous>, transform_indices = @transform_10, window_bounds = array<i64: 1, 1>}]} {
    %get3A = arith.constant 0 : index
    %get3A_0 = arith.constant 0 : index
    %get3A_1 = vector.load %arg4[%get3A, %get3A_0] : memref<1000x1xf32, #tpu.memory_space<vmem>>, vector<1000x1xf32>
    %get3A_2 = arith.constant 0 : index
    %get3A_3 = arith.constant 0 : index
    %get3A_4 = vector.load %arg2[%get3A_2, %get3A_3] : memref<1000x128xf32, #tpu.memory_space<vmem>>, vector<1000x128xf32>
    %get3A_5 = arith.constant 0 : index
    %get3A_6 = arith.constant 0 : index
    %get3A_7 = vector.load %arg3[%get3A_5, %get3A_6] : memref<1000x128xf32, #tpu.memory_space<vmem>>, vector<1000x128xf32>
    %add3A = arith.addf %get3A_4, %get3A_7 : vector<1000x128xf32>
    %max3A = arith.constant 1.000000e+00 : f32
    %max3A_8 = vector.broadcast %max3A : f32 to vector<1000x1xf32>
    %max3A_9 = arith.maximumf %get3A_1, %max3A_8 : vector<1000x1xf32>
    %div3A = vector.broadcast %max3A_9 : vector<1000x1xf32> to vector<1000x128xf32>
    %div3A_10 = arith.divf %add3A, %div3A : vector<1000x128xf32>
    %gt3A = arith.constant 0.000000e+00 : f32
    %gt3A_11 = vector.broadcast %gt3A : f32 to vector<1000x1xf32>
    %gt3A_12 = arith.cmpf ogt, %get3A_1, %gt3A_11 : vector<1000x1xf32>
    %get3A_13 = arith.constant 0 : index
    %get3A_14 = arith.constant 0 : index
    %get3A_15 = vector.load %arg1[%get3A_13, %get3A_14] : memref<1000x128xf32, #tpu.memory_space<vmem>>, vector<1000x128xf32>
    %broadcast_in_dim3A = vector.shape_cast %gt3A_12 : vector<1000x1xi1> to vector<1000x1xi1>
    %broadcast_in_dim3A_16 = vector.broadcast %broadcast_in_dim3A : vector<1000x1xi1> to vector<1000x128xi1>
    %select_n3A = arith.select %broadcast_in_dim3A_16, %div3A_10, %get3A_15 : vector<1000x128xi1>, vector<1000x128xf32>
    %get3A_17 = arith.constant 0 : index
    %get3A_18 = arith.constant 0 : index
    %get3A_19 = vector.load %arg6[%get3A_17, %get3A_18] : memref<128x128xf32, #tpu.memory_space<vmem>>, vector<128x128xf32>
    %dot_general3A = arith.constant dense<0.000000e+00> : vector<1000x128xf32>
    %dot_general3A_20 = tpu.matmul %select_n3A, %get3A_19, %dot_general3A {dimension_numbers = #tpu.dot_dimension_numbers<[1], [0], [0], [1], [0, 0, 1, 1], [], []>, transpose_lhs_hint = false} : vector<1000x128xf32>, vector<128x128xf32>, vector<1000x128xf32> -> vector<1000x128xf32>
    %get3A_21 = arith.constant 0 : index
    %get3A_22 = arith.constant 0 : index
    %get3A_23 = vector.load %arg5[%get3A_21, %get3A_22] : memref<1x128xf32, #tpu.memory_space<vmem>>, vector<1x128xf32>
    %add3A_24 = vector.broadcast %get3A_23 : vector<1x128xf32> to vector<1000x128xf32>
    %add3A_25 = arith.addf %dot_general3A_20, %add3A_24 : vector<1000x128xf32>
    %max3A_26 = arith.constant 0.000000e+00 : f32
    %max3A_27 = vector.broadcast %max3A_26 : f32 to vector<1000x128xf32>
    %max3A_28 = arith.maximumf %add3A_25, %max3A_27 : vector<1000x128xf32>
    %reduce_sum3A = arith.constant dense<0.000000e+00> : vector<128xf32>
    %reduce_sum3A_29 = vector.multi_reduction <add>, %max3A_28, %reduce_sum3A [0] : vector<1000x128xf32> to vector<128xf32>
    %broadcast_in_dim3A_30 = vector.shape_cast %reduce_sum3A_29 : vector<128xf32> to vector<1x128xf32>
    %eq3A = arith.constant 0 : i32
    %eq3A_31 = arith.cmpi eq, %arg0, %eq3A : i32
    %convert_element_type3A = arith.extui %eq3A_31 : i1 to i32
    %cond3A = arith.constant 0 : i32
    %cond3A_32 = arith.cmpi ne, %convert_element_type3A, %cond3A : i32
    scf.if %cond3A_32 {
      %swap3A = arith.constant 0 : index
      %swap3A_43 = arith.constant 0 : index
      %swap3A_44 = vector.load %arg12[%swap3A, %swap3A_43] : memref<1x128xf32, #tpu.memory_space<vmem>>, vector<1x128xf32>
      tpu.vector_store %arg12[%swap3A, %swap3A_43], %broadcast_in_dim3A_30 {strides = array<i32>} : memref<1x128xf32, #tpu.memory_space<vmem>>, vector<1x128xf32>,
    } else {
    }
    %gt3A_33 = arith.constant 0 : i32
    %gt3A_34 = arith.cmpi sgt, %arg0, %gt3A_33 : i32
    %convert_element_type3A_35 = arith.extui %gt3A_34 : i1 to i32
    %cond3A_36 = arith.constant 0 : i32
    %cond3A_37 = arith.cmpi ne, %convert_element_type3A_35, %cond3A_36 : i32
    scf.if %cond3A_37 {
      %get3A_43 = arith.constant 0 : index
      %get3A_44 = arith.constant 0 : index
      %get3A_45 = vector.load %arg12[%get3A_43, %get3A_44] : memref<1x128xf32, #tpu.memory_space<vmem>>, vector<1x128xf32>
      %add3A_46 = arith.addf %get3A_45, %broadcast_in_dim3A_30 : vector<1x128xf32>
      %swap3A = arith.constant 0 : index
      %swap3A_47 = arith.constant 0 : index
      %swap3A_48 = vector.load %arg12[%swap3A, %swap3A_47] : memref<1x128xf32, #tpu.memory_space<vmem>>, vector<1x128xf32>
      tpu.vector_store %arg12[%swap3A, %swap3A_47], %add3A_46 {strides = array<i32>} : memref<1x128xf32, #tpu.memory_space<vmem>>, vector<1x128xf32>,
    } else {
    }
    %eq3A_38 = arith.constant 9 : i32
    %eq3A_39 = arith.cmpi eq, %arg0, %eq3A_38 : i32
    %convert_element_type3A_40 = arith.extui %eq3A_39 : i1 to i32
    %cond3A_41 = arith.constant 0 : i32
    %cond3A_42 = arith.cmpi ne, %convert_element_type3A_40, %cond3A_41 : i32
    scf.if %cond3A_42 {
      %get3A_43 = arith.constant 0 : index
      %get3A_44 = arith.constant 0 : index
      %get3A_45 = vector.load %arg12[%get3A_43, %get3A_44] : memref<1x128xf32, #tpu.memory_space<vmem>>, vector<1x128xf32>
      %div3A_46 = arith.constant 1.000000e+04 : f32
      %div3A_47 = vector.broadcast %div3A_46 : f32 to vector<1x128xf32>
      %div3A_48 = arith.divf %get3A_45, %div3A_47 : vector<1x128xf32>
      %get3A_49 = arith.constant 0 : index
      %get3A_50 = arith.constant 0 : index
      %get3A_51 = vector.load %arg7[%get3A_49, %get3A_50] : memref<128x128xf32, #tpu.memory_space<vmem>>, vector<128x128xf32>
      %dot_general3A_52 = arith.constant dense<0.000000e+00> : vector<1x128xf32>
      %dot_general3A_53 = tpu.matmul %div3A_48, %get3A_51, %dot_general3A_52 {dimension_numbers = #tpu.dot_dimension_numbers<[1], [0], [0], [1], [0, 0, 1, 1], [], []>, transpose_lhs_hint = false} : vector<1x128xf32>, vector<128x128xf32>, vector<1x128xf32> -> vector<1x128xf32>
      %get3A_54 = arith.constant 0 : index
      %get3A_55 = arith.constant 0 : index
      %get3A_56 = vector.load %arg8[%get3A_54, %get3A_55] : memref<1x128xf32, #tpu.memory_space<vmem>>, vector<1x128xf32>
      %add3A_57 = arith.addf %dot_general3A_53, %get3A_56 : vector<1x128xf32>
      %get3A_58 = arith.constant 0 : index
      %get3A_59 = arith.constant 0 : index
      %get3A_60 = vector.load %arg7[%get3A_58, %get3A_59] : memref<128x128xf32, #tpu.memory_space<vmem>>, vector<128x128xf32>
      %dot_general3A_61 = arith.constant dense<0.000000e+00> : vector<1x128xf32>
      %dot_general3A_62 = tpu.matmul %add3A_57, %get3A_60, %dot_general3A_61 {dimension_numbers = #tpu.dot_dimension_numbers<[1], [0], [0], [1], [0, 0, 1, 1], [], []>, transpose_lhs_hint = false} : vector<1x128xf32>, vector<128x128xf32>, vector<1x128xf32> -> vector<1x128xf32>
      %get3A_63 = arith.constant 0 : index
      %get3A_64 = arith.constant 0 : index
      %get3A_65 = vector.load %arg8[%get3A_63, %get3A_64] : memref<1x128xf32, #tpu.memory_space<vmem>>, vector<1x128xf32>
      %add3A_66 = arith.addf %dot_general3A_62, %get3A_65 : vector<1x128xf32>
      %get3A_67 = arith.constant 0 : index
      %get3A_68 = arith.constant 0 : index
      %get3A_69 = vector.load %arg9[%get3A_67, %get3A_68] : memref<128x1xf32, #tpu.memory_space<vmem>>, vector<128x1xf32>
      %dot_general3A_70 = arith.constant dense<0.000000e+00> : vector<1x1xf32>
      %dot_general3A_71 = tpu.matmul %add3A_66, %get3A_69, %dot_general3A_70 {dimension_numbers = #tpu.dot_dimension_numbers<[1], [0], [0], [1], [0, 0, 1, 1], [], []>, transpose_lhs_hint = false} : vector<1x128xf32>, vector<128x1xf32>, vector<1x1xf32> -> vector<1x1xf32>
      %get3A_72 = arith.constant 0 : index
      %get3A_73 = arith.constant 0 : index
      %get3A_74 = vector.load %arg10[%get3A_72, %get3A_73] : memref<1x1xf32, #tpu.memory_space<vmem>>, vector<1x1xf32>
      %add3A_75 = arith.addf %dot_general3A_71, %get3A_74 : vector<1x1xf32>
      %swap3A = arith.constant 0 : index
      %swap3A_76 = arith.constant 0 : index
      %swap3A_77 = vector.load %arg11[%swap3A, %swap3A_76] : memref<1x1xf32, #tpu.memory_space<vmem>>, vector<1x1xf32>
      tpu.vector_store %arg11[%swap3A, %swap3A_76], %add3A_75 {strides = array<i32>} : memref<1x1xf32, #tpu.memory_space<vmem>>, vector<1x1xf32>,
    } else {
    }
    return
  }
  func.func @transform_0(%arg0: i32) -> (i32, i32) {
    %c0_i32 = arith.constant 0 : i32
    %c0_i32_0 = arith.constant 0 : i32
    return %arg0, %c0_i32 : i32, i32
  }
  func.func @transform_1(%arg0: i32) -> (i32, i32) {
    %c0_i32 = arith.constant 0 : i32
    %c0_i32_0 = arith.constant 0 : i32
    return %arg0, %c0_i32 : i32, i32
  }
  func.func @transform_2(%arg0: i32) -> (i32, i32) {
    %c0_i32 = arith.constant 0 : i32
    %c0_i32_0 = arith.constant 0 : i32
    return %arg0, %c0_i32 : i32, i32
  }
  func.func @transform_3(%arg0: i32) -> (i32, i32) {
    %c0_i32 = arith.constant 0 : i32
    %c0_i32_0 = arith.constant 0 : i32
    return %arg0, %c0_i32 : i32, i32
  }
  func.func @transform_4(%arg0: i32) -> (i32, i32) {
    %c0_i32 = arith.constant 0 : i32
    %c0_i32_0 = arith.constant 0 : i32
    %c0_i32_1 = arith.constant 0 : i32
    return %c0_i32, %c0_i32_0 : i32, i32
  }
  func.func @transform_5(%arg0: i32) -> (i32, i32) {
    %c0_i32 = arith.constant 0 : i32
    %c0_i32_0 = arith.constant 0 : i32
    %c0_i32_1 = arith.constant 0 : i32
    return %c0_i32, %c0_i32_0 : i32, i32
  }
  func.func @transform_6(%arg0: i32) -> (i32, i32) {
    %c0_i32 = arith.constant 0 : i32
    %c0_i32_0 = arith.constant 0 : i32
    %c0_i32_1 = arith.constant 0 : i32
    return %c0_i32, %c0_i32_0 : i32, i32
  }
  func.func @transform_7(%arg0: i32) -> (i32, i32) {
    %c0_i32 = arith.constant 0 : i32
    %c0_i32_0 = arith.constant 0 : i32
    %c0_i32_1 = arith.constant 0 : i32
    return %c0_i32, %c0_i32_0 : i32, i32
  }
  func.func @transform_8(%arg0: i32) -> (i32, i32) {
    %c0_i32 = arith.constant 0 : i32
    %c0_i32_0 = arith.constant 0 : i32
    %c0_i32_1 = arith.constant 0 : i32
    return %c0_i32, %c0_i32_0 : i32, i32
  }
  func.func @transform_9(%arg0: i32) -> (i32, i32) {
    %c0_i32 = arith.constant 0 : i32
    %c0_i32_0 = arith.constant 0 : i32
    %c0_i32_1 = arith.constant 0 : i32
    return %c0_i32, %c0_i32_0 : i32, i32
  }
  func.func @transform_10(%arg0: i32) -> (i32, i32) {
    %c0_i32 = arith.constant 0 : i32
    %c0_i32_0 = arith.constant 0 : i32
    %c0_i32_1 = arith.constant 0 : i32
    return %c0_i32, %c0_i32_0 : i32, i32
  }
}

</mosaic_0001>

<sc_bundles>
// kernel: kernel.11.cloned.1.call-start
scs
__scs_entry_jumppad:
0x0: {  	(pc) =	sbr.rel $0x88, $3  }
0x1: {  	(tag) =	ssettag $0x0;
	lr =	simm.s32 $0x1  }
0x2: {  	[smem:$0x3F95] =	sst lr;
	_ =	strace $0xD0000000  }
0x3: {  	_ = 	snop  }
0x4: {  	_ = 	snop  }
0x5: {  	_ = 	snop  }
0x6: {  	_ = 	snop  }
0x7: {  	_ = 	snop  }
__scs_overlays_trampoline_lowered:
0x8: {  	[smem:$0x3FA4] =	sst s0  }
0x9: {  	[smem:$0x3FA5] =	sst s1  }
0xa: {  	[smem:$0x3FA6] =	sst s2  }
0xb: {  	[smem:$0x3FA7] =	sst s3  }
0xc: {  	[smem:$0x3FA8] =	sst s4  }
0xd: {  	[smem:$0x3FA9] =	sst s5  }
0xe: {  	[smem:$0x3FAA] =	sst s6  }
0xf: {  	[smem:$0x3FAB] =	sst s7  }
0x10: {  	[smem:$0x3FAC] =	sst s8  }
0x11: {  	[smem:$0x3FAD] =	sst s9;
	s0 =	simm.s32 @!p0 $0x0  }
0x12: {  	s1 =	sld [smem:$0x3F93];
	s0 =	simm.s32 @p0 $0x1  }
0x13: {  	[smem:$0x3FAE] =	sst s0;
	s0 =	simm.s32 @!p1 $0x0  }
0x14: {  	s2 =	sld [smem:$0x3F92];
	s0 =	simm.s32 @p1 $0x1  }
0x15: {  	[smem:$0x3FAF] =	sst s0;
	s0 =	simm.s32 @!p2 $0x0  }
0x16: {  	s3 =	sld [smem:$0x3FDB];
	s0 =	simm.s32 @p2 $0x1  }
0x17: {  	s4 =	simm.s32 $0x1BF5;
	[smem:$0x3FB1] =	sst s0  }
0x18: {  	s0 =	sld [smem:$0x3F94];
	_ =	swait.ge [sflag:s4], $0x0  }
0x19: {  	s7 =	sld [smem:$0x3F95]  }
0x1a: {  	s8 =	sadd.s32 $0xFFFFE003, lr  }
0x1b: {  	s9 =	sadd.s32 $0xFFFFFEF7, lr;
	s5 =	simm.s32 $0xFFFFFFFF;
	p2 =	slt.u32 s8, $0xFFFFF086  }
0x1c: {  	p1 =	slt.u32 s9, $0xF7A;
	s5 =	simm.s32 @!p2 $0x0  }
0x1d: {  	s5 =	simm.s32 @p1 $0x1;
	p0 =	seq.s32 s7, s2  }
0x1e: {  	s7 =	smul.u32 @!p0 $0xF7A, s2;
	p2 =	seq.s32 @!p0 s5, $0x0  }
0x1f: {  	s9 =	smul.u32 $0xF7A, s1;
	s8 =	simm.s32 @!p0 $0x1BF5;
	p2 =	por !p2, p0  }
0x20: {  	[sflag:s8] =	ssyncset.s32 @!p0 $0xFFFFF086;
	s6 =	sadd.s32 @!p0 s3, s7;
	s7 =	simm.s32 @!p0 $0x108  }
0x21: {  	s3 =	sadd.s32 s3, s9;
	s6 =	sadd.s32 @!p0 $0x88, s6;
	s7 =	simm.s32 @p2 $0x1082  }
0x22: {  	[simem:s7], [sflag:s8] =	dma.local @!p0 [hbm:s6], $0xF7A  }
0x23: {  	s9 =	sor.u32 $0xD0000000, s2;
	s6 =	simm.s32 $0x108;
	_ =	swait.ge @!p0 [sflag:s8], $0x0  }
0x24: {  	s3 =	sadd.s32 $0x88, s3;
	s6 =	simm.s32 @!p1 $0x1082;
	[sflag:s4] =	ssyncset.s32 $0xFFFFF086  }
0x25: {  	[simem:s6], [sflag:s4] =	dma.local [hbm:s3], $0xF7A  }
0x26: {  	[smem:$0x3F95] =	sst s1;
	(tag) =	ssettag s2;
	_ =	strace s9  }
0x27: {  	s1 =	sld [smem:$0x3FA5]  }
0x28: {  	s2 =	sld [smem:$0x3FA6]  }
0x29: {  	s4 =	sld [smem:$0x3FA8]  }
0x2a: {  	p0 =	seq.s32 s5, $0x0;
	s5 =	sld [smem:$0x3FA9]  }
0x2b: {  	s6 =	sld [smem:$0x3FAA]  }
0x2c: {  	s7 =	sld [smem:$0x3FAB]  }
0x2d: {  	s3 =	simm.s32 $0x108;
	s8 =	sld [smem:$0x3FAC]  }
0x2e: {  	s3 =	simm.s32 @!p0 $0x1082;
	s9 =	sld [smem:$0x3FAD]  }
0x2f: {  	lr =	sadd.s32 s0, s3;
	s0 =	sld [smem:$0x3FA4]  }
0x30: {  	s3 =	sld [smem:$0x3FA7]  }
0x31: {  	[smem:$0x3FB0] =	sst s10  }
0x32: {  	s10 =	sld [smem:$0x3FAE];
	_ =	sdelay $0x3  }
0x33: {  	p0 =	seq.s32 s10, $0x1;
	s10 =	sld [smem:$0x3FB0];
	_ =	sdelay $0x3  }
0x34: {  	[smem:$0x3FB0] =	sst s10  }
0x35: {  	s10 =	sld [smem:$0x3FAF];
	_ =	sdelay $0x3  }
0x36: {  	p1 =	seq.s32 s10, $0x1;
	s10 =	sld [smem:$0x3FB0];
	_ =	sdelay $0x3  }
0x37: {  	[smem:$0x3FB0] =	sst s10  }
0x38: {  	s10 =	sld [smem:$0x3FB1]  }
0x39: {  	_ = 	snop;
	(pc) =	sbr.ind lr, $3  }
0x3a: {  	_ = 	snop  }
0x3b: {  	_ = 	snop  }
0x3c: {  	p2 =	seq.s32 s10, $0x1;
	s10 =	sld [smem:$0x3FB0]  }
0x3d: {  	_ =	shalt  }
0x3e: {  	_ =	shalt  }
0x3f: {  	_ =	shalt  }
0x40: {  	_ =	shalt  }
0x41: {  	_ =	shalt  }
0x42: {  	_ =	shalt  }
0x43: {  	_ =	shalt  }
0x44: {  	_ =	shalt  }
0x45: {  	_ =	shalt  }
0x46: {  	_ =	shalt  }
0x47: {  	_ =	shalt  }
0x48: {  	_ =	shalt  }
0x49: {  	_ =	shalt  }
0x4a: {  	_ =	shalt  }
0x4b: {  	_ =	shalt  }
0x4c: {  	_ =	shalt  }
0x4d: {  	_ =	shalt  }
0x4e: {  	_ =	shalt  }
0x4f: {  	_ =	shalt  }
0x50: {  	_ =	shalt  }
0x51: {  	_ =	shalt  }
0x52: {  	_ =	shalt  }
0x53: {  	_ =	shalt  }
0x54: {  	_ =	shalt  }
0x55: {  	_ =	shalt  }
0x56: {  	_ =	shalt  }
0x57: {  	_ =	shalt  }
0x58: {  	_ =	shalt  }
0x59: {  	_ =	shalt  }
0x5a: {  	_ =	shalt  }
0x5b: {  	_ =	shalt  }
0x5c: {  	_ =	shalt  }
0x5d: {  	_ =	shalt  }
0x5e: {  	_ =	shalt  }
0x5f: {  	_ =	shalt  }
0x60: {  	_ =	shalt  }
0x61: {  	_ =	shalt  }
0x62: {  	_ =	shalt  }
0x63: {  	_ =	shalt  }
0x64: {  	_ =	shalt  }
0x65: {  	_ =	shalt  }
0x66: {  	_ =	shalt  }
0x67: {  	_ =	shalt  }
0x68: {  	_ =	shalt  }
0x69: {  	_ =	shalt  }
0x6a: {  	_ =	shalt  }
0x6b: {  	_ =	shalt  }
0x6c: {  	_ =	shalt  }
0x6d: {  	_ =	shalt  }
0x6e: {  	_ =	shalt  }
0x6f: {  	_ =	shalt  }
0x70: {  	_ =	shalt  }
0x71: {  	_ =	shalt  }
0x72: {  	_ =	shalt  }
0x73: {  	_ =	shalt  }
0x74: {  	_ =	shalt  }
0x75: {  	_ =	shalt  }
0x76: {  	_ =	shalt  }
0x77: {  	_ =	shalt  }
0x78: {  	_ =	shalt  }
0x79: {  	_ =	shalt  }
0x7a: {  	_ =	shalt  }
0x7b: {  	_ =	shalt  }
0x7c: {  	_ =	shalt  }
0x7d: {  	_ =	shalt  }
0x7e: {  	_ =	shalt  }
0x7f: {  	_ =	shalt  }
0x80: {  	_ =	shalt  }
0x81: {  	_ =	shalt  }
0x82: {  	_ =	shalt  }
0x83: {  	_ =	shalt  }
0x84: {  	_ =	shalt  }
0x85: {  	_ =	shalt  }
0x86: {  	_ =	shalt  }
0x87: {  	_ =	shalt  }
.Lfunc_end0:
.L_simem_size_0:
called_computation_lowered:
.L_overlay_start_0:
0x88: {  	s2 =	sld [smem:$0x3FD9]  }
0x89: {  	s3 =	sld [smem:$0x3FFE];
	_ =	sdelay $0x1  }
0x8a: {  	s1 =	srdreg.scid  }
0x8b: {  	s0 =	sand.u32 $0x1, s1  }
0x8c: {  	s16 =	sshll.u32 s0, $0xA;
	s2 =	sadd.s32 s3, s2  }
0x8d: {  	s2 =	sadd.s32 s2, s16  }
0x8e: {  	[smem:$0x3FBC] =	sst s2  }
0x8f: {  	_ = 	snop  }
0x90: {  	(tm) =	ssettm $0x1  }
0x91: {  	s17 =	sld [smem:$0x3FFB];
	_ =	sdelay $0x3  }
0x92: {  	_ =	strace s17  }
0x93: {  	s2 =	sld [smem:$0x3FFC];
	_ =	sdelay $0x3  }
0x94: {  	_ =	strace s2  }
0x95: {  	s2 =	sld [smem:$0x3FFD];
	_ =	sdelay $0x3  }
0x96: {  	_ =	strace s2  }
0x97: {  	_ =	strace $0x8FFFFFFF  }
0x98: {  	s18 =	sld [smem:$0x3FDB];
	_ =	sdelay $0x1  }
0x99: {  	s19 =	simm.s32 $_scs_section_size  }
0x9a: {  	s4 =	simm.s32 $_size__tile_overlayer_lowered;
	s5 =	simm.s32 $_tile_overlayer_lowered  }
0x9b: {  	s22 =	simm.s32 $0x1BFF;
	s21 =	sshll.u32 s5, $0x1;
	s2 =	sadd.s32 s19, s18  }
0x9c: {  	s6 =	simm.s32 $0x0;
	s20 =	sshll.u32 s4, $0x1;
	s4 =	sadd.s32 s21, s2  }
0x9d: {  	[timem:s6], [sflag:s22] =	dma.local [hbm:s4], s20  }
0x9e: {  	_ =	swait.ge [sflag:s22], s20  }
0x9f: {  	s3 =	ssub.s32 $0x0, s20;
	[sflag:s22] =	ssyncset.done $0x0  }
0xa0: {  	[sflag:s22] =	ssyncadd.s32 s3;
	_ =	sdelay $0x1  }
0xa1: {  	s23 =	simm.s32 $0x1B8B  }
0xa2: {  	_ =	swait.ge [sflag:s23], $0x1  }
0xa3: {  	[sflag:s23] =	ssyncset.done $0x0  }
0xa4: {  	s25 =	simm.s32 $0x1B8E;
	s24 =	sld [smem:$0x3FFE];
	[sflag:s23] =	ssyncadd.s32 $0xFFFFFFFF  }
0xa5: {  	s26 =	simm.s32 $execute0_lowered;
	[smem:$0x3FD2] =	sst s25  }
0xa6: {  	s4 =	sshll.u32 s26, $0x1;
	_ =	strace $0x80000046;
	[dreg:$0x1] =	wrdreg $0xFFFFFFFF  }
0xa7: {  	s28 =	simm.s32 $_size_execute0_lowered;
	s2 =	sadd.s32 s2, s4;
	[dreg:$0x0] =	wrdreg $0x0  }
0xa8: {  	s4 =	sshll.u32 s28, $0x1;
	[dreg:$0x2] =	wrdreg s2  }
0xa9: {  	[dreg:$0x3] =	wrdreg s4  }
0xaa: {  	[dreg:$0x4] =	wrdreg $0xC0  }
0xab: {  	_ =	task [dreg:s6], $0x5FFFF  }
0xac: {  	[dreg:$0x1] =	wrdreg $0xFFFFFFFF  }
0xad: {  	[dreg:$0x0] =	wrdreg $0x60  }
0xae: {  	[dreg:$0x2] =	wrdreg s24  }
0xaf: {  	[dreg:$0x3] =	wrdreg $0x29000  }
0xb0: {  	[dreg:$0x4] =	wrdreg $0xA  }
0xb1: {  	_ =	task.clear_ibuf [dreg:s6], $0x5FFFF;
	_ =	strace $0x90000046  }
0xb2: {  	s29 =	simm.s32 $0xA;
	_ =	strace $0x80000048  }
0xb3: {  	_ =	swait.ge [sflag:s29], $0x1  }
0xb4: {  	[sflag:s29] =	ssyncadd.s32 $0xFFFFFFFF  }
0xb5: {  	_ =	strace $0x90000048  }
0xb6: {  	_ =	sfence  }
0xb7: {  	s30 =	sld [smem:$0x0];
	_ =	sdelay $0x2  }
0xb8: {  	s31 =	sshll.u32 s1, $0xD;
	s1 =	sshrl.u32 s1, $0x2  }
0xb9: {  	s3 =	sand.u32 $0x4000, s31;
	s1 =	sadd.s32 s1, s30  }
0xba: {  	s0 =	sor.u32 s3, s0;
	s1 =	sshll.u32 s1, $0x11  }
0xbb: {  	s0 =	sor.u32 s1, s0  }
0xbc: {  	s0 =	sadd.s32 $0x8F2B, s0  }
0xbd: {  	[sflag:s0] =	ssyncadd.remote.s32 $0x1  }
0xbe: {  	_ =	sfence.sel $0xFFFF  }
0xbf: {  	[dreg:$0x0] =	wrdreg $0xFFFFFFFF;
	(pc) =	sbr.abs _section_cstart, $3  }
0xc0: {  	[dreg:$0x1] =	wrdreg $0xFFFFFFFF  }
0xc1: {  	_ =	task.clear_ibuf [dreg:s6], $0x2FFFF;
	_ =	strace $0x9FFFFFFF  }
0xc2: {  	(tm) =	ssettm $0x7FFFFFFF  }
0xc3: {  	_ =	shalt  }
tec
execute0_lowered:
.L_overlay_start_1:
0x0: {  	(tag) =	ssettag $0x1  }
0x1: {  	s0 =	rddreg [dreg:$0x0]  }
0x2: {  	s1 =	rddreg [dreg:$0x1]  }
0x3: {  	s2 =	srdreg.scid;
	s3 =	simm.s32 $0x0;
	s24 =	stileid.u32  }
0x4: {  	s28 =	simm.s32 $0x50;
	s29 =	simm.s32 $0x80;
	s30 =	simm.s32 $0x1  }
0x5: {  	s31 =	simm.s32 $0x2;
	s2 =	sand.u32 $0x1, s2;
	s6 =	smul.u32 $0x13C00, s24  }
0x6: {  	[smem:$0x7FF] =	sst s3;
	s10 =	smul.u32 $0x4F000, s24;
	s4 =	sshll.u32 s2, $0x4  }
0x7: {  	_ =	strace $0x80000047;
	s12 =	ssub.s32 $0x2, s2;
	s18 =	smul.u32 $0x13C000, s2  }
0x8: {  	s2 =	smul.u32 $0x27100, s2;
	s5 =	sor.u32 s24, s4;
	s4 =	sadd.s32 $0x4C00, s0  }
0x9: {  	s0 =	sadd.s32 $0x18800, s0;
	s8 =	sshrl.u32 s12, $0x1;
	s9 =	sadd.s32 $0x11800, s6  }
0xa: {  	s14 =	sshrl.u32 s10, $0x2;
	s17 =	sadd.s32 $0x2800, s6;
	s19 =	sadd.s32 $0x7800, s6  }
0xb: {  	s20 =	sadd.s32 $0xA000, s6;
	s21 =	sadd.s32 $0xC800, s6;
	s22 =	sadd.s32 $0xF000, s6  }
0xc: {  	s7 =	smul.u32 $0x2710, s5;
	s11 =	ssub.s32 s12, s8;
	s5 =	sadd.s32 s9, s1  }
0xd: {  	s13 =	sadd.s32 s18, s9;
	s10 =	sadd.s32 s17, s1;
	s12 =	sadd.s32 s19, s1  }
0xe: {  	s25 =	sadd.s32 s18, s19;
	s26 =	sadd.s32 s18, s20;
	s9 =	smul.u32 $0x2710, s24  }
0xf: {  	s8 =	sshrl.u32 s13, $0x3;
	s16 =	smax.u32 s11, $0x1;
	s13 =	sadd.s32 s20, s1  }
0x10: {  	s20 =	sshrl.u32 s26, $0x3;
	s7 =	sshrl.u32 s7, $0x3;
	s15 =	sadd.s32 s0, s8  }
0x11: {  	s8 =	sadd.s32 s14, s1;
	[dreg:$0x5] =	wrdreg s16;
	s16 =	sadd.s32 $0x5000, s6  }
0x12: {  	s14 =	sadd.s32 s21, s1;
	s6 =	sadd.s32 s18, s6;
	s21 =	sadd.s32 s18, s21  }
0x13: {  	s20 =	sadd.s32 s0, s20;
	s2 =	sadd.s32 s9, s2;
	s7 =	sadd.s32 s4, s7  }
0x14: {  	[dreg:$0x4] =	wrdreg s15;
	s11 =	sadd.s32 s16, s1;
	s15 =	sadd.s32 s22, s1  }
0x15: {  	s6 =	sshrl.u32 s6, $0x3;
	s23 =	sadd.s32 s18, s16;
	s22 =	sadd.s32 s18, s22  }
0x16: {  	s16 =	sshrl.u32 s25, $0x3;
	s24 =	sshrl.u32 s21, $0x3;
	[dreg:$0x3] =	wrdreg s7  }
0x17: {  	s7 =	sadd.s32 s18, s17;
	s6 =	sadd.s32 s0, s6;
	s23 =	sshrl.u32 s23, $0x3  }
0x18: {  	s19 =	sadd.s32 s0, s16;
	s25 =	sshrl.u32 s22, $0x3;
	s21 =	sadd.s32 s0, s24  }
0x19: {  	s7 =	sshrl.u32 s7, $0x3;
	[dreg:$0x6] =	wrdreg s6;
	s18 =	sadd.s32 s0, s23  }
0x1a: {  	s23 =	sadd.s32 $0x50, s2;
	s22 =	sadd.s32 s0, s25;
	s25 =	simm.s32 $0x100  }
0x1b: {  	v0 =	vimm.f32 $0.0e+00;
	vm0 =	vcmask $0x300;
	s17 =	sadd.s32 s0, s7;
	s26 =	sshrl.u32 s23, $0x3;
	s23 =	sadd.s32 $0xA0, s2  }
0x1c: {  	v1 =	vsel vm0, $0x3F800000, v0;
	s0 =	simm.s32 $0x0;
	s24 =	sadd.s32 s26, s4;
	s26 =	simm.s32 $0x3  }
.LBB2_1:
0x1d: {  	s2 =	simm.s32 $0x70;
	s6 =	simm.s32 $0x3C0  }
.LBB2_2:
0x1e: {  	p0 =	sne.s32 s6, $0x9FC0;
	[tilespmem:s2+$0x100] =	vst v0  }
0x1f: {  	[tilespmem:s2+$0x90] =	vst v0  }
0x20: {  	[tilespmem:s2+$0xA0] =	vst v0  }
.Ltmp0:
0x21: {  	[tilespmem:s2+$0xB0] =	vst v0;
	(pc) =	sbr.rel @p0 .LBB2_2-.Ltmp0, $4  }
0x22: {  	[tilespmem:s2+$0xC0] =	vst v0  }
0x23: {  	[tilespmem:s2+$0xD0] =	vst v0  }
0x24: {  	[tilespmem:s2+$0xE0] =	vst v0  }
0x25: {  	[tilespmem:s2+$0xF0] =	vst v0;
	s2 =	sshra.s32 s6, $0x2;
	s6 =	sadd.s32 $0x200, s6  }
0x26: {  	[tilespmem:s2+$0x100] =	vst v0  }
0x27: {  	[tilespmem:s2+$0x90] =	vst v0  }
0x28: {  	[tilespmem:s2+$0xA0] =	vst v0  }
0x29: {  	[tilespmem:s2+$0xB0] =	vst v0  }
0x2a: {  	[tilespmem:s2+$0xC0] =	vst v0  }
0x2b: {  	[tilespmem:s2+$0xD0] =	vst v0  }
0x2c: {  	[tilespmem:s2+$0xE0] =	vst v0  }
0x2d: {  	[tilespmem:s2+$0xF0] =	vst v0  }
0x2e: {  	[spmem:s8] =	stream.linear.scatter [tilespmem:s25], [sflag:$0x3], $0x2800, $0x38;
	[tilespmem:$0x16500] =	vst v63  }
0x2f: {  	_ =	swait.ge [sflag:s26], $0x2800  }
0x30: {  	[sflag:s26] =	ssyncset.done $0x0  }
0x31: {  	[sflag:s26] =	ssyncadd.s32 $0xFFFFD800  }
0x32: {  	[spmem:s10] =	stream.linear.scatter [tilespmem:s25], [sflag:$0x3], $0x2800, $0x38;
	[tilespmem:$0x16500] =	vst v63  }
0x33: {  	_ =	swait.ge [sflag:s26], $0x2800  }
0x34: {  	[sflag:s26] =	ssyncset.done $0x0  }
0x35: {  	[sflag:s26] =	ssyncadd.s32 $0xFFFFD800  }
0x36: {  	[spmem:s11] =	stream.linear.scatter [tilespmem:s25], [sflag:$0x3], $0x2800, $0x38;
	[tilespmem:$0x16500] =	vst v63  }
0x37: {  	_ =	swait.ge [sflag:s26], $0x2800  }
0x38: {  	[sflag:s26] =	ssyncset.done $0x0  }
0x39: {  	[sflag:s26] =	ssyncadd.s32 $0xFFFFD800  }
0x3a: {  	[spmem:s12] =	stream.linear.scatter [tilespmem:s25], [sflag:$0x3], $0x2800, $0x38;
	[tilespmem:$0x16500] =	vst v63  }
0x3b: {  	_ =	swait.ge [sflag:s26], $0x2800  }
0x3c: {  	[sflag:s26] =	ssyncset.done $0x0  }
0x3d: {  	[sflag:s26] =	ssyncadd.s32 $0xFFFFD800  }
0x3e: {  	[spmem:s13] =	stream.linear.scatter [tilespmem:s25], [sflag:$0x3], $0x2800, $0x38;
	[tilespmem:$0x16500] =	vst v63  }
0x3f: {  	_ =	swait.ge [sflag:s26], $0x2800  }
0x40: {  	[sflag:s26] =	ssyncset.done $0x0  }
0x41: {  	[sflag:s26] =	ssyncadd.s32 $0xFFFFD800  }
0x42: {  	[spmem:s14] =	stream.linear.scatter [tilespmem:s25], [sflag:$0x3], $0x2800, $0x38;
	[tilespmem:$0x16500] =	vst v63  }
0x43: {  	_ =	swait.ge [sflag:s26], $0x2800  }
0x44: {  	[sflag:s26] =	ssyncset.done $0x0  }
0x45: {  	[sflag:s26] =	ssyncadd.s32 $0xFFFFD800  }
0x46: {  	[spmem:s15] =	stream.linear.scatter [tilespmem:s25], [sflag:$0x3], $0x2800, $0x38;
	[tilespmem:$0x16500] =	vst v63  }
0x47: {  	_ =	swait.ge [sflag:s26], $0x2800  }
0x48: {  	[sflag:s26] =	ssyncset.done $0x0  }
0x49: {  	[sflag:s26] =	ssyncadd.s32 $0xFFFFD800  }
0x4a: {  	[spmem:s5] =	stream.linear.scatter [tilespmem:s25], [sflag:$0x3], $0x2400, $0x38;
	[tilespmem:$0x16500] =	vst v63  }
0x4b: {  	_ =	swait.ge [sflag:s26], $0x2400  }
0x4c: {  	[sflag:s26] =	ssyncset.done $0x0  }
0x4d: {  	s2 =	simm.s32 $0x200;
	s6 =	simm.s32 $0x0;
	[sflag:s26] =	ssyncadd.s32 $0xFFFFDC00  }
.LBB2_4:
0x4e: {  	p0 =	sne.s32 s2, $0x9E00;
	[tilespmem:s6+$0x100] =	vst v1;
	s6 =	smov.u32 s2;
	s2 =	sadd.s32 $0x200, s2  }
.Ltmp1:
0x4f: {  	(pc) =	sbr.rel @p0 .LBB2_4-.Ltmp1, $2  }
0x50: {  	_ =	sdelay $0x2  }
0x51: {  	s6 =	sshra.s32 s6, $0x2  }
0x52: {  	[tilespmem:s6+$0x100] =	vst v1  }
0x53: {  	[bflag:$0x0] =	sbarrier.arrive $0xFFFF  }
0x54: {  	s2 =	simm.s32 $0x0;
	s7 =	rddreg [dreg:$0x3]  }
0x55: {  	[tilespmem:s2], [sflag:$0x3] =	stream.linear.gather [hbm4b:s7+s2], $0x50, $0x38;
	[tilespmem:$0x16500] =	vst v63  }
0x56: {  	_ =	swait.ge [sflag:s26], $0x50  }
0x57: {  	[sflag:s26] =	ssyncset.done $0x0  }
0x58: {  	[sflag:s26] =	ssyncadd.s32 $0xFFFFFFB0  }
0x59: {  	[spmem:s1] =	stream.indirect.scatter.add.f32 [tilespmem:s25], [sflag:$0x1], $0x80, s2, s28, $0xb8;
	[tilespmem:$0x16500] =	vst v63  }
0x5a: {  	s9 =	sadd.s32 $0x0, s24  }
0x5b: {  	[tilespmem:s29], [sflag:$0x3] =	stream.linear.gather [hbm4b:s9+s3], $0x50, $0x38;
	[tilespmem:$0x16500] =	vst v63  }
0x5c: {  	_ =	swait.ge [sflag:s26], $0x50  }
0x5d: {  	[sflag:s26] =	ssyncset.done $0x0  }
0x5e: {  	[sflag:s26] =	ssyncadd.s32 $0xFFFFFFB0  }
0x5f: {  	[spmem:s1] =	stream.indirect.scatter.add.f32 [tilespmem:s25], [sflag:$0x2], $0x80, s29, s28, $0xb8;
	[tilespmem:$0x16500] =	vst v63  }
0x60: {  	_ =	swait.ge [sflag:s30], $0x2800  }
0x61: {  	s16 =	sshrl.u32 s23, $0x3;
	[sflag:s30] =	ssyncset.done $0x0  }
0x62: {  	s2 =	sadd.s32 s4, s16;
	[sflag:s30] =	ssyncadd.s32 $0xFFFFD800  }
0x63: {  	[tilespmem:s3], [sflag:$0x3] =	stream.linear.gather [hbm4b:s2+s3], $0x50, $0x38;
	[tilespmem:$0x16500] =	vst v63  }
0x64: {  	_ =	swait.ge [sflag:s26], $0x50  }
0x65: {  	[sflag:s26] =	ssyncset.done $0x0  }
0x66: {  	[sflag:s26] =	ssyncadd.s32 $0xFFFFFFB0  }
0x67: {  	[spmem:s1] =	stream.indirect.scatter.add.f32 [tilespmem:s25], [sflag:$0x1], $0x80, s3, s28, $0xb8;
	[tilespmem:$0x16500] =	vst v63  }
0x68: {  	s6 =	simm.s32 $0x14;
	_ =	swait.ge [sflag:s31], $0x2800  }
0x69: {  	s7 =	simm.s32 $0x28;
	s2 =	sadd.s32 $0xA0, s23;
	[sflag:s31] =	ssyncset.done $0x0  }
.LBB2_6:
0x6a: {  	s9 =	sadd.s32 s6, s24  }
0x6b: {  	[sflag:s31] =	ssyncadd.s32 $0xFFFFD800;
	s6 =	smov.u32 s7;
	s16 =	sadd.s32 $0x14, s7  }
0x6c: {  	[tilespmem:s29], [sflag:$0x3] =	stream.linear.gather [hbm4b:s9+s3], $0x50, $0x38;
	[tilespmem:$0x16500] =	vst v63  }
0x6d: {  	p0 =	sne.s32 s7, $0x4C4;
	_ =	swait.ge [sflag:s26], $0x50  }
0x6e: {  	[sflag:s26] =	ssyncset.done $0x0  }
0x6f: {  	[sflag:s26] =	ssyncadd.s32 $0xFFFFFFB0  }
0x70: {  	[spmem:s1] =	stream.indirect.scatter.add.f32 [tilespmem:s25], [sflag:$0x2], $0x80, s29, s28, $0xb8;
	[tilespmem:$0x16500] =	vst v63  }
0x71: {  	_ =	swait.ge [sflag:s30], $0x2800  }
0x72: {  	s7 =	sshrl.u32 s2, $0x3;
	[sflag:s30] =	ssyncset.done $0x0  }
0x73: {  	s7 =	sadd.s32 s4, s7;
	[sflag:s30] =	ssyncadd.s32 $0xFFFFD800  }
0x74: {  	[tilespmem:s3], [sflag:$0x3] =	stream.linear.gather [hbm4b:s7+s3], $0x50, $0x38;
	[tilespmem:$0x16500] =	vst v63  }
0x75: {  	_ =	swait.ge [sflag:s26], $0x50  }
.Ltmp2:
0x76: {  	[sflag:s26] =	ssyncset.done $0x0;
	(pc) =	sbr.rel @p0 .LBB2_6-.Ltmp2, $4  }
0x77: {  	[sflag:s26] =	ssyncadd.s32 $0xFFFFFFB0  }
0x78: {  	[spmem:s1] =	stream.indirect.scatter.add.f32 [tilespmem:s25], [sflag:$0x1], $0x80, s3, s28, $0xb8;
	[tilespmem:$0x16500] =	vst v63  }
0x79: {  	_ =	swait.ge [sflag:s31], $0x2800  }
0x7a: {  	s2 =	sadd.s32 $0xA0, s2;
	s7 =	smov.u32 s16;
	[sflag:s31] =	ssyncset.done $0x0  }
0x7b: {  	s6 =	sadd.s32 s6, s24;
	[sflag:s31] =	ssyncadd.s32 $0xFFFFD800  }
0x7c: {  	[tilespmem:s29], [sflag:$0x3] =	stream.linear.gather [hbm4b:s6+s3], $0x50, $0x38;
	[tilespmem:$0x16500] =	vst v63  }
0x7d: {  	_ =	swait.ge [sflag:s26], $0x50  }
0x7e: {  	[sflag:s26] =	ssyncset.done $0x0  }
0x7f: {  	[sflag:s26] =	ssyncadd.s32 $0xFFFFFFB0  }
0x80: {  	[spmem:s1] =	stream.indirect.scatter.add.f32 [tilespmem:s25], [sflag:$0x2], $0x80, s29, s28, $0xb8;
	[tilespmem:$0x16500] =	vst v63  }
0x81: {  	_ =	swait.ge [sflag:s30], $0x2800  }
0x82: {  	s2 =	sshrl.u32 s2, $0x3;
	[sflag:s30] =	ssyncset.done $0x0  }
0x83: {  	s2 =	sadd.s32 s4, s2;
	[sflag:s30] =	ssyncadd.s32 $0xFFFFD800  }
0x84: {  	[tilespmem:s3], [sflag:$0x3] =	stream.linear.gather [hbm4b:s2+s3], $0x50, $0x38;
	[tilespmem:$0x16500] =	vst v63  }
0x85: {  	_ =	swait.ge [sflag:s26], $0x50  }
0x86: {  	[sflag:s26] =	ssyncset.done $0x0  }
0x87: {  	[sflag:s26] =	ssyncadd.s32 $0xFFFFFFB0  }
0x88: {  	[spmem:s1] =	stream.indirect.scatter.add.f32 [tilespmem:s25], [sflag:$0x1], $0x80, s3, s28, $0xb8;
	[tilespmem:$0x16500] =	vst v63  }
0x89: {  	_ =	swait.ge [sflag:s31], $0x2800  }
0x8a: {  	[sflag:s31] =	ssyncset.done $0x0  }
0x8b: {  	[sflag:s31] =	ssyncadd.s32 $0xFFFFD800  }
0x8c: {  	_ =	swait.ge [sflag:s30], $0x2800  }
0x8d: {  	[sflag:s30] =	ssyncset.done $0x0  }
0x8e: {  	[sflag:s30] =	ssyncadd.s32 $0xFFFFD800  }
0x8f: {  	[bflag:$0x0] =	sbarrier.arrive $0xFFFF  }
0x90: {  	[tilespmem:s25], [sflag:$0x3] =	stream.linear.gather [spmem:s8], $0x2800, $0x38;
	[tilespmem:$0x16500] =	vst v63  }
0x91: {  	_ =	swait.ge [sflag:s26], $0x2800  }
0x92: {  	[sflag:s26] =	ssyncset.done $0x0  }
0x93: {  	s7 =	rddreg [dreg:$0x6];
	[sflag:s26] =	ssyncadd.s32 $0xFFFFD800  }
0x94: {  	[hbm4b:s7+s3] =	stream.linear.scatter [tilespmem:s25], [sflag:$0x3], $0x2800, $0x38;
	[tilespmem:$0x16500] =	vst v63  }
0x95: {  	_ =	swait.ge [sflag:s26], $0x2800  }
0x96: {  	[sflag:s26] =	ssyncset.done $0x0  }
0x97: {  	[sflag:s26] =	ssyncadd.s32 $0xFFFFD800  }
0x98: {  	[tilespmem:s25], [sflag:$0x3] =	stream.linear.gather [spmem:s10], $0x2800, $0x38;
	[tilespmem:$0x16500] =	vst v63  }
0x99: {  	_ =	swait.ge [sflag:s26], $0x2800  }
0x9a: {  	[sflag:s26] =	ssyncset.done $0x0  }
0x9b: {  	[sflag:s26] =	ssyncadd.s32 $0xFFFFD800  }
0x9c: {  	[hbm4b:s17+s3] =	stream.linear.scatter [tilespmem:s25], [sflag:$0x3], $0x2800, $0x38;
	[tilespmem:$0x16500] =	vst v63  }
0x9d: {  	_ =	swait.ge [sflag:s26], $0x2800  }
0x9e: {  	[sflag:s26] =	ssyncset.done $0x0  }
0x9f: {  	[sflag:s26] =	ssyncadd.s32 $0xFFFFD800  }
0xa0: {  	[tilespmem:s25], [sflag:$0x3] =	stream.linear.gather [spmem:s11], $0x2800, $0x38;
	[tilespmem:$0x16500] =	vst v63  }
0xa1: {  	_ =	swait.ge [sflag:s26], $0x2800  }
0xa2: {  	[sflag:s26] =	ssyncset.done $0x0  }
0xa3: {  	[sflag:s26] =	ssyncadd.s32 $0xFFFFD800  }
0xa4: {  	[hbm4b:s18+s3] =	stream.linear.scatter [tilespmem:s25], [sflag:$0x3], $0x2800, $0x38;
	[tilespmem:$0x16500] =	vst v63  }
0xa5: {  	_ =	swait.ge [sflag:s26], $0x2800  }
0xa6: {  	[sflag:s26] =	ssyncset.done $0x0  }
0xa7: {  	[sflag:s26] =	ssyncadd.s32 $0xFFFFD800  }
0xa8: {  	[tilespmem:s25], [sflag:$0x3] =	stream.linear.gather [spmem:s12], $0x2800, $0x38;
	[tilespmem:$0x16500] =	vst v63  }
0xa9: {  	_ =	swait.ge [sflag:s26], $0x2800  }
0xaa: {  	[sflag:s26] =	ssyncset.done $0x0  }
0xab: {  	[sflag:s26] =	ssyncadd.s32 $0xFFFFD800  }
0xac: {  	[hbm4b:s19+s3] =	stream.linear.scatter [tilespmem:s25], [sflag:$0x3], $0x2800, $0x38;
	[tilespmem:$0x16500] =	vst v63  }
0xad: {  	_ =	swait.ge [sflag:s26], $0x2800  }
0xae: {  	[sflag:s26] =	ssyncset.done $0x0  }
0xaf: {  	[sflag:s26] =	ssyncadd.s32 $0xFFFFD800  }
0xb0: {  	[tilespmem:s25], [sflag:$0x3] =	stream.linear.gather [spmem:s13], $0x2800, $0x38;
	[tilespmem:$0x16500] =	vst v63  }
0xb1: {  	_ =	swait.ge [sflag:s26], $0x2800  }
0xb2: {  	[sflag:s26] =	ssyncset.done $0x0  }
0xb3: {  	[sflag:s26] =	ssyncadd.s32 $0xFFFFD800  }
0xb4: {  	[hbm4b:s20+s3] =	stream.linear.scatter [tilespmem:s25], [sflag:$0x3], $0x2800, $0x38;
	[tilespmem:$0x16500] =	vst v63  }
0xb5: {  	_ =	swait.ge [sflag:s26], $0x2800  }
0xb6: {  	[sflag:s26] =	ssyncset.done $0x0  }
0xb7: {  	[sflag:s26] =	ssyncadd.s32 $0xFFFFD800  }
0xb8: {  	[tilespmem:s25], [sflag:$0x3] =	stream.linear.gather [spmem:s14], $0x2800, $0x38;
	[tilespmem:$0x16500] =	vst v63  }
0xb9: {  	_ =	swait.ge [sflag:s26], $0x2800  }
0xba: {  	[sflag:s26] =	ssyncset.done $0x0  }
0xbb: {  	[sflag:s26] =	ssyncadd.s32 $0xFFFFD800  }
0xbc: {  	[hbm4b:s21+s3] =	stream.linear.scatter [tilespmem:s25], [sflag:$0x3], $0x2800, $0x38;
	[tilespmem:$0x16500] =	vst v63  }
0xbd: {  	_ =	swait.ge [sflag:s26], $0x2800  }
0xbe: {  	[sflag:s26] =	ssyncset.done $0x0  }
0xbf: {  	[sflag:s26] =	ssyncadd.s32 $0xFFFFD800  }
0xc0: {  	[tilespmem:s25], [sflag:$0x3] =	stream.linear.gather [spmem:s15], $0x2800, $0x38;
	[tilespmem:$0x16500] =	vst v63  }
0xc1: {  	_ =	swait.ge [sflag:s26], $0x2800  }
0xc2: {  	[sflag:s26] =	ssyncset.done $0x0  }
0xc3: {  	[sflag:s26] =	ssyncadd.s32 $0xFFFFD800  }
0xc4: {  	[hbm4b:s22+s3] =	stream.linear.scatter [tilespmem:s25], [sflag:$0x3], $0x2800, $0x38;
	[tilespmem:$0x16500] =	vst v63  }
0xc5: {  	_ =	swait.ge [sflag:s26], $0x2800  }
0xc6: {  	[sflag:s26] =	ssyncset.done $0x0  }
0xc7: {  	[sflag:s26] =	ssyncadd.s32 $0xFFFFD800  }
0xc8: {  	[tilespmem:s25], [sflag:$0x3] =	stream.linear.gather [spmem:s5], $0x2400, $0x38;
	[tilespmem:$0x16500] =	vst v63  }
0xc9: {  	_ =	swait.ge [sflag:s26], $0x2400  }
0xca: {  	[sflag:s26] =	ssyncset.done $0x0  }
0xcb: {  	s9 =	rddreg [dreg:$0x4];
	[sflag:s26] =	ssyncadd.s32 $0xFFFFDC00  }
0xcc: {  	[hbm4b:s9+s3] =	stream.linear.scatter [tilespmem:s25], [sflag:$0x3], $0x2400, $0x38;
	[tilespmem:$0x16500] =	vst v63  }
0xcd: {  	_ =	swait.ge [sflag:s26], $0x2400  }
0xce: {  	s0 =	sadd.s32 $0x1, s0;
	s16 =	rddreg [dreg:$0x5]  }
0xcf: {  	p0 =	sne.s32 s0, s16  }
.Ltmp3:
0xd0: {  	_ = 	snop;
	(pc) =	sbr.rel @p0 .LBB2_1-.Ltmp3, $3  }
0xd1: {  	_ =	sdelay $0x1  }
0xd2: {  	[sflag:s26] =	ssyncset.done $0x0  }
0xd3: {  	[sflag:s26] =	ssyncadd.s32 $0xFFFFDC00  }
0xd4: {  	_ =	sfence.sel $0x180000  }
0xd5: {  	[bflag:$0x0] =	sbarrier.arrive $0xFFFF  }
0xd6: {  	_ =	strace $0x90000047  }
0xd7: {  	s0 =	stileid.u32;
	[bflag:$0x2] =	sbarrier.arrive $0xFFFF  }
0xd8: {  	p0 =	sne.s32 s0, $0x0;
	s0 =	rddreg [dreg:$0x2]  }
0xd9: {  	s0 =	sadd.s32 @!p0 $0x100000, s0  }
0xda: {  	[sflag:s0] =	ssyncadd.tile.s32 @!p0 $0x1;
	_ =	shalt  }
.Lfunc_end2:
_tile_overlayer_lowered:
.L_overlay_start_2:
0xdb: {  	(tag) =	ssettag $0x2  }
0xdc: {  	s0 =	rddreg [dreg:$0x0];
	s2 =	stileid.u32  }
0xdd: {  	s1 =	rddreg [dreg:$0x1];
	p0 =	sne.s32 s2, $0x0  }
0xde: {  	s3 =	rddreg [dreg:$0x2];
	[bflag:$0x3] =	sbarrier.arrive $0xFFFF;
	s2 =	simm.s32 @!p0 $0x1C03  }
0xdf: {  	[timem:s3], [sflag:s2] =	dma.local @!p0 [hbm:s0], s1  }
0xe0: {  	s0 =	simm.s32 @!p0 $0x3  }
0xe1: {  	_ =	swait.ge @!p0 [sflag:s0], s1  }
0xe2: {  	s1 =	ssub.s32 @!p0 $0x0, s1;
	[sflag:s0] =	ssyncset.done @!p0 $0x0  }
0xe3: {  	[sflag:s0] =	ssyncadd.s32 @!p0 s1  }
0xe4: {  	[bflag:$0x3] =	sbarrier.arrive $0xFFFF  }
0xe5: {  	_ =	shalt  }

// kernel: kernel.14.cloned.1.call-start
scs
__scs_entry_jumppad:
0x0: {  	(pc) =	sbr.rel $0x88, $3  }
0x1: {  	(tag) =	ssettag $0x0;
	lr =	simm.s32 $0x1  }
0x2: {  	[smem:$0x3F95] =	sst lr;
	_ =	strace $0xD0000000  }
0x3: {  	_ = 	snop  }
0x4: {  	_ = 	snop  }
0x5: {  	_ = 	snop  }
0x6: {  	_ = 	snop  }
0x7: {  	_ = 	snop  }
__scs_overlays_trampoline_lowered:
0x8: {  	[smem:$0x3FA4] =	sst s0  }
0x9: {  	[smem:$0x3FA5] =	sst s1  }
0xa: {  	[smem:$0x3FA6] =	sst s2  }
0xb: {  	[smem:$0x3FA7] =	sst s3  }
0xc: {  	[smem:$0x3FA8] =	sst s4  }
0xd: {  	[smem:$0x3FA9] =	sst s5  }
0xe: {  	[smem:$0x3FAA] =	sst s6  }
0xf: {  	[smem:$0x3FAB] =	sst s7  }
0x10: {  	[smem:$0x3FAC] =	sst s8  }
0x11: {  	[smem:$0x3FAD] =	sst s9;
	s0 =	simm.s32 @!p0 $0x0  }
0x12: {  	s1 =	sld [smem:$0x3F93];
	s0 =	simm.s32 @p0 $0x1  }
0x13: {  	[smem:$0x3FAE] =	sst s0;
	s0 =	simm.s32 @!p1 $0x0  }
0x14: {  	s2 =	sld [smem:$0x3F92];
	s0 =	simm.s32 @p1 $0x1  }
0x15: {  	[smem:$0x3FAF] =	sst s0;
	s0 =	simm.s32 @!p2 $0x0  }
0x16: {  	s3 =	sld [smem:$0x3FDB];
	s0 =	simm.s32 @p2 $0x1  }
0x17: {  	s4 =	simm.s32 $0x1BF5;
	[smem:$0x3FB1] =	sst s0  }
0x18: {  	s0 =	sld [smem:$0x3F94];
	_ =	swait.ge [sflag:s4], $0x0  }
0x19: {  	s7 =	sld [smem:$0x3F95]  }
0x1a: {  	s8 =	sadd.s32 $0xFFFFE003, lr  }
0x1b: {  	s9 =	sadd.s32 $0xFFFFFEF7, lr;
	s5 =	simm.s32 $0xFFFFFFFF;
	p2 =	slt.u32 s8, $0xFFFFF086  }
0x1c: {  	p1 =	slt.u32 s9, $0xF7A;
	s5 =	simm.s32 @!p2 $0x0  }
0x1d: {  	s5 =	simm.s32 @p1 $0x1;
	p0 =	seq.s32 s7, s2  }
0x1e: {  	s7 =	smul.u32 @!p0 $0xF7A, s2;
	p2 =	seq.s32 @!p0 s5, $0x0  }
0x1f: {  	s9 =	smul.u32 $0xF7A, s1;
	s8 =	simm.s32 @!p0 $0x1BF5;
	p2 =	por !p2, p0  }
0x20: {  	[sflag:s8] =	ssyncset.s32 @!p0 $0xFFFFF086;
	s6 =	sadd.s32 @!p0 s3, s7;
	s7 =	simm.s32 @!p0 $0x108  }
0x21: {  	s3 =	sadd.s32 s3, s9;
	s6 =	sadd.s32 @!p0 $0x88, s6;
	s7 =	simm.s32 @p2 $0x1082  }
0x22: {  	[simem:s7], [sflag:s8] =	dma.local @!p0 [hbm:s6], $0xF7A  }
0x23: {  	s9 =	sor.u32 $0xD0000000, s2;
	s6 =	simm.s32 $0x108;
	_ =	swait.ge @!p0 [sflag:s8], $0x0  }
0x24: {  	s3 =	sadd.s32 $0x88, s3;
	s6 =	simm.s32 @!p1 $0x1082;
	[sflag:s4] =	ssyncset.s32 $0xFFFFF086  }
0x25: {  	[simem:s6], [sflag:s4] =	dma.local [hbm:s3], $0xF7A  }
0x26: {  	[smem:$0x3F95] =	sst s1;
	(tag) =	ssettag s2;
	_ =	strace s9  }
0x27: {  	s1 =	sld [smem:$0x3FA5]  }
0x28: {  	s2 =	sld [smem:$0x3FA6]  }
0x29: {  	s4 =	sld [smem:$0x3FA8]  }
0x2a: {  	p0 =	seq.s32 s5, $0x0;
	s5 =	sld [smem:$0x3FA9]  }
0x2b: {  	s6 =	sld [smem:$0x3FAA]  }
0x2c: {  	s7 =	sld [smem:$0x3FAB]  }
0x2d: {  	s3 =	simm.s32 $0x108;
	s8 =	sld [smem:$0x3FAC]  }
0x2e: {  	s3 =	simm.s32 @!p0 $0x1082;
	s9 =	sld [smem:$0x3FAD]  }
0x2f: {  	lr =	sadd.s32 s0, s3;
	s0 =	sld [smem:$0x3FA4]  }
0x30: {  	s3 =	sld [smem:$0x3FA7]  }
0x31: {  	[smem:$0x3FB0] =	sst s10  }
0x32: {  	s10 =	sld [smem:$0x3FAE];
	_ =	sdelay $0x3  }
0x33: {  	p0 =	seq.s32 s10, $0x1;
	s10 =	sld [smem:$0x3FB0];
	_ =	sdelay $0x3  }
0x34: {  	[smem:$0x3FB0] =	sst s10  }
0x35: {  	s10 =	sld [smem:$0x3FAF];
	_ =	sdelay $0x3  }
0x36: {  	p1 =	seq.s32 s10, $0x1;
	s10 =	sld [smem:$0x3FB0];
	_ =	sdelay $0x3  }
0x37: {  	[smem:$0x3FB0] =	sst s10  }
0x38: {  	s10 =	sld [smem:$0x3FB1]  }
0x39: {  	_ = 	snop;
	(pc) =	sbr.ind lr, $3  }
0x3a: {  	_ = 	snop  }
0x3b: {  	_ = 	snop  }
0x3c: {  	p2 =	seq.s32 s10, $0x1;
	s10 =	sld [smem:$0x3FB0]  }
0x3d: {  	_ =	shalt  }
0x3e: {  	_ =	shalt  }
0x3f: {  	_ =	shalt  }
0x40: {  	_ =	shalt  }
0x41: {  	_ =	shalt  }
0x42: {  	_ =	shalt  }
0x43: {  	_ =	shalt  }
0x44: {  	_ =	shalt  }
0x45: {  	_ =	shalt  }
0x46: {  	_ =	shalt  }
0x47: {  	_ =	shalt  }
0x48: {  	_ =	shalt  }
0x49: {  	_ =	shalt  }
0x4a: {  	_ =	shalt  }
0x4b: {  	_ =	shalt  }
0x4c: {  	_ =	shalt  }
0x4d: {  	_ =	shalt  }
0x4e: {  	_ =	shalt  }
0x4f: {  	_ =	shalt  }
0x50: {  	_ =	shalt  }
0x51: {  	_ =	shalt  }
0x52: {  	_ =	shalt  }
0x53: {  	_ =	shalt  }
0x54: {  	_ =	shalt  }
0x55: {  	_ =	shalt  }
0x56: {  	_ =	shalt  }
0x57: {  	_ =	shalt  }
0x58: {  	_ =	shalt  }
0x59: {  	_ =	shalt  }
0x5a: {  	_ =	shalt  }
0x5b: {  	_ =	shalt  }
0x5c: {  	_ =	shalt  }
0x5d: {  	_ =	shalt  }
0x5e: {  	_ =	shalt  }
0x5f: {  	_ =	shalt  }
0x60: {  	_ =	shalt  }
0x61: {  	_ =	shalt  }
0x62: {  	_ =	shalt  }
0x63: {  	_ =	shalt  }
0x64: {  	_ =	shalt  }
0x65: {  	_ =	shalt  }
0x66: {  	_ =	shalt  }
0x67: {  	_ =	shalt  }
0x68: {  	_ =	shalt  }
0x69: {  	_ =	shalt  }
0x6a: {  	_ =	shalt  }
0x6b: {  	_ =	shalt  }
0x6c: {  	_ =	shalt  }
0x6d: {  	_ =	shalt  }
0x6e: {  	_ =	shalt  }
0x6f: {  	_ =	shalt  }
0x70: {  	_ =	shalt  }
0x71: {  	_ =	shalt  }
0x72: {  	_ =	shalt  }
0x73: {  	_ =	shalt  }
0x74: {  	_ =	shalt  }
0x75: {  	_ =	shalt  }
0x76: {  	_ =	shalt  }
0x77: {  	_ =	shalt  }
0x78: {  	_ =	shalt  }
0x79: {  	_ =	shalt  }
0x7a: {  	_ =	shalt  }
0x7b: {  	_ =	shalt  }
0x7c: {  	_ =	shalt  }
0x7d: {  	_ =	shalt  }
0x7e: {  	_ =	shalt  }
0x7f: {  	_ =	shalt  }
0x80: {  	_ =	shalt  }
0x81: {  	_ =	shalt  }
0x82: {  	_ =	shalt  }
0x83: {  	_ =	shalt  }
0x84: {  	_ =	shalt  }
0x85: {  	_ =	shalt  }
0x86: {  	_ =	shalt  }
0x87: {  	_ =	shalt  }
.Lfunc_end0:
.L_simem_size_0:
called_computation.1_lowered:
.L_overlay_start_0:
0x88: {  	s2 =	sld [smem:$0x3FD9]  }
0x89: {  	s3 =	sld [smem:$0x3FFE];
	_ =	sdelay $0x1  }
0x8a: {  	s1 =	srdreg.scid  }
0x8b: {  	s0 =	sand.u32 $0x1, s1  }
0x8c: {  	s17 =	sshll.u32 s0, $0xA;
	s2 =	sadd.s32 s3, s2  }
0x8d: {  	s2 =	sadd.s32 s2, s17  }
0x8e: {  	[smem:$0x3FBC] =	sst s2  }
0x8f: {  	_ = 	snop  }
0x90: {  	s18 =	sld [smem:$0x3FC9];
	(tm) =	ssettm $0x1  }
0x91: {  	s19 =	sld [smem:$0x3FFB];
	_ =	sdelay $0x3  }
0x92: {  	_ =	strace s19  }
0x93: {  	s2 =	sld [smem:$0x3FFC];
	_ =	sdelay $0x3  }
0x94: {  	_ =	strace s2  }
0x95: {  	s2 =	sld [smem:$0x3FFD];
	_ =	sdelay $0x3  }
0x96: {  	_ =	strace s2  }
0x97: {  	_ =	strace $0x8FFFFFFF  }
0x98: {  	s20 =	sld [smem:$0x3FDB];
	_ =	sdelay $0x1  }
0x99: {  	s4 =	simm.s32 $_scs_section_size  }
0x9a: {  	s5 =	simm.s32 $_size__tile_overlayer_lowered;
	s6 =	simm.s32 $_tile_overlayer_lowered  }
0x9b: {  	s7 =	simm.s32 $0x1BFF;
	s21 =	sshll.u32 s6, $0x1;
	s4 =	sadd.s32 s4, s20  }
0x9c: {  	s22 =	simm.s32 $0x0;
	s5 =	sshll.u32 s5, $0x1;
	s6 =	sadd.s32 s21, s4  }
0x9d: {  	[timem:s22], [sflag:s7] =	dma.local [hbm:s6], s5  }
0x9e: {  	_ =	swait.ge [sflag:s7], s5  }
0x9f: {  	s5 =	ssub.s32 $0x0, s5;
	[sflag:s7] =	ssyncset.done $0x0  }
0xa0: {  	[sflag:s7] =	ssyncadd.s32 s5;
	_ =	sdelay $0x1  }
0xa1: {  	s23 =	simm.s32 $0x1B8B  }
0xa2: {  	_ =	swait.ge [sflag:s23], $0x1  }
0xa3: {  	[sflag:s23] =	ssyncset.done $0x0  }
0xa4: {  	[sflag:s23] =	ssyncadd.s32 $0xFFFFFFFF  }
0xa5: {  	s5 =	sld [smem:$0x0]  }
0xa6: {  	s6 =	sand.u32 $0xFFFFFFFE, s1  }
0xa7: {  	p0 =	sne.s32 s1, s6  }
0xa8: {  	s6 =	sshll.u32 @p0 s6, $0xE  }
0xa9: {  	s6 =	sadd.s32 @p0 $0x11B8D, s6;
	s7 =	sshll.u32 @p0 s5, $0x11  }
0xaa: {  	s6 =	sor.u32 @p0 s7, s6  }
0xab: {  	[sflag:s6] =	ssyncadd.remote.s32 @p0 $0x1;
	_ =	sdelay $0x1  }
0xac: {  	s6 =	simm.s32 @p0 $0x1B8D  }
0xad: {  	_ =	swait.eq @p0 [sflag:s6], $0x1  }
0xae: {  	[sflag:s6] =	ssyncadd.s32 @p0 $0xFFFFFFFF  }
0xaf: {  	s7 =	sshll.u32 @!p0 s1, $0xE  }
0xb0: {  	s7 =	sor.u32 @!p0 $0x4000, s7;
	s6 =	simm.s32 @!p0 $0x1B8D  }
0xb1: {  	s5 =	sshll.u32 @!p0 s5, $0x11;
	s7 =	sadd.s32 @!p0 $0x11B8D, s7;
	_ =	swait.eq @!p0 [sflag:s6], $0x1  }
0xb2: {  	s5 =	sor.u32 @!p0 s5, s7;
	[sflag:s6] =	ssyncadd.s32 @!p0 $0xFFFFFFFF  }
0xb3: {  	s25 =	simm.s32 $0x1B8E;
	s24 =	sld [smem:$0x3FFE];
	[sflag:s5] =	ssyncadd.remote.s32 @!p0 $0x1  }
0xb4: {  	s26 =	simm.s32 $execute0_lowered;
	[smem:$0x3FD2] =	sst s25  }
0xb5: {  	s6 =	sshll.u32 s26, $0x1;
	_ =	strace $0x80000049;
	[dreg:$0x1] =	wrdreg $0xFFFFFFFF  }
0xb6: {  	s28 =	simm.s32 $_size_execute0_lowered;
	s4 =	sadd.s32 s4, s6;
	[dreg:$0x0] =	wrdreg $0x0  }
0xb7: {  	s6 =	sshll.u32 s28, $0x1;
	[dreg:$0x2] =	wrdreg s4  }
0xb8: {  	[dreg:$0x3] =	wrdreg s6  }
0xb9: {  	[dreg:$0x4] =	wrdreg $0xC0  }
0xba: {  	_ =	task [dreg:s22], $0x5FFFF  }
0xbb: {  	[dreg:$0x1] =	wrdreg $0xFFFFFFFF  }
0xbc: {  	[dreg:$0x0] =	wrdreg $0x60  }
0xbd: {  	[dreg:$0x2] =	wrdreg s18  }
0xbe: {  	[dreg:$0x3] =	wrdreg s24  }
0xbf: {  	[dreg:$0x4] =	wrdreg $0x52000  }
0xc0: {  	[dreg:$0x5] =	wrdreg $0x9  }
0xc1: {  	_ =	task.clear_ibuf [dreg:s22], $0x6FFFF;
	_ =	strace $0x90000049  }
0xc2: {  	s29 =	simm.s32 $0x9;
	_ =	strace $0x8000004B  }
0xc3: {  	_ =	swait.ge [sflag:s29], $0x1  }
0xc4: {  	[sflag:s29] =	ssyncadd.s32 $0xFFFFFFFF  }
0xc5: {  	_ =	strace $0x9000004B  }
0xc6: {  	_ =	sfence  }
0xc7: {  	s30 =	sld [smem:$0x0];
	_ =	sdelay $0x2  }
0xc8: {  	s31 =	sshll.u32 s1, $0xD;
	s1 =	sshrl.u32 s1, $0x2  }
0xc9: {  	s4 =	sand.u32 $0x4000, s31;
	s1 =	sadd.s32 s1, s30  }
0xca: {  	s0 =	sor.u32 s4, s0;
	s1 =	sshll.u32 s1, $0x11  }
0xcb: {  	s0 =	sor.u32 s1, s0  }
0xcc: {  	s0 =	sadd.s32 $0x8F2B, s0  }
0xcd: {  	[sflag:s0] =	ssyncadd.remote.s32 $0x1  }
0xce: {  	_ =	sfence.sel $0xFFFF  }
0xcf: {  	[dreg:$0x0] =	wrdreg $0xFFFFFFFF;
	(pc) =	sbr.abs _section_cstart, $3  }
0xd0: {  	[dreg:$0x1] =	wrdreg $0xFFFFFFFF  }
0xd1: {  	_ =	task.clear_ibuf [dreg:s22], $0x2FFFF;
	_ =	strace $0x9FFFFFFF  }
0xd2: {  	(tm) =	ssettm $0x7FFFFFFF  }
0xd3: {  	_ =	shalt  }
tec
execute0_lowered:
.L_overlay_start_1:
0x0: {  	(tag) =	ssettag $0x1  }
0x1: {  	s1 =	rddreg [dreg:$0x0]  }
0x2: {  	s0 =	rddreg [dreg:$0x1]  }
0x3: {  	s3 =	rddreg [dreg:$0x2];
	s4 =	simm.s32 $0x0;
	s2 =	srdreg.scid  }
0x4: {  	s18 =	stileid.u32;
	s30 =	simm.s32 $0x200;
	s31 =	simm.s32 $0x3  }
0x5: {  	[smem:$0x7FF] =	sst s4;
	s2 =	sand.u32 $0x1, s2;
	s5 =	smul.u32 $0x13C00, s18  }
0x6: {  	s7 =	sadd.s32 $0x67800, s0;
	s22 =	smul.u32 $0x2710, s18;
	_ =	strace $0x8000004A  }
0x7: {  	s6 =	smul.u32 $0x13C000, s2;
	s8 =	ssub.s32 $0x2, s2;
	s11 =	sshll.u32 s2, $0x4  }
0x8: {  	s2 =	smul.u32 $0x27100, s2;
	s9 =	sadd.s32 $0x11800, s5;
	s10 =	sshrl.u32 s8, $0x1  }
0x9: {  	s24 =	sor.u32 s18, s11;
	s16 =	sadd.s32 $0x7800, s5;
	s17 =	sadd.s32 $0xA000, s5  }
0xa: {  	s12 =	sadd.s32 s6, s9;
	s8 =	ssub.s32 s8, s10;
	s10 =	smul.u32 $0x2710, s24  }
0xb: {  	s13 =	sadd.s32 s6, s5;
	s24 =	sadd.s32 $0xC800, s5;
	s15 =	sadd.s32 s6, s16  }
0xc: {  	s20 =	sadd.s32 s6, s17;
	s2 =	sadd.s32 s22, s2;
	s22 =	sadd.s32 s16, s3  }
0xd: {  	s25 =	sshrl.u32 s12, $0x3;
	s12 =	sadd.s32 $0x5000, s5;
	s13 =	sshrl.u32 s13, $0x3  }
0xe: {  	s15 =	sshrl.u32 s15, $0x3;
	s21 =	sadd.s32 s6, s24;
	s24 =	sadd.s32 s24, s3  }
0xf: {  	s11 =	sadd.s32 s7, s25;
	s13 =	sadd.s32 s7, s13;
	s14 =	sadd.s32 s6, s12  }
0x10: {  	s19 =	sadd.s32 s7, s15;
	s25 =	smul.u32 $0x4F000, s18;
	[dreg:$0x4] =	wrdreg s11  }
0x11: {  	s15 =	sadd.s32 s9, s3;
	s11 =	sadd.s32 $0x2800, s5;
	[dreg:$0x5] =	wrdreg s13  }
0x12: {  	s5 =	sadd.s32 $0xF000, s5;
	s14 =	sshrl.u32 s14, $0x3;
	[dreg:$0x8] =	wrdreg s19  }
0x13: {  	s26 =	sadd.s32 s6, s11;
	s6 =	sadd.s32 s6, s5;
	s18 =	sadd.s32 s11, s3  }
0x14: {  	s13 =	sshrl.u32 s26, $0x3;
	s6 =	sshrl.u32 s6, $0x3;
	s26 =	sshrl.u32 s10, $0x3  }
0x15: {  	s10 =	smax.u32 s8, $0x1;
	[dreg:$0xf] =	wrdreg s18;
	s8 =	simm.s32 $0x1  }
0x16: {  	s13 =	sadd.s32 s7, s13;
	s6 =	sadd.s32 s7, s6;
	[dreg:$0xe] =	wrdreg s10  }
0x17: {  	s10 =	simm.s32 $0x0;
	[dreg:$0x6] =	wrdreg s13;
	s13 =	sadd.s32 s7, s14  }
0x18: {  	s14 =	sshrl.u32 s21, $0x3;
	[dreg:$0xb] =	wrdreg s6;
	s6 =	sshrl.u32 s25, $0x2  }
0x19: {  	s21 =	sadd.s32 s12, s3;
	s25 =	sadd.s32 s5, s3;
	s5 =	simm.s32 $0x100  }
0x1a: {  	[dreg:$0x7] =	wrdreg s13;
	s13 =	sshrl.u32 s20, $0x3;
	s23 =	sadd.s32 s7, s14  }
0x1b: {  	s14 =	sadd.s32 $0x4C00, s0;
	s19 =	sadd.s32 s6, s3;
	s20 =	sadd.s32 $0x50, s2  }
0x1c: {  	s6 =	simm.s32 $0x180;
	s13 =	sadd.s32 s7, s13;
	[dreg:$0xa] =	wrdreg s23  }
0x1d: {  	s23 =	sadd.s32 s17, s3;
	[dreg:$0x9] =	wrdreg s13;
	s13 =	sadd.s32 $0xEA00, s0  }
0x1e: {  	s7 =	simm.s32 $0x2A00;
	s0 =	sadd.s32 s14, s26;
	s9 =	sadd.s32 s13, s26  }
0x1f: {  	[dreg:$0xd] =	wrdreg s0;
	s26 =	sadd.s32 $0xA0, s2;
	s0 =	sshrl.u32 s20, $0x3  }
0x20: {  	s2 =	simm.s32 $0x50;
	[dreg:$0xc] =	wrdreg s9;
	s28 =	sadd.s32 s0, s14  }
0x21: {  	v0 =	vimm.f32 $0.0e+00;
	s29 =	sadd.s32 s0, s13;
	s0 =	simm.s32 $0x80;
	s9 =	simm.s32 $0x2  }
.LBB2_1:
0x22: {  	s11 =	simm.s32 $0x70;
	s12 =	simm.s32 $0x3C0  }
.LBB2_2:
0x23: {  	p0 =	sne.s32 s12, $0x9FC0;
	[tilespmem:s11+$0x200] =	vst v0  }
0x24: {  	[tilespmem:s11+$0x190] =	vst v0  }
0x25: {  	[tilespmem:s11+$0x1A0] =	vst v0  }
.Ltmp0:
0x26: {  	[tilespmem:s11+$0x1B0] =	vst v0;
	(pc) =	sbr.rel @p0 .LBB2_2-.Ltmp0, $4  }
0x27: {  	[tilespmem:s11+$0x1C0] =	vst v0  }
0x28: {  	[tilespmem:s11+$0x1D0] =	vst v0  }
0x29: {  	[tilespmem:s11+$0x1E0] =	vst v0  }
0x2a: {  	[tilespmem:s11+$0x1F0] =	vst v0;
	s11 =	sshra.s32 s12, $0x2;
	s12 =	sadd.s32 $0x200, s12  }
0x2b: {  	[tilespmem:s11+$0x200] =	vst v0  }
0x2c: {  	[tilespmem:s11+$0x190] =	vst v0  }
0x2d: {  	[tilespmem:s11+$0x1A0] =	vst v0  }
0x2e: {  	[tilespmem:s11+$0x1B0] =	vst v0  }
0x2f: {  	[tilespmem:s11+$0x1C0] =	vst v0  }
0x30: {  	[tilespmem:s11+$0x1D0] =	vst v0  }
0x31: {  	[tilespmem:s11+$0x1E0] =	vst v0  }
0x32: {  	[tilespmem:s11+$0x1F0] =	vst v0  }
0x33: {  	[spmem:s19] =	stream.linear.scatter [tilespmem:s30], [sflag:$0x3], $0x2800, $0x38;
	[tilespmem:$0x18E00] =	vst v63  }
0x34: {  	_ =	swait.ge [sflag:s31], $0x2800  }
0x35: {  	[sflag:s31] =	ssyncset.done $0x0  }
0x36: {  	s16 =	rddreg [dreg:$0xf];
	[sflag:s31] =	ssyncadd.s32 $0xFFFFD800  }
0x37: {  	[spmem:s16] =	stream.linear.scatter [tilespmem:s30], [sflag:$0x3], $0x2800, $0x38;
	[tilespmem:$0x18E00] =	vst v63  }
0x38: {  	_ =	swait.ge [sflag:s31], $0x2800  }
0x39: {  	[sflag:s31] =	ssyncset.done $0x0  }
0x3a: {  	[sflag:s31] =	ssyncadd.s32 $0xFFFFD800  }
0x3b: {  	[spmem:s21] =	stream.linear.scatter [tilespmem:s30], [sflag:$0x3], $0x2800, $0x38;
	[tilespmem:$0x18E00] =	vst v63  }
0x3c: {  	_ =	swait.ge [sflag:s31], $0x2800  }
0x3d: {  	[sflag:s31] =	ssyncset.done $0x0  }
0x3e: {  	[sflag:s31] =	ssyncadd.s32 $0xFFFFD800  }
0x3f: {  	[spmem:s22] =	stream.linear.scatter [tilespmem:s30], [sflag:$0x3], $0x2800, $0x38;
	[tilespmem:$0x18E00] =	vst v63  }
0x40: {  	_ =	swait.ge [sflag:s31], $0x2800  }
0x41: {  	[sflag:s31] =	ssyncset.done $0x0  }
0x42: {  	[sflag:s31] =	ssyncadd.s32 $0xFFFFD800  }
0x43: {  	[spmem:s23] =	stream.linear.scatter [tilespmem:s30], [sflag:$0x3], $0x2800, $0x38;
	[tilespmem:$0x18E00] =	vst v63  }
0x44: {  	_ =	swait.ge [sflag:s31], $0x2800  }
0x45: {  	[sflag:s31] =	ssyncset.done $0x0  }
0x46: {  	[sflag:s31] =	ssyncadd.s32 $0xFFFFD800  }
0x47: {  	[spmem:s24] =	stream.linear.scatter [tilespmem:s30], [sflag:$0x3], $0x2800, $0x38;
	[tilespmem:$0x18E00] =	vst v63  }
0x48: {  	_ =	swait.ge [sflag:s31], $0x2800  }
0x49: {  	[sflag:s31] =	ssyncset.done $0x0  }
0x4a: {  	[sflag:s31] =	ssyncadd.s32 $0xFFFFD800  }
0x4b: {  	[spmem:s25] =	stream.linear.scatter [tilespmem:s30], [sflag:$0x3], $0x2800, $0x38;
	[tilespmem:$0x18E00] =	vst v63  }
0x4c: {  	_ =	swait.ge [sflag:s31], $0x2800  }
0x4d: {  	[sflag:s31] =	ssyncset.done $0x0  }
0x4e: {  	[sflag:s31] =	ssyncadd.s32 $0xFFFFD800  }
0x4f: {  	[spmem:s15] =	stream.linear.scatter [tilespmem:s30], [sflag:$0x3], $0x2400, $0x38;
	[tilespmem:$0x18E00] =	vst v63  }
0x50: {  	_ =	swait.ge [sflag:s31], $0x2400  }
0x51: {  	[sflag:s31] =	ssyncset.done $0x0  }
0x52: {  	[sflag:s31] =	ssyncadd.s32 $0xFFFFDC00  }
0x53: {  	[bflag:$0x0] =	sbarrier.arrive $0xFFFF  }
0x54: {  	s17 =	simm.s32 $0x0;
	s12 =	rddreg [dreg:$0xc]  }
0x55: {  	[tilespmem:s17], [sflag:$0x3] =	stream.linear.gather [hbm4b:s12+s17], $0x50, $0x38;
	[tilespmem:$0x18E00] =	vst v63  }
0x56: {  	_ =	swait.ge [sflag:s31], $0x50  }
0x57: {  	[sflag:s31] =	ssyncset.done $0x0  }
0x58: {  	s20 =	smov.u32 s19;
	s19 =	rddreg [dreg:$0xd];
	[sflag:s31] =	ssyncadd.s32 $0xFFFFFFB0  }
0x59: {  	[tilespmem:s0], [sflag:$0x3] =	stream.linear.gather [hbm4b:s19+s17], $0x50, $0x38;
	[tilespmem:$0x18E00] =	vst v63  }
0x5a: {  	_ =	swait.ge [sflag:s31], $0x50  }
0x5b: {  	[sflag:s31] =	ssyncset.done $0x0  }
0x5c: {  	[sflag:s31] =	ssyncadd.s32 $0xFFFFFFB0  }
0x5d: {  	[tilespmem:s30], [sflag:$0x1] =	stream.indirect.gather [hbm4b:s1+s2], $0x80, s17, s2, $0xb8;
	[tilespmem:$0x18E00] =	vst v63  }
0x5e: {  	s18 =	smov.u32 s15;
	s15 =	sadd.s32 $0x0, s29  }
0x5f: {  	[tilespmem:s5], [sflag:$0x3] =	stream.linear.gather [hbm4b:s15+s4], $0x50, $0x38;
	[tilespmem:$0x18E00] =	vst v63  }
0x60: {  	_ =	swait.ge [sflag:s31], $0x50  }
0x61: {  	[sflag:s31] =	ssyncset.done $0x0  }
0x62: {  	s16 =	sadd.s32 $0x0, s28;
	[sflag:s31] =	ssyncadd.s32 $0xFFFFFFB0  }
0x63: {  	[tilespmem:s6], [sflag:$0x3] =	stream.linear.gather [hbm4b:s16+s4], $0x50, $0x38;
	[tilespmem:$0x18E00] =	vst v63  }
0x64: {  	_ =	swait.ge [sflag:s31], $0x50  }
0x65: {  	[sflag:s31] =	ssyncset.done $0x0  }
0x66: {  	[sflag:s31] =	ssyncadd.s32 $0xFFFFFFB0  }
0x67: {  	[tilespmem:s7], [sflag:$0x2] =	stream.indirect.gather [hbm4b:s1+s2], $0x80, s5, s2, $0xb8;
	[tilespmem:$0x18E00] =	vst v63  }
0x68: {  	_ =	swait.ge [sflag:s8], $0x2800  }
0x69: {  	[sflag:s8] =	ssyncset.done $0x0  }
0x6a: {  	[sflag:s8] =	ssyncadd.s32 $0xFFFFD800  }
0x6b: {  	[spmem:s3] =	stream.indirect.scatter.add.f32 [tilespmem:s30], [sflag:$0x3], $0x80, s0, s2, $0xb8;
	[tilespmem:$0x18E00] =	vst v63  }
0x6c: {  	_ =	swait.ge [sflag:s31], $0x2800  }
0x6d: {  	s17 =	sshrl.u32 s26, $0x3;
	[sflag:s31] =	ssyncset.done $0x0  }
0x6e: {  	s19 =	sadd.s32 s13, s17;
	[sflag:s31] =	ssyncadd.s32 $0xFFFFD800  }
0x6f: {  	[tilespmem:s4], [sflag:$0x3] =	stream.linear.gather [hbm4b:s19+s4], $0x50, $0x38;
	[tilespmem:$0x18E00] =	vst v63  }
0x70: {  	_ =	swait.ge [sflag:s31], $0x50  }
0x71: {  	[sflag:s31] =	ssyncset.done $0x0  }
0x72: {  	s11 =	sadd.s32 s14, s17;
	[sflag:s31] =	ssyncadd.s32 $0xFFFFFFB0  }
0x73: {  	[tilespmem:s0], [sflag:$0x3] =	stream.linear.gather [hbm4b:s11+s4], $0x50, $0x38;
	[tilespmem:$0x18E00] =	vst v63  }
0x74: {  	_ =	swait.ge [sflag:s31], $0x50  }
0x75: {  	[sflag:s31] =	ssyncset.done $0x0  }
0x76: {  	[sflag:s31] =	ssyncadd.s32 $0xFFFFFFB0  }
0x77: {  	[tilespmem:s30], [sflag:$0x1] =	stream.indirect.gather [hbm4b:s1+s2], $0x80, s4, s2, $0xb8;
	[tilespmem:$0x18E00] =	vst v63  }
0x78: {  	_ =	swait.ge [sflag:s9], $0x2800  }
0x79: {  	[sflag:s9] =	ssyncset.done $0x0  }
0x7a: {  	[sflag:s9] =	ssyncadd.s32 $0xFFFFD800  }
0x7b: {  	[spmem:s3] =	stream.indirect.scatter.add.f32 [tilespmem:s7], [sflag:$0x3], $0x80, s6, s2, $0xb8;
	[tilespmem:$0x18E00] =	vst v63  }
0x7c: {  	s12 =	simm.s32 $0x14;
	_ =	swait.ge [sflag:s31], $0x2800  }
0x7d: {  	s16 =	simm.s32 $0x28;
	s11 =	sadd.s32 $0xA0, s26;
	[sflag:s31] =	ssyncset.done $0x0  }
.LBB2_4:
0x7e: {  	s19 =	sadd.s32 s12, s29  }
0x7f: {  	[sflag:s31] =	ssyncadd.s32 $0xFFFFD800;
	s15 =	smov.u32 s16;
	s17 =	sadd.s32 $0x14, s16  }
0x80: {  	[tilespmem:s5], [sflag:$0x3] =	stream.linear.gather [hbm4b:s19+s4], $0x50, $0x38;
	[tilespmem:$0x18E00] =	vst v63  }
0x81: {  	p0 =	sne.s32 s16, $0x4C4;
	_ =	swait.ge [sflag:s31], $0x50  }
0x82: {  	[sflag:s31] =	ssyncset.done $0x0  }
0x83: {  	s16 =	sadd.s32 s12, s28;
	s12 =	smov.u32 s15;
	[sflag:s31] =	ssyncadd.s32 $0xFFFFFFB0  }
0x84: {  	[tilespmem:s6], [sflag:$0x3] =	stream.linear.gather [hbm4b:s16+s4], $0x50, $0x38;
	[tilespmem:$0x18E00] =	vst v63  }
0x85: {  	_ =	swait.ge [sflag:s31], $0x50  }
0x86: {  	[sflag:s31] =	ssyncset.done $0x0  }
0x87: {  	[sflag:s31] =	ssyncadd.s32 $0xFFFFFFB0  }
0x88: {  	[tilespmem:s7], [sflag:$0x2] =	stream.indirect.gather [hbm4b:s1+s2], $0x80, s5, s2, $0xb8;
	[tilespmem:$0x18E00] =	vst v63  }
0x89: {  	_ =	swait.ge [sflag:s8], $0x2800  }
0x8a: {  	[sflag:s8] =	ssyncset.done $0x0  }
0x8b: {  	[sflag:s8] =	ssyncadd.s32 $0xFFFFD800  }
0x8c: {  	[spmem:s3] =	stream.indirect.scatter.add.f32 [tilespmem:s30], [sflag:$0x3], $0x80, s0, s2, $0xb8;
	[tilespmem:$0x18E00] =	vst v63  }
0x8d: {  	_ =	swait.ge [sflag:s31], $0x2800  }
0x8e: {  	s15 =	sshrl.u32 s11, $0x3;
	[sflag:s31] =	ssyncset.done $0x0  }
0x8f: {  	s16 =	sadd.s32 s13, s15;
	[sflag:s31] =	ssyncadd.s32 $0xFFFFD800  }
0x90: {  	[tilespmem:s4], [sflag:$0x3] =	stream.linear.gather [hbm4b:s16+s4], $0x50, $0x38;
	[tilespmem:$0x18E00] =	vst v63  }
0x91: {  	_ =	swait.ge [sflag:s31], $0x50  }
0x92: {  	[sflag:s31] =	ssyncset.done $0x0  }
0x93: {  	s15 =	sadd.s32 s14, s15;
	[sflag:s31] =	ssyncadd.s32 $0xFFFFFFB0  }
0x94: {  	[tilespmem:s0], [sflag:$0x3] =	stream.linear.gather [hbm4b:s15+s4], $0x50, $0x38;
	[tilespmem:$0x18E00] =	vst v63  }
0x95: {  	_ =	swait.ge [sflag:s31], $0x50  }
0x96: {  	[sflag:s31] =	ssyncset.done $0x0  }
0x97: {  	[sflag:s31] =	ssyncadd.s32 $0xFFFFFFB0  }
0x98: {  	[tilespmem:s30], [sflag:$0x1] =	stream.indirect.gather [hbm4b:s1+s2], $0x80, s4, s2, $0xb8;
	[tilespmem:$0x18E00] =	vst v63  }
0x99: {  	_ =	swait.ge [sflag:s9], $0x2800  }
.Ltmp1:
0x9a: {  	[sflag:s9] =	ssyncset.done $0x0;
	(pc) =	sbr.rel @p0 .LBB2_4-.Ltmp1, $4  }
0x9b: {  	[sflag:s9] =	ssyncadd.s32 $0xFFFFD800  }
0x9c: {  	[spmem:s3] =	stream.indirect.scatter.add.f32 [tilespmem:s7], [sflag:$0x3], $0x80, s6, s2, $0xb8;
	[tilespmem:$0x18E00] =	vst v63  }
0x9d: {  	_ =	swait.ge [sflag:s31], $0x2800  }
0x9e: {  	s11 =	sadd.s32 $0xA0, s11;
	s16 =	smov.u32 s17;
	[sflag:s31] =	ssyncset.done $0x0  }
0x9f: {  	s15 =	sadd.s32 s12, s29;
	[sflag:s31] =	ssyncadd.s32 $0xFFFFD800  }
0xa0: {  	[tilespmem:s5], [sflag:$0x3] =	stream.linear.gather [hbm4b:s15+s4], $0x50, $0x38;
	[tilespmem:$0x18E00] =	vst v63  }
0xa1: {  	_ =	swait.ge [sflag:s31], $0x50  }
0xa2: {  	[sflag:s31] =	ssyncset.done $0x0  }
0xa3: {  	s17 =	sadd.s32 s12, s28;
	[sflag:s31] =	ssyncadd.s32 $0xFFFFFFB0  }
0xa4: {  	[tilespmem:s6], [sflag:$0x3] =	stream.linear.gather [hbm4b:s17+s4], $0x50, $0x38;
	[tilespmem:$0x18E00] =	vst v63  }
0xa5: {  	_ =	swait.ge [sflag:s31], $0x50  }
0xa6: {  	[sflag:s31] =	ssyncset.done $0x0  }
0xa7: {  	[sflag:s31] =	ssyncadd.s32 $0xFFFFFFB0  }
0xa8: {  	[tilespmem:s7], [sflag:$0x2] =	stream.indirect.gather [hbm4b:s1+s2], $0x80, s5, s2, $0xb8;
	[tilespmem:$0x18E00] =	vst v63  }
0xa9: {  	_ =	swait.ge [sflag:s8], $0x2800  }
0xaa: {  	[sflag:s8] =	ssyncset.done $0x0  }
0xab: {  	[sflag:s8] =	ssyncadd.s32 $0xFFFFD800  }
0xac: {  	[spmem:s3] =	stream.indirect.scatter.add.f32 [tilespmem:s30], [sflag:$0x3], $0x80, s0, s2, $0xb8;
	[tilespmem:$0x18E00] =	vst v63  }
0xad: {  	_ =	swait.ge [sflag:s31], $0x2800  }
0xae: {  	s11 =	sshrl.u32 s11, $0x3;
	[sflag:s31] =	ssyncset.done $0x0  }
0xaf: {  	s19 =	sadd.s32 s13, s11;
	[sflag:s31] =	ssyncadd.s32 $0xFFFFD800  }
0xb0: {  	[tilespmem:s4], [sflag:$0x3] =	stream.linear.gather [hbm4b:s19+s4], $0x50, $0x38;
	[tilespmem:$0x18E00] =	vst v63  }
0xb1: {  	_ =	swait.ge [sflag:s31], $0x50  }
0xb2: {  	[sflag:s31] =	ssyncset.done $0x0  }
0xb3: {  	s11 =	sadd.s32 s14, s11;
	[sflag:s31] =	ssyncadd.s32 $0xFFFFFFB0  }
0xb4: {  	[tilespmem:s0], [sflag:$0x3] =	stream.linear.gather [hbm4b:s11+s4], $0x50, $0x38;
	[tilespmem:$0x18E00] =	vst v63  }
0xb5: {  	_ =	swait.ge [sflag:s31], $0x50  }
0xb6: {  	[sflag:s31] =	ssyncset.done $0x0  }
0xb7: {  	[sflag:s31] =	ssyncadd.s32 $0xFFFFFFB0  }
0xb8: {  	[tilespmem:s30], [sflag:$0x1] =	stream.indirect.gather [hbm4b:s1+s2], $0x80, s4, s2, $0xb8;
	[tilespmem:$0x18E00] =	vst v63  }
0xb9: {  	_ =	swait.ge [sflag:s9], $0x2800  }
0xba: {  	[sflag:s9] =	ssyncset.done $0x0  }
0xbb: {  	[sflag:s9] =	ssyncadd.s32 $0xFFFFD800  }
0xbc: {  	[spmem:s3] =	stream.indirect.scatter.add.f32 [tilespmem:s7], [sflag:$0x3], $0x80, s6, s2, $0xb8;
	[tilespmem:$0x18E00] =	vst v63  }
0xbd: {  	_ =	swait.ge [sflag:s31], $0x2800  }
0xbe: {  	[sflag:s31] =	ssyncset.done $0x0  }
0xbf: {  	[sflag:s31] =	ssyncadd.s32 $0xFFFFD800  }
0xc0: {  	_ =	swait.ge [sflag:s8], $0x2800  }
0xc1: {  	[sflag:s8] =	ssyncset.done $0x0  }
0xc2: {  	[sflag:s8] =	ssyncadd.s32 $0xFFFFD800  }
0xc3: {  	[spmem:s3] =	stream.indirect.scatter.add.f32 [tilespmem:s30], [sflag:$0x3], $0x80, s0, s2, $0xb8;
	[tilespmem:$0x18E00] =	vst v63  }
0xc4: {  	_ =	swait.ge [sflag:s31], $0x2800  }
0xc5: {  	[sflag:s31] =	ssyncset.done $0x0  }
0xc6: {  	[sflag:s31] =	ssyncadd.s32 $0xFFFFD800  }
0xc7: {  	[bflag:$0x0] =	sbarrier.arrive $0xFFFF  }
0xc8: {  	[tilespmem:s30], [sflag:$0x3] =	stream.linear.gather [spmem:s20], $0x2800, $0x38;
	[tilespmem:$0x18E00] =	vst v63  }
0xc9: {  	_ =	swait.ge [sflag:s31], $0x2800  }
0xca: {  	[sflag:s31] =	ssyncset.done $0x0  }
0xcb: {  	s15 =	rddreg [dreg:$0x5];
	[sflag:s31] =	ssyncadd.s32 $0xFFFFD800  }
0xcc: {  	[hbm4b:s15+s4] =	stream.linear.scatter [tilespmem:s30], [sflag:$0x3], $0x2800, $0x38;
	[tilespmem:$0x18E00] =	vst v63  }
0xcd: {  	_ =	swait.ge [sflag:s31], $0x2800  }
0xce: {  	[sflag:s31] =	ssyncset.done $0x0  }
0xcf: {  	s16 =	rddreg [dreg:$0xf];
	[sflag:s31] =	ssyncadd.s32 $0xFFFFD800  }
0xd0: {  	[tilespmem:s30], [sflag:$0x3] =	stream.linear.gather [spmem:s16], $0x2800, $0x38;
	[tilespmem:$0x18E00] =	vst v63  }
0xd1: {  	_ =	swait.ge [sflag:s31], $0x2800  }
0xd2: {  	[sflag:s31] =	ssyncset.done $0x0  }
0xd3: {  	s17 =	rddreg [dreg:$0x6];
	[sflag:s31] =	ssyncadd.s32 $0xFFFFD800  }
0xd4: {  	[hbm4b:s17+s4] =	stream.linear.scatter [tilespmem:s30], [sflag:$0x3], $0x2800, $0x38;
	[tilespmem:$0x18E00] =	vst v63  }
0xd5: {  	_ =	swait.ge [sflag:s31], $0x2800  }
0xd6: {  	[sflag:s31] =	ssyncset.done $0x0  }
0xd7: {  	[sflag:s31] =	ssyncadd.s32 $0xFFFFD800  }
0xd8: {  	[tilespmem:s30], [sflag:$0x3] =	stream.linear.gather [spmem:s21], $0x2800, $0x38;
	[tilespmem:$0x18E00] =	vst v63  }
0xd9: {  	_ =	swait.ge [sflag:s31], $0x2800  }
0xda: {  	[sflag:s31] =	ssyncset.done $0x0  }
0xdb: {  	s19 =	smov.u32 s20;
	s20 =	rddreg [dreg:$0x7];
	[sflag:s31] =	ssyncadd.s32 $0xFFFFD800  }
0xdc: {  	[hbm4b:s20+s4] =	stream.linear.scatter [tilespmem:s30], [sflag:$0x3], $0x2800, $0x38;
	[tilespmem:$0x18E00] =	vst v63  }
0xdd: {  	_ =	swait.ge [sflag:s31], $0x2800  }
0xde: {  	[sflag:s31] =	ssyncset.done $0x0  }
0xdf: {  	[sflag:s31] =	ssyncadd.s32 $0xFFFFD800  }
0xe0: {  	[tilespmem:s30], [sflag:$0x3] =	stream.linear.gather [spmem:s22], $0x2800, $0x38;
	[tilespmem:$0x18E00] =	vst v63  }
0xe1: {  	_ =	swait.ge [sflag:s31], $0x2800  }
0xe2: {  	[sflag:s31] =	ssyncset.done $0x0  }
0xe3: {  	s12 =	rddreg [dreg:$0x8];
	[sflag:s31] =	ssyncadd.s32 $0xFFFFD800  }
0xe4: {  	[hbm4b:s12+s4] =	stream.linear.scatter [tilespmem:s30], [sflag:$0x3], $0x2800, $0x38;
	[tilespmem:$0x18E00] =	vst v63  }
0xe5: {  	_ =	swait.ge [sflag:s31], $0x2800  }
0xe6: {  	[sflag:s31] =	ssyncset.done $0x0  }
0xe7: {  	[sflag:s31] =	ssyncadd.s32 $0xFFFFD800  }
0xe8: {  	[tilespmem:s30], [sflag:$0x3] =	stream.linear.gather [spmem:s23], $0x2800, $0x38;
	[tilespmem:$0x18E00] =	vst v63  }
0xe9: {  	_ =	swait.ge [sflag:s31], $0x2800  }
0xea: {  	[sflag:s31] =	ssyncset.done $0x0  }
0xeb: {  	s15 =	rddreg [dreg:$0x9];
	[sflag:s31] =	ssyncadd.s32 $0xFFFFD800  }
0xec: {  	[hbm4b:s15+s4] =	stream.linear.scatter [tilespmem:s30], [sflag:$0x3], $0x2800, $0x38;
	[tilespmem:$0x18E00] =	vst v63  }
0xed: {  	_ =	swait.ge [sflag:s31], $0x2800  }
0xee: {  	[sflag:s31] =	ssyncset.done $0x0  }
0xef: {  	[sflag:s31] =	ssyncadd.s32 $0xFFFFD800  }
0xf0: {  	[tilespmem:s30], [sflag:$0x3] =	stream.linear.gather [spmem:s24], $0x2800, $0x38;
	[tilespmem:$0x18E00] =	vst v63  }
0xf1: {  	_ =	swait.ge [sflag:s31], $0x2800  }
0xf2: {  	[sflag:s31] =	ssyncset.done $0x0  }
0xf3: {  	s16 =	rddreg [dreg:$0xa];
	[sflag:s31] =	ssyncadd.s32 $0xFFFFD800  }
0xf4: {  	[hbm4b:s16+s4] =	stream.linear.scatter [tilespmem:s30], [sflag:$0x3], $0x2800, $0x38;
	[tilespmem:$0x18E00] =	vst v63  }
0xf5: {  	_ =	swait.ge [sflag:s31], $0x2800  }
0xf6: {  	[sflag:s31] =	ssyncset.done $0x0  }
0xf7: {  	[sflag:s31] =	ssyncadd.s32 $0xFFFFD800  }
0xf8: {  	[tilespmem:s30], [sflag:$0x3] =	stream.linear.gather [spmem:s25], $0x2800, $0x38;
	[tilespmem:$0x18E00] =	vst v63  }
0xf9: {  	_ =	swait.ge [sflag:s31], $0x2800  }
0xfa: {  	[sflag:s31] =	ssyncset.done $0x0  }
0xfb: {  	s17 =	rddreg [dreg:$0xb];
	[sflag:s31] =	ssyncadd.s32 $0xFFFFD800  }
0xfc: {  	[hbm4b:s17+s4] =	stream.linear.scatter [tilespmem:s30], [sflag:$0x3], $0x2800, $0x38;
	[tilespmem:$0x18E00] =	vst v63  }
0xfd: {  	_ =	swait.ge [sflag:s31], $0x2800  }
0xfe: {  	[sflag:s31] =	ssyncset.done $0x0  }
0xff: {  	[sflag:s31] =	ssyncadd.s32 $0xFFFFD800  }
0x100: {  	[tilespmem:s30], [sflag:$0x3] =	stream.linear.gather [spmem:s18], $0x2400, $0x38;
	[tilespmem:$0x18E00] =	vst v63  }
0x101: {  	_ =	swait.ge [sflag:s31], $0x2400  }
0x102: {  	[sflag:s31] =	ssyncset.done $0x0  }
0x103: {  	s15 =	smov.u32 s18;
	s18 =	rddreg [dreg:$0x4];
	[sflag:s31] =	ssyncadd.s32 $0xFFFFDC00  }
0x104: {  	[hbm4b:s18+s4] =	stream.linear.scatter [tilespmem:s30], [sflag:$0x3], $0x2400, $0x38;
	[tilespmem:$0x18E00] =	vst v63  }
0x105: {  	_ =	swait.ge [sflag:s31], $0x2400  }
0x106: {  	s10 =	sadd.s32 $0x1, s10;
	s20 =	rddreg [dreg:$0xe]  }
0x107: {  	p0 =	sne.s32 s10, s20  }
.Ltmp2:
0x108: {  	_ = 	snop;
	(pc) =	sbr.rel @p0 .LBB2_1-.Ltmp2, $3  }
0x109: {  	_ =	sdelay $0x1  }
0x10a: {  	[sflag:s31] =	ssyncset.done $0x0  }
0x10b: {  	[sflag:s31] =	ssyncadd.s32 $0xFFFFDC00  }
0x10c: {  	_ =	sfence.sel $0x180000  }
0x10d: {  	[bflag:$0x0] =	sbarrier.arrive $0xFFFF  }
0x10e: {  	_ =	strace $0x9000004A  }
0x10f: {  	s0 =	stileid.u32;
	[bflag:$0x2] =	sbarrier.arrive $0xFFFF  }
0x110: {  	p0 =	sne.s32 s0, $0x0;
	s0 =	rddreg [dreg:$0x3]  }
0x111: {  	s0 =	sadd.s32 @!p0 $0x100000, s0  }
0x112: {  	[sflag:s0] =	ssyncadd.tile.s32 @!p0 $0x1;
	_ =	shalt  }
.Lfunc_end2:
_tile_overlayer_lowered:
.L_overlay_start_2:
0x113: {  	(tag) =	ssettag $0x2  }
0x114: {  	s0 =	rddreg [dreg:$0x0];
	s2 =	stileid.u32  }
0x115: {  	s1 =	rddreg [dreg:$0x1];
	p0 =	sne.s32 s2, $0x0  }
0x116: {  	s3 =	rddreg [dreg:$0x2];
	[bflag:$0x3] =	sbarrier.arrive $0xFFFF;
	s2 =	simm.s32 @!p0 $0x1C03  }
0x117: {  	[timem:s3], [sflag:s2] =	dma.local @!p0 [hbm:s0], s1  }
0x118: {  	s0 =	simm.s32 @!p0 $0x3  }
0x119: {  	_ =	swait.ge @!p0 [sflag:s0], s1  }
0x11a: {  	s1 =	ssub.s32 @!p0 $0x0, s1;
	[sflag:s0] =	ssyncset.done @!p0 $0x0  }
0x11b: {  	[sflag:s0] =	ssyncadd.s32 @!p0 s1  }
0x11c: {  	[bflag:$0x3] =	sbarrier.arrive $0xFFFF  }
0x11d: {  	_ =	shalt  }

// kernel: kernel.17.cloned.1.call-start
scs
__scs_entry_jumppad:
0x0: {  	(pc) =	sbr.rel $0x88, $3  }
0x1: {  	(tag) =	ssettag $0x0;
	lr =	simm.s32 $0x1  }
0x2: {  	[smem:$0x3F95] =	sst lr;
	_ =	strace $0xD0000000  }
0x3: {  	_ = 	snop  }
0x4: {  	_ = 	snop  }
0x5: {  	_ = 	snop  }
0x6: {  	_ = 	snop  }
0x7: {  	_ = 	snop  }
__scs_overlays_trampoline_lowered:
0x8: {  	[smem:$0x3FA4] =	sst s0  }
0x9: {  	[smem:$0x3FA5] =	sst s1  }
0xa: {  	[smem:$0x3FA6] =	sst s2  }
0xb: {  	[smem:$0x3FA7] =	sst s3  }
0xc: {  	[smem:$0x3FA8] =	sst s4  }
0xd: {  	[smem:$0x3FA9] =	sst s5  }
0xe: {  	[smem:$0x3FAA] =	sst s6  }
0xf: {  	[smem:$0x3FAB] =	sst s7  }
0x10: {  	[smem:$0x3FAC] =	sst s8  }
0x11: {  	[smem:$0x3FAD] =	sst s9;
	s0 =	simm.s32 @!p0 $0x0  }
0x12: {  	s1 =	sld [smem:$0x3F93];
	s0 =	simm.s32 @p0 $0x1  }
0x13: {  	[smem:$0x3FAE] =	sst s0;
	s0 =	simm.s32 @!p1 $0x0  }
0x14: {  	s2 =	sld [smem:$0x3F92];
	s0 =	simm.s32 @p1 $0x1  }
0x15: {  	[smem:$0x3FAF] =	sst s0;
	s0 =	simm.s32 @!p2 $0x0  }
0x16: {  	s3 =	sld [smem:$0x3FDB];
	s0 =	simm.s32 @p2 $0x1  }
0x17: {  	s4 =	simm.s32 $0x1BF5;
	[smem:$0x3FB1] =	sst s0  }
0x18: {  	s0 =	sld [smem:$0x3F94];
	_ =	swait.ge [sflag:s4], $0x0  }
0x19: {  	s7 =	sld [smem:$0x3F95]  }
0x1a: {  	s8 =	sadd.s32 $0xFFFFE003, lr  }
0x1b: {  	s9 =	sadd.s32 $0xFFFFFEF7, lr;
	s5 =	simm.s32 $0xFFFFFFFF;
	p2 =	slt.u32 s8, $0xFFFFF086  }
0x1c: {  	p1 =	slt.u32 s9, $0xF7A;
	s5 =	simm.s32 @!p2 $0x0  }
0x1d: {  	s5 =	simm.s32 @p1 $0x1;
	p0 =	seq.s32 s7, s2  }
0x1e: {  	s7 =	smul.u32 @!p0 $0xF7A, s2;
	p2 =	seq.s32 @!p0 s5, $0x0  }
0x1f: {  	s9 =	smul.u32 $0xF7A, s1;
	s8 =	simm.s32 @!p0 $0x1BF5;
	p2 =	por !p2, p0  }
0x20: {  	[sflag:s8] =	ssyncset.s32 @!p0 $0xFFFFF086;
	s6 =	sadd.s32 @!p0 s3, s7;
	s7 =	simm.s32 @!p0 $0x108  }
0x21: {  	s3 =	sadd.s32 s3, s9;
	s6 =	sadd.s32 @!p0 $0x88, s6;
	s7 =	simm.s32 @p2 $0x1082  }
0x22: {  	[simem:s7], [sflag:s8] =	dma.local @!p0 [hbm:s6], $0xF7A  }
0x23: {  	s9 =	sor.u32 $0xD0000000, s2;
	s6 =	simm.s32 $0x108;
	_ =	swait.ge @!p0 [sflag:s8], $0x0  }
0x24: {  	s3 =	sadd.s32 $0x88, s3;
	s6 =	simm.s32 @!p1 $0x1082;
	[sflag:s4] =	ssyncset.s32 $0xFFFFF086  }
0x25: {  	[simem:s6], [sflag:s4] =	dma.local [hbm:s3], $0xF7A  }
0x26: {  	[smem:$0x3F95] =	sst s1;
	(tag) =	ssettag s2;
	_ =	strace s9  }
0x27: {  	s1 =	sld [smem:$0x3FA5]  }
0x28: {  	s2 =	sld [smem:$0x3FA6]  }
0x29: {  	s4 =	sld [smem:$0x3FA8]  }
0x2a: {  	p0 =	seq.s32 s5, $0x0;
	s5 =	sld [smem:$0x3FA9]  }
0x2b: {  	s6 =	sld [smem:$0x3FAA]  }
0x2c: {  	s7 =	sld [smem:$0x3FAB]  }
0x2d: {  	s3 =	simm.s32 $0x108;
	s8 =	sld [smem:$0x3FAC]  }
0x2e: {  	s3 =	simm.s32 @!p0 $0x1082;
	s9 =	sld [smem:$0x3FAD]  }
0x2f: {  	lr =	sadd.s32 s0, s3;
	s0 =	sld [smem:$0x3FA4]  }
0x30: {  	s3 =	sld [smem:$0x3FA7]  }
0x31: {  	[smem:$0x3FB0] =	sst s10  }
0x32: {  	s10 =	sld [smem:$0x3FAE];
	_ =	sdelay $0x3  }
0x33: {  	p0 =	seq.s32 s10, $0x1;
	s10 =	sld [smem:$0x3FB0];
	_ =	sdelay $0x3  }
0x34: {  	[smem:$0x3FB0] =	sst s10  }
0x35: {  	s10 =	sld [smem:$0x3FAF];
	_ =	sdelay $0x3  }
0x36: {  	p1 =	seq.s32 s10, $0x1;
	s10 =	sld [smem:$0x3FB0];
	_ =	sdelay $0x3  }
0x37: {  	[smem:$0x3FB0] =	sst s10  }
0x38: {  	s10 =	sld [smem:$0x3FB1]  }
0x39: {  	_ = 	snop;
	(pc) =	sbr.ind lr, $3  }
0x3a: {  	_ = 	snop  }
0x3b: {  	_ = 	snop  }
0x3c: {  	p2 =	seq.s32 s10, $0x1;
	s10 =	sld [smem:$0x3FB0]  }
0x3d: {  	_ =	shalt  }
0x3e: {  	_ =	shalt  }
0x3f: {  	_ =	shalt  }
0x40: {  	_ =	shalt  }
0x41: {  	_ =	shalt  }
0x42: {  	_ =	shalt  }
0x43: {  	_ =	shalt  }
0x44: {  	_ =	shalt  }
0x45: {  	_ =	shalt  }
0x46: {  	_ =	shalt  }
0x47: {  	_ =	shalt  }
0x48: {  	_ =	shalt  }
0x49: {  	_ =	shalt  }
0x4a: {  	_ =	shalt  }
0x4b: {  	_ =	shalt  }
0x4c: {  	_ =	shalt  }
0x4d: {  	_ =	shalt  }
0x4e: {  	_ =	shalt  }
0x4f: {  	_ =	shalt  }
0x50: {  	_ =	shalt  }
0x51: {  	_ =	shalt  }
0x52: {  	_ =	shalt  }
0x53: {  	_ =	shalt  }
0x54: {  	_ =	shalt  }
0x55: {  	_ =	shalt  }
0x56: {  	_ =	shalt  }
0x57: {  	_ =	shalt  }
0x58: {  	_ =	shalt  }
0x59: {  	_ =	shalt  }
0x5a: {  	_ =	shalt  }
0x5b: {  	_ =	shalt  }
0x5c: {  	_ =	shalt  }
0x5d: {  	_ =	shalt  }
0x5e: {  	_ =	shalt  }
0x5f: {  	_ =	shalt  }
0x60: {  	_ =	shalt  }
0x61: {  	_ =	shalt  }
0x62: {  	_ =	shalt  }
0x63: {  	_ =	shalt  }
0x64: {  	_ =	shalt  }
0x65: {  	_ =	shalt  }
0x66: {  	_ =	shalt  }
0x67: {  	_ =	shalt  }
0x68: {  	_ =	shalt  }
0x69: {  	_ =	shalt  }
0x6a: {  	_ =	shalt  }
0x6b: {  	_ =	shalt  }
0x6c: {  	_ =	shalt  }
0x6d: {  	_ =	shalt  }
0x6e: {  	_ =	shalt  }
0x6f: {  	_ =	shalt  }
0x70: {  	_ =	shalt  }
0x71: {  	_ =	shalt  }
0x72: {  	_ =	shalt  }
0x73: {  	_ =	shalt  }
0x74: {  	_ =	shalt  }
0x75: {  	_ =	shalt  }
0x76: {  	_ =	shalt  }
0x77: {  	_ =	shalt  }
0x78: {  	_ =	shalt  }
0x79: {  	_ =	shalt  }
0x7a: {  	_ =	shalt  }
0x7b: {  	_ =	shalt  }
0x7c: {  	_ =	shalt  }
0x7d: {  	_ =	shalt  }
0x7e: {  	_ =	shalt  }
0x7f: {  	_ =	shalt  }
0x80: {  	_ =	shalt  }
0x81: {  	_ =	shalt  }
0x82: {  	_ =	shalt  }
0x83: {  	_ =	shalt  }
0x84: {  	_ =	shalt  }
0x85: {  	_ =	shalt  }
0x86: {  	_ =	shalt  }
0x87: {  	_ =	shalt  }
.Lfunc_end0:
.L_simem_size_0:
called_computation.2_lowered:
.L_overlay_start_0:
0x88: {  	s2 =	sld [smem:$0x3FD9]  }
0x89: {  	s3 =	sld [smem:$0x3FFE];
	_ =	sdelay $0x1  }
0x8a: {  	s1 =	srdreg.scid  }
0x8b: {  	s0 =	sand.u32 $0x1, s1  }
0x8c: {  	s17 =	sshll.u32 s0, $0xA;
	s2 =	sadd.s32 s3, s2  }
0x8d: {  	s2 =	sadd.s32 s2, s17  }
0x8e: {  	[smem:$0x3FBC] =	sst s2  }
0x8f: {  	_ = 	snop  }
0x90: {  	(tm) =	ssettm $0x1  }
0x91: {  	s18 =	sld [smem:$0x3FFB];
	_ =	sdelay $0x3  }
0x92: {  	_ =	strace s18  }
0x93: {  	s2 =	sld [smem:$0x3FFC];
	_ =	sdelay $0x3  }
0x94: {  	_ =	strace s2  }
0x95: {  	s2 =	sld [smem:$0x3FFD];
	_ =	sdelay $0x3  }
0x96: {  	_ =	strace s2  }
0x97: {  	_ =	strace $0x8FFFFFFF  }
0x98: {  	s19 =	sld [smem:$0x3FDB];
	_ =	sdelay $0x1  }
0x99: {  	s20 =	simm.s32 $_scs_section_size  }
0x9a: {  	s4 =	simm.s32 $_size__tile_overlayer_lowered;
	s5 =	simm.s32 $_tile_overlayer_lowered  }
0x9b: {  	s6 =	simm.s32 $0x1BFF;
	s21 =	sshll.u32 s5, $0x1;
	s3 =	sadd.s32 s20, s19  }
0x9c: {  	s22 =	simm.s32 $0x0;
	s4 =	sshll.u32 s4, $0x1;
	s5 =	sadd.s32 s21, s3  }
0x9d: {  	[timem:s22], [sflag:s6] =	dma.local [hbm:s5], s4  }
0x9e: {  	_ =	swait.ge [sflag:s6], s4  }
0x9f: {  	s4 =	ssub.s32 $0x0, s4;
	[sflag:s6] =	ssyncset.done $0x0  }
0xa0: {  	[sflag:s6] =	ssyncadd.s32 s4;
	_ =	sdelay $0x1  }
0xa1: {  	s23 =	simm.s32 $0x1B8B  }
0xa2: {  	_ =	swait.ge [sflag:s23], $0x1  }
0xa3: {  	[sflag:s23] =	ssyncset.done $0x0  }
0xa4: {  	[sflag:s23] =	ssyncadd.s32 $0xFFFFFFFF  }
0xa5: {  	s4 =	sld [smem:$0x0]  }
0xa6: {  	s5 =	sand.u32 $0xFFFFFFFE, s1  }
0xa7: {  	p0 =	sne.s32 s1, s5  }
0xa8: {  	s5 =	sshll.u32 @p0 s5, $0xE  }
0xa9: {  	s5 =	sadd.s32 @p0 $0x11B8D, s5;
	s6 =	sshll.u32 @p0 s4, $0x11  }
0xaa: {  	s5 =	sor.u32 @p0 s6, s5  }
0xab: {  	[sflag:s5] =	ssyncadd.remote.s32 @p0 $0x1;
	_ =	sdelay $0x1  }
0xac: {  	s5 =	simm.s32 @p0 $0x1B8D  }
0xad: {  	_ =	swait.eq @p0 [sflag:s5], $0x1  }
0xae: {  	[sflag:s5] =	ssyncadd.s32 @p0 $0xFFFFFFFF  }
0xaf: {  	s6 =	sshll.u32 @!p0 s1, $0xE  }
0xb0: {  	s6 =	sor.u32 @!p0 $0x4000, s6;
	s5 =	simm.s32 @!p0 $0x1B8D  }
0xb1: {  	s4 =	sshll.u32 @!p0 s4, $0x11;
	s6 =	sadd.s32 @!p0 $0x11B8D, s6;
	_ =	swait.eq @!p0 [sflag:s5], $0x1  }
0xb2: {  	s4 =	sor.u32 @!p0 s4, s6;
	[sflag:s5] =	ssyncadd.s32 @!p0 $0xFFFFFFFF  }
0xb3: {  	s25 =	simm.s32 $0x1B8E;
	s24 =	sld [smem:$0x3FFE];
	[sflag:s4] =	ssyncadd.remote.s32 @!p0 $0x1  }
0xb4: {  	s26 =	simm.s32 $execute0_lowered;
	[smem:$0x3FD2] =	sst s25  }
0xb5: {  	s5 =	sshll.u32 s26, $0x1;
	_ =	strace $0x8000004C;
	[dreg:$0x1] =	wrdreg $0xFFFFFFFF  }
0xb6: {  	s28 =	simm.s32 $_size_execute0_lowered;
	s3 =	sadd.s32 s3, s5;
	[dreg:$0x0] =	wrdreg $0x0  }
0xb7: {  	s5 =	sshll.u32 s28, $0x1;
	[dreg:$0x2] =	wrdreg s3  }
0xb8: {  	[dreg:$0x3] =	wrdreg s5  }
0xb9: {  	[dreg:$0x4] =	wrdreg $0xC0  }
0xba: {  	_ =	task [dreg:s22], $0x5FFFF  }
0xbb: {  	[dreg:$0x1] =	wrdreg $0xFFFFFFFF  }
0xbc: {  	[dreg:$0x0] =	wrdreg $0x60  }
0xbd: {  	[dreg:$0x2] =	wrdreg s24  }
0xbe: {  	[dreg:$0x3] =	wrdreg $0x52000  }
0xbf: {  	[dreg:$0x4] =	wrdreg $0xA  }
0xc0: {  	_ =	task.clear_ibuf [dreg:s22], $0x5FFFF;
	_ =	strace $0x9000004C  }
0xc1: {  	s29 =	simm.s32 $0xA;
	_ =	strace $0x8000004E  }
0xc2: {  	_ =	swait.ge [sflag:s29], $0x1  }
0xc3: {  	[sflag:s29] =	ssyncadd.s32 $0xFFFFFFFF  }
0xc4: {  	_ =	strace $0x9000004E  }
0xc5: {  	_ =	sfence  }
0xc6: {  	s30 =	sld [smem:$0x0];
	_ =	sdelay $0x2  }
0xc7: {  	s31 =	sshll.u32 s1, $0xD;
	s1 =	sshrl.u32 s1, $0x2  }
0xc8: {  	s4 =	sand.u32 $0x4000, s31;
	s1 =	sadd.s32 s1, s30  }
0xc9: {  	s0 =	sor.u32 s4, s0;
	s1 =	sshll.u32 s1, $0x11  }
0xca: {  	s0 =	sor.u32 s1, s0  }
0xcb: {  	s0 =	sadd.s32 $0x8F2B, s0  }
0xcc: {  	[sflag:s0] =	ssyncadd.remote.s32 $0x1  }
0xcd: {  	_ =	sfence.sel $0xFFFF  }
0xce: {  	[dreg:$0x0] =	wrdreg $0xFFFFFFFF;
	(pc) =	sbr.abs _section_cstart, $3  }
0xcf: {  	[dreg:$0x1] =	wrdreg $0xFFFFFFFF  }
0xd0: {  	_ =	task.clear_ibuf [dreg:s22], $0x2FFFF;
	_ =	strace $0x9FFFFFFF  }
0xd1: {  	(tm) =	ssettm $0x7FFFFFFF  }
tec
execute0_lowered:
.L_overlay_start_1:
0x0: {  	(tag) =	ssettag $0x1  }
0x1: {  	s0 =	rddreg [dreg:$0x0]  }
0x2: {  	s2 =	rddreg [dreg:$0x1]  }
0x3: {  	s3 =	simm.s32 $0x0;
	s1 =	srdreg.scid;
	s18 =	stileid.u32  }
0x4: {  	s30 =	simm.s32 $0x200;
	s31 =	simm.s32 $0x3;
	[smem:$0x7FF] =	sst s3  }
0x5: {  	s1 =	sand.u32 $0x1, s1;
	s5 =	smul.u32 $0x13C00, s18;
	s4 =	sadd.s32 $0x18800, s0  }
0x6: {  	s7 =	sadd.s32 $0xB6800, s0;
	s22 =	smul.u32 $0x2710, s18;
	_ =	strace $0x8000004D  }
0x7: {  	s6 =	smul.u32 $0x13C000, s1;
	s8 =	ssub.s32 $0x2, s1;
	s11 =	sshll.u32 s1, $0x4  }
0x8: {  	s1 =	smul.u32 $0x27100, s1;
	s9 =	sadd.s32 $0x11800, s5;
	s10 =	sshrl.u32 s8, $0x1  }
0x9: {  	s24 =	sor.u32 s18, s11;
	s16 =	sadd.s32 $0x7800, s5;
	s17 =	sadd.s32 $0xA000, s5  }
0xa: {  	s12 =	sadd.s32 s6, s9;
	s8 =	ssub.s32 s8, s10;
	s10 =	smul.u32 $0x2710, s24  }
0xb: {  	s13 =	sadd.s32 s6, s5;
	s24 =	sadd.s32 $0xC800, s5;
	s15 =	sadd.s32 s6, s16  }
0xc: {  	s20 =	sadd.s32 s6, s17;
	s1 =	sadd.s32 s22, s1;
	s22 =	sadd.s32 s16, s2  }
0xd: {  	s25 =	sshrl.u32 s12, $0x3;
	s12 =	sadd.s32 $0x5000, s5;
	s13 =	sshrl.u32 s13, $0x3  }
0xe: {  	s15 =	sshrl.u32 s15, $0x3;
	s21 =	sadd.s32 s6, s24;
	s24 =	sadd.s32 s24, s2  }
0xf: {  	s11 =	sadd.s32 s7, s25;
	s13 =	sadd.s32 s7, s13;
	s14 =	sadd.s32 s6, s12  }
0x10: {  	s19 =	sadd.s32 s7, s15;
	s25 =	smul.u32 $0x4F000, s18;
	[dreg:$0x3] =	wrdreg s11  }
0x11: {  	s15 =	sadd.s32 s9, s2;
	s11 =	sadd.s32 $0x2800, s5;
	[dreg:$0x4] =	wrdreg s13  }
0x12: {  	s5 =	sadd.s32 $0xF000, s5;
	s14 =	sshrl.u32 s14, $0x3;
	[dreg:$0x7] =	wrdreg s19  }
0x13: {  	s26 =	sadd.s32 s6, s11;
	s6 =	sadd.s32 s6, s5;
	s18 =	sadd.s32 s11, s2  }
0x14: {  	s13 =	sshrl.u32 s26, $0x3;
	s6 =	sshrl.u32 s6, $0x3;
	s26 =	sshrl.u32 s10, $0x3  }
0x15: {  	s10 =	smax.u32 s8, $0x1;
	[dreg:$0xe] =	wrdreg s18;
	s8 =	simm.s32 $0x1  }
0x16: {  	s13 =	sadd.s32 s7, s13;
	s6 =	sadd.s32 s7, s6;
	[dreg:$0xd] =	wrdreg s10  }
0x17: {  	s10 =	simm.s32 $0x0;
	[dreg:$0x5] =	wrdreg s13;
	s13 =	sadd.s32 s7, s14  }
0x18: {  	s14 =	sshrl.u32 s21, $0x3;
	[dreg:$0xa] =	wrdreg s6;
	s6 =	sshrl.u32 s25, $0x2  }
0x19: {  	s21 =	sadd.s32 s12, s2;
	s25 =	sadd.s32 s5, s2;
	s5 =	simm.s32 $0x100  }
0x1a: {  	[dreg:$0x6] =	wrdreg s13;
	s13 =	sshrl.u32 s20, $0x3;
	s23 =	sadd.s32 s7, s14  }
0x1b: {  	s14 =	sadd.s32 $0x4C00, s0;
	s19 =	sadd.s32 s6, s2;
	s20 =	sadd.s32 $0x50, s1  }
0x1c: {  	s6 =	simm.s32 $0x180;
	s13 =	sadd.s32 s7, s13;
	[dreg:$0x9] =	wrdreg s23  }
0x1d: {  	s23 =	sadd.s32 s17, s2;
	[dreg:$0x8] =	wrdreg s13;
	s13 =	sadd.s32 $0xEA00, s0  }
0x1e: {  	s7 =	simm.s32 $0x2A00;
	s0 =	sadd.s32 s14, s26;
	s9 =	sadd.s32 s13, s26  }
0x1f: {  	[dreg:$0xc] =	wrdreg s0;
	s26 =	sadd.s32 $0xA0, s1;
	s0 =	sshrl.u32 s20, $0x3  }
0x20: {  	s1 =	simm.s32 $0x50;
	[dreg:$0xb] =	wrdreg s9;
	s28 =	sadd.s32 s0, s14  }
0x21: {  	v0 =	vimm.f32 $0.0e+00;
	s29 =	sadd.s32 s0, s13;
	s0 =	simm.s32 $0x80;
	s9 =	simm.s32 $0x2  }
.LBB2_1:
0x22: {  	s11 =	simm.s32 $0x70;
	s12 =	simm.s32 $0x3C0  }
.LBB2_2:
0x23: {  	p0 =	sne.s32 s12, $0x9FC0;
	[tilespmem:s11+$0x200] =	vst v0  }
0x24: {  	[tilespmem:s11+$0x190] =	vst v0  }
0x25: {  	[tilespmem:s11+$0x1A0] =	vst v0  }
.Ltmp0:
0x26: {  	[tilespmem:s11+$0x1B0] =	vst v0;
	(pc) =	sbr.rel @p0 .LBB2_2-.Ltmp0, $4  }
0x27: {  	[tilespmem:s11+$0x1C0] =	vst v0  }
0x28: {  	[tilespmem:s11+$0x1D0] =	vst v0  }
0x29: {  	[tilespmem:s11+$0x1E0] =	vst v0  }
0x2a: {  	[tilespmem:s11+$0x1F0] =	vst v0;
	s11 =	sshra.s32 s12, $0x2;
	s12 =	sadd.s32 $0x200, s12  }
0x2b: {  	[tilespmem:s11+$0x200] =	vst v0  }
0x2c: {  	[tilespmem:s11+$0x190] =	vst v0  }
0x2d: {  	[tilespmem:s11+$0x1A0] =	vst v0  }
0x2e: {  	[tilespmem:s11+$0x1B0] =	vst v0  }
0x2f: {  	[tilespmem:s11+$0x1C0] =	vst v0  }
0x30: {  	[tilespmem:s11+$0x1D0] =	vst v0  }
0x31: {  	[tilespmem:s11+$0x1E0] =	vst v0  }
0x32: {  	[tilespmem:s11+$0x1F0] =	vst v0  }
0x33: {  	[spmem:s19] =	stream.linear.scatter [tilespmem:s30], [sflag:$0x3], $0x2800, $0x38;
	[tilespmem:$0x18E00] =	vst v63  }
0x34: {  	_ =	swait.ge [sflag:s31], $0x2800  }
0x35: {  	[sflag:s31] =	ssyncset.done $0x0  }
0x36: {  	s16 =	rddreg [dreg:$0xe];
	[sflag:s31] =	ssyncadd.s32 $0xFFFFD800  }
0x37: {  	[spmem:s16] =	stream.linear.scatter [tilespmem:s30], [sflag:$0x3], $0x2800, $0x38;
	[tilespmem:$0x18E00] =	vst v63  }
0x38: {  	_ =	swait.ge [sflag:s31], $0x2800  }
0x39: {  	[sflag:s31] =	ssyncset.done $0x0  }
0x3a: {  	[sflag:s31] =	ssyncadd.s32 $0xFFFFD800  }
0x3b: {  	[spmem:s21] =	stream.linear.scatter [tilespmem:s30], [sflag:$0x3], $0x2800, $0x38;
	[tilespmem:$0x18E00] =	vst v63  }
0x3c: {  	_ =	swait.ge [sflag:s31], $0x2800  }
0x3d: {  	[sflag:s31] =	ssyncset.done $0x0  }
0x3e: {  	[sflag:s31] =	ssyncadd.s32 $0xFFFFD800  }
0x3f: {  	[spmem:s22] =	stream.linear.scatter [tilespmem:s30], [sflag:$0x3], $0x2800, $0x38;
	[tilespmem:$0x18E00] =	vst v63  }
0x40: {  	_ =	swait.ge [sflag:s31], $0x2800  }
0x41: {  	[sflag:s31] =	ssyncset.done $0x0  }
0x42: {  	[sflag:s31] =	ssyncadd.s32 $0xFFFFD800  }
0x43: {  	[spmem:s23] =	stream.linear.scatter [tilespmem:s30], [sflag:$0x3], $0x2800, $0x38;
	[tilespmem:$0x18E00] =	vst v63  }
0x44: {  	_ =	swait.ge [sflag:s31], $0x2800  }
0x45: {  	[sflag:s31] =	ssyncset.done $0x0  }
0x46: {  	[sflag:s31] =	ssyncadd.s32 $0xFFFFD800  }
0x47: {  	[spmem:s24] =	stream.linear.scatter [tilespmem:s30], [sflag:$0x3], $0x2800, $0x38;
	[tilespmem:$0x18E00] =	vst v63  }
0x48: {  	_ =	swait.ge [sflag:s31], $0x2800  }
0x49: {  	[sflag:s31] =	ssyncset.done $0x0  }
0x4a: {  	[sflag:s31] =	ssyncadd.s32 $0xFFFFD800  }
0x4b: {  	[spmem:s25] =	stream.linear.scatter [tilespmem:s30], [sflag:$0x3], $0x2800, $0x38;
	[tilespmem:$0x18E00] =	vst v63  }
0x4c: {  	_ =	swait.ge [sflag:s31], $0x2800  }
0x4d: {  	[sflag:s31] =	ssyncset.done $0x0  }
0x4e: {  	[sflag:s31] =	ssyncadd.s32 $0xFFFFD800  }
0x4f: {  	[spmem:s15] =	stream.linear.scatter [tilespmem:s30], [sflag:$0x3], $0x2400, $0x38;
	[tilespmem:$0x18E00] =	vst v63  }
0x50: {  	_ =	swait.ge [sflag:s31], $0x2400  }
0x51: {  	[sflag:s31] =	ssyncset.done $0x0  }
0x52: {  	[sflag:s31] =	ssyncadd.s32 $0xFFFFDC00  }
0x53: {  	[bflag:$0x0] =	sbarrier.arrive $0xFFFF  }
0x54: {  	s17 =	simm.s32 $0x0;
	s12 =	rddreg [dreg:$0xb]  }
0x55: {  	[tilespmem:s17], [sflag:$0x3] =	stream.linear.gather [hbm4b:s12+s17], $0x50, $0x38;
	[tilespmem:$0x18E00] =	vst v63  }
0x56: {  	_ =	swait.ge [sflag:s31], $0x50  }
0x57: {  	[sflag:s31] =	ssyncset.done $0x0  }
0x58: {  	s20 =	smov.u32 s19;
	s19 =	rddreg [dreg:$0xc];
	[sflag:s31] =	ssyncadd.s32 $0xFFFFFFB0  }
0x59: {  	[tilespmem:s0], [sflag:$0x3] =	stream.linear.gather [hbm4b:s19+s17], $0x50, $0x38;
	[tilespmem:$0x18E00] =	vst v63  }
0x5a: {  	_ =	swait.ge [sflag:s31], $0x50  }
0x5b: {  	[sflag:s31] =	ssyncset.done $0x0  }
0x5c: {  	[sflag:s31] =	ssyncadd.s32 $0xFFFFFFB0  }
0x5d: {  	[tilespmem:s30], [sflag:$0x1] =	stream.indirect.gather [hbm4b:s4+s1], $0x80, s17, s1, $0xb8;
	[tilespmem:$0x18E00] =	vst v63  }
0x5e: {  	s18 =	smov.u32 s15;
	s15 =	sadd.s32 $0x0, s29  }
0x5f: {  	[tilespmem:s5], [sflag:$0x3] =	stream.linear.gather [hbm4b:s15+s3], $0x50, $0x38;
	[tilespmem:$0x18E00] =	vst v63  }
0x60: {  	_ =	swait.ge [sflag:s31], $0x50  }
0x61: {  	[sflag:s31] =	ssyncset.done $0x0  }
0x62: {  	s16 =	sadd.s32 $0x0, s28;
	[sflag:s31] =	ssyncadd.s32 $0xFFFFFFB0  }
0x63: {  	[tilespmem:s6], [sflag:$0x3] =	stream.linear.gather [hbm4b:s16+s3], $0x50, $0x38;
	[tilespmem:$0x18E00] =	vst v63  }
0x64: {  	_ =	swait.ge [sflag:s31], $0x50  }
0x65: {  	[sflag:s31] =	ssyncset.done $0x0  }
0x66: {  	[sflag:s31] =	ssyncadd.s32 $0xFFFFFFB0  }
0x67: {  	[tilespmem:s7], [sflag:$0x2] =	stream.indirect.gather [hbm4b:s4+s1], $0x80, s5, s1, $0xb8;
	[tilespmem:$0x18E00] =	vst v63  }
0x68: {  	_ =	swait.ge [sflag:s8], $0x2800  }
0x69: {  	[sflag:s8] =	ssyncset.done $0x0  }
0x6a: {  	[sflag:s8] =	ssyncadd.s32 $0xFFFFD800  }
0x6b: {  	[spmem:s2] =	stream.indirect.scatter.add.f32 [tilespmem:s30], [sflag:$0x3], $0x80, s0, s1, $0xb8;
	[tilespmem:$0x18E00] =	vst v63  }
0x6c: {  	_ =	swait.ge [sflag:s31], $0x2800  }
0x6d: {  	s17 =	sshrl.u32 s26, $0x3;
	[sflag:s31] =	ssyncset.done $0x0  }
0x6e: {  	s19 =	sadd.s32 s13, s17;
	[sflag:s31] =	ssyncadd.s32 $0xFFFFD800  }
0x6f: {  	[tilespmem:s3], [sflag:$0x3] =	stream.linear.gather [hbm4b:s19+s3], $0x50, $0x38;
	[tilespmem:$0x18E00] =	vst v63  }
0x70: {  	_ =	swait.ge [sflag:s31], $0x50  }
0x71: {  	[sflag:s31] =	ssyncset.done $0x0  }
0x72: {  	s11 =	sadd.s32 s14, s17;
	[sflag:s31] =	ssyncadd.s32 $0xFFFFFFB0  }
0x73: {  	[tilespmem:s0], [sflag:$0x3] =	stream.linear.gather [hbm4b:s11+s3], $0x50, $0x38;
	[tilespmem:$0x18E00] =	vst v63  }
0x74: {  	_ =	swait.ge [sflag:s31], $0x50  }
0x75: {  	[sflag:s31] =	ssyncset.done $0x0  }
0x76: {  	[sflag:s31] =	ssyncadd.s32 $0xFFFFFFB0  }
0x77: {  	[tilespmem:s30], [sflag:$0x1] =	stream.indirect.gather [hbm4b:s4+s1], $0x80, s3, s1, $0xb8;
	[tilespmem:$0x18E00] =	vst v63  }
0x78: {  	_ =	swait.ge [sflag:s9], $0x2800  }
0x79: {  	[sflag:s9] =	ssyncset.done $0x0  }
0x7a: {  	[sflag:s9] =	ssyncadd.s32 $0xFFFFD800  }
0x7b: {  	[spmem:s2] =	stream.indirect.scatter.add.f32 [tilespmem:s7], [sflag:$0x3], $0x80, s6, s1, $0xb8;
	[tilespmem:$0x18E00] =	vst v63  }
0x7c: {  	s12 =	simm.s32 $0x14;
	_ =	swait.ge [sflag:s31], $0x2800  }
0x7d: {  	s16 =	simm.s32 $0x28;
	s11 =	sadd.s32 $0xA0, s26;
	[sflag:s31] =	ssyncset.done $0x0  }
.LBB2_4:
0x7e: {  	s19 =	sadd.s32 s12, s29  }
0x7f: {  	[sflag:s31] =	ssyncadd.s32 $0xFFFFD800;
	s15 =	smov.u32 s16;
	s17 =	sadd.s32 $0x14, s16  }
0x80: {  	[tilespmem:s5], [sflag:$0x3] =	stream.linear.gather [hbm4b:s19+s3], $0x50, $0x38;
	[tilespmem:$0x18E00] =	vst v63  }
0x81: {  	p0 =	sne.s32 s16, $0x4C4;
	_ =	swait.ge [sflag:s31], $0x50  }
0x82: {  	[sflag:s31] =	ssyncset.done $0x0  }
0x83: {  	s16 =	sadd.s32 s12, s28;
	s12 =	smov.u32 s15;
	[sflag:s31] =	ssyncadd.s32 $0xFFFFFFB0  }
0x84: {  	[tilespmem:s6], [sflag:$0x3] =	stream.linear.gather [hbm4b:s16+s3], $0x50, $0x38;
	[tilespmem:$0x18E00] =	vst v63  }
0x85: {  	_ =	swait.ge [sflag:s31], $0x50  }
0x86: {  	[sflag:s31] =	ssyncset.done $0x0  }
0x87: {  	[sflag:s31] =	ssyncadd.s32 $0xFFFFFFB0  }
0x88: {  	[tilespmem:s7], [sflag:$0x2] =	stream.indirect.gather [hbm4b:s4+s1], $0x80, s5, s1, $0xb8;
	[tilespmem:$0x18E00] =	vst v63  }
0x89: {  	_ =	swait.ge [sflag:s8], $0x2800  }
0x8a: {  	[sflag:s8] =	ssyncset.done $0x0  }
0x8b: {  	[sflag:s8] =	ssyncadd.s32 $0xFFFFD800  }
0x8c: {  	[spmem:s2] =	stream.indirect.scatter.add.f32 [tilespmem:s30], [sflag:$0x3], $0x80, s0, s1, $0xb8;
	[tilespmem:$0x18E00] =	vst v63  }
0x8d: {  	_ =	swait.ge [sflag:s31], $0x2800  }
0x8e: {  	s15 =	sshrl.u32 s11, $0x3;
	[sflag:s31] =	ssyncset.done $0x0  }
0x8f: {  	s16 =	sadd.s32 s13, s15;
	[sflag:s31] =	ssyncadd.s32 $0xFFFFD800  }
0x90: {  	[tilespmem:s3], [sflag:$0x3] =	stream.linear.gather [hbm4b:s16+s3], $0x50, $0x38;
	[tilespmem:$0x18E00] =	vst v63  }
0x91: {  	_ =	swait.ge [sflag:s31], $0x50  }
0x92: {  	[sflag:s31] =	ssyncset.done $0x0  }
0x93: {  	s15 =	sadd.s32 s14, s15;
	[sflag:s31] =	ssyncadd.s32 $0xFFFFFFB0  }
0x94: {  	[tilespmem:s0], [sflag:$0x3] =	stream.linear.gather [hbm4b:s15+s3], $0x50, $0x38;
	[tilespmem:$0x18E00] =	vst v63  }
0x95: {  	_ =	swait.ge [sflag:s31], $0x50  }
0x96: {  	[sflag:s31] =	ssyncset.done $0x0  }
0x97: {  	[sflag:s31] =	ssyncadd.s32 $0xFFFFFFB0  }
0x98: {  	[tilespmem:s30], [sflag:$0x1] =	stream.indirect.gather [hbm4b:s4+s1], $0x80, s3, s1, $0xb8;
	[tilespmem:$0x18E00] =	vst v63  }
0x99: {  	_ =	swait.ge [sflag:s9], $0x2800  }
.Ltmp1:
0x9a: {  	[sflag:s9] =	ssyncset.done $0x0;
	(pc) =	sbr.rel @p0 .LBB2_4-.Ltmp1, $4  }
0x9b: {  	[sflag:s9] =	ssyncadd.s32 $0xFFFFD800  }
0x9c: {  	[spmem:s2] =	stream.indirect.scatter.add.f32 [tilespmem:s7], [sflag:$0x3], $0x80, s6, s1, $0xb8;
	[tilespmem:$0x18E00] =	vst v63  }
0x9d: {  	_ =	swait.ge [sflag:s31], $0x2800  }
0x9e: {  	s11 =	sadd.s32 $0xA0, s11;
	s16 =	smov.u32 s17;
	[sflag:s31] =	ssyncset.done $0x0  }
0x9f: {  	s15 =	sadd.s32 s12, s29;
	[sflag:s31] =	ssyncadd.s32 $0xFFFFD800  }
0xa0: {  	[tilespmem:s5], [sflag:$0x3] =	stream.linear.gather [hbm4b:s15+s3], $0x50, $0x38;
	[tilespmem:$0x18E00] =	vst v63  }
0xa1: {  	_ =	swait.ge [sflag:s31], $0x50  }
0xa2: {  	[sflag:s31] =	ssyncset.done $0x0  }
0xa3: {  	s17 =	sadd.s32 s12, s28;
	[sflag:s31] =	ssyncadd.s32 $0xFFFFFFB0  }
0xa4: {  	[tilespmem:s6], [sflag:$0x3] =	stream.linear.gather [hbm4b:s17+s3], $0x50, $0x38;
	[tilespmem:$0x18E00] =	vst v63  }
0xa5: {  	_ =	swait.ge [sflag:s31], $0x50  }
0xa6: {  	[sflag:s31] =	ssyncset.done $0x0  }
0xa7: {  	[sflag:s31] =	ssyncadd.s32 $0xFFFFFFB0  }
0xa8: {  	[tilespmem:s7], [sflag:$0x2] =	stream.indirect.gather [hbm4b:s4+s1], $0x80, s5, s1, $0xb8;
	[tilespmem:$0x18E00] =	vst v63  }
0xa9: {  	_ =	swait.ge [sflag:s8], $0x2800  }
0xaa: {  	[sflag:s8] =	ssyncset.done $0x0  }
0xab: {  	[sflag:s8] =	ssyncadd.s32 $0xFFFFD800  }
0xac: {  	[spmem:s2] =	stream.indirect.scatter.add.f32 [tilespmem:s30], [sflag:$0x3], $0x80, s0, s1, $0xb8;
	[tilespmem:$0x18E00] =	vst v63  }
0xad: {  	_ =	swait.ge [sflag:s31], $0x2800  }
0xae: {  	s11 =	sshrl.u32 s11, $0x3;
	[sflag:s31] =	ssyncset.done $0x0  }
0xaf: {  	s19 =	sadd.s32 s13, s11;
	[sflag:s31] =	ssyncadd.s32 $0xFFFFD800  }
0xb0: {  	[tilespmem:s3], [sflag:$0x3] =	stream.linear.gather [hbm4b:s19+s3], $0x50, $0x38;
	[tilespmem:$0x18E00] =	vst v63  }
0xb1: {  	_ =	swait.ge [sflag:s31], $0x50  }
0xb2: {  	[sflag:s31] =	ssyncset.done $0x0  }
0xb3: {  	s11 =	sadd.s32 s14, s11;
	[sflag:s31] =	ssyncadd.s32 $0xFFFFFFB0  }
0xb4: {  	[tilespmem:s0], [sflag:$0x3] =	stream.linear.gather [hbm4b:s11+s3], $0x50, $0x38;
	[tilespmem:$0x18E00] =	vst v63  }
0xb5: {  	_ =	swait.ge [sflag:s31], $0x50  }
0xb6: {  	[sflag:s31] =	ssyncset.done $0x0  }
0xb7: {  	[sflag:s31] =	ssyncadd.s32 $0xFFFFFFB0  }
0xb8: {  	[tilespmem:s30], [sflag:$0x1] =	stream.indirect.gather [hbm4b:s4+s1], $0x80, s3, s1, $0xb8;
	[tilespmem:$0x18E00] =	vst v63  }
0xb9: {  	_ =	swait.ge [sflag:s9], $0x2800  }
0xba: {  	[sflag:s9] =	ssyncset.done $0x0  }
0xbb: {  	[sflag:s9] =	ssyncadd.s32 $0xFFFFD800  }
0xbc: {  	[spmem:s2] =	stream.indirect.scatter.add.f32 [tilespmem:s7], [sflag:$0x3], $0x80, s6, s1, $0xb8;
	[tilespmem:$0x18E00] =	vst v63  }
0xbd: {  	_ =	swait.ge [sflag:s31], $0x2800  }
0xbe: {  	[sflag:s31] =	ssyncset.done $0x0  }
0xbf: {  	[sflag:s31] =	ssyncadd.s32 $0xFFFFD800  }
0xc0: {  	_ =	swait.ge [sflag:s8], $0x2800  }
0xc1: {  	[sflag:s8] =	ssyncset.done $0x0  }
0xc2: {  	[sflag:s8] =	ssyncadd.s32 $0xFFFFD800  }
0xc3: {  	[spmem:s2] =	stream.indirect.scatter.add.f32 [tilespmem:s30], [sflag:$0x3], $0x80, s0, s1, $0xb8;
	[tilespmem:$0x18E00] =	vst v63  }
0xc4: {  	_ =	swait.ge [sflag:s31], $0x2800  }
0xc5: {  	[sflag:s31] =	ssyncset.done $0x0  }
0xc6: {  	[sflag:s31] =	ssyncadd.s32 $0xFFFFD800  }
0xc7: {  	[bflag:$0x0] =	sbarrier.arrive $0xFFFF  }
0xc8: {  	[tilespmem:s30], [sflag:$0x3] =	stream.linear.gather [spmem:s20], $0x2800, $0x38;
	[tilespmem:$0x18E00] =	vst v63  }
0xc9: {  	_ =	swait.ge [sflag:s31], $0x2800  }
0xca: {  	[sflag:s31] =	ssyncset.done $0x0  }
0xcb: {  	s15 =	rddreg [dreg:$0x4];
	[sflag:s31] =	ssyncadd.s32 $0xFFFFD800  }
0xcc: {  	[hbm4b:s15+s3] =	stream.linear.scatter [tilespmem:s30], [sflag:$0x3], $0x2800, $0x38;
	[tilespmem:$0x18E00] =	vst v63  }
0xcd: {  	_ =	swait.ge [sflag:s31], $0x2800  }
0xce: {  	[sflag:s31] =	ssyncset.done $0x0  }
0xcf: {  	s16 =	rddreg [dreg:$0xe];
	[sflag:s31] =	ssyncadd.s32 $0xFFFFD800  }
0xd0: {  	[tilespmem:s30], [sflag:$0x3] =	stream.linear.gather [spmem:s16], $0x2800, $0x38;
	[tilespmem:$0x18E00] =	vst v63  }
0xd1: {  	_ =	swait.ge [sflag:s31], $0x2800  }
0xd2: {  	[sflag:s31] =	ssyncset.done $0x0  }
0xd3: {  	s17 =	rddreg [dreg:$0x5];
	[sflag:s31] =	ssyncadd.s32 $0xFFFFD800  }
0xd4: {  	[hbm4b:s17+s3] =	stream.linear.scatter [tilespmem:s30], [sflag:$0x3], $0x2800, $0x38;
	[tilespmem:$0x18E00] =	vst v63  }
0xd5: {  	_ =	swait.ge [sflag:s31], $0x2800  }
0xd6: {  	[sflag:s31] =	ssyncset.done $0x0  }
0xd7: {  	[sflag:s31] =	ssyncadd.s32 $0xFFFFD800  }
0xd8: {  	[tilespmem:s30], [sflag:$0x3] =	stream.linear.gather [spmem:s21], $0x2800, $0x38;
	[tilespmem:$0x18E00] =	vst v63  }
0xd9: {  	_ =	swait.ge [sflag:s31], $0x2800  }
0xda: {  	[sflag:s31] =	ssyncset.done $0x0  }
0xdb: {  	s19 =	smov.u32 s20;
	s20 =	rddreg [dreg:$0x6];
	[sflag:s31] =	ssyncadd.s32 $0xFFFFD800  }
0xdc: {  	[hbm4b:s20+s3] =	stream.linear.scatter [tilespmem:s30], [sflag:$0x3], $0x2800, $0x38;
	[tilespmem:$0x18E00] =	vst v63  }
0xdd: {  	_ =	swait.ge [sflag:s31], $0x2800  }
0xde: {  	[sflag:s31] =	ssyncset.done $0x0  }
0xdf: {  	[sflag:s31] =	ssyncadd.s32 $0xFFFFD800  }
0xe0: {  	[tilespmem:s30], [sflag:$0x3] =	stream.linear.gather [spmem:s22], $0x2800, $0x38;
	[tilespmem:$0x18E00] =	vst v63  }
0xe1: {  	_ =	swait.ge [sflag:s31], $0x2800  }
0xe2: {  	[sflag:s31] =	ssyncset.done $0x0  }
0xe3: {  	s12 =	rddreg [dreg:$0x7];
	[sflag:s31] =	ssyncadd.s32 $0xFFFFD800  }
0xe4: {  	[hbm4b:s12+s3] =	stream.linear.scatter [tilespmem:s30], [sflag:$0x3], $0x2800, $0x38;
	[tilespmem:$0x18E00] =	vst v63  }
0xe5: {  	_ =	swait.ge [sflag:s31], $0x2800  }
0xe6: {  	[sflag:s31] =	ssyncset.done $0x0  }
0xe7: {  	[sflag:s31] =	ssyncadd.s32 $0xFFFFD800  }
0xe8: {  	[tilespmem:s30], [sflag:$0x3] =	stream.linear.gather [spmem:s23], $0x2800, $0x38;
	[tilespmem:$0x18E00] =	vst v63  }
0xe9: {  	_ =	swait.ge [sflag:s31], $0x2800  }
0xea: {  	[sflag:s31] =	ssyncset.done $0x0  }
0xeb: {  	s15 =	rddreg [dreg:$0x8];
	[sflag:s31] =	ssyncadd.s32 $0xFFFFD800  }
0xec: {  	[hbm4b:s15+s3] =	stream.linear.scatter [tilespmem:s30], [sflag:$0x3], $0x2800, $0x38;
	[tilespmem:$0x18E00] =	vst v63  }
0xed: {  	_ =	swait.ge [sflag:s31], $0x2800  }
0xee: {  	[sflag:s31] =	ssyncset.done $0x0  }
0xef: {  	[sflag:s31] =	ssyncadd.s32 $0xFFFFD800  }
0xf0: {  	[tilespmem:s30], [sflag:$0x3] =	stream.linear.gather [spmem:s24], $0x2800, $0x38;
	[tilespmem:$0x18E00] =	vst v63  }
0xf1: {  	_ =	swait.ge [sflag:s31], $0x2800  }
0xf2: {  	[sflag:s31] =	ssyncset.done $0x0  }
0xf3: {  	s16 =	rddreg [dreg:$0x9];
	[sflag:s31] =	ssyncadd.s32 $0xFFFFD800  }
0xf4: {  	[hbm4b:s16+s3] =	stream.linear.scatter [tilespmem:s30], [sflag:$0x3], $0x2800, $0x38;
	[tilespmem:$0x18E00] =	vst v63  }
0xf5: {  	_ =	swait.ge [sflag:s31], $0x2800  }
0xf6: {  	[sflag:s31] =	ssyncset.done $0x0  }
0xf7: {  	[sflag:s31] =	ssyncadd.s32 $0xFFFFD800  }
0xf8: {  	[tilespmem:s30], [sflag:$0x3] =	stream.linear.gather [spmem:s25], $0x2800, $0x38;
	[tilespmem:$0x18E00] =	vst v63  }
0xf9: {  	_ =	swait.ge [sflag:s31], $0x2800  }
0xfa: {  	[sflag:s31] =	ssyncset.done $0x0  }
0xfb: {  	s17 =	rddreg [dreg:$0xa];
	[sflag:s31] =	ssyncadd.s32 $0xFFFFD800  }
0xfc: {  	[hbm4b:s17+s3] =	stream.linear.scatter [tilespmem:s30], [sflag:$0x3], $0x2800, $0x38;
	[tilespmem:$0x18E00] =	vst v63  }
0xfd: {  	_ =	swait.ge [sflag:s31], $0x2800  }
0xfe: {  	[sflag:s31] =	ssyncset.done $0x0  }
0xff: {  	[sflag:s31] =	ssyncadd.s32 $0xFFFFD800  }
0x100: {  	[tilespmem:s30], [sflag:$0x3] =	stream.linear.gather [spmem:s18], $0x2400, $0x38;
	[tilespmem:$0x18E00] =	vst v63  }
0x101: {  	_ =	swait.ge [sflag:s31], $0x2400  }
0x102: {  	[sflag:s31] =	ssyncset.done $0x0  }
0x103: {  	s15 =	smov.u32 s18;
	s18 =	rddreg [dreg:$0x3];
	[sflag:s31] =	ssyncadd.s32 $0xFFFFDC00  }
0x104: {  	[hbm4b:s18+s3] =	stream.linear.scatter [tilespmem:s30], [sflag:$0x3], $0x2400, $0x38;
	[tilespmem:$0x18E00] =	vst v63  }
0x105: {  	_ =	swait.ge [sflag:s31], $0x2400  }
0x106: {  	s10 =	sadd.s32 $0x1, s10;
	s20 =	rddreg [dreg:$0xd]  }
0x107: {  	p0 =	sne.s32 s10, s20  }
.Ltmp2:
0x108: {  	_ = 	snop;
	(pc) =	sbr.rel @p0 .LBB2_1-.Ltmp2, $3  }
0x109: {  	_ =	sdelay $0x1  }
0x10a: {  	[sflag:s31] =	ssyncset.done $0x0  }
0x10b: {  	[sflag:s31] =	ssyncadd.s32 $0xFFFFDC00  }
0x10c: {  	_ =	sfence.sel $0x180000  }
0x10d: {  	[bflag:$0x0] =	sbarrier.arrive $0xFFFF  }
0x10e: {  	_ =	strace $0x9000004D  }
0x10f: {  	s0 =	stileid.u32;
	[bflag:$0x2] =	sbarrier.arrive $0xFFFF  }
0x110: {  	p0 =	sne.s32 s0, $0x0;
	s0 =	rddreg [dreg:$0x2]  }
0x111: {  	s0 =	sadd.s32 @!p0 $0x100000, s0  }
0x112: {  	[sflag:s0] =	ssyncadd.tile.s32 @!p0 $0x1;
	_ =	shalt  }
.Lfunc_end2:
_tile_overlayer_lowered:
.L_overlay_start_2:
0x113: {  	(tag) =	ssettag $0x2  }
0x114: {  	s0 =	rddreg [dreg:$0x0];
	s2 =	stileid.u32  }
0x115: {  	s1 =	rddreg [dreg:$0x1];
	p0 =	sne.s32 s2, $0x0  }
0x116: {  	s3 =	rddreg [dreg:$0x2];
	[bflag:$0x3] =	sbarrier.arrive $0xFFFF;
	s2 =	simm.s32 @!p0 $0x1C03  }
0x117: {  	[timem:s3], [sflag:s2] =	dma.local @!p0 [hbm:s0], s1  }
0x118: {  	s0 =	simm.s32 @!p0 $0x3  }
0x119: {  	_ =	swait.ge @!p0 [sflag:s0], s1  }
0x11a: {  	s1 =	ssub.s32 @!p0 $0x0, s1;
	[sflag:s0] =	ssyncset.done @!p0 $0x0  }
0x11b: {  	[sflag:s0] =	ssyncadd.s32 @!p0 s1  }
0x11c: {  	[bflag:$0x3] =	sbarrier.arrive $0xFFFF  }
0x11d: {  	_ =	shalt  }

// kernel: kernel.20.cloned.1.call-start
scs
__scs_entry_jumppad:
0x0: {  	(pc) =	sbr.rel $0x88, $3  }
0x1: {  	(tag) =	ssettag $0x0;
	lr =	simm.s32 $0x1  }
0x2: {  	[smem:$0x3F95] =	sst lr;
	_ =	strace $0xD0000000  }
0x3: {  	_ = 	snop  }
0x4: {  	_ = 	snop  }
0x5: {  	_ = 	snop  }
0x6: {  	_ = 	snop  }
0x7: {  	_ = 	snop  }
__scs_overlays_trampoline_lowered:
0x8: {  	[smem:$0x3FA4] =	sst s0  }
0x9: {  	[smem:$0x3FA5] =	sst s1  }
0xa: {  	[smem:$0x3FA6] =	sst s2  }
0xb: {  	[smem:$0x3FA7] =	sst s3  }
0xc: {  	[smem:$0x3FA8] =	sst s4  }
0xd: {  	[smem:$0x3FA9] =	sst s5  }
0xe: {  	[smem:$0x3FAA] =	sst s6  }
0xf: {  	[smem:$0x3FAB] =	sst s7  }
0x10: {  	[smem:$0x3FAC] =	sst s8  }
0x11: {  	[smem:$0x3FAD] =	sst s9;
	s0 =	simm.s32 @!p0 $0x0  }
0x12: {  	s1 =	sld [smem:$0x3F93];
	s0 =	simm.s32 @p0 $0x1  }
0x13: {  	[smem:$0x3FAE] =	sst s0;
	s0 =	simm.s32 @!p1 $0x0  }
0x14: {  	s2 =	sld [smem:$0x3F92];
	s0 =	simm.s32 @p1 $0x1  }
0x15: {  	[smem:$0x3FAF] =	sst s0;
	s0 =	simm.s32 @!p2 $0x0  }
0x16: {  	s3 =	sld [smem:$0x3FDB];
	s0 =	simm.s32 @p2 $0x1  }
0x17: {  	s4 =	simm.s32 $0x1BF5;
	[smem:$0x3FB1] =	sst s0  }
0x18: {  	s0 =	sld [smem:$0x3F94];
	_ =	swait.ge [sflag:s4], $0x0  }
0x19: {  	s7 =	sld [smem:$0x3F95]  }
0x1a: {  	s8 =	sadd.s32 $0xFFFFE003, lr  }
0x1b: {  	s9 =	sadd.s32 $0xFFFFFEF7, lr;
	s5 =	simm.s32 $0xFFFFFFFF;
	p2 =	slt.u32 s8, $0xFFFFF086  }
0x1c: {  	p1 =	slt.u32 s9, $0xF7A;
	s5 =	simm.s32 @!p2 $0x0  }
0x1d: {  	s5 =	simm.s32 @p1 $0x1;
	p0 =	seq.s32 s7, s2  }
0x1e: {  	s7 =	smul.u32 @!p0 $0xF7A, s2;
	p2 =	seq.s32 @!p0 s5, $0x0  }
0x1f: {  	s9 =	smul.u32 $0xF7A, s1;
	s8 =	simm.s32 @!p0 $0x1BF5;
	p2 =	por !p2, p0  }
0x20: {  	[sflag:s8] =	ssyncset.s32 @!p0 $0xFFFFF086;
	s6 =	sadd.s32 @!p0 s3, s7;
	s7 =	simm.s32 @!p0 $0x108  }
0x21: {  	s3 =	sadd.s32 s3, s9;
	s6 =	sadd.s32 @!p0 $0x88, s6;
	s7 =	simm.s32 @p2 $0x1082  }
0x22: {  	[simem:s7], [sflag:s8] =	dma.local @!p0 [hbm:s6], $0xF7A  }
0x23: {  	s9 =	sor.u32 $0xD0000000, s2;
	s6 =	simm.s32 $0x108;
	_ =	swait.ge @!p0 [sflag:s8], $0x0  }
0x24: {  	s3 =	sadd.s32 $0x88, s3;
	s6 =	simm.s32 @!p1 $0x1082;
	[sflag:s4] =	ssyncset.s32 $0xFFFFF086  }
0x25: {  	[simem:s6], [sflag:s4] =	dma.local [hbm:s3], $0xF7A  }
0x26: {  	[smem:$0x3F95] =	sst s1;
	(tag) =	ssettag s2;
	_ =	strace s9  }
0x27: {  	s1 =	sld [smem:$0x3FA5]  }
0x28: {  	s2 =	sld [smem:$0x3FA6]  }
0x29: {  	s4 =	sld [smem:$0x3FA8]  }
0x2a: {  	p0 =	seq.s32 s5, $0x0;
	s5 =	sld [smem:$0x3FA9]  }
0x2b: {  	s6 =	sld [smem:$0x3FAA]  }
0x2c: {  	s7 =	sld [smem:$0x3FAB]  }
0x2d: {  	s3 =	simm.s32 $0x108;
	s8 =	sld [smem:$0x3FAC]  }
0x2e: {  	s3 =	simm.s32 @!p0 $0x1082;
	s9 =	sld [smem:$0x3FAD]  }
0x2f: {  	lr =	sadd.s32 s0, s3;
	s0 =	sld [smem:$0x3FA4]  }
0x30: {  	s3 =	sld [smem:$0x3FA7]  }
0x31: {  	[smem:$0x3FB0] =	sst s10  }
0x32: {  	s10 =	sld [smem:$0x3FAE];
	_ =	sdelay $0x3  }
0x33: {  	p0 =	seq.s32 s10, $0x1;
	s10 =	sld [smem:$0x3FB0];
	_ =	sdelay $0x3  }
0x34: {  	[smem:$0x3FB0] =	sst s10  }
0x35: {  	s10 =	sld [smem:$0x3FAF];
	_ =	sdelay $0x3  }
0x36: {  	p1 =	seq.s32 s10, $0x1;
	s10 =	sld [smem:$0x3FB0];
	_ =	sdelay $0x3  }
0x37: {  	[smem:$0x3FB0] =	sst s10  }
0x38: {  	s10 =	sld [smem:$0x3FB1]  }
0x39: {  	_ = 	snop;
	(pc) =	sbr.ind lr, $3  }
0x3a: {  	_ = 	snop  }
0x3b: {  	_ = 	snop  }
0x3c: {  	p2 =	seq.s32 s10, $0x1;
	s10 =	sld [smem:$0x3FB0]  }
0x3d: {  	_ =	shalt  }
0x3e: {  	_ =	shalt  }
0x3f: {  	_ =	shalt  }
0x40: {  	_ =	shalt  }
0x41: {  	_ =	shalt  }
0x42: {  	_ =	shalt  }
0x43: {  	_ =	shalt  }
0x44: {  	_ =	shalt  }
0x45: {  	_ =	shalt  }
0x46: {  	_ =	shalt  }
0x47: {  	_ =	shalt  }
0x48: {  	_ =	shalt  }
0x49: {  	_ =	shalt  }
0x4a: {  	_ =	shalt  }
0x4b: {  	_ =	shalt  }
0x4c: {  	_ =	shalt  }
0x4d: {  	_ =	shalt  }
0x4e: {  	_ =	shalt  }
0x4f: {  	_ =	shalt  }
0x50: {  	_ =	shalt  }
0x51: {  	_ =	shalt  }
0x52: {  	_ =	shalt  }
0x53: {  	_ =	shalt  }
0x54: {  	_ =	shalt  }
0x55: {  	_ =	shalt  }
0x56: {  	_ =	shalt  }
0x57: {  	_ =	shalt  }
0x58: {  	_ =	shalt  }
0x59: {  	_ =	shalt  }
0x5a: {  	_ =	shalt  }
0x5b: {  	_ =	shalt  }
0x5c: {  	_ =	shalt  }
0x5d: {  	_ =	shalt  }
0x5e: {  	_ =	shalt  }
0x5f: {  	_ =	shalt  }
0x60: {  	_ =	shalt  }
0x61: {  	_ =	shalt  }
0x62: {  	_ =	shalt  }
0x63: {  	_ =	shalt  }
0x64: {  	_ =	shalt  }
0x65: {  	_ =	shalt  }
0x66: {  	_ =	shalt  }
0x67: {  	_ =	shalt  }
0x68: {  	_ =	shalt  }
0x69: {  	_ =	shalt  }
0x6a: {  	_ =	shalt  }
0x6b: {  	_ =	shalt  }
0x6c: {  	_ =	shalt  }
0x6d: {  	_ =	shalt  }
0x6e: {  	_ =	shalt  }
0x6f: {  	_ =	shalt  }
0x70: {  	_ =	shalt  }
0x71: {  	_ =	shalt  }
0x72: {  	_ =	shalt  }
0x73: {  	_ =	shalt  }
0x74: {  	_ =	shalt  }
0x75: {  	_ =	shalt  }
0x76: {  	_ =	shalt  }
0x77: {  	_ =	shalt  }
0x78: {  	_ =	shalt  }
0x79: {  	_ =	shalt  }
0x7a: {  	_ =	shalt  }
0x7b: {  	_ =	shalt  }
0x7c: {  	_ =	shalt  }
0x7d: {  	_ =	shalt  }
0x7e: {  	_ =	shalt  }
0x7f: {  	_ =	shalt  }
0x80: {  	_ =	shalt  }
0x81: {  	_ =	shalt  }
0x82: {  	_ =	shalt  }
0x83: {  	_ =	shalt  }
0x84: {  	_ =	shalt  }
0x85: {  	_ =	shalt  }
0x86: {  	_ =	shalt  }
0x87: {  	_ =	shalt  }
.Lfunc_end0:
.L_simem_size_0:
called_computation.3_lowered:
.L_overlay_start_0:
0x88: {  	s2 =	sld [smem:$0x3FD9]  }
0x89: {  	s3 =	sld [smem:$0x3FFE];
	_ =	sdelay $0x1  }
0x8a: {  	s1 =	srdreg.scid  }
0x8b: {  	s0 =	sand.u32 $0x1, s1  }
0x8c: {  	s16 =	sshll.u32 s0, $0xA;
	s2 =	sadd.s32 s3, s2  }
0x8d: {  	s2 =	sadd.s32 s2, s16  }
0x8e: {  	[smem:$0x3FBC] =	sst s2  }
0x8f: {  	_ = 	snop  }
0x90: {  	(tm) =	ssettm $0x1  }
0x91: {  	s17 =	sld [smem:$0x3FFB];
	_ =	sdelay $0x3  }
0x92: {  	_ =	strace s17  }
0x93: {  	s2 =	sld [smem:$0x3FFC];
	_ =	sdelay $0x3  }
0x94: {  	_ =	strace s2  }
0x95: {  	s2 =	sld [smem:$0x3FFD];
	_ =	sdelay $0x3  }
0x96: {  	_ =	strace s2  }
0x97: {  	_ =	strace $0x8FFFFFFF  }
0x98: {  	s18 =	sld [smem:$0x3FDB];
	_ =	sdelay $0x1  }
0x99: {  	s19 =	simm.s32 $_scs_section_size  }
0x9a: {  	s4 =	simm.s32 $_size__tile_overlayer_lowered;
	s5 =	simm.s32 $_tile_overlayer_lowered  }
0x9b: {  	s22 =	simm.s32 $0x1BFF;
	s21 =	sshll.u32 s5, $0x1;
	s2 =	sadd.s32 s19, s18  }
0x9c: {  	s6 =	simm.s32 $0x0;
	s20 =	sshll.u32 s4, $0x1;
	s4 =	sadd.s32 s21, s2  }
0x9d: {  	[timem:s6], [sflag:s22] =	dma.local [hbm:s4], s20  }
0x9e: {  	_ =	swait.ge [sflag:s22], s20  }
0x9f: {  	s3 =	ssub.s32 $0x0, s20;
	[sflag:s22] =	ssyncset.done $0x0  }
0xa0: {  	[sflag:s22] =	ssyncadd.s32 s3;
	_ =	sdelay $0x1  }
0xa1: {  	s23 =	simm.s32 $0x1B8B  }
0xa2: {  	_ =	swait.ge [sflag:s23], $0x1  }
0xa3: {  	[sflag:s23] =	ssyncset.done $0x0  }
0xa4: {  	s25 =	simm.s32 $0x1B8E;
	s24 =	sld [smem:$0x3FFE];
	[sflag:s23] =	ssyncadd.s32 $0xFFFFFFFF  }
0xa5: {  	s26 =	simm.s32 $execute0_lowered;
	[smem:$0x3FD2] =	sst s25  }
0xa6: {  	s4 =	sshll.u32 s26, $0x1;
	_ =	strace $0x8000004F;
	[dreg:$0x1] =	wrdreg $0xFFFFFFFF  }
0xa7: {  	s28 =	simm.s32 $_size_execute0_lowered;
	s2 =	sadd.s32 s2, s4;
	[dreg:$0x0] =	wrdreg $0x0  }
0xa8: {  	s4 =	sshll.u32 s28, $0x1;
	[dreg:$0x2] =	wrdreg s2  }
0xa9: {  	[dreg:$0x3] =	wrdreg s4  }
0xaa: {  	[dreg:$0x4] =	wrdreg $0xC0  }
0xab: {  	_ =	task [dreg:s6], $0x5FFFF  }
0xac: {  	[dreg:$0x1] =	wrdreg $0xFFFFFFFF  }
0xad: {  	[dreg:$0x0] =	wrdreg $0x60  }
0xae: {  	[dreg:$0x2] =	wrdreg s24  }
0xaf: {  	[dreg:$0x3] =	wrdreg $0x52000  }
0xb0: {  	[dreg:$0x4] =	wrdreg $0x9  }
0xb1: {  	_ =	task.clear_ibuf [dreg:s6], $0x5FFFF;
	_ =	strace $0x9000004F  }
0xb2: {  	s29 =	simm.s32 $0x9;
	_ =	strace $0x80000051  }
0xb3: {  	_ =	swait.ge [sflag:s29], $0x1  }
0xb4: {  	[sflag:s29] =	ssyncadd.s32 $0xFFFFFFFF  }
0xb5: {  	_ =	strace $0x90000051  }
0xb6: {  	_ =	sfence  }
0xb7: {  	s30 =	sld [smem:$0x0];
	_ =	sdelay $0x2  }
0xb8: {  	s31 =	sshll.u32 s1, $0xD;
	s1 =	sshrl.u32 s1, $0x2  }
0xb9: {  	s3 =	sand.u32 $0x4000, s31;
	s1 =	sadd.s32 s1, s30  }
0xba: {  	s0 =	sor.u32 s3, s0;
	s1 =	sshll.u32 s1, $0x11  }
0xbb: {  	s0 =	sor.u32 s1, s0  }
0xbc: {  	s0 =	sadd.s32 $0x8F2B, s0  }
0xbd: {  	[sflag:s0] =	ssyncadd.remote.s32 $0x1  }
0xbe: {  	_ =	sfence.sel $0xFFFF  }
0xbf: {  	[dreg:$0x0] =	wrdreg $0xFFFFFFFF;
	(pc) =	sbr.abs _section_cstart, $3  }
0xc0: {  	[dreg:$0x1] =	wrdreg $0xFFFFFFFF  }
0xc1: {  	_ =	task.clear_ibuf [dreg:s6], $0x2FFFF;
	_ =	strace $0x9FFFFFFF  }
0xc2: {  	(tm) =	ssettm $0x7FFFFFFF  }
0xc3: {  	_ =	shalt  }
tec
execute0_lowered:
.L_overlay_start_1:
0x0: {  	(tag) =	ssettag $0x1  }
0x1: {  	s0 =	rddreg [dreg:$0x0]  }
0x2: {  	s2 =	rddreg [dreg:$0x1]  }
0x3: {  	s3 =	simm.s32 $0x0;
	s1 =	srdreg.scid;
	s18 =	stileid.u32  }
0x4: {  	s30 =	simm.s32 $0x200;
	s31 =	simm.s32 $0x3;
	[smem:$0x7FF] =	sst s3  }
0x5: {  	s1 =	sand.u32 $0x1, s1;
	s5 =	smul.u32 $0x13C00, s18;
	s4 =	sadd.s32 $0x18800, s0  }
0x6: {  	s7 =	sadd.s32 $0x3FA00, s0;
	s22 =	smul.u32 $0x2710, s18;
	_ =	strace $0x80000050  }
0x7: {  	s6 =	smul.u32 $0x13C000, s1;
	s8 =	ssub.s32 $0x2, s1;
	s11 =	sshll.u32 s1, $0x4  }
0x8: {  	s1 =	smul.u32 $0x27100, s1;
	s9 =	sadd.s32 $0x11800, s5;
	s10 =	sshrl.u32 s8, $0x1  }
0x9: {  	s24 =	sor.u32 s18, s11;
	s16 =	sadd.s32 $0x7800, s5;
	s17 =	sadd.s32 $0xA000, s5  }
0xa: {  	s12 =	sadd.s32 s6, s9;
	s8 =	ssub.s32 s8, s10;
	s10 =	smul.u32 $0x2710, s24  }
0xb: {  	s13 =	sadd.s32 s6, s5;
	s24 =	sadd.s32 $0xC800, s5;
	s15 =	sadd.s32 s6, s16  }
0xc: {  	s20 =	sadd.s32 s6, s17;
	s1 =	sadd.s32 s22, s1;
	s22 =	sadd.s32 s16, s2  }
0xd: {  	s25 =	sshrl.u32 s12, $0x3;
	s12 =	sadd.s32 $0x5000, s5;
	s13 =	sshrl.u32 s13, $0x3  }
0xe: {  	s15 =	sshrl.u32 s15, $0x3;
	s21 =	sadd.s32 s6, s24;
	s24 =	sadd.s32 s24, s2  }
0xf: {  	s11 =	sadd.s32 s7, s25;
	s13 =	sadd.s32 s7, s13;
	s14 =	sadd.s32 s6, s12  }
0x10: {  	s19 =	sadd.s32 s7, s15;
	s25 =	smul.u32 $0x4F000, s18;
	[dreg:$0x3] =	wrdreg s11  }
0x11: {  	s15 =	sadd.s32 s9, s2;
	s11 =	sadd.s32 $0x2800, s5;
	[dreg:$0x4] =	wrdreg s13  }
0x12: {  	s5 =	sadd.s32 $0xF000, s5;
	s14 =	sshrl.u32 s14, $0x3;
	[dreg:$0x7] =	wrdreg s19  }
0x13: {  	s26 =	sadd.s32 s6, s11;
	s6 =	sadd.s32 s6, s5;
	s18 =	sadd.s32 s11, s2  }
0x14: {  	s13 =	sshrl.u32 s26, $0x3;
	s6 =	sshrl.u32 s6, $0x3;
	s26 =	sshrl.u32 s10, $0x3  }
0x15: {  	s10 =	smax.u32 s8, $0x1;
	[dreg:$0xe] =	wrdreg s18;
	s8 =	simm.s32 $0x1  }
0x16: {  	s13 =	sadd.s32 s7, s13;
	s6 =	sadd.s32 s7, s6;
	[dreg:$0xd] =	wrdreg s10  }
0x17: {  	s10 =	simm.s32 $0x0;
	[dreg:$0x5] =	wrdreg s13;
	s13 =	sadd.s32 s7, s14  }
0x18: {  	s14 =	sshrl.u32 s21, $0x3;
	[dreg:$0xa] =	wrdreg s6;
	s6 =	sshrl.u32 s25, $0x2  }
0x19: {  	s21 =	sadd.s32 s12, s2;
	s25 =	sadd.s32 s5, s2;
	s5 =	simm.s32 $0x100  }
0x1a: {  	[dreg:$0x6] =	wrdreg s13;
	s13 =	sshrl.u32 s20, $0x3;
	s23 =	sadd.s32 s7, s14  }
0x1b: {  	s14 =	sadd.s32 $0x4C00, s0;
	s19 =	sadd.s32 s6, s2;
	s20 =	sadd.s32 $0x50, s1  }
0x1c: {  	s6 =	simm.s32 $0x180;
	s13 =	sadd.s32 s7, s13;
	[dreg:$0x9] =	wrdreg s23  }
0x1d: {  	s23 =	sadd.s32 s17, s2;
	[dreg:$0x8] =	wrdreg s13;
	s13 =	sadd.s32 $0xEA00, s0  }
0x1e: {  	s7 =	simm.s32 $0x2A00;
	s0 =	sadd.s32 s14, s26;
	s9 =	sadd.s32 s13, s26  }
0x1f: {  	[dreg:$0xc] =	wrdreg s0;
	s26 =	sadd.s32 $0xA0, s1;
	s0 =	sshrl.u32 s20, $0x3  }
0x20: {  	s1 =	simm.s32 $0x50;
	[dreg:$0xb] =	wrdreg s9;
	s28 =	sadd.s32 s0, s14  }
0x21: {  	v0 =	vimm.f32 $0.0e+00;
	s29 =	sadd.s32 s0, s13;
	s0 =	simm.s32 $0x80;
	s9 =	simm.s32 $0x2  }
.LBB2_1:
0x22: {  	s11 =	simm.s32 $0x70;
	s12 =	simm.s32 $0x3C0  }
.LBB2_2:
0x23: {  	p0 =	sne.s32 s12, $0x9FC0;
	[tilespmem:s11+$0x200] =	vst v0  }
0x24: {  	[tilespmem:s11+$0x190] =	vst v0  }
0x25: {  	[tilespmem:s11+$0x1A0] =	vst v0  }
.Ltmp0:
0x26: {  	[tilespmem:s11+$0x1B0] =	vst v0;
	(pc) =	sbr.rel @p0 .LBB2_2-.Ltmp0, $4  }
0x27: {  	[tilespmem:s11+$0x1C0] =	vst v0  }
0x28: {  	[tilespmem:s11+$0x1D0] =	vst v0  }
0x29: {  	[tilespmem:s11+$0x1E0] =	vst v0  }
0x2a: {  	[tilespmem:s11+$0x1F0] =	vst v0;
	s11 =	sshra.s32 s12, $0x2;
	s12 =	sadd.s32 $0x200, s12  }
0x2b: {  	[tilespmem:s11+$0x200] =	vst v0  }
0x2c: {  	[tilespmem:s11+$0x190] =	vst v0  }
0x2d: {  	[tilespmem:s11+$0x1A0] =	vst v0  }
0x2e: {  	[tilespmem:s11+$0x1B0] =	vst v0  }
0x2f: {  	[tilespmem:s11+$0x1C0] =	vst v0  }
0x30: {  	[tilespmem:s11+$0x1D0] =	vst v0  }
0x31: {  	[tilespmem:s11+$0x1E0] =	vst v0  }
0x32: {  	[tilespmem:s11+$0x1F0] =	vst v0  }
0x33: {  	[spmem:s19] =	stream.linear.scatter [tilespmem:s30], [sflag:$0x3], $0x2800, $0x38;
	[tilespmem:$0x18E00] =	vst v63  }
0x34: {  	_ =	swait.ge [sflag:s31], $0x2800  }
0x35: {  	[sflag:s31] =	ssyncset.done $0x0  }
0x36: {  	s16 =	rddreg [dreg:$0xe];
	[sflag:s31] =	ssyncadd.s32 $0xFFFFD800  }
0x37: {  	[spmem:s16] =	stream.linear.scatter [tilespmem:s30], [sflag:$0x3], $0x2800, $0x38;
	[tilespmem:$0x18E00] =	vst v63  }
0x38: {  	_ =	swait.ge [sflag:s31], $0x2800  }
0x39: {  	[sflag:s31] =	ssyncset.done $0x0  }
0x3a: {  	[sflag:s31] =	ssyncadd.s32 $0xFFFFD800  }
0x3b: {  	[spmem:s21] =	stream.linear.scatter [tilespmem:s30], [sflag:$0x3], $0x2800, $0x38;
	[tilespmem:$0x18E00] =	vst v63  }
0x3c: {  	_ =	swait.ge [sflag:s31], $0x2800  }
0x3d: {  	[sflag:s31] =	ssyncset.done $0x0  }
0x3e: {  	[sflag:s31] =	ssyncadd.s32 $0xFFFFD800  }
0x3f: {  	[spmem:s22] =	stream.linear.scatter [tilespmem:s30], [sflag:$0x3], $0x2800, $0x38;
	[tilespmem:$0x18E00] =	vst v63  }
0x40: {  	_ =	swait.ge [sflag:s31], $0x2800  }
0x41: {  	[sflag:s31] =	ssyncset.done $0x0  }
0x42: {  	[sflag:s31] =	ssyncadd.s32 $0xFFFFD800  }
0x43: {  	[spmem:s23] =	stream.linear.scatter [tilespmem:s30], [sflag:$0x3], $0x2800, $0x38;
	[tilespmem:$0x18E00] =	vst v63  }
0x44: {  	_ =	swait.ge [sflag:s31], $0x2800  }
0x45: {  	[sflag:s31] =	ssyncset.done $0x0  }
0x46: {  	[sflag:s31] =	ssyncadd.s32 $0xFFFFD800  }
0x47: {  	[spmem:s24] =	stream.linear.scatter [tilespmem:s30], [sflag:$0x3], $0x2800, $0x38;
	[tilespmem:$0x18E00] =	vst v63  }
0x48: {  	_ =	swait.ge [sflag:s31], $0x2800  }
0x49: {  	[sflag:s31] =	ssyncset.done $0x0  }
0x4a: {  	[sflag:s31] =	ssyncadd.s32 $0xFFFFD800  }
0x4b: {  	[spmem:s25] =	stream.linear.scatter [tilespmem:s30], [sflag:$0x3], $0x2800, $0x38;
	[tilespmem:$0x18E00] =	vst v63  }
0x4c: {  	_ =	swait.ge [sflag:s31], $0x2800  }
0x4d: {  	[sflag:s31] =	ssyncset.done $0x0  }
0x4e: {  	[sflag:s31] =	ssyncadd.s32 $0xFFFFD800  }
0x4f: {  	[spmem:s15] =	stream.linear.scatter [tilespmem:s30], [sflag:$0x3], $0x2400, $0x38;
	[tilespmem:$0x18E00] =	vst v63  }
0x50: {  	_ =	swait.ge [sflag:s31], $0x2400  }
0x51: {  	[sflag:s31] =	ssyncset.done $0x0  }
0x52: {  	[sflag:s31] =	ssyncadd.s32 $0xFFFFDC00  }
0x53: {  	[bflag:$0x0] =	sbarrier.arrive $0xFFFF  }
0x54: {  	s17 =	simm.s32 $0x0;
	s12 =	rddreg [dreg:$0xb]  }
0x55: {  	[tilespmem:s17], [sflag:$0x3] =	stream.linear.gather [hbm4b:s12+s17], $0x50, $0x38;
	[tilespmem:$0x18E00] =	vst v63  }
0x56: {  	_ =	swait.ge [sflag:s31], $0x50  }
0x57: {  	[sflag:s31] =	ssyncset.done $0x0  }
0x58: {  	s20 =	smov.u32 s19;
	s19 =	rddreg [dreg:$0xc];
	[sflag:s31] =	ssyncadd.s32 $0xFFFFFFB0  }
0x59: {  	[tilespmem:s0], [sflag:$0x3] =	stream.linear.gather [hbm4b:s19+s17], $0x50, $0x38;
	[tilespmem:$0x18E00] =	vst v63  }
0x5a: {  	_ =	swait.ge [sflag:s31], $0x50  }
0x5b: {  	[sflag:s31] =	ssyncset.done $0x0  }
0x5c: {  	[sflag:s31] =	ssyncadd.s32 $0xFFFFFFB0  }
0x5d: {  	[tilespmem:s30], [sflag:$0x1] =	stream.indirect.gather [hbm4b:s4+s1], $0x80, s17, s1, $0xb8;
	[tilespmem:$0x18E00] =	vst v63  }
0x5e: {  	s18 =	smov.u32 s15;
	s15 =	sadd.s32 $0x0, s29  }
0x5f: {  	[tilespmem:s5], [sflag:$0x3] =	stream.linear.gather [hbm4b:s15+s3], $0x50, $0x38;
	[tilespmem:$0x18E00] =	vst v63  }
0x60: {  	_ =	swait.ge [sflag:s31], $0x50  }
0x61: {  	[sflag:s31] =	ssyncset.done $0x0  }
0x62: {  	s16 =	sadd.s32 $0x0, s28;
	[sflag:s31] =	ssyncadd.s32 $0xFFFFFFB0  }
0x63: {  	[tilespmem:s6], [sflag:$0x3] =	stream.linear.gather [hbm4b:s16+s3], $0x50, $0x38;
	[tilespmem:$0x18E00] =	vst v63  }
0x64: {  	_ =	swait.ge [sflag:s31], $0x50  }
0x65: {  	[sflag:s31] =	ssyncset.done $0x0  }
0x66: {  	[sflag:s31] =	ssyncadd.s32 $0xFFFFFFB0  }
0x67: {  	[tilespmem:s7], [sflag:$0x2] =	stream.indirect.gather [hbm4b:s4+s1], $0x80, s5, s1, $0xb8;
	[tilespmem:$0x18E00] =	vst v63  }
0x68: {  	_ =	swait.ge [sflag:s8], $0x2800  }
0x69: {  	[sflag:s8] =	ssyncset.done $0x0  }
0x6a: {  	[sflag:s8] =	ssyncadd.s32 $0xFFFFD800  }
0x6b: {  	[spmem:s2] =	stream.indirect.scatter.add.f32 [tilespmem:s30], [sflag:$0x3], $0x80, s0, s1, $0xb8;
	[tilespmem:$0x18E00] =	vst v63  }
0x6c: {  	_ =	swait.ge [sflag:s31], $0x2800  }
0x6d: {  	s17 =	sshrl.u32 s26, $0x3;
	[sflag:s31] =	ssyncset.done $0x0  }
0x6e: {  	s19 =	sadd.s32 s13, s17;
	[sflag:s31] =	ssyncadd.s32 $0xFFFFD800  }
0x6f: {  	[tilespmem:s3], [sflag:$0x3] =	stream.linear.gather [hbm4b:s19+s3], $0x50, $0x38;
	[tilespmem:$0x18E00] =	vst v63  }
0x70: {  	_ =	swait.ge [sflag:s31], $0x50  }
0x71: {  	[sflag:s31] =	ssyncset.done $0x0  }
0x72: {  	s11 =	sadd.s32 s14, s17;
	[sflag:s31] =	ssyncadd.s32 $0xFFFFFFB0  }
0x73: {  	[tilespmem:s0], [sflag:$0x3] =	stream.linear.gather [hbm4b:s11+s3], $0x50, $0x38;
	[tilespmem:$0x18E00] =	vst v63  }
0x74: {  	_ =	swait.ge [sflag:s31], $0x50  }
0x75: {  	[sflag:s31] =	ssyncset.done $0x0  }
0x76: {  	[sflag:s31] =	ssyncadd.s32 $0xFFFFFFB0  }
0x77: {  	[tilespmem:s30], [sflag:$0x1] =	stream.indirect.gather [hbm4b:s4+s1], $0x80, s3, s1, $0xb8;
	[tilespmem:$0x18E00] =	vst v63  }
0x78: {  	_ =	swait.ge [sflag:s9], $0x2800  }
0x79: {  	[sflag:s9] =	ssyncset.done $0x0  }
0x7a: {  	[sflag:s9] =	ssyncadd.s32 $0xFFFFD800  }
0x7b: {  	[spmem:s2] =	stream.indirect.scatter.add.f32 [tilespmem:s7], [sflag:$0x3], $0x80, s6, s1, $0xb8;
	[tilespmem:$0x18E00] =	vst v63  }
0x7c: {  	s12 =	simm.s32 $0x14;
	_ =	swait.ge [sflag:s31], $0x2800  }
0x7d: {  	s16 =	simm.s32 $0x28;
	s11 =	sadd.s32 $0xA0, s26;
	[sflag:s31] =	ssyncset.done $0x0  }
.LBB2_4:
0x7e: {  	s19 =	sadd.s32 s12, s29  }
0x7f: {  	[sflag:s31] =	ssyncadd.s32 $0xFFFFD800;
	s15 =	smov.u32 s16;
	s17 =	sadd.s32 $0x14, s16  }
0x80: {  	[tilespmem:s5], [sflag:$0x3] =	stream.linear.gather [hbm4b:s19+s3], $0x50, $0x38;
	[tilespmem:$0x18E00] =	vst v63  }
0x81: {  	p0 =	sne.s32 s16, $0x4C4;
	_ =	swait.ge [sflag:s31], $0x50  }
0x82: {  	[sflag:s31] =	ssyncset.done $0x0  }
0x83: {  	s16 =	sadd.s32 s12, s28;
	s12 =	smov.u32 s15;
	[sflag:s31] =	ssyncadd.s32 $0xFFFFFFB0  }
0x84: {  	[tilespmem:s6], [sflag:$0x3] =	stream.linear.gather [hbm4b:s16+s3], $0x50, $0x38;
	[tilespmem:$0x18E00] =	vst v63  }
0x85: {  	_ =	swait.ge [sflag:s31], $0x50  }
0x86: {  	[sflag:s31] =	ssyncset.done $0x0  }
0x87: {  	[sflag:s31] =	ssyncadd.s32 $0xFFFFFFB0  }
0x88: {  	[tilespmem:s7], [sflag:$0x2] =	stream.indirect.gather [hbm4b:s4+s1], $0x80, s5, s1, $0xb8;
	[tilespmem:$0x18E00] =	vst v63  }
0x89: {  	_ =	swait.ge [sflag:s8], $0x2800  }
0x8a: {  	[sflag:s8] =	ssyncset.done $0x0  }
0x8b: {  	[sflag:s8] =	ssyncadd.s32 $0xFFFFD800  }
0x8c: {  	[spmem:s2] =	stream.indirect.scatter.add.f32 [tilespmem:s30], [sflag:$0x3], $0x80, s0, s1, $0xb8;
	[tilespmem:$0x18E00] =	vst v63  }
0x8d: {  	_ =	swait.ge [sflag:s31], $0x2800  }
0x8e: {  	s15 =	sshrl.u32 s11, $0x3;
	[sflag:s31] =	ssyncset.done $0x0  }
0x8f: {  	s16 =	sadd.s32 s13, s15;
	[sflag:s31] =	ssyncadd.s32 $0xFFFFD800  }
0x90: {  	[tilespmem:s3], [sflag:$0x3] =	stream.linear.gather [hbm4b:s16+s3], $0x50, $0x38;
	[tilespmem:$0x18E00] =	vst v63  }
0x91: {  	_ =	swait.ge [sflag:s31], $0x50  }
0x92: {  	[sflag:s31] =	ssyncset.done $0x0  }
0x93: {  	s15 =	sadd.s32 s14, s15;
	[sflag:s31] =	ssyncadd.s32 $0xFFFFFFB0  }
0x94: {  	[tilespmem:s0], [sflag:$0x3] =	stream.linear.gather [hbm4b:s15+s3], $0x50, $0x38;
	[tilespmem:$0x18E00] =	vst v63  }
0x95: {  	_ =	swait.ge [sflag:s31], $0x50  }
0x96: {  	[sflag:s31] =	ssyncset.done $0x0  }
0x97: {  	[sflag:s31] =	ssyncadd.s32 $0xFFFFFFB0  }
0x98: {  	[tilespmem:s30], [sflag:$0x1] =	stream.indirect.gather [hbm4b:s4+s1], $0x80, s3, s1, $0xb8;
	[tilespmem:$0x18E00] =	vst v63  }
0x99: {  	_ =	swait.ge [sflag:s9], $0x2800  }
.Ltmp1:
0x9a: {  	[sflag:s9] =	ssyncset.done $0x0;
	(pc) =	sbr.rel @p0 .LBB2_4-.Ltmp1, $4  }
0x9b: {  	[sflag:s9] =	ssyncadd.s32 $0xFFFFD800  }
0x9c: {  	[spmem:s2] =	stream.indirect.scatter.add.f32 [tilespmem:s7], [sflag:$0x3], $0x80, s6, s1, $0xb8;
	[tilespmem:$0x18E00] =	vst v63  }
0x9d: {  	_ =	swait.ge [sflag:s31], $0x2800  }
0x9e: {  	s11 =	sadd.s32 $0xA0, s11;
	s16 =	smov.u32 s17;
	[sflag:s31] =	ssyncset.done $0x0  }
0x9f: {  	s15 =	sadd.s32 s12, s29;
	[sflag:s31] =	ssyncadd.s32 $0xFFFFD800  }
0xa0: {  	[tilespmem:s5], [sflag:$0x3] =	stream.linear.gather [hbm4b:s15+s3], $0x50, $0x38;
	[tilespmem:$0x18E00] =	vst v63  }
0xa1: {  	_ =	swait.ge [sflag:s31], $0x50  }
0xa2: {  	[sflag:s31] =	ssyncset.done $0x0  }
0xa3: {  	s17 =	sadd.s32 s12, s28;
	[sflag:s31] =	ssyncadd.s32 $0xFFFFFFB0  }
0xa4: {  	[tilespmem:s6], [sflag:$0x3] =	stream.linear.gather [hbm4b:s17+s3], $0x50, $0x38;
	[tilespmem:$0x18E00] =	vst v63  }
0xa5: {  	_ =	swait.ge [sflag:s31], $0x50  }
0xa6: {  	[sflag:s31] =	ssyncset.done $0x0  }
0xa7: {  	[sflag:s31] =	ssyncadd.s32 $0xFFFFFFB0  }
0xa8: {  	[tilespmem:s7], [sflag:$0x2] =	stream.indirect.gather [hbm4b:s4+s1], $0x80, s5, s1, $0xb8;
	[tilespmem:$0x18E00] =	vst v63  }
0xa9: {  	_ =	swait.ge [sflag:s8], $0x2800  }
0xaa: {  	[sflag:s8] =	ssyncset.done $0x0  }
0xab: {  	[sflag:s8] =	ssyncadd.s32 $0xFFFFD800  }
0xac: {  	[spmem:s2] =	stream.indirect.scatter.add.f32 [tilespmem:s30], [sflag:$0x3], $0x80, s0, s1, $0xb8;
	[tilespmem:$0x18E00] =	vst v63  }
0xad: {  	_ =	swait.ge [sflag:s31], $0x2800  }
0xae: {  	s11 =	sshrl.u32 s11, $0x3;
	[sflag:s31] =	ssyncset.done $0x0  }
0xaf: {  	s19 =	sadd.s32 s13, s11;
	[sflag:s31] =	ssyncadd.s32 $0xFFFFD800  }
0xb0: {  	[tilespmem:s3], [sflag:$0x3] =	stream.linear.gather [hbm4b:s19+s3], $0x50, $0x38;
	[tilespmem:$0x18E00] =	vst v63  }
0xb1: {  	_ =	swait.ge [sflag:s31], $0x50  }
0xb2: {  	[sflag:s31] =	ssyncset.done $0x0  }
0xb3: {  	s11 =	sadd.s32 s14, s11;
	[sflag:s31] =	ssyncadd.s32 $0xFFFFFFB0  }
0xb4: {  	[tilespmem:s0], [sflag:$0x3] =	stream.linear.gather [hbm4b:s11+s3], $0x50, $0x38;
	[tilespmem:$0x18E00] =	vst v63  }
0xb5: {  	_ =	swait.ge [sflag:s31], $0x50  }
0xb6: {  	[sflag:s31] =	ssyncset.done $0x0  }
0xb7: {  	[sflag:s31] =	ssyncadd.s32 $0xFFFFFFB0  }
0xb8: {  	[tilespmem:s30], [sflag:$0x1] =	stream.indirect.gather [hbm4b:s4+s1], $0x80, s3, s1, $0xb8;
	[tilespmem:$0x18E00] =	vst v63  }
0xb9: {  	_ =	swait.ge [sflag:s9], $0x2800  }
0xba: {  	[sflag:s9] =	ssyncset.done $0x0  }
0xbb: {  	[sflag:s9] =	ssyncadd.s32 $0xFFFFD800  }
0xbc: {  	[spmem:s2] =	stream.indirect.scatter.add.f32 [tilespmem:s7], [sflag:$0x3], $0x80, s6, s1, $0xb8;
	[tilespmem:$0x18E00] =	vst v63  }
0xbd: {  	_ =	swait.ge [sflag:s31], $0x2800  }
0xbe: {  	[sflag:s31] =	ssyncset.done $0x0  }
0xbf: {  	[sflag:s31] =	ssyncadd.s32 $0xFFFFD800  }
0xc0: {  	_ =	swait.ge [sflag:s8], $0x2800  }
0xc1: {  	[sflag:s8] =	ssyncset.done $0x0  }
0xc2: {  	[sflag:s8] =	ssyncadd.s32 $0xFFFFD800  }
0xc3: {  	[spmem:s2] =	stream.indirect.scatter.add.f32 [tilespmem:s30], [sflag:$0x3], $0x80, s0, s1, $0xb8;
	[tilespmem:$0x18E00] =	vst v63  }
0xc4: {  	_ =	swait.ge [sflag:s31], $0x2800  }
0xc5: {  	[sflag:s31] =	ssyncset.done $0x0  }
0xc6: {  	[sflag:s31] =	ssyncadd.s32 $0xFFFFD800  }
0xc7: {  	[bflag:$0x0] =	sbarrier.arrive $0xFFFF  }
0xc8: {  	[tilespmem:s30], [sflag:$0x3] =	stream.linear.gather [spmem:s20], $0x2800, $0x38;
	[tilespmem:$0x18E00] =	vst v63  }
0xc9: {  	_ =	swait.ge [sflag:s31], $0x2800  }
0xca: {  	[sflag:s31] =	ssyncset.done $0x0  }
0xcb: {  	s15 =	rddreg [dreg:$0x4];
	[sflag:s31] =	ssyncadd.s32 $0xFFFFD800  }
0xcc: {  	[hbm4b:s15+s3] =	stream.linear.scatter [tilespmem:s30], [sflag:$0x3], $0x2800, $0x38;
	[tilespmem:$0x18E00] =	vst v63  }
0xcd: {  	_ =	swait.ge [sflag:s31], $0x2800  }
0xce: {  	[sflag:s31] =	ssyncset.done $0x0  }
0xcf: {  	s16 =	rddreg [dreg:$0xe];
	[sflag:s31] =	ssyncadd.s32 $0xFFFFD800  }
0xd0: {  	[tilespmem:s30], [sflag:$0x3] =	stream.linear.gather [spmem:s16], $0x2800, $0x38;
	[tilespmem:$0x18E00] =	vst v63  }
0xd1: {  	_ =	swait.ge [sflag:s31], $0x2800  }
0xd2: {  	[sflag:s31] =	ssyncset.done $0x0  }
0xd3: {  	s17 =	rddreg [dreg:$0x5];
	[sflag:s31] =	ssyncadd.s32 $0xFFFFD800  }
0xd4: {  	[hbm4b:s17+s3] =	stream.linear.scatter [tilespmem:s30], [sflag:$0x3], $0x2800, $0x38;
	[tilespmem:$0x18E00] =	vst v63  }
0xd5: {  	_ =	swait.ge [sflag:s31], $0x2800  }
0xd6: {  	[sflag:s31] =	ssyncset.done $0x0  }
0xd7: {  	[sflag:s31] =	ssyncadd.s32 $0xFFFFD800  }
0xd8: {  	[tilespmem:s30], [sflag:$0x3] =	stream.linear.gather [spmem:s21], $0x2800, $0x38;
	[tilespmem:$0x18E00] =	vst v63  }
0xd9: {  	_ =	swait.ge [sflag:s31], $0x2800  }
0xda: {  	[sflag:s31] =	ssyncset.done $0x0  }
0xdb: {  	s19 =	smov.u32 s20;
	s20 =	rddreg [dreg:$0x6];
	[sflag:s31] =	ssyncadd.s32 $0xFFFFD800  }
0xdc: {  	[hbm4b:s20+s3] =	stream.linear.scatter [tilespmem:s30], [sflag:$0x3], $0x2800, $0x38;
	[tilespmem:$0x18E00] =	vst v63  }
0xdd: {  	_ =	swait.ge [sflag:s31], $0x2800  }
0xde: {  	[sflag:s31] =	ssyncset.done $0x0  }
0xdf: {  	[sflag:s31] =	ssyncadd.s32 $0xFFFFD800  }
0xe0: {  	[tilespmem:s30], [sflag:$0x3] =	stream.linear.gather [spmem:s22], $0x2800, $0x38;
	[tilespmem:$0x18E00] =	vst v63  }
0xe1: {  	_ =	swait.ge [sflag:s31], $0x2800  }
0xe2: {  	[sflag:s31] =	ssyncset.done $0x0  }
0xe3: {  	s12 =	rddreg [dreg:$0x7];
	[sflag:s31] =	ssyncadd.s32 $0xFFFFD800  }
0xe4: {  	[hbm4b:s12+s3] =	stream.linear.scatter [tilespmem:s30], [sflag:$0x3], $0x2800, $0x38;
	[tilespmem:$0x18E00] =	vst v63  }
0xe5: {  	_ =	swait.ge [sflag:s31], $0x2800  }
0xe6: {  	[sflag:s31] =	ssyncset.done $0x0  }
0xe7: {  	[sflag:s31] =	ssyncadd.s32 $0xFFFFD800  }
0xe8: {  	[tilespmem:s30], [sflag:$0x3] =	stream.linear.gather [spmem:s23], $0x2800, $0x38;
	[tilespmem:$0x18E00] =	vst v63  }
0xe9: {  	_ =	swait.ge [sflag:s31], $0x2800  }
0xea: {  	[sflag:s31] =	ssyncset.done $0x0  }
0xeb: {  	s15 =	rddreg [dreg:$0x8];
	[sflag:s31] =	ssyncadd.s32 $0xFFFFD800  }
0xec: {  	[hbm4b:s15+s3] =	stream.linear.scatter [tilespmem:s30], [sflag:$0x3], $0x2800, $0x38;
	[tilespmem:$0x18E00] =	vst v63  }
0xed: {  	_ =	swait.ge [sflag:s31], $0x2800  }
0xee: {  	[sflag:s31] =	ssyncset.done $0x0  }
0xef: {  	[sflag:s31] =	ssyncadd.s32 $0xFFFFD800  }
0xf0: {  	[tilespmem:s30], [sflag:$0x3] =	stream.linear.gather [spmem:s24], $0x2800, $0x38;
	[tilespmem:$0x18E00] =	vst v63  }
0xf1: {  	_ =	swait.ge [sflag:s31], $0x2800  }
0xf2: {  	[sflag:s31] =	ssyncset.done $0x0  }
0xf3: {  	s16 =	rddreg [dreg:$0x9];
	[sflag:s31] =	ssyncadd.s32 $0xFFFFD800  }
0xf4: {  	[hbm4b:s16+s3] =	stream.linear.scatter [tilespmem:s30], [sflag:$0x3], $0x2800, $0x38;
	[tilespmem:$0x18E00] =	vst v63  }
0xf5: {  	_ =	swait.ge [sflag:s31], $0x2800  }
0xf6: {  	[sflag:s31] =	ssyncset.done $0x0  }
0xf7: {  	[sflag:s31] =	ssyncadd.s32 $0xFFFFD800  }
0xf8: {  	[tilespmem:s30], [sflag:$0x3] =	stream.linear.gather [spmem:s25], $0x2800, $0x38;
	[tilespmem:$0x18E00] =	vst v63  }
0xf9: {  	_ =	swait.ge [sflag:s31], $0x2800  }
0xfa: {  	[sflag:s31] =	ssyncset.done $0x0  }
0xfb: {  	s17 =	rddreg [dreg:$0xa];
	[sflag:s31] =	ssyncadd.s32 $0xFFFFD800  }
0xfc: {  	[hbm4b:s17+s3] =	stream.linear.scatter [tilespmem:s30], [sflag:$0x3], $0x2800, $0x38;
	[tilespmem:$0x18E00] =	vst v63  }
0xfd: {  	_ =	swait.ge [sflag:s31], $0x2800  }
0xfe: {  	[sflag:s31] =	ssyncset.done $0x0  }
0xff: {  	[sflag:s31] =	ssyncadd.s32 $0xFFFFD800  }
0x100: {  	[tilespmem:s30], [sflag:$0x3] =	stream.linear.gather [spmem:s18], $0x2400, $0x38;
	[tilespmem:$0x18E00] =	vst v63  }
0x101: {  	_ =	swait.ge [sflag:s31], $0x2400  }
0x102: {  	[sflag:s31] =	ssyncset.done $0x0  }
0x103: {  	s15 =	smov.u32 s18;
	s18 =	rddreg [dreg:$0x3];
	[sflag:s31] =	ssyncadd.s32 $0xFFFFDC00  }
0x104: {  	[hbm4b:s18+s3] =	stream.linear.scatter [tilespmem:s30], [sflag:$0x3], $0x2400, $0x38;
	[tilespmem:$0x18E00] =	vst v63  }
0x105: {  	_ =	swait.ge [sflag:s31], $0x2400  }
0x106: {  	s10 =	sadd.s32 $0x1, s10;
	s20 =	rddreg [dreg:$0xd]  }
0x107: {  	p0 =	sne.s32 s10, s20  }
.Ltmp2:
0x108: {  	_ = 	snop;
	(pc) =	sbr.rel @p0 .LBB2_1-.Ltmp2, $3  }
0x109: {  	_ =	sdelay $0x1  }
0x10a: {  	[sflag:s31] =	ssyncset.done $0x0  }
0x10b: {  	[sflag:s31] =	ssyncadd.s32 $0xFFFFDC00  }
0x10c: {  	_ =	sfence.sel $0x180000  }
0x10d: {  	[bflag:$0x0] =	sbarrier.arrive $0xFFFF  }
0x10e: {  	_ =	strace $0x90000050  }
0x10f: {  	s0 =	stileid.u32;
	[bflag:$0x2] =	sbarrier.arrive $0xFFFF  }
0x110: {  	p0 =	sne.s32 s0, $0x0;
	s0 =	rddreg [dreg:$0x2]  }
0x111: {  	s0 =	sadd.s32 @!p0 $0x100000, s0  }
0x112: {  	[sflag:s0] =	ssyncadd.tile.s32 @!p0 $0x1;
	_ =	shalt  }
.Lfunc_end2:
_tile_overlayer_lowered:
.L_overlay_start_2:
0x113: {  	(tag) =	ssettag $0x2  }
0x114: {  	s0 =	rddreg [dreg:$0x0];
	s2 =	stileid.u32  }
0x115: {  	s1 =	rddreg [dreg:$0x1];
	p0 =	sne.s32 s2, $0x0  }
0x116: {  	s3 =	rddreg [dreg:$0x2];
	[bflag:$0x3] =	sbarrier.arrive $0xFFFF;
	s2 =	simm.s32 @!p0 $0x1C03  }
0x117: {  	[timem:s3], [sflag:s2] =	dma.local @!p0 [hbm:s0], s1  }
0x118: {  	s0 =	simm.s32 @!p0 $0x3  }
0x119: {  	_ =	swait.ge @!p0 [sflag:s0], s1  }
0x11a: {  	s1 =	ssub.s32 @!p0 $0x0, s1;
	[sflag:s0] =	ssyncset.done @!p0 $0x0  }
0x11b: {  	[sflag:s0] =	ssyncadd.s32 @!p0 s1  }
0x11c: {  	[bflag:$0x3] =	sbarrier.arrive $0xFFFF  }
0x11d: {  	_ =	shalt  }

// kernel: kernel.23.cloned.1.call-start
scs
__scs_entry_jumppad:
0x0: {  	(pc) =	sbr.rel $0x88, $3  }
0x1: {  	(tag) =	ssettag $0x0;
	lr =	simm.s32 $0x1  }
0x2: {  	[smem:$0x3F95] =	sst lr;
	_ =	strace $0xD0000000  }
0x3: {  	_ = 	snop  }
0x4: {  	_ = 	snop  }
0x5: {  	_ = 	snop  }
0x6: {  	_ = 	snop  }
0x7: {  	_ = 	snop  }
__scs_overlays_trampoline_lowered:
0x8: {  	[smem:$0x3FA4] =	sst s0  }
0x9: {  	[smem:$0x3FA5] =	sst s1  }
0xa: {  	[smem:$0x3FA6] =	sst s2  }
0xb: {  	[smem:$0x3FA7] =	sst s3  }
0xc: {  	[smem:$0x3FA8] =	sst s4  }
0xd: {  	[smem:$0x3FA9] =	sst s5  }
0xe: {  	[smem:$0x3FAA] =	sst s6  }
0xf: {  	[smem:$0x3FAB] =	sst s7  }
0x10: {  	[smem:$0x3FAC] =	sst s8  }
0x11: {  	[smem:$0x3FAD] =	sst s9;
	s0 =	simm.s32 @!p0 $0x0  }
0x12: {  	s1 =	sld [smem:$0x3F93];
	s0 =	simm.s32 @p0 $0x1  }
0x13: {  	[smem:$0x3FAE] =	sst s0;
	s0 =	simm.s32 @!p1 $0x0  }
0x14: {  	s2 =	sld [smem:$0x3F92];
	s0 =	simm.s32 @p1 $0x1  }
0x15: {  	[smem:$0x3FAF] =	sst s0;
	s0 =	simm.s32 @!p2 $0x0  }
0x16: {  	s3 =	sld [smem:$0x3FDB];
	s0 =	simm.s32 @p2 $0x1  }
0x17: {  	s4 =	simm.s32 $0x1BF5;
	[smem:$0x3FB1] =	sst s0  }
0x18: {  	s0 =	sld [smem:$0x3F94];
	_ =	swait.ge [sflag:s4], $0x0  }
0x19: {  	s7 =	sld [smem:$0x3F95]  }
0x1a: {  	s8 =	sadd.s32 $0xFFFFE003, lr  }
0x1b: {  	s9 =	sadd.s32 $0xFFFFFEF7, lr;
	s5 =	simm.s32 $0xFFFFFFFF;
	p2 =	slt.u32 s8, $0xFFFFF086  }
0x1c: {  	p1 =	slt.u32 s9, $0xF7A;
	s5 =	simm.s32 @!p2 $0x0  }
0x1d: {  	s5 =	simm.s32 @p1 $0x1;
	p0 =	seq.s32 s7, s2  }
0x1e: {  	s7 =	smul.u32 @!p0 $0xF7A, s2;
	p2 =	seq.s32 @!p0 s5, $0x0  }
0x1f: {  	s9 =	smul.u32 $0xF7A, s1;
	s8 =	simm.s32 @!p0 $0x1BF5;
	p2 =	por !p2, p0  }
0x20: {  	[sflag:s8] =	ssyncset.s32 @!p0 $0xFFFFF086;
	s6 =	sadd.s32 @!p0 s3, s7;
	s7 =	simm.s32 @!p0 $0x108  }
0x21: {  	s3 =	sadd.s32 s3, s9;
	s6 =	sadd.s32 @!p0 $0x88, s6;
	s7 =	simm.s32 @p2 $0x1082  }
0x22: {  	[simem:s7], [sflag:s8] =	dma.local @!p0 [hbm:s6], $0xF7A  }
0x23: {  	s9 =	sor.u32 $0xD0000000, s2;
	s6 =	simm.s32 $0x108;
	_ =	swait.ge @!p0 [sflag:s8], $0x0  }
0x24: {  	s3 =	sadd.s32 $0x88, s3;
	s6 =	simm.s32 @!p1 $0x1082;
	[sflag:s4] =	ssyncset.s32 $0xFFFFF086  }
0x25: {  	[simem:s6], [sflag:s4] =	dma.local [hbm:s3], $0xF7A  }
0x26: {  	[smem:$0x3F95] =	sst s1;
	(tag) =	ssettag s2;
	_ =	strace s9  }
0x27: {  	s1 =	sld [smem:$0x3FA5]  }
0x28: {  	s2 =	sld [smem:$0x3FA6]  }
0x29: {  	s4 =	sld [smem:$0x3FA8]  }
0x2a: {  	p0 =	seq.s32 s5, $0x0;
	s5 =	sld [smem:$0x3FA9]  }
0x2b: {  	s6 =	sld [smem:$0x3FAA]  }
0x2c: {  	s7 =	sld [smem:$0x3FAB]  }
0x2d: {  	s3 =	simm.s32 $0x108;
	s8 =	sld [smem:$0x3FAC]  }
0x2e: {  	s3 =	simm.s32 @!p0 $0x1082;
	s9 =	sld [smem:$0x3FAD]  }
0x2f: {  	lr =	sadd.s32 s0, s3;
	s0 =	sld [smem:$0x3FA4]  }
0x30: {  	s3 =	sld [smem:$0x3FA7]  }
0x31: {  	[smem:$0x3FB0] =	sst s10  }
0x32: {  	s10 =	sld [smem:$0x3FAE];
	_ =	sdelay $0x3  }
0x33: {  	p0 =	seq.s32 s10, $0x1;
	s10 =	sld [smem:$0x3FB0];
	_ =	sdelay $0x3  }
0x34: {  	[smem:$0x3FB0] =	sst s10  }
0x35: {  	s10 =	sld [smem:$0x3FAF];
	_ =	sdelay $0x3  }
0x36: {  	p1 =	seq.s32 s10, $0x1;
	s10 =	sld [smem:$0x3FB0];
	_ =	sdelay $0x3  }
0x37: {  	[smem:$0x3FB0] =	sst s10  }
0x38: {  	s10 =	sld [smem:$0x3FB1]  }
0x39: {  	_ = 	snop;
	(pc) =	sbr.ind lr, $3  }
0x3a: {  	_ = 	snop  }
0x3b: {  	_ = 	snop  }
0x3c: {  	p2 =	seq.s32 s10, $0x1;
	s10 =	sld [smem:$0x3FB0]  }
0x3d: {  	_ =	shalt  }
0x3e: {  	_ =	shalt  }
0x3f: {  	_ =	shalt  }
0x40: {  	_ =	shalt  }
0x41: {  	_ =	shalt  }
0x42: {  	_ =	shalt  }
0x43: {  	_ =	shalt  }
0x44: {  	_ =	shalt  }
0x45: {  	_ =	shalt  }
0x46: {  	_ =	shalt  }
0x47: {  	_ =	shalt  }
0x48: {  	_ =	shalt  }
0x49: {  	_ =	shalt  }
0x4a: {  	_ =	shalt  }
0x4b: {  	_ =	shalt  }
0x4c: {  	_ =	shalt  }
0x4d: {  	_ =	shalt  }
0x4e: {  	_ =	shalt  }
0x4f: {  	_ =	shalt  }
0x50: {  	_ =	shalt  }
0x51: {  	_ =	shalt  }
0x52: {  	_ =	shalt  }
0x53: {  	_ =	shalt  }
0x54: {  	_ =	shalt  }
0x55: {  	_ =	shalt  }
0x56: {  	_ =	shalt  }
0x57: {  	_ =	shalt  }
0x58: {  	_ =	shalt  }
0x59: {  	_ =	shalt  }
0x5a: {  	_ =	shalt  }
0x5b: {  	_ =	shalt  }
0x5c: {  	_ =	shalt  }
0x5d: {  	_ =	shalt  }
0x5e: {  	_ =	shalt  }
0x5f: {  	_ =	shalt  }
0x60: {  	_ =	shalt  }
0x61: {  	_ =	shalt  }
0x62: {  	_ =	shalt  }
0x63: {  	_ =	shalt  }
0x64: {  	_ =	shalt  }
0x65: {  	_ =	shalt  }
0x66: {  	_ =	shalt  }
0x67: {  	_ =	shalt  }
0x68: {  	_ =	shalt  }
0x69: {  	_ =	shalt  }
0x6a: {  	_ =	shalt  }
0x6b: {  	_ =	shalt  }
0x6c: {  	_ =	shalt  }
0x6d: {  	_ =	shalt  }
0x6e: {  	_ =	shalt  }
0x6f: {  	_ =	shalt  }
0x70: {  	_ =	shalt  }
0x71: {  	_ =	shalt  }
0x72: {  	_ =	shalt  }
0x73: {  	_ =	shalt  }
0x74: {  	_ =	shalt  }
0x75: {  	_ =	shalt  }
0x76: {  	_ =	shalt  }
0x77: {  	_ =	shalt  }
0x78: {  	_ =	shalt  }
0x79: {  	_ =	shalt  }
0x7a: {  	_ =	shalt  }
0x7b: {  	_ =	shalt  }
0x7c: {  	_ =	shalt  }
0x7d: {  	_ =	shalt  }
0x7e: {  	_ =	shalt  }
0x7f: {  	_ =	shalt  }
0x80: {  	_ =	shalt  }
0x81: {  	_ =	shalt  }
0x82: {  	_ =	shalt  }
0x83: {  	_ =	shalt  }
0x84: {  	_ =	shalt  }
0x85: {  	_ =	shalt  }
0x86: {  	_ =	shalt  }
0x87: {  	_ =	shalt  }
.Lfunc_end0:
.L_simem_size_0:
called_computation.4_lowered:
.L_overlay_start_0:
0x88: {  	s2 =	sld [smem:$0x3FD9]  }
0x89: {  	s3 =	sld [smem:$0x3FFE];
	_ =	sdelay $0x1  }
0x8a: {  	s1 =	srdreg.scid  }
0x8b: {  	s0 =	sand.u32 $0x1, s1  }
0x8c: {  	s16 =	sshll.u32 s0, $0xA;
	s2 =	sadd.s32 s3, s2  }
0x8d: {  	s2 =	sadd.s32 s2, s16  }
0x8e: {  	[smem:$0x3FBC] =	sst s2  }
0x8f: {  	_ = 	snop  }
0x90: {  	(tm) =	ssettm $0x1  }
0x91: {  	s17 =	sld [smem:$0x3FFB];
	_ =	sdelay $0x3  }
0x92: {  	_ =	strace s17  }
0x93: {  	s2 =	sld [smem:$0x3FFC];
	_ =	sdelay $0x3  }
0x94: {  	_ =	strace s2  }
0x95: {  	s2 =	sld [smem:$0x3FFD];
	_ =	sdelay $0x3  }
0x96: {  	_ =	strace s2  }
0x97: {  	_ =	strace $0x8FFFFFFF  }
0x98: {  	s18 =	sld [smem:$0x3FDB];
	_ =	sdelay $0x1  }
0x99: {  	s19 =	simm.s32 $_scs_section_size  }
0x9a: {  	s4 =	simm.s32 $_size__tile_overlayer_lowered;
	s5 =	simm.s32 $_tile_overlayer_lowered  }
0x9b: {  	s22 =	simm.s32 $0x1BFF;
	s21 =	sshll.u32 s5, $0x1;
	s2 =	sadd.s32 s19, s18  }
0x9c: {  	s6 =	simm.s32 $0x0;
	s20 =	sshll.u32 s4, $0x1;
	s4 =	sadd.s32 s21, s2  }
0x9d: {  	[timem:s6], [sflag:s22] =	dma.local [hbm:s4], s20  }
0x9e: {  	_ =	swait.ge [sflag:s22], s20  }
0x9f: {  	s3 =	ssub.s32 $0x0, s20;
	[sflag:s22] =	ssyncset.done $0x0  }
0xa0: {  	[sflag:s22] =	ssyncadd.s32 s3;
	_ =	sdelay $0x1  }
0xa1: {  	s23 =	simm.s32 $0x1B8B  }
0xa2: {  	_ =	swait.ge [sflag:s23], $0x1  }
0xa3: {  	[sflag:s23] =	ssyncset.done $0x0  }
0xa4: {  	s25 =	simm.s32 $0x1B8E;
	s24 =	sld [smem:$0x3FFE];
	[sflag:s23] =	ssyncadd.s32 $0xFFFFFFFF  }
0xa5: {  	s26 =	simm.s32 $execute0_lowered;
	[smem:$0x3FD2] =	sst s25  }
0xa6: {  	s4 =	sshll.u32 s26, $0x1;
	_ =	strace $0x80000052;
	[dreg:$0x1] =	wrdreg $0xFFFFFFFF  }
0xa7: {  	s28 =	simm.s32 $_size_execute0_lowered;
	s2 =	sadd.s32 s2, s4;
	[dreg:$0x0] =	wrdreg $0x0  }
0xa8: {  	s4 =	sshll.u32 s28, $0x1;
	[dreg:$0x2] =	wrdreg s2  }
0xa9: {  	[dreg:$0x3] =	wrdreg s4  }
0xaa: {  	[dreg:$0x4] =	wrdreg $0xC0  }
0xab: {  	_ =	task [dreg:s6], $0x5FFFF  }
0xac: {  	[dreg:$0x1] =	wrdreg $0xFFFFFFFF  }
0xad: {  	[dreg:$0x0] =	wrdreg $0x60  }
0xae: {  	[dreg:$0x2] =	wrdreg s24  }
0xaf: {  	[dreg:$0x3] =	wrdreg $0x52000  }
0xb0: {  	[dreg:$0x4] =	wrdreg $0x9  }
0xb1: {  	_ =	task.clear_ibuf [dreg:s6], $0x5FFFF;
	_ =	strace $0x90000052  }
0xb2: {  	s29 =	simm.s32 $0x9;
	_ =	strace $0x80000054  }
0xb3: {  	_ =	swait.ge [sflag:s29], $0x1  }
0xb4: {  	[sflag:s29] =	ssyncadd.s32 $0xFFFFFFFF  }
0xb5: {  	_ =	strace $0x90000054  }
0xb6: {  	_ =	sfence  }
0xb7: {  	s30 =	sld [smem:$0x0];
	_ =	sdelay $0x2  }
0xb8: {  	s31 =	sshll.u32 s1, $0xD;
	s1 =	sshrl.u32 s1, $0x2  }
0xb9: {  	s3 =	sand.u32 $0x4000, s31;
	s1 =	sadd.s32 s1, s30  }
0xba: {  	s0 =	sor.u32 s3, s0;
	s1 =	sshll.u32 s1, $0x11  }
0xbb: {  	s0 =	sor.u32 s1, s0  }
0xbc: {  	s0 =	sadd.s32 $0x8F2B, s0  }
0xbd: {  	[sflag:s0] =	ssyncadd.remote.s32 $0x1  }
0xbe: {  	_ =	sfence.sel $0xFFFF  }
0xbf: {  	[dreg:$0x0] =	wrdreg $0xFFFFFFFF;
	(pc) =	sbr.abs _section_cstart, $3  }
0xc0: {  	[dreg:$0x1] =	wrdreg $0xFFFFFFFF  }
0xc1: {  	_ =	task.clear_ibuf [dreg:s6], $0x2FFFF;
	_ =	strace $0x9FFFFFFF  }
0xc2: {  	(tm) =	ssettm $0x7FFFFFFF  }
0xc3: {  	_ =	shalt  }
tec
execute0_lowered:
.L_overlay_start_1:
0x0: {  	(tag) =	ssettag $0x1  }
0x1: {  	s0 =	rddreg [dreg:$0x0]  }
0x2: {  	s2 =	rddreg [dreg:$0x1]  }
0x3: {  	s3 =	simm.s32 $0x0;
	s1 =	srdreg.scid;
	s18 =	stileid.u32  }
0x4: {  	s30 =	simm.s32 $0x200;
	s31 =	simm.s32 $0x3;
	[smem:$0x7FF] =	sst s3  }
0x5: {  	s1 =	sand.u32 $0x1, s1;
	s5 =	smul.u32 $0x13C00, s18;
	s4 =	sadd.s32 $0x18800, s0  }
0x6: {  	s7 =	sadd.s32 $0x3FA00, s0;
	s22 =	smul.u32 $0x2710, s18;
	_ =	strace $0x80000053  }
0x7: {  	s6 =	smul.u32 $0x13C000, s1;
	s8 =	ssub.s32 $0x2, s1;
	s11 =	sshll.u32 s1, $0x4  }
0x8: {  	s1 =	smul.u32 $0x27100, s1;
	s9 =	sadd.s32 $0x11800, s5;
	s10 =	sshrl.u32 s8, $0x1  }
0x9: {  	s24 =	sor.u32 s18, s11;
	s16 =	sadd.s32 $0x7800, s5;
	s17 =	sadd.s32 $0xA000, s5  }
0xa: {  	s12 =	sadd.s32 s6, s9;
	s8 =	ssub.s32 s8, s10;
	s10 =	smul.u32 $0x2710, s24  }
0xb: {  	s13 =	sadd.s32 s6, s5;
	s24 =	sadd.s32 $0xC800, s5;
	s15 =	sadd.s32 s6, s16  }
0xc: {  	s20 =	sadd.s32 s6, s17;
	s1 =	sadd.s32 s22, s1;
	s22 =	sadd.s32 s16, s2  }
0xd: {  	s25 =	sshrl.u32 s12, $0x3;
	s12 =	sadd.s32 $0x5000, s5;
	s13 =	sshrl.u32 s13, $0x3  }
0xe: {  	s15 =	sshrl.u32 s15, $0x3;
	s21 =	sadd.s32 s6, s24;
	s24 =	sadd.s32 s24, s2  }
0xf: {  	s11 =	sadd.s32 s7, s25;
	s13 =	sadd.s32 s7, s13;
	s14 =	sadd.s32 s6, s12  }
0x10: {  	s19 =	sadd.s32 s7, s15;
	s25 =	smul.u32 $0x4F000, s18;
	[dreg:$0x3] =	wrdreg s11  }
0x11: {  	s15 =	sadd.s32 s9, s2;
	s11 =	sadd.s32 $0x2800, s5;
	[dreg:$0x4] =	wrdreg s13  }
0x12: {  	s5 =	sadd.s32 $0xF000, s5;
	s14 =	sshrl.u32 s14, $0x3;
	[dreg:$0x7] =	wrdreg s19  }
0x13: {  	s26 =	sadd.s32 s6, s11;
	s6 =	sadd.s32 s6, s5;
	s18 =	sadd.s32 s11, s2  }
0x14: {  	s13 =	sshrl.u32 s26, $0x3;
	s6 =	sshrl.u32 s6, $0x3;
	s26 =	sshrl.u32 s10, $0x3  }
0x15: {  	s10 =	smax.u32 s8, $0x1;
	[dreg:$0xe] =	wrdreg s18;
	s8 =	simm.s32 $0x1  }
0x16: {  	s13 =	sadd.s32 s7, s13;
	s6 =	sadd.s32 s7, s6;
	[dreg:$0xd] =	wrdreg s10  }
0x17: {  	s10 =	simm.s32 $0x0;
	[dreg:$0x5] =	wrdreg s13;
	s13 =	sadd.s32 s7, s14  }
0x18: {  	s14 =	sshrl.u32 s21, $0x3;
	[dreg:$0xa] =	wrdreg s6;
	s6 =	sshrl.u32 s25, $0x2  }
0x19: {  	s21 =	sadd.s32 s12, s2;
	s25 =	sadd.s32 s5, s2;
	s5 =	simm.s32 $0x100  }
0x1a: {  	[dreg:$0x6] =	wrdreg s13;
	s13 =	sshrl.u32 s20, $0x3;
	s23 =	sadd.s32 s7, s14  }
0x1b: {  	s14 =	sadd.s32 $0x4C00, s0;
	s19 =	sadd.s32 s6, s2;
	s20 =	sadd.s32 $0x50, s1  }
0x1c: {  	s6 =	simm.s32 $0x180;
	s13 =	sadd.s32 s7, s13;
	[dreg:$0x9] =	wrdreg s23  }
0x1d: {  	s23 =	sadd.s32 s17, s2;
	[dreg:$0x8] =	wrdreg s13;
	s13 =	sadd.s32 $0xEA00, s0  }
0x1e: {  	s7 =	simm.s32 $0x2A00;
	s0 =	sadd.s32 s14, s26;
	s9 =	sadd.s32 s13, s26  }
0x1f: {  	[dreg:$0xc] =	wrdreg s0;
	s26 =	sadd.s32 $0xA0, s1;
	s0 =	sshrl.u32 s20, $0x3  }
0x20: {  	s1 =	simm.s32 $0x50;
	[dreg:$0xb] =	wrdreg s9;
	s28 =	sadd.s32 s0, s14  }
0x21: {  	v0 =	vimm.f32 $0.0e+00;
	s29 =	sadd.s32 s0, s13;
	s0 =	simm.s32 $0x80;
	s9 =	simm.s32 $0x2  }
.LBB2_1:
0x22: {  	s11 =	simm.s32 $0x70;
	s12 =	simm.s32 $0x3C0  }
.LBB2_2:
0x23: {  	p0 =	sne.s32 s12, $0x9FC0;
	[tilespmem:s11+$0x200] =	vst v0  }
0x24: {  	[tilespmem:s11+$0x190] =	vst v0  }
0x25: {  	[tilespmem:s11+$0x1A0] =	vst v0  }
.Ltmp0:
0x26: {  	[tilespmem:s11+$0x1B0] =	vst v0;
	(pc) =	sbr.rel @p0 .LBB2_2-.Ltmp0, $4  }
0x27: {  	[tilespmem:s11+$0x1C0] =	vst v0  }
0x28: {  	[tilespmem:s11+$0x1D0] =	vst v0  }
0x29: {  	[tilespmem:s11+$0x1E0] =	vst v0  }
0x2a: {  	[tilespmem:s11+$0x1F0] =	vst v0;
	s11 =	sshra.s32 s12, $0x2;
	s12 =	sadd.s32 $0x200, s12  }
0x2b: {  	[tilespmem:s11+$0x200] =	vst v0  }
0x2c: {  	[tilespmem:s11+$0x190] =	vst v0  }
0x2d: {  	[tilespmem:s11+$0x1A0] =	vst v0  }
0x2e: {  	[tilespmem:s11+$0x1B0] =	vst v0  }
0x2f: {  	[tilespmem:s11+$0x1C0] =	vst v0  }
0x30: {  	[tilespmem:s11+$0x1D0] =	vst v0  }
0x31: {  	[tilespmem:s11+$0x1E0] =	vst v0  }
0x32: {  	[tilespmem:s11+$0x1F0] =	vst v0  }
0x33: {  	[spmem:s19] =	stream.linear.scatter [tilespmem:s30], [sflag:$0x3], $0x2800, $0x38;
	[tilespmem:$0x18E00] =	vst v63  }
0x34: {  	_ =	swait.ge [sflag:s31], $0x2800  }
0x35: {  	[sflag:s31] =	ssyncset.done $0x0  }
0x36: {  	s16 =	rddreg [dreg:$0xe];
	[sflag:s31] =	ssyncadd.s32 $0xFFFFD800  }
0x37: {  	[spmem:s16] =	stream.linear.scatter [tilespmem:s30], [sflag:$0x3], $0x2800, $0x38;
	[tilespmem:$0x18E00] =	vst v63  }
0x38: {  	_ =	swait.ge [sflag:s31], $0x2800  }
0x39: {  	[sflag:s31] =	ssyncset.done $0x0  }
0x3a: {  	[sflag:s31] =	ssyncadd.s32 $0xFFFFD800  }
0x3b: {  	[spmem:s21] =	stream.linear.scatter [tilespmem:s30], [sflag:$0x3], $0x2800, $0x38;
	[tilespmem:$0x18E00] =	vst v63  }
0x3c: {  	_ =	swait.ge [sflag:s31], $0x2800  }
0x3d: {  	[sflag:s31] =	ssyncset.done $0x0  }
0x3e: {  	[sflag:s31] =	ssyncadd.s32 $0xFFFFD800  }
0x3f: {  	[spmem:s22] =	stream.linear.scatter [tilespmem:s30], [sflag:$0x3], $0x2800, $0x38;
	[tilespmem:$0x18E00] =	vst v63  }
0x40: {  	_ =	swait.ge [sflag:s31], $0x2800  }
0x41: {  	[sflag:s31] =	ssyncset.done $0x0  }
0x42: {  	[sflag:s31] =	ssyncadd.s32 $0xFFFFD800  }
0x43: {  	[spmem:s23] =	stream.linear.scatter [tilespmem:s30], [sflag:$0x3], $0x2800, $0x38;
	[tilespmem:$0x18E00] =	vst v63  }
0x44: {  	_ =	swait.ge [sflag:s31], $0x2800  }
0x45: {  	[sflag:s31] =	ssyncset.done $0x0  }
0x46: {  	[sflag:s31] =	ssyncadd.s32 $0xFFFFD800  }
0x47: {  	[spmem:s24] =	stream.linear.scatter [tilespmem:s30], [sflag:$0x3], $0x2800, $0x38;
	[tilespmem:$0x18E00] =	vst v63  }
0x48: {  	_ =	swait.ge [sflag:s31], $0x2800  }
0x49: {  	[sflag:s31] =	ssyncset.done $0x0  }
0x4a: {  	[sflag:s31] =	ssyncadd.s32 $0xFFFFD800  }
0x4b: {  	[spmem:s25] =	stream.linear.scatter [tilespmem:s30], [sflag:$0x3], $0x2800, $0x38;
	[tilespmem:$0x18E00] =	vst v63  }
0x4c: {  	_ =	swait.ge [sflag:s31], $0x2800  }
0x4d: {  	[sflag:s31] =	ssyncset.done $0x0  }
0x4e: {  	[sflag:s31] =	ssyncadd.s32 $0xFFFFD800  }
0x4f: {  	[spmem:s15] =	stream.linear.scatter [tilespmem:s30], [sflag:$0x3], $0x2400, $0x38;
	[tilespmem:$0x18E00] =	vst v63  }
0x50: {  	_ =	swait.ge [sflag:s31], $0x2400  }
0x51: {  	[sflag:s31] =	ssyncset.done $0x0  }
0x52: {  	[sflag:s31] =	ssyncadd.s32 $0xFFFFDC00  }
0x53: {  	[bflag:$0x0] =	sbarrier.arrive $0xFFFF  }
0x54: {  	s17 =	simm.s32 $0x0;
	s12 =	rddreg [dreg:$0xb]  }
0x55: {  	[tilespmem:s17], [sflag:$0x3] =	stream.linear.gather [hbm4b:s12+s17], $0x50, $0x38;
	[tilespmem:$0x18E00] =	vst v63  }
0x56: {  	_ =	swait.ge [sflag:s31], $0x50  }
0x57: {  	[sflag:s31] =	ssyncset.done $0x0  }
0x58: {  	s20 =	smov.u32 s19;
	s19 =	rddreg [dreg:$0xc];
	[sflag:s31] =	ssyncadd.s32 $0xFFFFFFB0  }
0x59: {  	[tilespmem:s0], [sflag:$0x3] =	stream.linear.gather [hbm4b:s19+s17], $0x50, $0x38;
	[tilespmem:$0x18E00] =	vst v63  }
0x5a: {  	_ =	swait.ge [sflag:s31], $0x50  }
0x5b: {  	[sflag:s31] =	ssyncset.done $0x0  }
0x5c: {  	[sflag:s31] =	ssyncadd.s32 $0xFFFFFFB0  }
0x5d: {  	[tilespmem:s30], [sflag:$0x1] =	stream.indirect.gather [hbm4b:s4+s1], $0x80, s17, s1, $0xb8;
	[tilespmem:$0x18E00] =	vst v63  }
0x5e: {  	s18 =	smov.u32 s15;
	s15 =	sadd.s32 $0x0, s29  }
0x5f: {  	[tilespmem:s5], [sflag:$0x3] =	stream.linear.gather [hbm4b:s15+s3], $0x50, $0x38;
	[tilespmem:$0x18E00] =	vst v63  }
0x60: {  	_ =	swait.ge [sflag:s31], $0x50  }
0x61: {  	[sflag:s31] =	ssyncset.done $0x0  }
0x62: {  	s16 =	sadd.s32 $0x0, s28;
	[sflag:s31] =	ssyncadd.s32 $0xFFFFFFB0  }
0x63: {  	[tilespmem:s6], [sflag:$0x3] =	stream.linear.gather [hbm4b:s16+s3], $0x50, $0x38;
	[tilespmem:$0x18E00] =	vst v63  }
0x64: {  	_ =	swait.ge [sflag:s31], $0x50  }
0x65: {  	[sflag:s31] =	ssyncset.done $0x0  }
0x66: {  	[sflag:s31] =	ssyncadd.s32 $0xFFFFFFB0  }
0x67: {  	[tilespmem:s7], [sflag:$0x2] =	stream.indirect.gather [hbm4b:s4+s1], $0x80, s5, s1, $0xb8;
	[tilespmem:$0x18E00] =	vst v63  }
0x68: {  	_ =	swait.ge [sflag:s8], $0x2800  }
0x69: {  	[sflag:s8] =	ssyncset.done $0x0  }
0x6a: {  	[sflag:s8] =	ssyncadd.s32 $0xFFFFD800  }
0x6b: {  	[spmem:s2] =	stream.indirect.scatter.add.f32 [tilespmem:s30], [sflag:$0x3], $0x80, s0, s1, $0xb8;
	[tilespmem:$0x18E00] =	vst v63  }
0x6c: {  	_ =	swait.ge [sflag:s31], $0x2800  }
0x6d: {  	s17 =	sshrl.u32 s26, $0x3;
	[sflag:s31] =	ssyncset.done $0x0  }
0x6e: {  	s19 =	sadd.s32 s13, s17;
	[sflag:s31] =	ssyncadd.s32 $0xFFFFD800  }
0x6f: {  	[tilespmem:s3], [sflag:$0x3] =	stream.linear.gather [hbm4b:s19+s3], $0x50, $0x38;
	[tilespmem:$0x18E00] =	vst v63  }
0x70: {  	_ =	swait.ge [sflag:s31], $0x50  }
0x71: {  	[sflag:s31] =	ssyncset.done $0x0  }
0x72: {  	s11 =	sadd.s32 s14, s17;
	[sflag:s31] =	ssyncadd.s32 $0xFFFFFFB0  }
0x73: {  	[tilespmem:s0], [sflag:$0x3] =	stream.linear.gather [hbm4b:s11+s3], $0x50, $0x38;
	[tilespmem:$0x18E00] =	vst v63  }
0x74: {  	_ =	swait.ge [sflag:s31], $0x50  }
0x75: {  	[sflag:s31] =	ssyncset.done $0x0  }
0x76: {  	[sflag:s31] =	ssyncadd.s32 $0xFFFFFFB0  }
0x77: {  	[tilespmem:s30], [sflag:$0x1] =	stream.indirect.gather [hbm4b:s4+s1], $0x80, s3, s1, $0xb8;
	[tilespmem:$0x18E00] =	vst v63  }
0x78: {  	_ =	swait.ge [sflag:s9], $0x2800  }
0x79: {  	[sflag:s9] =	ssyncset.done $0x0  }
0x7a: {  	[sflag:s9] =	ssyncadd.s32 $0xFFFFD800  }
0x7b: {  	[spmem:s2] =	stream.indirect.scatter.add.f32 [tilespmem:s7], [sflag:$0x3], $0x80, s6, s1, $0xb8;
	[tilespmem:$0x18E00] =	vst v63  }
0x7c: {  	s12 =	simm.s32 $0x14;
	_ =	swait.ge [sflag:s31], $0x2800  }
0x7d: {  	s16 =	simm.s32 $0x28;
	s11 =	sadd.s32 $0xA0, s26;
	[sflag:s31] =	ssyncset.done $0x0  }
.LBB2_4:
0x7e: {  	s19 =	sadd.s32 s12, s29  }
0x7f: {  	[sflag:s31] =	ssyncadd.s32 $0xFFFFD800;
	s15 =	smov.u32 s16;
	s17 =	sadd.s32 $0x14, s16  }
0x80: {  	[tilespmem:s5], [sflag:$0x3] =	stream.linear.gather [hbm4b:s19+s3], $0x50, $0x38;
	[tilespmem:$0x18E00] =	vst v63  }
0x81: {  	p0 =	sne.s32 s16, $0x4C4;
	_ =	swait.ge [sflag:s31], $0x50  }
0x82: {  	[sflag:s31] =	ssyncset.done $0x0  }
0x83: {  	s16 =	sadd.s32 s12, s28;
	s12 =	smov.u32 s15;
	[sflag:s31] =	ssyncadd.s32 $0xFFFFFFB0  }
0x84: {  	[tilespmem:s6], [sflag:$0x3] =	stream.linear.gather [hbm4b:s16+s3], $0x50, $0x38;
	[tilespmem:$0x18E00] =	vst v63  }
0x85: {  	_ =	swait.ge [sflag:s31], $0x50  }
0x86: {  	[sflag:s31] =	ssyncset.done $0x0  }
0x87: {  	[sflag:s31] =	ssyncadd.s32 $0xFFFFFFB0  }
0x88: {  	[tilespmem:s7], [sflag:$0x2] =	stream.indirect.gather [hbm4b:s4+s1], $0x80, s5, s1, $0xb8;
	[tilespmem:$0x18E00] =	vst v63  }
0x89: {  	_ =	swait.ge [sflag:s8], $0x2800  }
0x8a: {  	[sflag:s8] =	ssyncset.done $0x0  }
0x8b: {  	[sflag:s8] =	ssyncadd.s32 $0xFFFFD800  }
0x8c: {  	[spmem:s2] =	stream.indirect.scatter.add.f32 [tilespmem:s30], [sflag:$0x3], $0x80, s0, s1, $0xb8;
	[tilespmem:$0x18E00] =	vst v63  }
0x8d: {  	_ =	swait.ge [sflag:s31], $0x2800  }
0x8e: {  	s15 =	sshrl.u32 s11, $0x3;
	[sflag:s31] =	ssyncset.done $0x0  }
0x8f: {  	s16 =	sadd.s32 s13, s15;
	[sflag:s31] =	ssyncadd.s32 $0xFFFFD800  }
0x90: {  	[tilespmem:s3], [sflag:$0x3] =	stream.linear.gather [hbm4b:s16+s3], $0x50, $0x38;
	[tilespmem:$0x18E00] =	vst v63  }
0x91: {  	_ =	swait.ge [sflag:s31], $0x50  }
0x92: {  	[sflag:s31] =	ssyncset.done $0x0  }
0x93: {  	s15 =	sadd.s32 s14, s15;
	[sflag:s31] =	ssyncadd.s32 $0xFFFFFFB0  }
0x94: {  	[tilespmem:s0], [sflag:$0x3] =	stream.linear.gather [hbm4b:s15+s3], $0x50, $0x38;
	[tilespmem:$0x18E00] =	vst v63  }
0x95: {  	_ =	swait.ge [sflag:s31], $0x50  }
0x96: {  	[sflag:s31] =	ssyncset.done $0x0  }
0x97: {  	[sflag:s31] =	ssyncadd.s32 $0xFFFFFFB0  }
0x98: {  	[tilespmem:s30], [sflag:$0x1] =	stream.indirect.gather [hbm4b:s4+s1], $0x80, s3, s1, $0xb8;
	[tilespmem:$0x18E00] =	vst v63  }
0x99: {  	_ =	swait.ge [sflag:s9], $0x2800  }
.Ltmp1:
0x9a: {  	[sflag:s9] =	ssyncset.done $0x0;
	(pc) =	sbr.rel @p0 .LBB2_4-.Ltmp1, $4  }
0x9b: {  	[sflag:s9] =	ssyncadd.s32 $0xFFFFD800  }
0x9c: {  	[spmem:s2] =	stream.indirect.scatter.add.f32 [tilespmem:s7], [sflag:$0x3], $0x80, s6, s1, $0xb8;
	[tilespmem:$0x18E00] =	vst v63  }
0x9d: {  	_ =	swait.ge [sflag:s31], $0x2800  }
0x9e: {  	s11 =	sadd.s32 $0xA0, s11;
	s16 =	smov.u32 s17;
	[sflag:s31] =	ssyncset.done $0x0  }
0x9f: {  	s15 =	sadd.s32 s12, s29;
	[sflag:s31] =	ssyncadd.s32 $0xFFFFD800  }
0xa0: {  	[tilespmem:s5], [sflag:$0x3] =	stream.linear.gather [hbm4b:s15+s3], $0x50, $0x38;
	[tilespmem:$0x18E00] =	vst v63  }
0xa1: {  	_ =	swait.ge [sflag:s31], $0x50  }
0xa2: {  	[sflag:s31] =	ssyncset.done $0x0  }
0xa3: {  	s17 =	sadd.s32 s12, s28;
	[sflag:s31] =	ssyncadd.s32 $0xFFFFFFB0  }
0xa4: {  	[tilespmem:s6], [sflag:$0x3] =	stream.linear.gather [hbm4b:s17+s3], $0x50, $0x38;
	[tilespmem:$0x18E00] =	vst v63  }
0xa5: {  	_ =	swait.ge [sflag:s31], $0x50  }
0xa6: {  	[sflag:s31] =	ssyncset.done $0x0  }
0xa7: {  	[sflag:s31] =	ssyncadd.s32 $0xFFFFFFB0  }
0xa8: {  	[tilespmem:s7], [sflag:$0x2] =	stream.indirect.gather [hbm4b:s4+s1], $0x80, s5, s1, $0xb8;
	[tilespmem:$0x18E00] =	vst v63  }
0xa9: {  	_ =	swait.ge [sflag:s8], $0x2800  }
0xaa: {  	[sflag:s8] =	ssyncset.done $0x0  }
0xab: {  	[sflag:s8] =	ssyncadd.s32 $0xFFFFD800  }
0xac: {  	[spmem:s2] =	stream.indirect.scatter.add.f32 [tilespmem:s30], [sflag:$0x3], $0x80, s0, s1, $0xb8;
	[tilespmem:$0x18E00] =	vst v63  }
0xad: {  	_ =	swait.ge [sflag:s31], $0x2800  }
0xae: {  	s11 =	sshrl.u32 s11, $0x3;
	[sflag:s31] =	ssyncset.done $0x0  }
0xaf: {  	s19 =	sadd.s32 s13, s11;
	[sflag:s31] =	ssyncadd.s32 $0xFFFFD800  }
0xb0: {  	[tilespmem:s3], [sflag:$0x3] =	stream.linear.gather [hbm4b:s19+s3], $0x50, $0x38;
	[tilespmem:$0x18E00] =	vst v63  }
0xb1: {  	_ =	swait.ge [sflag:s31], $0x50  }
0xb2: {  	[sflag:s31] =	ssyncset.done $0x0  }
0xb3: {  	s11 =	sadd.s32 s14, s11;
	[sflag:s31] =	ssyncadd.s32 $0xFFFFFFB0  }
0xb4: {  	[tilespmem:s0], [sflag:$0x3] =	stream.linear.gather [hbm4b:s11+s3], $0x50, $0x38;
	[tilespmem:$0x18E00] =	vst v63  }
0xb5: {  	_ =	swait.ge [sflag:s31], $0x50  }
0xb6: {  	[sflag:s31] =	ssyncset.done $0x0  }
0xb7: {  	[sflag:s31] =	ssyncadd.s32 $0xFFFFFFB0  }
0xb8: {  	[tilespmem:s30], [sflag:$0x1] =	stream.indirect.gather [hbm4b:s4+s1], $0x80, s3, s1, $0xb8;
	[tilespmem:$0x18E00] =	vst v63  }
0xb9: {  	_ =	swait.ge [sflag:s9], $0x2800  }
0xba: {  	[sflag:s9] =	ssyncset.done $0x0  }
0xbb: {  	[sflag:s9] =	ssyncadd.s32 $0xFFFFD800  }
0xbc: {  	[spmem:s2] =	stream.indirect.scatter.add.f32 [tilespmem:s7], [sflag:$0x3], $0x80, s6, s1, $0xb8;
	[tilespmem:$0x18E00] =	vst v63  }
0xbd: {  	_ =	swait.ge [sflag:s31], $0x2800  }
0xbe: {  	[sflag:s31] =	ssyncset.done $0x0  }
0xbf: {  	[sflag:s31] =	ssyncadd.s32 $0xFFFFD800  }
0xc0: {  	_ =	swait.ge [sflag:s8], $0x2800  }
0xc1: {  	[sflag:s8] =	ssyncset.done $0x0  }
0xc2: {  	[sflag:s8] =	ssyncadd.s32 $0xFFFFD800  }
0xc3: {  	[spmem:s2] =	stream.indirect.scatter.add.f32 [tilespmem:s30], [sflag:$0x3], $0x80, s0, s1, $0xb8;
	[tilespmem:$0x18E00] =	vst v63  }
0xc4: {  	_ =	swait.ge [sflag:s31], $0x2800  }
0xc5: {  	[sflag:s31] =	ssyncset.done $0x0  }
0xc6: {  	[sflag:s31] =	ssyncadd.s32 $0xFFFFD800  }
0xc7: {  	[bflag:$0x0] =	sbarrier.arrive $0xFFFF  }
0xc8: {  	[tilespmem:s30], [sflag:$0x3] =	stream.linear.gather [spmem:s20], $0x2800, $0x38;
	[tilespmem:$0x18E00] =	vst v63  }
0xc9: {  	_ =	swait.ge [sflag:s31], $0x2800  }
0xca: {  	[sflag:s31] =	ssyncset.done $0x0  }
0xcb: {  	s15 =	rddreg [dreg:$0x4];
	[sflag:s31] =	ssyncadd.s32 $0xFFFFD800  }
0xcc: {  	[hbm4b:s15+s3] =	stream.linear.scatter [tilespmem:s30], [sflag:$0x3], $0x2800, $0x38;
	[tilespmem:$0x18E00] =	vst v63  }
0xcd: {  	_ =	swait.ge [sflag:s31], $0x2800  }
0xce: {  	[sflag:s31] =	ssyncset.done $0x0  }
0xcf: {  	s16 =	rddreg [dreg:$0xe];
	[sflag:s31] =	ssyncadd.s32 $0xFFFFD800  }
0xd0: {  	[tilespmem:s30], [sflag:$0x3] =	stream.linear.gather [spmem:s16], $0x2800, $0x38;
	[tilespmem:$0x18E00] =	vst v63  }
0xd1: {  	_ =	swait.ge [sflag:s31], $0x2800  }
0xd2: {  	[sflag:s31] =	ssyncset.done $0x0  }
0xd3: {  	s17 =	rddreg [dreg:$0x5];
	[sflag:s31] =	ssyncadd.s32 $0xFFFFD800  }
0xd4: {  	[hbm4b:s17+s3] =	stream.linear.scatter [tilespmem:s30], [sflag:$0x3], $0x2800, $0x38;
	[tilespmem:$0x18E00] =	vst v63  }
0xd5: {  	_ =	swait.ge [sflag:s31], $0x2800  }
0xd6: {  	[sflag:s31] =	ssyncset.done $0x0  }
0xd7: {  	[sflag:s31] =	ssyncadd.s32 $0xFFFFD800  }
0xd8: {  	[tilespmem:s30], [sflag:$0x3] =	stream.linear.gather [spmem:s21], $0x2800, $0x38;
	[tilespmem:$0x18E00] =	vst v63  }
0xd9: {  	_ =	swait.ge [sflag:s31], $0x2800  }
0xda: {  	[sflag:s31] =	ssyncset.done $0x0  }
0xdb: {  	s19 =	smov.u32 s20;
	s20 =	rddreg [dreg:$0x6];
	[sflag:s31] =	ssyncadd.s32 $0xFFFFD800  }
0xdc: {  	[hbm4b:s20+s3] =	stream.linear.scatter [tilespmem:s30], [sflag:$0x3], $0x2800, $0x38;
	[tilespmem:$0x18E00] =	vst v63  }
0xdd: {  	_ =	swait.ge [sflag:s31], $0x2800  }
0xde: {  	[sflag:s31] =	ssyncset.done $0x0  }
0xdf: {  	[sflag:s31] =	ssyncadd.s32 $0xFFFFD800  }
0xe0: {  	[tilespmem:s30], [sflag:$0x3] =	stream.linear.gather [spmem:s22], $0x2800, $0x38;
	[tilespmem:$0x18E00] =	vst v63  }
0xe1: {  	_ =	swait.ge [sflag:s31], $0x2800  }
0xe2: {  	[sflag:s31] =	ssyncset.done $0x0  }
0xe3: {  	s12 =	rddreg [dreg:$0x7];
	[sflag:s31] =	ssyncadd.s32 $0xFFFFD800  }
0xe4: {  	[hbm4b:s12+s3] =	stream.linear.scatter [tilespmem:s30], [sflag:$0x3], $0x2800, $0x38;
	[tilespmem:$0x18E00] =	vst v63  }
0xe5: {  	_ =	swait.ge [sflag:s31], $0x2800  }
0xe6: {  	[sflag:s31] =	ssyncset.done $0x0  }
0xe7: {  	[sflag:s31] =	ssyncadd.s32 $0xFFFFD800  }
0xe8: {  	[tilespmem:s30], [sflag:$0x3] =	stream.linear.gather [spmem:s23], $0x2800, $0x38;
	[tilespmem:$0x18E00] =	vst v63  }
0xe9: {  	_ =	swait.ge [sflag:s31], $0x2800  }
0xea: {  	[sflag:s31] =	ssyncset.done $0x0  }
0xeb: {  	s15 =	rddreg [dreg:$0x8];
	[sflag:s31] =	ssyncadd.s32 $0xFFFFD800  }
0xec: {  	[hbm4b:s15+s3] =	stream.linear.scatter [tilespmem:s30], [sflag:$0x3], $0x2800, $0x38;
	[tilespmem:$0x18E00] =	vst v63  }
0xed: {  	_ =	swait.ge [sflag:s31], $0x2800  }
0xee: {  	[sflag:s31] =	ssyncset.done $0x0  }
0xef: {  	[sflag:s31] =	ssyncadd.s32 $0xFFFFD800  }
0xf0: {  	[tilespmem:s30], [sflag:$0x3] =	stream.linear.gather [spmem:s24], $0x2800, $0x38;
	[tilespmem:$0x18E00] =	vst v63  }
0xf1: {  	_ =	swait.ge [sflag:s31], $0x2800  }
0xf2: {  	[sflag:s31] =	ssyncset.done $0x0  }
0xf3: {  	s16 =	rddreg [dreg:$0x9];
	[sflag:s31] =	ssyncadd.s32 $0xFFFFD800  }
0xf4: {  	[hbm4b:s16+s3] =	stream.linear.scatter [tilespmem:s30], [sflag:$0x3], $0x2800, $0x38;
	[tilespmem:$0x18E00] =	vst v63  }
0xf5: {  	_ =	swait.ge [sflag:s31], $0x2800  }
0xf6: {  	[sflag:s31] =	ssyncset.done $0x0  }
0xf7: {  	[sflag:s31] =	ssyncadd.s32 $0xFFFFD800  }
0xf8: {  	[tilespmem:s30], [sflag:$0x3] =	stream.linear.gather [spmem:s25], $0x2800, $0x38;
	[tilespmem:$0x18E00] =	vst v63  }
0xf9: {  	_ =	swait.ge [sflag:s31], $0x2800  }
0xfa: {  	[sflag:s31] =	ssyncset.done $0x0  }
0xfb: {  	s17 =	rddreg [dreg:$0xa];
	[sflag:s31] =	ssyncadd.s32 $0xFFFFD800  }
0xfc: {  	[hbm4b:s17+s3] =	stream.linear.scatter [tilespmem:s30], [sflag:$0x3], $0x2800, $0x38;
	[tilespmem:$0x18E00] =	vst v63  }
0xfd: {  	_ =	swait.ge [sflag:s31], $0x2800  }
0xfe: {  	[sflag:s31] =	ssyncset.done $0x0  }
0xff: {  	[sflag:s31] =	ssyncadd.s32 $0xFFFFD800  }
0x100: {  	[tilespmem:s30], [sflag:$0x3] =	stream.linear.gather [spmem:s18], $0x2400, $0x38;
	[tilespmem:$0x18E00] =	vst v63  }
0x101: {  	_ =	swait.ge [sflag:s31], $0x2400  }
0x102: {  	[sflag:s31] =	ssyncset.done $0x0  }
0x103: {  	s15 =	smov.u32 s18;
	s18 =	rddreg [dreg:$0x3];
	[sflag:s31] =	ssyncadd.s32 $0xFFFFDC00  }
0x104: {  	[hbm4b:s18+s3] =	stream.linear.scatter [tilespmem:s30], [sflag:$0x3], $0x2400, $0x38;
	[tilespmem:$0x18E00] =	vst v63  }
0x105: {  	_ =	swait.ge [sflag:s31], $0x2400  }
0x106: {  	s10 =	sadd.s32 $0x1, s10;
	s20 =	rddreg [dreg:$0xd]  }
0x107: {  	p0 =	sne.s32 s10, s20  }
.Ltmp2:
0x108: {  	_ = 	snop;
	(pc) =	sbr.rel @p0 .LBB2_1-.Ltmp2, $3  }
0x109: {  	_ =	sdelay $0x1  }
0x10a: {  	[sflag:s31] =	ssyncset.done $0x0  }
0x10b: {  	[sflag:s31] =	ssyncadd.s32 $0xFFFFDC00  }
0x10c: {  	_ =	sfence.sel $0x180000  }
0x10d: {  	[bflag:$0x0] =	sbarrier.arrive $0xFFFF  }
0x10e: {  	_ =	strace $0x90000053  }
0x10f: {  	s0 =	stileid.u32;
	[bflag:$0x2] =	sbarrier.arrive $0xFFFF  }
0x110: {  	p0 =	sne.s32 s0, $0x0;
	s0 =	rddreg [dreg:$0x2]  }
0x111: {  	s0 =	sadd.s32 @!p0 $0x100000, s0  }
0x112: {  	[sflag:s0] =	ssyncadd.tile.s32 @!p0 $0x1;
	_ =	shalt  }
.Lfunc_end2:
_tile_overlayer_lowered:
.L_overlay_start_2:
0x113: {  	(tag) =	ssettag $0x2  }
0x114: {  	s0 =	rddreg [dreg:$0x0];
	s2 =	stileid.u32  }
0x115: {  	s1 =	rddreg [dreg:$0x1];
	p0 =	sne.s32 s2, $0x0  }
0x116: {  	s3 =	rddreg [dreg:$0x2];
	[bflag:$0x3] =	sbarrier.arrive $0xFFFF;
	s2 =	simm.s32 @!p0 $0x1C03  }
0x117: {  	[timem:s3], [sflag:s2] =	dma.local @!p0 [hbm:s0], s1  }
0x118: {  	s0 =	simm.s32 @!p0 $0x3  }
0x119: {  	_ =	swait.ge @!p0 [sflag:s0], s1  }
0x11a: {  	s1 =	ssub.s32 @!p0 $0x0, s1;
	[sflag:s0] =	ssyncset.done @!p0 $0x0  }
0x11b: {  	[sflag:s0] =	ssyncadd.s32 @!p0 s1  }
0x11c: {  	[bflag:$0x3] =	sbarrier.arrive $0xFFFF  }
0x11d: {  	_ =	shalt  }

</sc_bundles>
